<compile_context>
chip_gen: v7x
topology: tpu7x:2x2x1
jax: 0.10.2.dev20260603
libtpu: 0.0.44.dev20260713+nightly
codegen_flags: <defaults>
</compile_context>

<pallas_src>
import dataclasses
import functools

import jax
import jax.numpy as jnp
from jax import lax
from jax.experimental import pallas as pl
from jax.experimental.pallas import tpu as pltpu
from jax.experimental.pallas import tpu_sc as plsc

B, L, K, V, D = 1024, 20, 26, 1001, 128
N = B * L * K
NC, NS = 2, 16
NW = NC * NS
PER_W = N // NW
C = 128
NCHUNK = PER_W // C

_mesh = plsc.VectorSubcoreMesh(core_axis_name="c", subcore_axis_name="s")

_cp = pltpu.CompilerParams()
if "needs_layout_passes" in pltpu.CompilerParams.__dataclass_fields__:
    _cp = dataclasses.replace(_cp, needs_layout_passes=False)


@functools.partial(
    pl.kernel,
    out_type=jax.ShapeDtypeStruct((N, D), jnp.float32),
    mesh=_mesh,
    compiler_params=_cp,
    scratch_types=[
        pltpu.VMEM((C,), jnp.int32),
        pltpu.VMEM((C,), jnp.int32),
        pltpu.VMEM((C,), jnp.int32),
        pltpu.VMEM((C,), jnp.int32),
        pltpu.VMEM((C,), jnp.float32),
        pltpu.VMEM((C,), jnp.float32),
        pltpu.VMEM((C, D), jnp.float32),
        pltpu.VMEM((C, D), jnp.float32),
        pltpu.SemaphoreType.DMA,
        pltpu.SemaphoreType.DMA,
        pltpu.SemaphoreType.DMA,
        pltpu.SemaphoreType.DMA,
        pltpu.SemaphoreType.DMA,
        pltpu.SemaphoreType.DMA,
        pltpu.SemaphoreType.DMA,
    ],
)
def _sc_lookup(x_hbm, m_hbm, t_hbm, out_hbm, idx0, idx1, gidx0, gidx1,
               mask0, mask1, rows0, rows1, gsem0, gsem1, lsem0, lsem1,
               msem0, msem1, osem):
    wid = lax.axis_index("s") * NC + lax.axis_index("c")
    w_base = wid * PER_W
    lane = lax.iota(jnp.int32, 16)
    idx = (idx0, idx1)
    gidx = (gidx0, gidx1)
    mask = (mask0, mask1)
    rows = (rows0, rows1)
    gsem = (gsem0, gsem1)
    lsem = (lsem0, lsem1)
    msem = (msem0, msem1)

    def start_idx_load(c, b):
        pltpu.async_copy(x_hbm.at[pl.ds(w_base + c * C, C)], idx[b], lsem[b])

    def start_mask_load(c, b):
        pltpu.async_copy(m_hbm.at[pl.ds(w_base + c * C, C)], mask[b], msem[b])

    def finish_idx(c, b):
        base = w_base + c * C
        pltpu.make_async_copy(
            x_hbm.at[pl.ds(base, C)], idx[b], lsem[b]).wait()
        for i in range(C // 16):
            pos = lane + (base + i * 16)
            fld = lax.rem(pos, K)
            sl = pl.ds(i * 16, 16)
            gidx[b][sl] = idx[b][sl] + fld * V

    def wait_mask(b):
        pltpu.make_async_copy(
            m_hbm.at[pl.ds(w_base, C)], mask[b], msem[b]).wait()

    def multiply(b):
        @pl.loop(0, C, step=16)
        def _grp(g0):
            mv = mask[b][pl.ds(g0, 16)]
            for r in range(16):
                scale = mv.at[jnp.full((16,), r, jnp.int32)].get(
                    mode="promise_in_bounds")
                for j in range(D // 16):
                    sl = pl.ds(j * 16, 16)
                    rows[b][g0 + r, sl] = rows[b][g0 + r, sl] * scale

    start_idx_load(0, 0)
    start_mask_load(0, 0)
    start_idx_load(1, 1)
    start_mask_load(1, 1)
    finish_idx(0, 0)
    pltpu.async_copy(t_hbm.at[gidx[0]], rows[0], gsem[0])

    @pl.loop(0, NCHUNK, step=2)
    def _pair(c):
        for b in (0, 1):
            cc = c + b
            o = 1 - b

            @pl.when(cc > 0)
            def _():
                pltpu.make_async_copy(
                    rows[o], out_hbm.at[pl.ds(w_base, C)], osem
                ).wait()

            @pl.when(cc + 1 < NCHUNK)
            def _():
                finish_idx(cc + 1, o)
                pltpu.async_copy(t_hbm.at[gidx[o]], rows[o], gsem[o])

            pltpu.make_async_copy(t_hbm.at[gidx[b]], rows[b], gsem[b]).wait()

            @pl.when(cc + 2 < NCHUNK)
            def _():
                start_idx_load(cc + 2, b)

            wait_mask(b)
            multiply(b)
            base = w_base + cc * C
            pltpu.async_copy(rows[b], out_hbm.at[pl.ds(base, C)], osem)

            @pl.when(cc + 2 < NCHUNK)
            def _():
                start_mask_load(cc + 2, b)

    pltpu.make_async_copy(rows[1], out_hbm.at[pl.ds(w_base, C)], osem).wait()


def kernel(x, non_pad_mask, tables):
    x_flat = x.reshape(N).astype(jnp.int32)
    m_flat = non_pad_mask.reshape(N)
    t_flat = tables.reshape(K * V, D)
    out = _sc_lookup(x_flat, m_flat, t_flat)
    return out.reshape(B, L, K, D)

# --- scband reference (transcript-rebuilt; emitter-appended) ---
"""Pipeline reference for scband-cate-encoder-21242908246369 (READ-ONLY COPY).

The authoritative reference and input builder live on the scoring server;
editing this copy changes nothing except your own understanding.
"""

import jax, jax.numpy as jnp
import numpy as np

B, L, K, V, D = 1024, 20, 26, 1001, 128

def setup_inputs(seed: int = 0) -> dict:
    key = jax.random.key(seed)
    k1, k2, k3 = jax.random.split(key, 3)
    x = jax.random.randint(k1, (B, L, K), 0, 1000, dtype=jnp.int64) if jax.config.jax_enable_x64 else jax.random.randint(k1, (B, L, K), 0, 1000, dtype=jnp.int32)
    non_pad_mask = jax.random.uniform(k2, (B, L, K), dtype=jnp.float32)
    tables = jax.random.normal(k3, (K, V, D), dtype=jnp.float32)
    # padding_idx=0: torch nn.Embedding zero-initializes the pad row
    tables = tables.at[:, 0, :].set(0.0)
    return {"x": x, "non_pad_mask": non_pad_mask, "tables": tables}

def reference(x, non_pad_mask, tables):
    # per-field embedding lookup: tables[i][x[:, :, i]] -> [B, L, D], stacked over fields -> [B, L, K, D]
    gathered = jax.vmap(lambda t, idx: jnp.take(t, idx, axis=0), in_axes=(0, 2), out_axes=2)(tables, x)
    # mask broadcast: 'b l k -> b l k 1'
    return gathered * non_pad_mask[..., None]

if __name__ == "__main__":
    import jax
    _d = setup_inputs()
    print(jax.jit(kernel)(*tuple(_d.values())))

</pallas_src>

<mosaic_0001>
#map = affine_map<(d0, d1) -> (0)>
#map1 = affine_map<(d0, d1) -> (0, 0)>
module attributes {stable_mosaic.version = 14 : i64} {
  func.func @_sc_lookup(%arg0: i32, %arg1: i32, %arg2: memref<532480xi32, #tpu.memory_space<hbm>>, %arg3: memref<532480xf32, #tpu.memory_space<hbm>>, %arg4: memref<26026x128xf32, #tpu.memory_space<hbm>>, %arg5: memref<532480x128xf32, #tpu.memory_space<hbm>>, %arg6: memref<128xi32, #tpu.memory_space<vmem>>, %arg7: memref<128xi32, #tpu.memory_space<vmem>>, %arg8: memref<128xi32, #tpu.memory_space<vmem>>, %arg9: memref<128xi32, #tpu.memory_space<vmem>>, %arg10: memref<128xf32, #tpu.memory_space<vmem>>, %arg11: memref<128xf32, #tpu.memory_space<vmem>>, %arg12: memref<128x128xf32, #tpu.memory_space<vmem>>, %arg13: memref<128x128xf32, #tpu.memory_space<vmem>>, %arg14: memref<!tpu.dma_semaphore, #tpu.memory_space<semaphore_mem>>, %arg15: memref<!tpu.dma_semaphore, #tpu.memory_space<semaphore_mem>>, %arg16: memref<!tpu.dma_semaphore, #tpu.memory_space<semaphore_mem>>, %arg17: memref<!tpu.dma_semaphore, #tpu.memory_space<semaphore_mem>>, %arg18: memref<!tpu.dma_semaphore, #tpu.memory_space<semaphore_mem>>, %arg19: memref<!tpu.dma_semaphore, #tpu.memory_space<semaphore_mem>>, %arg20: memref<!tpu.dma_semaphore, #tpu.memory_space<semaphore_mem>>) attributes {dimension_semantics = [#tpu.dimension_semantics<core_parallel>, #tpu.dimension_semantics<subcore_parallel>], iteration_bounds = array<i64: 2, 16>, scalar_prefetch = 0 : i64, scratch_operands = 15 : i64, tpu.core_type = #tpu.core_type<sc_vector_subcore>, window_params = [{transform_indices = #map}, {transform_indices = #map}, {transform_indices = #map1}, {transform_indices = #map1}]} {
    %mul3A = arith.constant 2 : i32
    %mul3A_0 = arith.muli %arg1, %mul3A : i32
    %add3A = arith.addi %mul3A_0, %arg0 : i32
    %mul3A_1 = arith.constant 16640 : i32
    %mul3A_2 = arith.muli %add3A, %mul3A_1 : i32
    %iota3A = tpu.iota {dimensions = array<i32: 0>} : vector<16xi32>
    %add3A_3 = arith.constant 0 : i32
    %add3A_4 = arith.addi %mul3A_2, %add3A_3 : i32
    %dma_start3A = tpu.memref_slice %arg2[%add3A_4] : memref<532480xi32, #tpu.memory_space<hbm>> -> memref<128xi32, #tpu.memory_space<hbm>>
    %dma_start3A_5 = tpu.memref_slice %arg2[%add3A_4] : memref<532480xi32, #tpu.memory_space<hbm>> -> memref<128xi32, #tpu.memory_space<hbm>>
    tpu.enqueue_dma source(%dma_start3A_5 : memref<128xi32, #tpu.memory_space<hbm>>) target(%arg6 : memref<128xi32, #tpu.memory_space<vmem>>) target_semaphore(%arg16 : memref<!tpu.dma_semaphore, #tpu.memory_space<semaphore_mem>>)
    %add3A_6 = arith.constant 0 : i32
    %add3A_7 = arith.addi %mul3A_2, %add3A_6 : i32
    %dma_start3A_8 = tpu.memref_slice %arg3[%add3A_7] : memref<532480xf32, #tpu.memory_space<hbm>> -> memref<128xf32, #tpu.memory_space<hbm>>
    %dma_start3A_9 = tpu.memref_slice %arg3[%add3A_7] : memref<532480xf32, #tpu.memory_space<hbm>> -> memref<128xf32, #tpu.memory_space<hbm>>
    tpu.enqueue_dma source(%dma_start3A_9 : memref<128xf32, #tpu.memory_space<hbm>>) target(%arg10 : memref<128xf32, #tpu.memory_space<vmem>>) target_semaphore(%arg18 : memref<!tpu.dma_semaphore, #tpu.memory_space<semaphore_mem>>)
    %add3A_10 = arith.constant 128 : i32
    %add3A_11 = arith.addi %mul3A_2, %add3A_10 : i32
    %dma_start3A_12 = tpu.memref_slice %arg2[%add3A_11] : memref<532480xi32, #tpu.memory_space<hbm>> -> memref<128xi32, #tpu.memory_space<hbm>>
    %dma_start3A_13 = tpu.memref_slice %arg2[%add3A_11] : memref<532480xi32, #tpu.memory_space<hbm>> -> memref<128xi32, #tpu.memory_space<hbm>>
    tpu.enqueue_dma source(%dma_start3A_13 : memref<128xi32, #tpu.memory_space<hbm>>) target(%arg7 : memref<128xi32, #tpu.memory_space<vmem>>) target_semaphore(%arg17 : memref<!tpu.dma_semaphore, #tpu.memory_space<semaphore_mem>>)
    %add3A_14 = arith.constant 128 : i32
    %add3A_15 = arith.addi %mul3A_2, %add3A_14 : i32
    %dma_start3A_16 = tpu.memref_slice %arg3[%add3A_15] : memref<532480xf32, #tpu.memory_space<hbm>> -> memref<128xf32, #tpu.memory_space<hbm>>
    %dma_start3A_17 = tpu.memref_slice %arg3[%add3A_15] : memref<532480xf32, #tpu.memory_space<hbm>> -> memref<128xf32, #tpu.memory_space<hbm>>
    tpu.enqueue_dma source(%dma_start3A_17 : memref<128xf32, #tpu.memory_space<hbm>>) target(%arg11 : memref<128xf32, #tpu.memory_space<vmem>>) target_semaphore(%arg19 : memref<!tpu.dma_semaphore, #tpu.memory_space<semaphore_mem>>)
    %add3A_18 = arith.constant 0 : i32
    %add3A_19 = arith.addi %mul3A_2, %add3A_18 : i32
    %dma_wait3A = tpu.memref_slice %arg2[%add3A_19] : memref<532480xi32, #tpu.memory_space<hbm>> -> memref<128xi32, #tpu.memory_space<hbm>>
    %dma_wait3A_20 = tpu.memref_slice %arg2[%add3A_19] : memref<532480xi32, #tpu.memory_space<hbm>> -> memref<128xi32, #tpu.memory_space<hbm>>
    tpu.wait_dma2 semaphore(%arg16 : memref<!tpu.dma_semaphore, #tpu.memory_space<semaphore_mem>>) src(%dma_wait3A_20 : memref<128xi32, #tpu.memory_space<hbm>>) dst(%arg6 : memref<128xi32, #tpu.memory_space<vmem>>)
    %add3A_21 = arith.constant 0 : i32
    %add3A_22 = arith.addi %add3A_19, %add3A_21 : i32
    %add3A_23 = vector.broadcast %add3A_22 : i32 to vector<16xi32>
    %add3A_24 = arith.addi %iota3A, %add3A_23 : vector<16xi32>
    %rem3A = arith.constant 26 : i32
    %rem3A_25 = vector.broadcast %rem3A : i32 to vector<16xi32>
    %rem3A_26 = arith.remsi %add3A_24, %rem3A_25 : vector<16xi32>
    %get3A = arith.constant 0 : index
    %get3A_27 = tpu.vector_load %arg6[%get3A] {strides = array<i32>} : memref<128xi32, #tpu.memory_space<vmem>>, vector<16xi32>,
    %mul3A_28 = arith.constant 1001 : i32
    %mul3A_29 = vector.broadcast %mul3A_28 : i32 to vector<16xi32>
    %mul3A_30 = arith.muli %rem3A_26, %mul3A_29 : vector<16xi32>
    %add3A_31 = arith.addi %get3A_27, %mul3A_30 : vector<16xi32>
    %swap3A = arith.constant 0 : index
    %swap3A_32 = tpu.vector_load %arg8[%swap3A] {strides = array<i32>} : memref<128xi32, #tpu.memory_space<vmem>>, vector<16xi32>,
    tpu.vector_store %arg8[%swap3A], %add3A_31 {strides = array<i32>} : memref<128xi32, #tpu.memory_space<vmem>>, vector<16xi32>,
    %add3A_33 = arith.constant 16 : i32
    %add3A_34 = arith.addi %add3A_19, %add3A_33 : i32
    %add3A_35 = vector.broadcast %add3A_34 : i32 to vector<16xi32>
    %add3A_36 = arith.addi %iota3A, %add3A_35 : vector<16xi32>
    %rem3A_37 = arith.constant 26 : i32
    %rem3A_38 = vector.broadcast %rem3A_37 : i32 to vector<16xi32>
    %rem3A_39 = arith.remsi %add3A_36, %rem3A_38 : vector<16xi32>
    %get3A_40 = arith.constant 16 : index
    %get3A_41 = tpu.vector_load %arg6[%get3A_40] {strides = array<i32>} : memref<128xi32, #tpu.memory_space<vmem>>, vector<16xi32>,
    %mul3A_42 = arith.constant 1001 : i32
    %mul3A_43 = vector.broadcast %mul3A_42 : i32 to vector<16xi32>
    %mul3A_44 = arith.muli %rem3A_39, %mul3A_43 : vector<16xi32>
    %add3A_45 = arith.addi %get3A_41, %mul3A_44 : vector<16xi32>
    %swap3A_46 = arith.constant 16 : index
    %swap3A_47 = tpu.vector_load %arg8[%swap3A_46] {strides = array<i32>} : memref<128xi32, #tpu.memory_space<vmem>>, vector<16xi32>,
    tpu.vector_store %arg8[%swap3A_46], %add3A_45 {strides = array<i32>} : memref<128xi32, #tpu.memory_space<vmem>>, vector<16xi32>,
    %add3A_48 = arith.constant 32 : i32
    %add3A_49 = arith.addi %add3A_19, %add3A_48 : i32
    %add3A_50 = vector.broadcast %add3A_49 : i32 to vector<16xi32>
    %add3A_51 = arith.addi %iota3A, %add3A_50 : vector<16xi32>
    %rem3A_52 = arith.constant 26 : i32
    %rem3A_53 = vector.broadcast %rem3A_52 : i32 to vector<16xi32>
    %rem3A_54 = arith.remsi %add3A_51, %rem3A_53 : vector<16xi32>
    %get3A_55 = arith.constant 32 : index
    %get3A_56 = tpu.vector_load %arg6[%get3A_55] {strides = array<i32>} : memref<128xi32, #tpu.memory_space<vmem>>, vector<16xi32>,
    %mul3A_57 = arith.constant 1001 : i32
    %mul3A_58 = vector.broadcast %mul3A_57 : i32 to vector<16xi32>
    %mul3A_59 = arith.muli %rem3A_54, %mul3A_58 : vector<16xi32>
    %add3A_60 = arith.addi %get3A_56, %mul3A_59 : vector<16xi32>
    %swap3A_61 = arith.constant 32 : index
    %swap3A_62 = tpu.vector_load %arg8[%swap3A_61] {strides = array<i32>} : memref<128xi32, #tpu.memory_space<vmem>>, vector<16xi32>,
    tpu.vector_store %arg8[%swap3A_61], %add3A_60 {strides = array<i32>} : memref<128xi32, #tpu.memory_space<vmem>>, vector<16xi32>,
    %add3A_63 = arith.constant 48 : i32
    %add3A_64 = arith.addi %add3A_19, %add3A_63 : i32
    %add3A_65 = vector.broadcast %add3A_64 : i32 to vector<16xi32>
    %add3A_66 = arith.addi %iota3A, %add3A_65 : vector<16xi32>
    %rem3A_67 = arith.constant 26 : i32
    %rem3A_68 = vector.broadcast %rem3A_67 : i32 to vector<16xi32>
    %rem3A_69 = arith.remsi %add3A_66, %rem3A_68 : vector<16xi32>
    %get3A_70 = arith.constant 48 : index
    %get3A_71 = tpu.vector_load %arg6[%get3A_70] {strides = array<i32>} : memref<128xi32, #tpu.memory_space<vmem>>, vector<16xi32>,
    %mul3A_72 = arith.constant 1001 : i32
    %mul3A_73 = vector.broadcast %mul3A_72 : i32 to vector<16xi32>
    %mul3A_74 = arith.muli %rem3A_69, %mul3A_73 : vector<16xi32>
    %add3A_75 = arith.addi %get3A_71, %mul3A_74 : vector<16xi32>
    %swap3A_76 = arith.constant 48 : index
    %swap3A_77 = tpu.vector_load %arg8[%swap3A_76] {strides = array<i32>} : memref<128xi32, #tpu.memory_space<vmem>>, vector<16xi32>,
    tpu.vector_store %arg8[%swap3A_76], %add3A_75 {strides = array<i32>} : memref<128xi32, #tpu.memory_space<vmem>>, vector<16xi32>,
    %add3A_78 = arith.constant 64 : i32
    %add3A_79 = arith.addi %add3A_19, %add3A_78 : i32
    %add3A_80 = vector.broadcast %add3A_79 : i32 to vector<16xi32>
    %add3A_81 = arith.addi %iota3A, %add3A_80 : vector<16xi32>
    %rem3A_82 = arith.constant 26 : i32
    %rem3A_83 = vector.broadcast %rem3A_82 : i32 to vector<16xi32>
    %rem3A_84 = arith.remsi %add3A_81, %rem3A_83 : vector<16xi32>
    %get3A_85 = arith.constant 64 : index
    %get3A_86 = tpu.vector_load %arg6[%get3A_85] {strides = array<i32>} : memref<128xi32, #tpu.memory_space<vmem>>, vector<16xi32>,
    %mul3A_87 = arith.constant 1001 : i32
    %mul3A_88 = vector.broadcast %mul3A_87 : i32 to vector<16xi32>
    %mul3A_89 = arith.muli %rem3A_84, %mul3A_88 : vector<16xi32>
    %add3A_90 = arith.addi %get3A_86, %mul3A_89 : vector<16xi32>
    %swap3A_91 = arith.constant 64 : index
    %swap3A_92 = tpu.vector_load %arg8[%swap3A_91] {strides = array<i32>} : memref<128xi32, #tpu.memory_space<vmem>>, vector<16xi32>,
    tpu.vector_store %arg8[%swap3A_91], %add3A_90 {strides = array<i32>} : memref<128xi32, #tpu.memory_space<vmem>>, vector<16xi32>,
    %add3A_93 = arith.constant 80 : i32
    %add3A_94 = arith.addi %add3A_19, %add3A_93 : i32
    %add3A_95 = vector.broadcast %add3A_94 : i32 to vector<16xi32>
    %add3A_96 = arith.addi %iota3A, %add3A_95 : vector<16xi32>
    %rem3A_97 = arith.constant 26 : i32
    %rem3A_98 = vector.broadcast %rem3A_97 : i32 to vector<16xi32>
    %rem3A_99 = arith.remsi %add3A_96, %rem3A_98 : vector<16xi32>
    %get3A_100 = arith.constant 80 : index
    %get3A_101 = tpu.vector_load %arg6[%get3A_100] {strides = array<i32>} : memref<128xi32, #tpu.memory_space<vmem>>, vector<16xi32>,
    %mul3A_102 = arith.constant 1001 : i32
    %mul3A_103 = vector.broadcast %mul3A_102 : i32 to vector<16xi32>
    %mul3A_104 = arith.muli %rem3A_99, %mul3A_103 : vector<16xi32>
    %add3A_105 = arith.addi %get3A_101, %mul3A_104 : vector<16xi32>
    %swap3A_106 = arith.constant 80 : index
    %swap3A_107 = tpu.vector_load %arg8[%swap3A_106] {strides = array<i32>} : memref<128xi32, #tpu.memory_space<vmem>>, vector<16xi32>,
    tpu.vector_store %arg8[%swap3A_106], %add3A_105 {strides = array<i32>} : memref<128xi32, #tpu.memory_space<vmem>>, vector<16xi32>,
    %add3A_108 = arith.constant 96 : i32
    %add3A_109 = arith.addi %add3A_19, %add3A_108 : i32
    %add3A_110 = vector.broadcast %add3A_109 : i32 to vector<16xi32>
    %add3A_111 = arith.addi %iota3A, %add3A_110 : vector<16xi32>
    %rem3A_112 = arith.constant 26 : i32
    %rem3A_113 = vector.broadcast %rem3A_112 : i32 to vector<16xi32>
    %rem3A_114 = arith.remsi %add3A_111, %rem3A_113 : vector<16xi32>
    %get3A_115 = arith.constant 96 : index
    %get3A_116 = tpu.vector_load %arg6[%get3A_115] {strides = array<i32>} : memref<128xi32, #tpu.memory_space<vmem>>, vector<16xi32>,
    %mul3A_117 = arith.constant 1001 : i32
    %mul3A_118 = vector.broadcast %mul3A_117 : i32 to vector<16xi32>
    %mul3A_119 = arith.muli %rem3A_114, %mul3A_118 : vector<16xi32>
    %add3A_120 = arith.addi %get3A_116, %mul3A_119 : vector<16xi32>
    %swap3A_121 = arith.constant 96 : index
    %swap3A_122 = tpu.vector_load %arg8[%swap3A_121] {strides = array<i32>} : memref<128xi32, #tpu.memory_space<vmem>>, vector<16xi32>,
    tpu.vector_store %arg8[%swap3A_121], %add3A_120 {strides = array<i32>} : memref<128xi32, #tpu.memory_space<vmem>>, vector<16xi32>,
    %add3A_123 = arith.constant 112 : i32
    %add3A_124 = arith.addi %add3A_19, %add3A_123 : i32
    %add3A_125 = vector.broadcast %add3A_124 : i32 to vector<16xi32>
    %add3A_126 = arith.addi %iota3A, %add3A_125 : vector<16xi32>
    %rem3A_127 = arith.constant 26 : i32
    %rem3A_128 = vector.broadcast %rem3A_127 : i32 to vector<16xi32>
    %rem3A_129 = arith.remsi %add3A_126, %rem3A_128 : vector<16xi32>
    %get3A_130 = arith.constant 112 : index
    %get3A_131 = tpu.vector_load %arg6[%get3A_130] {strides = array<i32>} : memref<128xi32, #tpu.memory_space<vmem>>, vector<16xi32>,
    %mul3A_132 = arith.constant 1001 : i32
    %mul3A_133 = vector.broadcast %mul3A_132 : i32 to vector<16xi32>
    %mul3A_134 = arith.muli %rem3A_129, %mul3A_133 : vector<16xi32>
    %add3A_135 = arith.addi %get3A_131, %mul3A_134 : vector<16xi32>
    %swap3A_136 = arith.constant 112 : index
    %swap3A_137 = tpu.vector_load %arg8[%swap3A_136] {strides = array<i32>} : memref<128xi32, #tpu.memory_space<vmem>>, vector<16xi32>,
    tpu.vector_store %arg8[%swap3A_136], %add3A_135 {strides = array<i32>} : memref<128xi32, #tpu.memory_space<vmem>>, vector<16xi32>,
    %dma_start3A_138 = arith.constant 0 : i32
    %dma_start3A_139 = arith.constant 0 : i32
    %dma_start3A_140 = tpu.memref_slice %arg4[%dma_start3A_138, %dma_start3A_139] : memref<26026x128xf32, #tpu.memory_space<hbm>> -> memref<26026x128xf32, #tpu.memory_space<hbm>>
    tpu.enqueue_indirect_dma source(%dma_start3A_140 : memref<26026x128xf32, #tpu.memory_space<hbm>>) target(%arg12 : memref<128x128xf32, #tpu.memory_space<vmem>>) offsets(%arg8 : memref<128xi32, #tpu.memory_space<vmem>>) semaphore(%arg14 : memref<!tpu.dma_semaphore, #tpu.memory_space<semaphore_mem>>)
    %scan3A = arith.constant 0 : i32
    %scan3A_141 = arith.constant 65 : i32
    %scan3A_142 = arith.addi %scan3A, %scan3A_141 : i32
    %scan3A_143 = arith.constant 1 : i32
    scf.for %scan3A_149 = %scan3A to %scan3A_142 step %scan3A_143  : i32 {
      %mul3A_150 = arith.constant 2 : i32
      %mul3A_151 = arith.muli %scan3A_149, %mul3A_150 : i32
      %add3A_152 = arith.constant 0 : i32
      %add3A_153 = arith.addi %add3A_152, %mul3A_151 : i32
      %add3A_154 = arith.constant 0 : i32
      %add3A_155 = arith.addi %add3A_153, %add3A_154 : i32
      %gt3A = arith.constant 0 : i32
      %gt3A_156 = arith.cmpi sgt, %add3A_155, %gt3A : i32
      %convert_element_type3A = arith.extui %gt3A_156 : i1 to i32
      %cond3A = arith.constant 0 : i32
      %cond3A_157 = arith.cmpi ne, %convert_element_type3A, %cond3A : i32
      scf.if %cond3A_157 {
        %dma_wait3A_240 = arith.constant 0 : i32
        %dma_wait3A_241 = tpu.memref_slice %arg5[%mul3A_2, %dma_wait3A_240] : memref<532480x128xf32, #tpu.memory_space<hbm>> -> memref<128x128xf32, #tpu.memory_space<hbm>>
        %dma_wait3A_242 = arith.constant 0 : i32
        %dma_wait3A_243 = tpu.memref_slice %arg5[%mul3A_2, %dma_wait3A_242] : memref<532480x128xf32, #tpu.memory_space<hbm>> -> memref<128x128xf32, #tpu.memory_space<hbm>>
        tpu.wait_dma2 semaphore(%arg20 : memref<!tpu.dma_semaphore, #tpu.memory_space<semaphore_mem>>) src(%arg13 : memref<128x128xf32, #tpu.memory_space<vmem>>) dst(%dma_wait3A_243 : memref<128x128xf32, #tpu.memory_space<hbm>>)
      } else {
      }
      %add3A_158 = arith.constant 1 : i32
      %add3A_159 = arith.addi %add3A_155, %add3A_158 : i32
      %lt3A = arith.constant 130 : i32
      %lt3A_160 = arith.cmpi slt, %add3A_159, %lt3A : i32
      %convert_element_type3A_161 = arith.extui %lt3A_160 : i1 to i32
      %cond3A_162 = arith.constant 0 : i32
      %cond3A_163 = arith.cmpi ne, %convert_element_type3A_161, %cond3A_162 : i32
      scf.if %cond3A_163 {
        %add3A_240 = arith.constant 1 : i32
        %add3A_241 = arith.addi %add3A_155, %add3A_240 : i32
        %mul3A_242 = arith.constant 128 : i32
        %mul3A_243 = arith.muli %add3A_241, %mul3A_242 : i32
        %add3A_244 = arith.addi %mul3A_2, %mul3A_243 : i32
        %dma_wait3A_245 = tpu.memref_slice %arg2[%add3A_244] : memref<532480xi32, #tpu.memory_space<hbm>> -> memref<128xi32, #tpu.memory_space<hbm>>
        %dma_wait3A_246 = tpu.memref_slice %arg2[%add3A_244] : memref<532480xi32, #tpu.memory_space<hbm>> -> memref<128xi32, #tpu.memory_space<hbm>>
        tpu.wait_dma2 semaphore(%arg17 : memref<!tpu.dma_semaphore, #tpu.memory_space<semaphore_mem>>) src(%dma_wait3A_246 : memref<128xi32, #tpu.memory_space<hbm>>) dst(%arg7 : memref<128xi32, #tpu.memory_space<vmem>>)
        %add3A_247 = arith.constant 0 : i32
        %add3A_248 = arith.addi %add3A_244, %add3A_247 : i32
        %add3A_249 = vector.broadcast %add3A_248 : i32 to vector<16xi32>
        %add3A_250 = arith.addi %iota3A, %add3A_249 : vector<16xi32>
        %rem3A_251 = arith.constant 26 : i32
        %rem3A_252 = vector.broadcast %rem3A_251 : i32 to vector<16xi32>
        %rem3A_253 = arith.remsi %add3A_250, %rem3A_252 : vector<16xi32>
        %get3A_254 = arith.constant 0 : index
        %get3A_255 = tpu.vector_load %arg7[%get3A_254] {strides = array<i32>} : memref<128xi32, #tpu.memory_space<vmem>>, vector<16xi32>,
        %mul3A_256 = arith.constant 1001 : i32
        %mul3A_257 = vector.broadcast %mul3A_256 : i32 to vector<16xi32>
        %mul3A_258 = arith.muli %rem3A_253, %mul3A_257 : vector<16xi32>
        %add3A_259 = arith.addi %get3A_255, %mul3A_258 : vector<16xi32>
        %swap3A_260 = arith.constant 0 : index
        %swap3A_261 = tpu.vector_load %arg9[%swap3A_260] {strides = array<i32>} : memref<128xi32, #tpu.memory_space<vmem>>, vector<16xi32>,
        tpu.vector_store %arg9[%swap3A_260], %add3A_259 {strides = array<i32>} : memref<128xi32, #tpu.memory_space<vmem>>, vector<16xi32>,
        %add3A_262 = arith.constant 16 : i32
        %add3A_263 = arith.addi %add3A_244, %add3A_262 : i32
        %add3A_264 = vector.broadcast %add3A_263 : i32 to vector<16xi32>
        %add3A_265 = arith.addi %iota3A, %add3A_264 : vector<16xi32>
        %rem3A_266 = arith.constant 26 : i32
        %rem3A_267 = vector.broadcast %rem3A_266 : i32 to vector<16xi32>
        %rem3A_268 = arith.remsi %add3A_265, %rem3A_267 : vector<16xi32>
        %get3A_269 = arith.constant 16 : index
        %get3A_270 = tpu.vector_load %arg7[%get3A_269] {strides = array<i32>} : memref<128xi32, #tpu.memory_space<vmem>>, vector<16xi32>,
        %mul3A_271 = arith.constant 1001 : i32
        %mul3A_272 = vector.broadcast %mul3A_271 : i32 to vector<16xi32>
        %mul3A_273 = arith.muli %rem3A_268, %mul3A_272 : vector<16xi32>
        %add3A_274 = arith.addi %get3A_270, %mul3A_273 : vector<16xi32>
        %swap3A_275 = arith.constant 16 : index
        %swap3A_276 = tpu.vector_load %arg9[%swap3A_275] {strides = array<i32>} : memref<128xi32, #tpu.memory_space<vmem>>, vector<16xi32>,
        tpu.vector_store %arg9[%swap3A_275], %add3A_274 {strides = array<i32>} : memref<128xi32, #tpu.memory_space<vmem>>, vector<16xi32>,
        %add3A_277 = arith.constant 32 : i32
        %add3A_278 = arith.addi %add3A_244, %add3A_277 : i32
        %add3A_279 = vector.broadcast %add3A_278 : i32 to vector<16xi32>
        %add3A_280 = arith.addi %iota3A, %add3A_279 : vector<16xi32>
        %rem3A_281 = arith.constant 26 : i32
        %rem3A_282 = vector.broadcast %rem3A_281 : i32 to vector<16xi32>
        %rem3A_283 = arith.remsi %add3A_280, %rem3A_282 : vector<16xi32>
        %get3A_284 = arith.constant 32 : index
        %get3A_285 = tpu.vector_load %arg7[%get3A_284] {strides = array<i32>} : memref<128xi32, #tpu.memory_space<vmem>>, vector<16xi32>,
        %mul3A_286 = arith.constant 1001 : i32
        %mul3A_287 = vector.broadcast %mul3A_286 : i32 to vector<16xi32>
        %mul3A_288 = arith.muli %rem3A_283, %mul3A_287 : vector<16xi32>
        %add3A_289 = arith.addi %get3A_285, %mul3A_288 : vector<16xi32>
        %swap3A_290 = arith.constant 32 : index
        %swap3A_291 = tpu.vector_load %arg9[%swap3A_290] {strides = array<i32>} : memref<128xi32, #tpu.memory_space<vmem>>, vector<16xi32>,
        tpu.vector_store %arg9[%swap3A_290], %add3A_289 {strides = array<i32>} : memref<128xi32, #tpu.memory_space<vmem>>, vector<16xi32>,
        %add3A_292 = arith.constant 48 : i32
        %add3A_293 = arith.addi %add3A_244, %add3A_292 : i32
        %add3A_294 = vector.broadcast %add3A_293 : i32 to vector<16xi32>
        %add3A_295 = arith.addi %iota3A, %add3A_294 : vector<16xi32>
        %rem3A_296 = arith.constant 26 : i32
        %rem3A_297 = vector.broadcast %rem3A_296 : i32 to vector<16xi32>
        %rem3A_298 = arith.remsi %add3A_295, %rem3A_297 : vector<16xi32>
        %get3A_299 = arith.constant 48 : index
        %get3A_300 = tpu.vector_load %arg7[%get3A_299] {strides = array<i32>} : memref<128xi32, #tpu.memory_space<vmem>>, vector<16xi32>,
        %mul3A_301 = arith.constant 1001 : i32
        %mul3A_302 = vector.broadcast %mul3A_301 : i32 to vector<16xi32>
        %mul3A_303 = arith.muli %rem3A_298, %mul3A_302 : vector<16xi32>
        %add3A_304 = arith.addi %get3A_300, %mul3A_303 : vector<16xi32>
        %swap3A_305 = arith.constant 48 : index
        %swap3A_306 = tpu.vector_load %arg9[%swap3A_305] {strides = array<i32>} : memref<128xi32, #tpu.memory_space<vmem>>, vector<16xi32>,
        tpu.vector_store %arg9[%swap3A_305], %add3A_304 {strides = array<i32>} : memref<128xi32, #tpu.memory_space<vmem>>, vector<16xi32>,
        %add3A_307 = arith.constant 64 : i32
        %add3A_308 = arith.addi %add3A_244, %add3A_307 : i32
        %add3A_309 = vector.broadcast %add3A_308 : i32 to vector<16xi32>
        %add3A_310 = arith.addi %iota3A, %add3A_309 : vector<16xi32>
        %rem3A_311 = arith.constant 26 : i32
        %rem3A_312 = vector.broadcast %rem3A_311 : i32 to vector<16xi32>
        %rem3A_313 = arith.remsi %add3A_310, %rem3A_312 : vector<16xi32>
        %get3A_314 = arith.constant 64 : index
        %get3A_315 = tpu.vector_load %arg7[%get3A_314] {strides = array<i32>} : memref<128xi32, #tpu.memory_space<vmem>>, vector<16xi32>,
        %mul3A_316 = arith.constant 1001 : i32
        %mul3A_317 = vector.broadcast %mul3A_316 : i32 to vector<16xi32>
        %mul3A_318 = arith.muli %rem3A_313, %mul3A_317 : vector<16xi32>
        %add3A_319 = arith.addi %get3A_315, %mul3A_318 : vector<16xi32>
        %swap3A_320 = arith.constant 64 : index
        %swap3A_321 = tpu.vector_load %arg9[%swap3A_320] {strides = array<i32>} : memref<128xi32, #tpu.memory_space<vmem>>, vector<16xi32>,
        tpu.vector_store %arg9[%swap3A_320], %add3A_319 {strides = array<i32>} : memref<128xi32, #tpu.memory_space<vmem>>, vector<16xi32>,
        %add3A_322 = arith.constant 80 : i32
        %add3A_323 = arith.addi %add3A_244, %add3A_322 : i32
        %add3A_324 = vector.broadcast %add3A_323 : i32 to vector<16xi32>
        %add3A_325 = arith.addi %iota3A, %add3A_324 : vector<16xi32>
        %rem3A_326 = arith.constant 26 : i32
        %rem3A_327 = vector.broadcast %rem3A_326 : i32 to vector<16xi32>
        %rem3A_328 = arith.remsi %add3A_325, %rem3A_327 : vector<16xi32>
        %get3A_329 = arith.constant 80 : index
        %get3A_330 = tpu.vector_load %arg7[%get3A_329] {strides = array<i32>} : memref<128xi32, #tpu.memory_space<vmem>>, vector<16xi32>,
        %mul3A_331 = arith.constant 1001 : i32
        %mul3A_332 = vector.broadcast %mul3A_331 : i32 to vector<16xi32>
        %mul3A_333 = arith.muli %rem3A_328, %mul3A_332 : vector<16xi32>
        %add3A_334 = arith.addi %get3A_330, %mul3A_333 : vector<16xi32>
        %swap3A_335 = arith.constant 80 : index
        %swap3A_336 = tpu.vector_load %arg9[%swap3A_335] {strides = array<i32>} : memref<128xi32, #tpu.memory_space<vmem>>, vector<16xi32>,
        tpu.vector_store %arg9[%swap3A_335], %add3A_334 {strides = array<i32>} : memref<128xi32, #tpu.memory_space<vmem>>, vector<16xi32>,
        %add3A_337 = arith.constant 96 : i32
        %add3A_338 = arith.addi %add3A_244, %add3A_337 : i32
        %add3A_339 = vector.broadcast %add3A_338 : i32 to vector<16xi32>
        %add3A_340 = arith.addi %iota3A, %add3A_339 : vector<16xi32>
        %rem3A_341 = arith.constant 26 : i32
        %rem3A_342 = vector.broadcast %rem3A_341 : i32 to vector<16xi32>
        %rem3A_343 = arith.remsi %add3A_340, %rem3A_342 : vector<16xi32>
        %get3A_344 = arith.constant 96 : index
        %get3A_345 = tpu.vector_load %arg7[%get3A_344] {strides = array<i32>} : memref<128xi32, #tpu.memory_space<vmem>>, vector<16xi32>,
        %mul3A_346 = arith.constant 1001 : i32
        %mul3A_347 = vector.broadcast %mul3A_346 : i32 to vector<16xi32>
        %mul3A_348 = arith.muli %rem3A_343, %mul3A_347 : vector<16xi32>
        %add3A_349 = arith.addi %get3A_345, %mul3A_348 : vector<16xi32>
        %swap3A_350 = arith.constant 96 : index
        %swap3A_351 = tpu.vector_load %arg9[%swap3A_350] {strides = array<i32>} : memref<128xi32, #tpu.memory_space<vmem>>, vector<16xi32>,
        tpu.vector_store %arg9[%swap3A_350], %add3A_349 {strides = array<i32>} : memref<128xi32, #tpu.memory_space<vmem>>, vector<16xi32>,
        %add3A_352 = arith.constant 112 : i32
        %add3A_353 = arith.addi %add3A_244, %add3A_352 : i32
        %add3A_354 = vector.broadcast %add3A_353 : i32 to vector<16xi32>
        %add3A_355 = arith.addi %iota3A, %add3A_354 : vector<16xi32>
        %rem3A_356 = arith.constant 26 : i32
        %rem3A_357 = vector.broadcast %rem3A_356 : i32 to vector<16xi32>
        %rem3A_358 = arith.remsi %add3A_355, %rem3A_357 : vector<16xi32>
        %get3A_359 = arith.constant 112 : index
        %get3A_360 = tpu.vector_load %arg7[%get3A_359] {strides = array<i32>} : memref<128xi32, #tpu.memory_space<vmem>>, vector<16xi32>,
        %mul3A_361 = arith.constant 1001 : i32
        %mul3A_362 = vector.broadcast %mul3A_361 : i32 to vector<16xi32>
        %mul3A_363 = arith.muli %rem3A_358, %mul3A_362 : vector<16xi32>
        %add3A_364 = arith.addi %get3A_360, %mul3A_363 : vector<16xi32>
        %swap3A_365 = arith.constant 112 : index
        %swap3A_366 = tpu.vector_load %arg9[%swap3A_365] {strides = array<i32>} : memref<128xi32, #tpu.memory_space<vmem>>, vector<16xi32>,
        tpu.vector_store %arg9[%swap3A_365], %add3A_364 {strides = array<i32>} : memref<128xi32, #tpu.memory_space<vmem>>, vector<16xi32>,
        %dma_start3A_367 = arith.constant 0 : i32
        %dma_start3A_368 = arith.constant 0 : i32
        %dma_start3A_369 = tpu.memref_slice %arg4[%dma_start3A_367, %dma_start3A_368] : memref<26026x128xf32, #tpu.memory_space<hbm>> -> memref<26026x128xf32, #tpu.memory_space<hbm>>
        tpu.enqueue_indirect_dma source(%dma_start3A_369 : memref<26026x128xf32, #tpu.memory_space<hbm>>) target(%arg13 : memref<128x128xf32, #tpu.memory_space<vmem>>) offsets(%arg9 : memref<128xi32, #tpu.memory_space<vmem>>) semaphore(%arg15 : memref<!tpu.dma_semaphore, #tpu.memory_space<semaphore_mem>>)
      } else {
      }
      %dma_wait3A_164 = arith.constant 0 : i32
      %dma_wait3A_165 = arith.constant 0 : i32
      %dma_wait3A_166 = tpu.memref_slice %arg4[%dma_wait3A_164, %dma_wait3A_165] : memref<26026x128xf32, #tpu.memory_space<hbm>> -> memref<26026x128xf32, #tpu.memory_space<hbm>>
      tpu.wait_indirect_dma semaphore(%arg14 : memref<!tpu.dma_semaphore, #tpu.memory_space<semaphore_mem>>) src(%dma_wait3A_166 : memref<26026x128xf32, #tpu.memory_space<hbm>>) dst(%arg12 : memref<128x128xf32, #tpu.memory_space<vmem>>)
      %add3A_167 = arith.constant 2 : i32
      %add3A_168 = arith.addi %add3A_155, %add3A_167 : i32
      %lt3A_169 = arith.constant 130 : i32
      %lt3A_170 = arith.cmpi slt, %add3A_168, %lt3A_169 : i32
      %convert_element_type3A_171 = arith.extui %lt3A_170 : i1 to i32
      %cond3A_172 = arith.constant 0 : i32
      %cond3A_173 = arith.cmpi ne, %convert_element_type3A_171, %cond3A_172 : i32
      scf.if %cond3A_173 {
        %add3A_240 = arith.constant 2 : i32
        %add3A_241 = arith.addi %add3A_155, %add3A_240 : i32
        %mul3A_242 = arith.constant 128 : i32
        %mul3A_243 = arith.muli %add3A_241, %mul3A_242 : i32
        %add3A_244 = arith.addi %mul3A_2, %mul3A_243 : i32
        %dma_start3A_245 = tpu.memref_slice %arg2[%add3A_244] : memref<532480xi32, #tpu.memory_space<hbm>> -> memref<128xi32, #tpu.memory_space<hbm>>
        %dma_start3A_246 = tpu.memref_slice %arg2[%add3A_244] : memref<532480xi32, #tpu.memory_space<hbm>> -> memref<128xi32, #tpu.memory_space<hbm>>
        tpu.enqueue_dma source(%dma_start3A_246 : memref<128xi32, #tpu.memory_space<hbm>>) target(%arg6 : memref<128xi32, #tpu.memory_space<vmem>>) target_semaphore(%arg16 : memref<!tpu.dma_semaphore, #tpu.memory_space<semaphore_mem>>)
      } else {
      }
      %dma_wait3A_174 = tpu.memref_slice %arg3[%mul3A_2] : memref<532480xf32, #tpu.memory_space<hbm>> -> memref<128xf32, #tpu.memory_space<hbm>>
      %dma_wait3A_175 = tpu.memref_slice %arg3[%mul3A_2] : memref<532480xf32, #tpu.memory_space<hbm>> -> memref<128xf32, #tpu.memory_space<hbm>>
      tpu.wait_dma2 semaphore(%arg18 : memref<!tpu.dma_semaphore, #tpu.memory_space<semaphore_mem>>) src(%dma_wait3A_175 : memref<128xf32, #tpu.memory_space<hbm>>) dst(%arg10 : memref<128xf32, #tpu.memory_space<vmem>>)
      %scan3A_176 = arith.constant 0 : i32
      %scan3A_177 = arith.constant 8 : i32
      %scan3A_178 = arith.addi %scan3A_176, %scan3A_177 : i32
      %scan3A_179 = arith.constant 1 : i32
      scf.for %scan3A_240 = %scan3A_176 to %scan3A_178 step %scan3A_179  : i32 {
        %mul3A_241 = arith.constant 16 : i32
        %mul3A_242 = arith.muli %scan3A_240, %mul3A_241 : i32
        %add3A_243 = arith.constant 0 : i32
        %add3A_244 = arith.addi %add3A_243, %mul3A_242 : i32
        %get3A_245 = arith.index_cast %add3A_244 : i32 to index
        %get3A_246 = tpu.vector_load %arg10[%get3A_245] {strides = array<i32>} : memref<128xf32, #tpu.memory_space<vmem>>, vector<16xf32>,
        %broadcast_in_dim3A = arith.constant 0 : i32
        %broadcast_in_dim3A_247 = vector.broadcast %broadcast_in_dim3A : i32 to vector<16xi32>
        %lt3A_248 = arith.constant 0 : i32
        %lt3A_249 = vector.broadcast %lt3A_248 : i32 to vector<16xi32>
        %lt3A_250 = arith.cmpi slt, %broadcast_in_dim3A_247, %lt3A_249 : vector<16xi32>
        %add3A_251 = arith.constant 16 : i32
        %add3A_252 = vector.broadcast %add3A_251 : i32 to vector<16xi32>
        %add3A_253 = arith.addi %broadcast_in_dim3A_247, %add3A_252 : vector<16xi32>
        %select_n3A = arith.select %lt3A_250, %add3A_253, %broadcast_in_dim3A_247 : vector<16xi1>, vector<16xi32>
        %broadcast_in_dim3A_254 = vector.shape_cast %select_n3A : vector<16xi32> to vector<16x1xi32>
        %gather3A = vector.shape_cast %broadcast_in_dim3A_254 : vector<16x1xi32> to vector<16xi32>
        %gather3A_255 = tpu.dynamic_gather %get3A_246[%gather3A] in [0] : vector<16xf32>, vector<16xi32> -> vector<16xf32>
        %add3A_256 = arith.constant 0 : i32
        %add3A_257 = arith.addi %add3A_244, %add3A_256 : i32
        %get3A_258 = arith.index_cast %add3A_257 : i32 to index
        %get3A_259 = arith.constant 0 : index
        %get3A_260 = tpu.vector_load %arg12[%get3A_258, %get3A_259] {strides = array<i32>} : memref<128x128xf32, #tpu.memory_space<vmem>>, vector<16xf32>,
        %mul3A_261 = arith.mulf %get3A_260, %gather3A_255 : vector<16xf32>
        %add3A_262 = arith.constant 0 : i32
        %add3A_263 = arith.addi %add3A_244, %add3A_262 : i32
        %swap3A_264 = arith.index_cast %add3A_263 : i32 to index
        %swap3A_265 = arith.constant 0 : index
        %swap3A_266 = tpu.vector_load %arg12[%swap3A_264, %swap3A_265] {strides = array<i32>} : memref<128x128xf32, #tpu.memory_space<vmem>>, vector<16xf32>,
        tpu.vector_store %arg12[%swap3A_264, %swap3A_265], %mul3A_261 {strides = array<i32>} : memref<128x128xf32, #tpu.memory_space<vmem>>, vector<16xf32>,
        %add3A_267 = arith.constant 0 : i32
        %add3A_268 = arith.addi %add3A_244, %add3A_267 : i32
        %get3A_269 = arith.index_cast %add3A_268 : i32 to index
        %get3A_270 = arith.constant 16 : index
        %get3A_271 = tpu.vector_load %arg12[%get3A_269, %get3A_270] {strides = array<i32>} : memref<128x128xf32, #tpu.memory_space<vmem>>, vector<16xf32>,
        %mul3A_272 = arith.mulf %get3A_271, %gather3A_255 : vector<16xf32>
        %add3A_273 = arith.constant 0 : i32
        %add3A_274 = arith.addi %add3A_244, %add3A_273 : i32
        %swap3A_275 = arith.index_cast %add3A_274 : i32 to index
        %swap3A_276 = arith.constant 16 : index
        %swap3A_277 = tpu.vector_load %arg12[%swap3A_275, %swap3A_276] {strides = array<i32>} : memref<128x128xf32, #tpu.memory_space<vmem>>, vector<16xf32>,
        tpu.vector_store %arg12[%swap3A_275, %swap3A_276], %mul3A_272 {strides = array<i32>} : memref<128x128xf32, #tpu.memory_space<vmem>>, vector<16xf32>,
        %add3A_278 = arith.constant 0 : i32
        %add3A_279 = arith.addi %add3A_244, %add3A_278 : i32
        %get3A_280 = arith.index_cast %add3A_279 : i32 to index
        %get3A_281 = arith.constant 32 : index
        %get3A_282 = tpu.vector_load %arg12[%get3A_280, %get3A_281] {strides = array<i32>} : memref<128x128xf32, #tpu.memory_space<vmem>>, vector<16xf32>,
        %mul3A_283 = arith.mulf %get3A_282, %gather3A_255 : vector<16xf32>
        %add3A_284 = arith.constant 0 : i32
        %add3A_285 = arith.addi %add3A_244, %add3A_284 : i32
        %swap3A_286 = arith.index_cast %add3A_285 : i32 to index
        %swap3A_287 = arith.constant 32 : index
        %swap3A_288 = tpu.vector_load %arg12[%swap3A_286, %swap3A_287] {strides = array<i32>} : memref<128x128xf32, #tpu.memory_space<vmem>>, vector<16xf32>,
        tpu.vector_store %arg12[%swap3A_286, %swap3A_287], %mul3A_283 {strides = array<i32>} : memref<128x128xf32, #tpu.memory_space<vmem>>, vector<16xf32>,
        %add3A_289 = arith.constant 0 : i32
        %add3A_290 = arith.addi %add3A_244, %add3A_289 : i32
        %get3A_291 = arith.index_cast %add3A_290 : i32 to index
        %get3A_292 = arith.constant 48 : index
        %get3A_293 = tpu.vector_load %arg12[%get3A_291, %get3A_292] {strides = array<i32>} : memref<128x128xf32, #tpu.memory_space<vmem>>, vector<16xf32>,
        %mul3A_294 = arith.mulf %get3A_293, %gather3A_255 : vector<16xf32>
        %add3A_295 = arith.constant 0 : i32
        %add3A_296 = arith.addi %add3A_244, %add3A_295 : i32
        %swap3A_297 = arith.index_cast %add3A_296 : i32 to index
        %swap3A_298 = arith.constant 48 : index
        %swap3A_299 = tpu.vector_load %arg12[%swap3A_297, %swap3A_298] {strides = array<i32>} : memref<128x128xf32, #tpu.memory_space<vmem>>, vector<16xf32>,
        tpu.vector_store %arg12[%swap3A_297, %swap3A_298], %mul3A_294 {strides = array<i32>} : memref<128x128xf32, #tpu.memory_space<vmem>>, vector<16xf32>,
        %add3A_300 = arith.constant 0 : i32
        %add3A_301 = arith.addi %add3A_244, %add3A_300 : i32
        %get3A_302 = arith.index_cast %add3A_301 : i32 to index
        %get3A_303 = arith.constant 64 : index
        %get3A_304 = tpu.vector_load %arg12[%get3A_302, %get3A_303] {strides = array<i32>} : memref<128x128xf32, #tpu.memory_space<vmem>>, vector<16xf32>,
        %mul3A_305 = arith.mulf %get3A_304, %gather3A_255 : vector<16xf32>
        %add3A_306 = arith.constant 0 : i32
        %add3A_307 = arith.addi %add3A_244, %add3A_306 : i32
        %swap3A_308 = arith.index_cast %add3A_307 : i32 to index
        %swap3A_309 = arith.constant 64 : index
        %swap3A_310 = tpu.vector_load %arg12[%swap3A_308, %swap3A_309] {strides = array<i32>} : memref<128x128xf32, #tpu.memory_space<vmem>>, vector<16xf32>,
        tpu.vector_store %arg12[%swap3A_308, %swap3A_309], %mul3A_305 {strides = array<i32>} : memref<128x128xf32, #tpu.memory_space<vmem>>, vector<16xf32>,
        %add3A_311 = arith.constant 0 : i32
        %add3A_312 = arith.addi %add3A_244, %add3A_311 : i32
        %get3A_313 = arith.index_cast %add3A_312 : i32 to index
        %get3A_314 = arith.constant 80 : index
        %get3A_315 = tpu.vector_load %arg12[%get3A_313, %get3A_314] {strides = array<i32>} : memref<128x128xf32, #tpu.memory_space<vmem>>, vector<16xf32>,
        %mul3A_316 = arith.mulf %get3A_315, %gather3A_255 : vector<16xf32>
        %add3A_317 = arith.constant 0 : i32
        %add3A_318 = arith.addi %add3A_244, %add3A_317 : i32
        %swap3A_319 = arith.index_cast %add3A_318 : i32 to index
        %swap3A_320 = arith.constant 80 : index
        %swap3A_321 = tpu.vector_load %arg12[%swap3A_319, %swap3A_320] {strides = array<i32>} : memref<128x128xf32, #tpu.memory_space<vmem>>, vector<16xf32>,
        tpu.vector_store %arg12[%swap3A_319, %swap3A_320], %mul3A_316 {strides = array<i32>} : memref<128x128xf32, #tpu.memory_space<vmem>>, vector<16xf32>,
        %add3A_322 = arith.constant 0 : i32
        %add3A_323 = arith.addi %add3A_244, %add3A_322 : i32
        %get3A_324 = arith.index_cast %add3A_323 : i32 to index
        %get3A_325 = arith.constant 96 : index
        %get3A_326 = tpu.vector_load %arg12[%get3A_324, %get3A_325] {strides = array<i32>} : memref<128x128xf32, #tpu.memory_space<vmem>>, vector<16xf32>,
        %mul3A_327 = arith.mulf %get3A_326, %gather3A_255 : vector<16xf32>
        %add3A_328 = arith.constant 0 : i32
        %add3A_329 = arith.addi %add3A_244, %add3A_328 : i32
        %swap3A_330 = arith.index_cast %add3A_329 : i32 to index
        %swap3A_331 = arith.constant 96 : index
        %swap3A_332 = tpu.vector_load %arg12[%swap3A_330, %swap3A_331] {strides = array<i32>} : memref<128x128xf32, #tpu.memory_space<vmem>>, vector<16xf32>,
        tpu.vector_store %arg12[%swap3A_330, %swap3A_331], %mul3A_327 {strides = array<i32>} : memref<128x128xf32, #tpu.memory_space<vmem>>, vector<16xf32>,
        %add3A_333 = arith.constant 0 : i32
        %add3A_334 = arith.addi %add3A_244, %add3A_333 : i32
        %get3A_335 = arith.index_cast %add3A_334 : i32 to index
        %get3A_336 = arith.constant 112 : index
        %get3A_337 = tpu.vector_load %arg12[%get3A_335, %get3A_336] {strides = array<i32>} : memref<128x128xf32, #tpu.memory_space<vmem>>, vector<16xf32>,
        %mul3A_338 = arith.mulf %get3A_337, %gather3A_255 : vector<16xf32>
        %add3A_339 = arith.constant 0 : i32
        %add3A_340 = arith.addi %add3A_244, %add3A_339 : i32
        %swap3A_341 = arith.index_cast %add3A_340 : i32 to index
        %swap3A_342 = arith.constant 112 : index
        %swap3A_343 = tpu.vector_load %arg12[%swap3A_341, %swap3A_342] {strides = array<i32>} : memref<128x128xf32, #tpu.memory_space<vmem>>, vector<16xf32>,
        tpu.vector_store %arg12[%swap3A_341, %swap3A_342], %mul3A_338 {strides = array<i32>} : memref<128x128xf32, #tpu.memory_space<vmem>>, vector<16xf32>,
        %broadcast_in_dim3A_344 = arith.constant 1 : i32
        %broadcast_in_dim3A_345 = vector.broadcast %broadcast_in_dim3A_344 : i32 to vector<16xi32>
        %lt3A_346 = arith.constant 0 : i32
        %lt3A_347 = vector.broadcast %lt3A_346 : i32 to vector<16xi32>
        %lt3A_348 = arith.cmpi slt, %broadcast_in_dim3A_345, %lt3A_347 : vector<16xi32>
        %add3A_349 = arith.constant 16 : i32
        %add3A_350 = vector.broadcast %add3A_349 : i32 to vector<16xi32>
        %add3A_351 = arith.addi %broadcast_in_dim3A_345, %add3A_350 : vector<16xi32>
        %select_n3A_352 = arith.select %lt3A_348, %add3A_351, %broadcast_in_dim3A_345 : vector<16xi1>, vector<16xi32>
        %broadcast_in_dim3A_353 = vector.shape_cast %select_n3A_352 : vector<16xi32> to vector<16x1xi32>
        %gather3A_354 = vector.shape_cast %broadcast_in_dim3A_353 : vector<16x1xi32> to vector<16xi32>
        %gather3A_355 = tpu.dynamic_gather %get3A_246[%gather3A_354] in [0] : vector<16xf32>, vector<16xi32> -> vector<16xf32>
        %add3A_356 = arith.constant 1 : i32
        %add3A_357 = arith.addi %add3A_244, %add3A_356 : i32
        %get3A_358 = arith.index_cast %add3A_357 : i32 to index
        %get3A_359 = arith.constant 0 : index
        %get3A_360 = tpu.vector_load %arg12[%get3A_358, %get3A_359] {strides = array<i32>} : memref<128x128xf32, #tpu.memory_space<vmem>>, vector<16xf32>,
        %mul3A_361 = arith.mulf %get3A_360, %gather3A_355 : vector<16xf32>
        %add3A_362 = arith.constant 1 : i32
        %add3A_363 = arith.addi %add3A_244, %add3A_362 : i32
        %swap3A_364 = arith.index_cast %add3A_363 : i32 to index
        %swap3A_365 = arith.constant 0 : index
        %swap3A_366 = tpu.vector_load %arg12[%swap3A_364, %swap3A_365] {strides = array<i32>} : memref<128x128xf32, #tpu.memory_space<vmem>>, vector<16xf32>,
        tpu.vector_store %arg12[%swap3A_364, %swap3A_365], %mul3A_361 {strides = array<i32>} : memref<128x128xf32, #tpu.memory_space<vmem>>, vector<16xf32>,
        %add3A_367 = arith.constant 1 : i32
        %add3A_368 = arith.addi %add3A_244, %add3A_367 : i32
        %get3A_369 = arith.index_cast %add3A_368 : i32 to index
        %get3A_370 = arith.constant 16 : index
        %get3A_371 = tpu.vector_load %arg12[%get3A_369, %get3A_370] {strides = array<i32>} : memref<128x128xf32, #tpu.memory_space<vmem>>, vector<16xf32>,
        %mul3A_372 = arith.mulf %get3A_371, %gather3A_355 : vector<16xf32>
        %add3A_373 = arith.constant 1 : i32
        %add3A_374 = arith.addi %add3A_244, %add3A_373 : i32
        %swap3A_375 = arith.index_cast %add3A_374 : i32 to index
        %swap3A_376 = arith.constant 16 : index
        %swap3A_377 = tpu.vector_load %arg12[%swap3A_375, %swap3A_376] {strides = array<i32>} : memref<128x128xf32, #tpu.memory_space<vmem>>, vector<16xf32>,
        tpu.vector_store %arg12[%swap3A_375, %swap3A_376], %mul3A_372 {strides = array<i32>} : memref<128x128xf32, #tpu.memory_space<vmem>>, vector<16xf32>,
        %add3A_378 = arith.constant 1 : i32
        %add3A_379 = arith.addi %add3A_244, %add3A_378 : i32
        %get3A_380 = arith.index_cast %add3A_379 : i32 to index
        %get3A_381 = arith.constant 32 : index
        %get3A_382 = tpu.vector_load %arg12[%get3A_380, %get3A_381] {strides = array<i32>} : memref<128x128xf32, #tpu.memory_space<vmem>>, vector<16xf32>,
        %mul3A_383 = arith.mulf %get3A_382, %gather3A_355 : vector<16xf32>
        %add3A_384 = arith.constant 1 : i32
        %add3A_385 = arith.addi %add3A_244, %add3A_384 : i32
        %swap3A_386 = arith.index_cast %add3A_385 : i32 to index
        %swap3A_387 = arith.constant 32 : index
        %swap3A_388 = tpu.vector_load %arg12[%swap3A_386, %swap3A_387] {strides = array<i32>} : memref<128x128xf32, #tpu.memory_space<vmem>>, vector<16xf32>,
        tpu.vector_store %arg12[%swap3A_386, %swap3A_387], %mul3A_383 {strides = array<i32>} : memref<128x128xf32, #tpu.memory_space<vmem>>, vector<16xf32>,
        %add3A_389 = arith.constant 1 : i32
        %add3A_390 = arith.addi %add3A_244, %add3A_389 : i32
        %get3A_391 = arith.index_cast %add3A_390 : i32 to index
        %get3A_392 = arith.constant 48 : index
        %get3A_393 = tpu.vector_load %arg12[%get3A_391, %get3A_392] {strides = array<i32>} : memref<128x128xf32, #tpu.memory_space<vmem>>, vector<16xf32>,
        %mul3A_394 = arith.mulf %get3A_393, %gather3A_355 : vector<16xf32>
        %add3A_395 = arith.constant 1 : i32
        %add3A_396 = arith.addi %add3A_244, %add3A_395 : i32
        %swap3A_397 = arith.index_cast %add3A_396 : i32 to index
        %swap3A_398 = arith.constant 48 : index
        %swap3A_399 = tpu.vector_load %arg12[%swap3A_397, %swap3A_398] {strides = array<i32>} : memref<128x128xf32, #tpu.memory_space<vmem>>, vector<16xf32>,
        tpu.vector_store %arg12[%swap3A_397, %swap3A_398], %mul3A_394 {strides = array<i32>} : memref<128x128xf32, #tpu.memory_space<vmem>>, vector<16xf32>,
        %add3A_400 = arith.constant 1 : i32
        %add3A_401 = arith.addi %add3A_244, %add3A_400 : i32
        %get3A_402 = arith.index_cast %add3A_401 : i32 to index
        %get3A_403 = arith.constant 64 : index
        %get3A_404 = tpu.vector_load %arg12[%get3A_402, %get3A_403] {strides = array<i32>} : memref<128x128xf32, #tpu.memory_space<vmem>>, vector<16xf32>,
        %mul3A_405 = arith.mulf %get3A_404, %gather3A_355 : vector<16xf32>
        %add3A_406 = arith.constant 1 : i32
        %add3A_407 = arith.addi %add3A_244, %add3A_406 : i32
        %swap3A_408 = arith.index_cast %add3A_407 : i32 to index
        %swap3A_409 = arith.constant 64 : index
        %swap3A_410 = tpu.vector_load %arg12[%swap3A_408, %swap3A_409] {strides = array<i32>} : memref<128x128xf32, #tpu.memory_space<vmem>>, vector<16xf32>,
        tpu.vector_store %arg12[%swap3A_408, %swap3A_409], %mul3A_405 {strides = array<i32>} : memref<128x128xf32, #tpu.memory_space<vmem>>, vector<16xf32>,
        %add3A_411 = arith.constant 1 : i32
        %add3A_412 = arith.addi %add3A_244, %add3A_411 : i32
        %get3A_413 = arith.index_cast %add3A_412 : i32 to index
        %get3A_414 = arith.constant 80 : index
        %get3A_415 = tpu.vector_load %arg12[%get3A_413, %get3A_414] {strides = array<i32>} : memref<128x128xf32, #tpu.memory_space<vmem>>, vector<16xf32>,
        %mul3A_416 = arith.mulf %get3A_415, %gather3A_355 : vector<16xf32>
        %add3A_417 = arith.constant 1 : i32
        %add3A_418 = arith.addi %add3A_244, %add3A_417 : i32
        %swap3A_419 = arith.index_cast %add3A_418 : i32 to index
        %swap3A_420 = arith.constant 80 : index
        %swap3A_421 = tpu.vector_load %arg12[%swap3A_419, %swap3A_420] {strides = array<i32>} : memref<128x128xf32, #tpu.memory_space<vmem>>, vector<16xf32>,
        tpu.vector_store %arg12[%swap3A_419, %swap3A_420], %mul3A_416 {strides = array<i32>} : memref<128x128xf32, #tpu.memory_space<vmem>>, vector<16xf32>,
        %add3A_422 = arith.constant 1 : i32
        %add3A_423 = arith.addi %add3A_244, %add3A_422 : i32
        %get3A_424 = arith.index_cast %add3A_423 : i32 to index
        %get3A_425 = arith.constant 96 : index
        %get3A_426 = tpu.vector_load %arg12[%get3A_424, %get3A_425] {strides = array<i32>} : memref<128x128xf32, #tpu.memory_space<vmem>>, vector<16xf32>,
        %mul3A_427 = arith.mulf %get3A_426, %gather3A_355 : vector<16xf32>
        %add3A_428 = arith.constant 1 : i32
        %add3A_429 = arith.addi %add3A_244, %add3A_428 : i32
        %swap3A_430 = arith.index_cast %add3A_429 : i32 to index
        %swap3A_431 = arith.constant 96 : index
        %swap3A_432 = tpu.vector_load %arg12[%swap3A_430, %swap3A_431] {strides = array<i32>} : memref<128x128xf32, #tpu.memory_space<vmem>>, vector<16xf32>,
        tpu.vector_store %arg12[%swap3A_430, %swap3A_431], %mul3A_427 {strides = array<i32>} : memref<128x128xf32, #tpu.memory_space<vmem>>, vector<16xf32>,
        %add3A_433 = arith.constant 1 : i32
        %add3A_434 = arith.addi %add3A_244, %add3A_433 : i32
        %get3A_435 = arith.index_cast %add3A_434 : i32 to index
        %get3A_436 = arith.constant 112 : index
        %get3A_437 = tpu.vector_load %arg12[%get3A_435, %get3A_436] {strides = array<i32>} : memref<128x128xf32, #tpu.memory_space<vmem>>, vector<16xf32>,
        %mul3A_438 = arith.mulf %get3A_437, %gather3A_355 : vector<16xf32>
        %add3A_439 = arith.constant 1 : i32
        %add3A_440 = arith.addi %add3A_244, %add3A_439 : i32
        %swap3A_441 = arith.index_cast %add3A_440 : i32 to index
        %swap3A_442 = arith.constant 112 : index
        %swap3A_443 = tpu.vector_load %arg12[%swap3A_441, %swap3A_442] {strides = array<i32>} : memref<128x128xf32, #tpu.memory_space<vmem>>, vector<16xf32>,
        tpu.vector_store %arg12[%swap3A_441, %swap3A_442], %mul3A_438 {strides = array<i32>} : memref<128x128xf32, #tpu.memory_space<vmem>>, vector<16xf32>,
        %broadcast_in_dim3A_444 = arith.constant 2 : i32
        %broadcast_in_dim3A_445 = vector.broadcast %broadcast_in_dim3A_444 : i32 to vector<16xi32>
        %lt3A_446 = arith.constant 0 : i32
        %lt3A_447 = vector.broadcast %lt3A_446 : i32 to vector<16xi32>
        %lt3A_448 = arith.cmpi slt, %broadcast_in_dim3A_445, %lt3A_447 : vector<16xi32>
        %add3A_449 = arith.constant 16 : i32
        %add3A_450 = vector.broadcast %add3A_449 : i32 to vector<16xi32>
        %add3A_451 = arith.addi %broadcast_in_dim3A_445, %add3A_450 : vector<16xi32>
        %select_n3A_452 = arith.select %lt3A_448, %add3A_451, %broadcast_in_dim3A_445 : vector<16xi1>, vector<16xi32>
        %broadcast_in_dim3A_453 = vector.shape_cast %select_n3A_452 : vector<16xi32> to vector<16x1xi32>
        %gather3A_454 = vector.shape_cast %broadcast_in_dim3A_453 : vector<16x1xi32> to vector<16xi32>
        %gather3A_455 = tpu.dynamic_gather %get3A_246[%gather3A_454] in [0] : vector<16xf32>, vector<16xi32> -> vector<16xf32>
        %add3A_456 = arith.constant 2 : i32
        %add3A_457 = arith.addi %add3A_244, %add3A_456 : i32
        %get3A_458 = arith.index_cast %add3A_457 : i32 to index
        %get3A_459 = arith.constant 0 : index
        %get3A_460 = tpu.vector_load %arg12[%get3A_458, %get3A_459] {strides = array<i32>} : memref<128x128xf32, #tpu.memory_space<vmem>>, vector<16xf32>,
        %mul3A_461 = arith.mulf %get3A_460, %gather3A_455 : vector<16xf32>
        %add3A_462 = arith.constant 2 : i32
        %add3A_463 = arith.addi %add3A_244, %add3A_462 : i32
        %swap3A_464 = arith.index_cast %add3A_463 : i32 to index
        %swap3A_465 = arith.constant 0 : index
        %swap3A_466 = tpu.vector_load %arg12[%swap3A_464, %swap3A_465] {strides = array<i32>} : memref<128x128xf32, #tpu.memory_space<vmem>>, vector<16xf32>,
        tpu.vector_store %arg12[%swap3A_464, %swap3A_465], %mul3A_461 {strides = array<i32>} : memref<128x128xf32, #tpu.memory_space<vmem>>, vector<16xf32>,
        %add3A_467 = arith.constant 2 : i32
        %add3A_468 = arith.addi %add3A_244, %add3A_467 : i32
        %get3A_469 = arith.index_cast %add3A_468 : i32 to index
        %get3A_470 = arith.constant 16 : index
        %get3A_471 = tpu.vector_load %arg12[%get3A_469, %get3A_470] {strides = array<i32>} : memref<128x128xf32, #tpu.memory_space<vmem>>, vector<16xf32>,
        %mul3A_472 = arith.mulf %get3A_471, %gather3A_455 : vector<16xf32>
        %add3A_473 = arith.constant 2 : i32
        %add3A_474 = arith.addi %add3A_244, %add3A_473 : i32
        %swap3A_475 = arith.index_cast %add3A_474 : i32 to index
        %swap3A_476 = arith.constant 16 : index
        %swap3A_477 = tpu.vector_load %arg12[%swap3A_475, %swap3A_476] {strides = array<i32>} : memref<128x128xf32, #tpu.memory_space<vmem>>, vector<16xf32>,
        tpu.vector_store %arg12[%swap3A_475, %swap3A_476], %mul3A_472 {strides = array<i32>} : memref<128x128xf32, #tpu.memory_space<vmem>>, vector<16xf32>,
        %add3A_478 = arith.constant 2 : i32
        %add3A_479 = arith.addi %add3A_244, %add3A_478 : i32
        %get3A_480 = arith.index_cast %add3A_479 : i32 to index
        %get3A_481 = arith.constant 32 : index
        %get3A_482 = tpu.vector_load %arg12[%get3A_480, %get3A_481] {strides = array<i32>} : memref<128x128xf32, #tpu.memory_space<vmem>>, vector<16xf32>,
        %mul3A_483 = arith.mulf %get3A_482, %gather3A_455 : vector<16xf32>
        %add3A_484 = arith.constant 2 : i32
        %add3A_485 = arith.addi %add3A_244, %add3A_484 : i32
        %swap3A_486 = arith.index_cast %add3A_485 : i32 to index
        %swap3A_487 = arith.constant 32 : index
        %swap3A_488 = tpu.vector_load %arg12[%swap3A_486, %swap3A_487] {strides = array<i32>} : memref<128x128xf32, #tpu.memory_space<vmem>>, vector<16xf32>,
        tpu.vector_store %arg12[%swap3A_486, %swap3A_487], %mul3A_483 {strides = array<i32>} : memref<128x128xf32, #tpu.memory_space<vmem>>, vector<16xf32>,
        %add3A_489 = arith.constant 2 : i32
        %add3A_490 = arith.addi %add3A_244, %add3A_489 : i32
        %get3A_491 = arith.index_cast %add3A_490 : i32 to index
        %get3A_492 = arith.constant 48 : index
        %get3A_493 = tpu.vector_load %arg12[%get3A_491, %get3A_492] {strides = array<i32>} : memref<128x128xf32, #tpu.memory_space<vmem>>, vector<16xf32>,
        %mul3A_494 = arith.mulf %get3A_493, %gather3A_455 : vector<16xf32>
        %add3A_495 = arith.constant 2 : i32
        %add3A_496 = arith.addi %add3A_244, %add3A_495 : i32
        %swap3A_497 = arith.index_cast %add3A_496 : i32 to index
        %swap3A_498 = arith.constant 48 : index
        %swap3A_499 = tpu.vector_load %arg12[%swap3A_497, %swap3A_498] {strides = array<i32>} : memref<128x128xf32, #tpu.memory_space<vmem>>, vector<16xf32>,
        tpu.vector_store %arg12[%swap3A_497, %swap3A_498], %mul3A_494 {strides = array<i32>} : memref<128x128xf32, #tpu.memory_space<vmem>>, vector<16xf32>,
        %add3A_500 = arith.constant 2 : i32
        %add3A_501 = arith.addi %add3A_244, %add3A_500 : i32
        %get3A_502 = arith.index_cast %add3A_501 : i32 to index
        %get3A_503 = arith.constant 64 : index
        %get3A_504 = tpu.vector_load %arg12[%get3A_502, %get3A_503] {strides = array<i32>} : memref<128x128xf32, #tpu.memory_space<vmem>>, vector<16xf32>,
        %mul3A_505 = arith.mulf %get3A_504, %gather3A_455 : vector<16xf32>
        %add3A_506 = arith.constant 2 : i32
        %add3A_507 = arith.addi %add3A_244, %add3A_506 : i32
        %swap3A_508 = arith.index_cast %add3A_507 : i32 to index
        %swap3A_509 = arith.constant 64 : index
        %swap3A_510 = tpu.vector_load %arg12[%swap3A_508, %swap3A_509] {strides = array<i32>} : memref<128x128xf32, #tpu.memory_space<vmem>>, vector<16xf32>,
        tpu.vector_store %arg12[%swap3A_508, %swap3A_509], %mul3A_505 {strides = array<i32>} : memref<128x128xf32, #tpu.memory_space<vmem>>, vector<16xf32>,
        %add3A_511 = arith.constant 2 : i32
        %add3A_512 = arith.addi %add3A_244, %add3A_511 : i32
        %get3A_513 = arith.index_cast %add3A_512 : i32 to index
        %get3A_514 = arith.constant 80 : index
        %get3A_515 = tpu.vector_load %arg12[%get3A_513, %get3A_514] {strides = array<i32>} : memref<128x128xf32, #tpu.memory_space<vmem>>, vector<16xf32>,
        %mul3A_516 = arith.mulf %get3A_515, %gather3A_455 : vector<16xf32>
        %add3A_517 = arith.constant 2 : i32
        %add3A_518 = arith.addi %add3A_244, %add3A_517 : i32
        %swap3A_519 = arith.index_cast %add3A_518 : i32 to index
        %swap3A_520 = arith.constant 80 : index
        %swap3A_521 = tpu.vector_load %arg12[%swap3A_519, %swap3A_520] {strides = array<i32>} : memref<128x128xf32, #tpu.memory_space<vmem>>, vector<16xf32>,
        tpu.vector_store %arg12[%swap3A_519, %swap3A_520], %mul3A_516 {strides = array<i32>} : memref<128x128xf32, #tpu.memory_space<vmem>>, vector<16xf32>,
        %add3A_522 = arith.constant 2 : i32
        %add3A_523 = arith.addi %add3A_244, %add3A_522 : i32
        %get3A_524 = arith.index_cast %add3A_523 : i32 to index
        %get3A_525 = arith.constant 96 : index
        %get3A_526 = tpu.vector_load %arg12[%get3A_524, %get3A_525] {strides = array<i32>} : memref<128x128xf32, #tpu.memory_space<vmem>>, vector<16xf32>,
        %mul3A_527 = arith.mulf %get3A_526, %gather3A_455 : vector<16xf32>
        %add3A_528 = arith.constant 2 : i32
        %add3A_529 = arith.addi %add3A_244, %add3A_528 : i32
        %swap3A_530 = arith.index_cast %add3A_529 : i32 to index
        %swap3A_531 = arith.constant 96 : index
        %swap3A_532 = tpu.vector_load %arg12[%swap3A_530, %swap3A_531] {strides = array<i32>} : memref<128x128xf32, #tpu.memory_space<vmem>>, vector<16xf32>,
        tpu.vector_store %arg12[%swap3A_530, %swap3A_531], %mul3A_527 {strides = array<i32>} : memref<128x128xf32, #tpu.memory_space<vmem>>, vector<16xf32>,
        %add3A_533 = arith.constant 2 : i32
        %add3A_534 = arith.addi %add3A_244, %add3A_533 : i32
        %get3A_535 = arith.index_cast %add3A_534 : i32 to index
        %get3A_536 = arith.constant 112 : index
        %get3A_537 = tpu.vector_load %arg12[%get3A_535, %get3A_536] {strides = array<i32>} : memref<128x128xf32, #tpu.memory_space<vmem>>, vector<16xf32>,
        %mul3A_538 = arith.mulf %get3A_537, %gather3A_455 : vector<16xf32>
        %add3A_539 = arith.constant 2 : i32
        %add3A_540 = arith.addi %add3A_244, %add3A_539 : i32
        %swap3A_541 = arith.index_cast %add3A_540 : i32 to index
        %swap3A_542 = arith.constant 112 : index
        %swap3A_543 = tpu.vector_load %arg12[%swap3A_541, %swap3A_542] {strides = array<i32>} : memref<128x128xf32, #tpu.memory_space<vmem>>, vector<16xf32>,
        tpu.vector_store %arg12[%swap3A_541, %swap3A_542], %mul3A_538 {strides = array<i32>} : memref<128x128xf32, #tpu.memory_space<vmem>>, vector<16xf32>,
        %broadcast_in_dim3A_544 = arith.constant 3 : i32
        %broadcast_in_dim3A_545 = vector.broadcast %broadcast_in_dim3A_544 : i32 to vector<16xi32>
        %lt3A_546 = arith.constant 0 : i32
        %lt3A_547 = vector.broadcast %lt3A_546 : i32 to vector<16xi32>
        %lt3A_548 = arith.cmpi slt, %broadcast_in_dim3A_545, %lt3A_547 : vector<16xi32>
        %add3A_549 = arith.constant 16 : i32
        %add3A_550 = vector.broadcast %add3A_549 : i32 to vector<16xi32>
        %add3A_551 = arith.addi %broadcast_in_dim3A_545, %add3A_550 : vector<16xi32>
        %select_n3A_552 = arith.select %lt3A_548, %add3A_551, %broadcast_in_dim3A_545 : vector<16xi1>, vector<16xi32>
        %broadcast_in_dim3A_553 = vector.shape_cast %select_n3A_552 : vector<16xi32> to vector<16x1xi32>
        %gather3A_554 = vector.shape_cast %broadcast_in_dim3A_553 : vector<16x1xi32> to vector<16xi32>
        %gather3A_555 = tpu.dynamic_gather %get3A_246[%gather3A_554] in [0] : vector<16xf32>, vector<16xi32> -> vector<16xf32>
        %add3A_556 = arith.constant 3 : i32
        %add3A_557 = arith.addi %add3A_244, %add3A_556 : i32
        %get3A_558 = arith.index_cast %add3A_557 : i32 to index
        %get3A_559 = arith.constant 0 : index
        %get3A_560 = tpu.vector_load %arg12[%get3A_558, %get3A_559] {strides = array<i32>} : memref<128x128xf32, #tpu.memory_space<vmem>>, vector<16xf32>,
        %mul3A_561 = arith.mulf %get3A_560, %gather3A_555 : vector<16xf32>
        %add3A_562 = arith.constant 3 : i32
        %add3A_563 = arith.addi %add3A_244, %add3A_562 : i32
        %swap3A_564 = arith.index_cast %add3A_563 : i32 to index
        %swap3A_565 = arith.constant 0 : index
        %swap3A_566 = tpu.vector_load %arg12[%swap3A_564, %swap3A_565] {strides = array<i32>} : memref<128x128xf32, #tpu.memory_space<vmem>>, vector<16xf32>,
        tpu.vector_store %arg12[%swap3A_564, %swap3A_565], %mul3A_561 {strides = array<i32>} : memref<128x128xf32, #tpu.memory_space<vmem>>, vector<16xf32>,
        %add3A_567 = arith.constant 3 : i32
        %add3A_568 = arith.addi %add3A_244, %add3A_567 : i32
        %get3A_569 = arith.index_cast %add3A_568 : i32 to index
        %get3A_570 = arith.constant 16 : index
        %get3A_571 = tpu.vector_load %arg12[%get3A_569, %get3A_570] {strides = array<i32>} : memref<128x128xf32, #tpu.memory_space<vmem>>, vector<16xf32>,
        %mul3A_572 = arith.mulf %get3A_571, %gather3A_555 : vector<16xf32>
        %add3A_573 = arith.constant 3 : i32
        %add3A_574 = arith.addi %add3A_244, %add3A_573 : i32
        %swap3A_575 = arith.index_cast %add3A_574 : i32 to index
        %swap3A_576 = arith.constant 16 : index
        %swap3A_577 = tpu.vector_load %arg12[%swap3A_575, %swap3A_576] {strides = array<i32>} : memref<128x128xf32, #tpu.memory_space<vmem>>, vector<16xf32>,
        tpu.vector_store %arg12[%swap3A_575, %swap3A_576], %mul3A_572 {strides = array<i32>} : memref<128x128xf32, #tpu.memory_space<vmem>>, vector<16xf32>,
        %add3A_578 = arith.constant 3 : i32
        %add3A_579 = arith.addi %add3A_244, %add3A_578 : i32
        %get3A_580 = arith.index_cast %add3A_579 : i32 to index
        %get3A_581 = arith.constant 32 : index
        %get3A_582 = tpu.vector_load %arg12[%get3A_580, %get3A_581] {strides = array<i32>} : memref<128x128xf32, #tpu.memory_space<vmem>>, vector<16xf32>,
        %mul3A_583 = arith.mulf %get3A_582, %gather3A_555 : vector<16xf32>
        %add3A_584 = arith.constant 3 : i32
        %add3A_585 = arith.addi %add3A_244, %add3A_584 : i32
        %swap3A_586 = arith.index_cast %add3A_585 : i32 to index
        %swap3A_587 = arith.constant 32 : index
        %swap3A_588 = tpu.vector_load %arg12[%swap3A_586, %swap3A_587] {strides = array<i32>} : memref<128x128xf32, #tpu.memory_space<vmem>>, vector<16xf32>,
        tpu.vector_store %arg12[%swap3A_586, %swap3A_587], %mul3A_583 {strides = array<i32>} : memref<128x128xf32, #tpu.memory_space<vmem>>, vector<16xf32>,
        %add3A_589 = arith.constant 3 : i32
        %add3A_590 = arith.addi %add3A_244, %add3A_589 : i32
        %get3A_591 = arith.index_cast %add3A_590 : i32 to index
        %get3A_592 = arith.constant 48 : index
        %get3A_593 = tpu.vector_load %arg12[%get3A_591, %get3A_592] {strides = array<i32>} : memref<128x128xf32, #tpu.memory_space<vmem>>, vector<16xf32>,
        %mul3A_594 = arith.mulf %get3A_593, %gather3A_555 : vector<16xf32>
        %add3A_595 = arith.constant 3 : i32
        %add3A_596 = arith.addi %add3A_244, %add3A_595 : i32
        %swap3A_597 = arith.index_cast %add3A_596 : i32 to index
        %swap3A_598 = arith.constant 48 : index
        %swap3A_599 = tpu.vector_load %arg12[%swap3A_597, %swap3A_598] {strides = array<i32>} : memref<128x128xf32, #tpu.memory_space<vmem>>, vector<16xf32>,
        tpu.vector_store %arg12[%swap3A_597, %swap3A_598], %mul3A_594 {strides = array<i32>} : memref<128x128xf32, #tpu.memory_space<vmem>>, vector<16xf32>,
        %add3A_600 = arith.constant 3 : i32
        %add3A_601 = arith.addi %add3A_244, %add3A_600 : i32
        %get3A_602 = arith.index_cast %add3A_601 : i32 to index
        %get3A_603 = arith.constant 64 : index
        %get3A_604 = tpu.vector_load %arg12[%get3A_602, %get3A_603] {strides = array<i32>} : memref<128x128xf32, #tpu.memory_space<vmem>>, vector<16xf32>,
        %mul3A_605 = arith.mulf %get3A_604, %gather3A_555 : vector<16xf32>
        %add3A_606 = arith.constant 3 : i32
        %add3A_607 = arith.addi %add3A_244, %add3A_606 : i32
        %swap3A_608 = arith.index_cast %add3A_607 : i32 to index
        %swap3A_609 = arith.constant 64 : index
        %swap3A_610 = tpu.vector_load %arg12[%swap3A_608, %swap3A_609] {strides = array<i32>} : memref<128x128xf32, #tpu.memory_space<vmem>>, vector<16xf32>,
        tpu.vector_store %arg12[%swap3A_608, %swap3A_609], %mul3A_605 {strides = array<i32>} : memref<128x128xf32, #tpu.memory_space<vmem>>, vector<16xf32>,
        %add3A_611 = arith.constant 3 : i32
        %add3A_612 = arith.addi %add3A_244, %add3A_611 : i32
        %get3A_613 = arith.index_cast %add3A_612 : i32 to index
        %get3A_614 = arith.constant 80 : index
        %get3A_615 = tpu.vector_load %arg12[%get3A_613, %get3A_614] {strides = array<i32>} : memref<128x128xf32, #tpu.memory_space<vmem>>, vector<16xf32>,
        %mul3A_616 = arith.mulf %get3A_615, %gather3A_555 : vector<16xf32>
        %add3A_617 = arith.constant 3 : i32
        %add3A_618 = arith.addi %add3A_244, %add3A_617 : i32
        %swap3A_619 = arith.index_cast %add3A_618 : i32 to index
        %swap3A_620 = arith.constant 80 : index
        %swap3A_621 = tpu.vector_load %arg12[%swap3A_619, %swap3A_620] {strides = array<i32>} : memref<128x128xf32, #tpu.memory_space<vmem>>, vector<16xf32>,
        tpu.vector_store %arg12[%swap3A_619, %swap3A_620], %mul3A_616 {strides = array<i32>} : memref<128x128xf32, #tpu.memory_space<vmem>>, vector<16xf32>,
        %add3A_622 = arith.constant 3 : i32
        %add3A_623 = arith.addi %add3A_244, %add3A_622 : i32
        %get3A_624 = arith.index_cast %add3A_623 : i32 to index
        %get3A_625 = arith.constant 96 : index
        %get3A_626 = tpu.vector_load %arg12[%get3A_624, %get3A_625] {strides = array<i32>} : memref<128x128xf32, #tpu.memory_space<vmem>>, vector<16xf32>,
        %mul3A_627 = arith.mulf %get3A_626, %gather3A_555 : vector<16xf32>
        %add3A_628 = arith.constant 3 : i32
        %add3A_629 = arith.addi %add3A_244, %add3A_628 : i32
        %swap3A_630 = arith.index_cast %add3A_629 : i32 to index
        %swap3A_631 = arith.constant 96 : index
        %swap3A_632 = tpu.vector_load %arg12[%swap3A_630, %swap3A_631] {strides = array<i32>} : memref<128x128xf32, #tpu.memory_space<vmem>>, vector<16xf32>,
        tpu.vector_store %arg12[%swap3A_630, %swap3A_631], %mul3A_627 {strides = array<i32>} : memref<128x128xf32, #tpu.memory_space<vmem>>, vector<16xf32>,
        %add3A_633 = arith.constant 3 : i32
        %add3A_634 = arith.addi %add3A_244, %add3A_633 : i32
        %get3A_635 = arith.index_cast %add3A_634 : i32 to index
        %get3A_636 = arith.constant 112 : index
        %get3A_637 = tpu.vector_load %arg12[%get3A_635, %get3A_636] {strides = array<i32>} : memref<128x128xf32, #tpu.memory_space<vmem>>, vector<16xf32>,
        %mul3A_638 = arith.mulf %get3A_637, %gather3A_555 : vector<16xf32>
        %add3A_639 = arith.constant 3 : i32
        %add3A_640 = arith.addi %add3A_244, %add3A_639 : i32
        %swap3A_641 = arith.index_cast %add3A_640 : i32 to index
        %swap3A_642 = arith.constant 112 : index
        %swap3A_643 = tpu.vector_load %arg12[%swap3A_641, %swap3A_642] {strides = array<i32>} : memref<128x128xf32, #tpu.memory_space<vmem>>, vector<16xf32>,
        tpu.vector_store %arg12[%swap3A_641, %swap3A_642], %mul3A_638 {strides = array<i32>} : memref<128x128xf32, #tpu.memory_space<vmem>>, vector<16xf32>,
        %broadcast_in_dim3A_644 = arith.constant 4 : i32
        %broadcast_in_dim3A_645 = vector.broadcast %broadcast_in_dim3A_644 : i32 to vector<16xi32>
        %lt3A_646 = arith.constant 0 : i32
        %lt3A_647 = vector.broadcast %lt3A_646 : i32 to vector<16xi32>
        %lt3A_648 = arith.cmpi slt, %broadcast_in_dim3A_645, %lt3A_647 : vector<16xi32>
        %add3A_649 = arith.constant 16 : i32
        %add3A_650 = vector.broadcast %add3A_649 : i32 to vector<16xi32>
        %add3A_651 = arith.addi %broadcast_in_dim3A_645, %add3A_650 : vector<16xi32>
        %select_n3A_652 = arith.select %lt3A_648, %add3A_651, %broadcast_in_dim3A_645 : vector<16xi1>, vector<16xi32>
        %broadcast_in_dim3A_653 = vector.shape_cast %select_n3A_652 : vector<16xi32> to vector<16x1xi32>
        %gather3A_654 = vector.shape_cast %broadcast_in_dim3A_653 : vector<16x1xi32> to vector<16xi32>
        %gather3A_655 = tpu.dynamic_gather %get3A_246[%gather3A_654] in [0] : vector<16xf32>, vector<16xi32> -> vector<16xf32>
        %add3A_656 = arith.constant 4 : i32
        %add3A_657 = arith.addi %add3A_244, %add3A_656 : i32
        %get3A_658 = arith.index_cast %add3A_657 : i32 to index
        %get3A_659 = arith.constant 0 : index
        %get3A_660 = tpu.vector_load %arg12[%get3A_658, %get3A_659] {strides = array<i32>} : memref<128x128xf32, #tpu.memory_space<vmem>>, vector<16xf32>,
        %mul3A_661 = arith.mulf %get3A_660, %gather3A_655 : vector<16xf32>
        %add3A_662 = arith.constant 4 : i32
        %add3A_663 = arith.addi %add3A_244, %add3A_662 : i32
        %swap3A_664 = arith.index_cast %add3A_663 : i32 to index
        %swap3A_665 = arith.constant 0 : index
        %swap3A_666 = tpu.vector_load %arg12[%swap3A_664, %swap3A_665] {strides = array<i32>} : memref<128x128xf32, #tpu.memory_space<vmem>>, vector<16xf32>,
        tpu.vector_store %arg12[%swap3A_664, %swap3A_665], %mul3A_661 {strides = array<i32>} : memref<128x128xf32, #tpu.memory_space<vmem>>, vector<16xf32>,
        %add3A_667 = arith.constant 4 : i32
        %add3A_668 = arith.addi %add3A_244, %add3A_667 : i32
        %get3A_669 = arith.index_cast %add3A_668 : i32 to index
        %get3A_670 = arith.constant 16 : index
        %get3A_671 = tpu.vector_load %arg12[%get3A_669, %get3A_670] {strides = array<i32>} : memref<128x128xf32, #tpu.memory_space<vmem>>, vector<16xf32>,
        %mul3A_672 = arith.mulf %get3A_671, %gather3A_655 : vector<16xf32>
        %add3A_673 = arith.constant 4 : i32
        %add3A_674 = arith.addi %add3A_244, %add3A_673 : i32
        %swap3A_675 = arith.index_cast %add3A_674 : i32 to index
        %swap3A_676 = arith.constant 16 : index
        %swap3A_677 = tpu.vector_load %arg12[%swap3A_675, %swap3A_676] {strides = array<i32>} : memref<128x128xf32, #tpu.memory_space<vmem>>, vector<16xf32>,
        tpu.vector_store %arg12[%swap3A_675, %swap3A_676], %mul3A_672 {strides = array<i32>} : memref<128x128xf32, #tpu.memory_space<vmem>>, vector<16xf32>,
        %add3A_678 = arith.constant 4 : i32
        %add3A_679 = arith.addi %add3A_244, %add3A_678 : i32
        %get3A_680 = arith.index_cast %add3A_679 : i32 to index
        %get3A_681 = arith.constant 32 : index
        %get3A_682 = tpu.vector_load %arg12[%get3A_680, %get3A_681] {strides = array<i32>} : memref<128x128xf32, #tpu.memory_space<vmem>>, vector<16xf32>,
        %mul3A_683 = arith.mulf %get3A_682, %gather3A_655 : vector<16xf32>
        %add3A_684 = arith.constant 4 : i32
        %add3A_685 = arith.addi %add3A_244, %add3A_684 : i32
        %swap3A_686 = arith.index_cast %add3A_685 : i32 to index
        %swap3A_687 = arith.constant 32 : index
        %swap3A_688 = tpu.vector_load %arg12[%swap3A_686, %swap3A_687] {strides = array<i32>} : memref<128x128xf32, #tpu.memory_space<vmem>>, vector<16xf32>,
        tpu.vector_store %arg12[%swap3A_686, %swap3A_687], %mul3A_683 {strides = array<i32>} : memref<128x128xf32, #tpu.memory_space<vmem>>, vector<16xf32>,
        %add3A_689 = arith.constant 4 : i32
        %add3A_690 = arith.addi %add3A_244, %add3A_689 : i32
        %get3A_691 = arith.index_cast %add3A_690 : i32 to index
        %get3A_692 = arith.constant 48 : index
        %get3A_693 = tpu.vector_load %arg12[%get3A_691, %get3A_692] {strides = array<i32>} : memref<128x128xf32, #tpu.memory_space<vmem>>, vector<16xf32>,
        %mul3A_694 = arith.mulf %get3A_693, %gather3A_655 : vector<16xf32>
        %add3A_695 = arith.constant 4 : i32
        %add3A_696 = arith.addi %add3A_244, %add3A_695 : i32
        %swap3A_697 = arith.index_cast %add3A_696 : i32 to index
        %swap3A_698 = arith.constant 48 : index
        %swap3A_699 = tpu.vector_load %arg12[%swap3A_697, %swap3A_698] {strides = array<i32>} : memref<128x128xf32, #tpu.memory_space<vmem>>, vector<16xf32>,
        tpu.vector_store %arg12[%swap3A_697, %swap3A_698], %mul3A_694 {strides = array<i32>} : memref<128x128xf32, #tpu.memory_space<vmem>>, vector<16xf32>,
        %add3A_700 = arith.constant 4 : i32
        %add3A_701 = arith.addi %add3A_244, %add3A_700 : i32
        %get3A_702 = arith.index_cast %add3A_701 : i32 to index
        %get3A_703 = arith.constant 64 : index
        %get3A_704 = tpu.vector_load %arg12[%get3A_702, %get3A_703] {strides = array<i32>} : memref<128x128xf32, #tpu.memory_space<vmem>>, vector<16xf32>,
        %mul3A_705 = arith.mulf %get3A_704, %gather3A_655 : vector<16xf32>
        %add3A_706 = arith.constant 4 : i32
        %add3A_707 = arith.addi %add3A_244, %add3A_706 : i32
        %swap3A_708 = arith.index_cast %add3A_707 : i32 to index
        %swap3A_709 = arith.constant 64 : index
        %swap3A_710 = tpu.vector_load %arg12[%swap3A_708, %swap3A_709] {strides = array<i32>} : memref<128x128xf32, #tpu.memory_space<vmem>>, vector<16xf32>,
        tpu.vector_store %arg12[%swap3A_708, %swap3A_709], %mul3A_705 {strides = array<i32>} : memref<128x128xf32, #tpu.memory_space<vmem>>, vector<16xf32>,
        %add3A_711 = arith.constant 4 : i32
        %add3A_712 = arith.addi %add3A_244, %add3A_711 : i32
        %get3A_713 = arith.index_cast %add3A_712 : i32 to index
        %get3A_714 = arith.constant 80 : index
        %get3A_715 = tpu.vector_load %arg12[%get3A_713, %get3A_714] {strides = array<i32>} : memref<128x128xf32, #tpu.memory_space<vmem>>, vector<16xf32>,
        %mul3A_716 = arith.mulf %get3A_715, %gather3A_655 : vector<16xf32>
        %add3A_717 = arith.constant 4 : i32
        %add3A_718 = arith.addi %add3A_244, %add3A_717 : i32
        %swap3A_719 = arith.index_cast %add3A_718 : i32 to index
        %swap3A_720 = arith.constant 80 : index
        %swap3A_721 = tpu.vector_load %arg12[%swap3A_719, %swap3A_720] {strides = array<i32>} : memref<128x128xf32, #tpu.memory_space<vmem>>, vector<16xf32>,
        tpu.vector_store %arg12[%swap3A_719, %swap3A_720], %mul3A_716 {strides = array<i32>} : memref<128x128xf32, #tpu.memory_space<vmem>>, vector<16xf32>,
        %add3A_722 = arith.constant 4 : i32
        %add3A_723 = arith.addi %add3A_244, %add3A_722 : i32
        %get3A_724 = arith.index_cast %add3A_723 : i32 to index
        %get3A_725 = arith.constant 96 : index
        %get3A_726 = tpu.vector_load %arg12[%get3A_724, %get3A_725] {strides = array<i32>} : memref<128x128xf32, #tpu.memory_space<vmem>>, vector<16xf32>,
        %mul3A_727 = arith.mulf %get3A_726, %gather3A_655 : vector<16xf32>
        %add3A_728 = arith.constant 4 : i32
        %add3A_729 = arith.addi %add3A_244, %add3A_728 : i32
        %swap3A_730 = arith.index_cast %add3A_729 : i32 to index
        %swap3A_731 = arith.constant 96 : index
        %swap3A_732 = tpu.vector_load %arg12[%swap3A_730, %swap3A_731] {strides = array<i32>} : memref<128x128xf32, #tpu.memory_space<vmem>>, vector<16xf32>,
        tpu.vector_store %arg12[%swap3A_730, %swap3A_731], %mul3A_727 {strides = array<i32>} : memref<128x128xf32, #tpu.memory_space<vmem>>, vector<16xf32>,
        %add3A_733 = arith.constant 4 : i32
        %add3A_734 = arith.addi %add3A_244, %add3A_733 : i32
        %get3A_735 = arith.index_cast %add3A_734 : i32 to index
        %get3A_736 = arith.constant 112 : index
        %get3A_737 = tpu.vector_load %arg12[%get3A_735, %get3A_736] {strides = array<i32>} : memref<128x128xf32, #tpu.memory_space<vmem>>, vector<16xf32>,
        %mul3A_738 = arith.mulf %get3A_737, %gather3A_655 : vector<16xf32>
        %add3A_739 = arith.constant 4 : i32
        %add3A_740 = arith.addi %add3A_244, %add3A_739 : i32
        %swap3A_741 = arith.index_cast %add3A_740 : i32 to index
        %swap3A_742 = arith.constant 112 : index
        %swap3A_743 = tpu.vector_load %arg12[%swap3A_741, %swap3A_742] {strides = array<i32>} : memref<128x128xf32, #tpu.memory_space<vmem>>, vector<16xf32>,
        tpu.vector_store %arg12[%swap3A_741, %swap3A_742], %mul3A_738 {strides = array<i32>} : memref<128x128xf32, #tpu.memory_space<vmem>>, vector<16xf32>,
        %broadcast_in_dim3A_744 = arith.constant 5 : i32
        %broadcast_in_dim3A_745 = vector.broadcast %broadcast_in_dim3A_744 : i32 to vector<16xi32>
        %lt3A_746 = arith.constant 0 : i32
        %lt3A_747 = vector.broadcast %lt3A_746 : i32 to vector<16xi32>
        %lt3A_748 = arith.cmpi slt, %broadcast_in_dim3A_745, %lt3A_747 : vector<16xi32>
        %add3A_749 = arith.constant 16 : i32
        %add3A_750 = vector.broadcast %add3A_749 : i32 to vector<16xi32>
        %add3A_751 = arith.addi %broadcast_in_dim3A_745, %add3A_750 : vector<16xi32>
        %select_n3A_752 = arith.select %lt3A_748, %add3A_751, %broadcast_in_dim3A_745 : vector<16xi1>, vector<16xi32>
        %broadcast_in_dim3A_753 = vector.shape_cast %select_n3A_752 : vector<16xi32> to vector<16x1xi32>
        %gather3A_754 = vector.shape_cast %broadcast_in_dim3A_753 : vector<16x1xi32> to vector<16xi32>
        %gather3A_755 = tpu.dynamic_gather %get3A_246[%gather3A_754] in [0] : vector<16xf32>, vector<16xi32> -> vector<16xf32>
        %add3A_756 = arith.constant 5 : i32
        %add3A_757 = arith.addi %add3A_244, %add3A_756 : i32
        %get3A_758 = arith.index_cast %add3A_757 : i32 to index
        %get3A_759 = arith.constant 0 : index
        %get3A_760 = tpu.vector_load %arg12[%get3A_758, %get3A_759] {strides = array<i32>} : memref<128x128xf32, #tpu.memory_space<vmem>>, vector<16xf32>,
        %mul3A_761 = arith.mulf %get3A_760, %gather3A_755 : vector<16xf32>
        %add3A_762 = arith.constant 5 : i32
        %add3A_763 = arith.addi %add3A_244, %add3A_762 : i32
        %swap3A_764 = arith.index_cast %add3A_763 : i32 to index
        %swap3A_765 = arith.constant 0 : index
        %swap3A_766 = tpu.vector_load %arg12[%swap3A_764, %swap3A_765] {strides = array<i32>} : memref<128x128xf32, #tpu.memory_space<vmem>>, vector<16xf32>,
        tpu.vector_store %arg12[%swap3A_764, %swap3A_765], %mul3A_761 {strides = array<i32>} : memref<128x128xf32, #tpu.memory_space<vmem>>, vector<16xf32>,
        %add3A_767 = arith.constant 5 : i32
        %add3A_768 = arith.addi %add3A_244, %add3A_767 : i32
        %get3A_769 = arith.index_cast %add3A_768 : i32 to index
        %get3A_770 = arith.constant 16 : index
        %get3A_771 = tpu.vector_load %arg12[%get3A_769, %get3A_770] {strides = array<i32>} : memref<128x128xf32, #tpu.memory_space<vmem>>, vector<16xf32>,
        %mul3A_772 = arith.mulf %get3A_771, %gather3A_755 : vector<16xf32>
        %add3A_773 = arith.constant 5 : i32
        %add3A_774 = arith.addi %add3A_244, %add3A_773 : i32
        %swap3A_775 = arith.index_cast %add3A_774 : i32 to index
        %swap3A_776 = arith.constant 16 : index
        %swap3A_777 = tpu.vector_load %arg12[%swap3A_775, %swap3A_776] {strides = array<i32>} : memref<128x128xf32, #tpu.memory_space<vmem>>, vector<16xf32>,
        tpu.vector_store %arg12[%swap3A_775, %swap3A_776], %mul3A_772 {strides = array<i32>} : memref<128x128xf32, #tpu.memory_space<vmem>>, vector<16xf32>,
        %add3A_778 = arith.constant 5 : i32
        %add3A_779 = arith.addi %add3A_244, %add3A_778 : i32
        %get3A_780 = arith.index_cast %add3A_779 : i32 to index
        %get3A_781 = arith.constant 32 : index
        %get3A_782 = tpu.vector_load %arg12[%get3A_780, %get3A_781] {strides = array<i32>} : memref<128x128xf32, #tpu.memory_space<vmem>>, vector<16xf32>,
        %mul3A_783 = arith.mulf %get3A_782, %gather3A_755 : vector<16xf32>
        %add3A_784 = arith.constant 5 : i32
        %add3A_785 = arith.addi %add3A_244, %add3A_784 : i32
        %swap3A_786 = arith.index_cast %add3A_785 : i32 to index
        %swap3A_787 = arith.constant 32 : index
        %swap3A_788 = tpu.vector_load %arg12[%swap3A_786, %swap3A_787] {strides = array<i32>} : memref<128x128xf32, #tpu.memory_space<vmem>>, vector<16xf32>,
        tpu.vector_store %arg12[%swap3A_786, %swap3A_787], %mul3A_783 {strides = array<i32>} : memref<128x128xf32, #tpu.memory_space<vmem>>, vector<16xf32>,
        %add3A_789 = arith.constant 5 : i32
        %add3A_790 = arith.addi %add3A_244, %add3A_789 : i32
        %get3A_791 = arith.index_cast %add3A_790 : i32 to index
        %get3A_792 = arith.constant 48 : index
        %get3A_793 = tpu.vector_load %arg12[%get3A_791, %get3A_792] {strides = array<i32>} : memref<128x128xf32, #tpu.memory_space<vmem>>, vector<16xf32>,
        %mul3A_794 = arith.mulf %get3A_793, %gather3A_755 : vector<16xf32>
        %add3A_795 = arith.constant 5 : i32
        %add3A_796 = arith.addi %add3A_244, %add3A_795 : i32
        %swap3A_797 = arith.index_cast %add3A_796 : i32 to index
        %swap3A_798 = arith.constant 48 : index
        %swap3A_799 = tpu.vector_load %arg12[%swap3A_797, %swap3A_798] {strides = array<i32>} : memref<128x128xf32, #tpu.memory_space<vmem>>, vector<16xf32>,
        tpu.vector_store %arg12[%swap3A_797, %swap3A_798], %mul3A_794 {strides = array<i32>} : memref<128x128xf32, #tpu.memory_space<vmem>>, vector<16xf32>,
        %add3A_800 = arith.constant 5 : i32
        %add3A_801 = arith.addi %add3A_244, %add3A_800 : i32
        %get3A_802 = arith.index_cast %add3A_801 : i32 to index
        %get3A_803 = arith.constant 64 : index
        %get3A_804 = tpu.vector_load %arg12[%get3A_802, %get3A_803] {strides = array<i32>} : memref<128x128xf32, #tpu.memory_space<vmem>>, vector<16xf32>,
        %mul3A_805 = arith.mulf %get3A_804, %gather3A_755 : vector<16xf32>
        %add3A_806 = arith.constant 5 : i32
        %add3A_807 = arith.addi %add3A_244, %add3A_806 : i32
        %swap3A_808 = arith.index_cast %add3A_807 : i32 to index
        %swap3A_809 = arith.constant 64 : index
        %swap3A_810 = tpu.vector_load %arg12[%swap3A_808, %swap3A_809] {strides = array<i32>} : memref<128x128xf32, #tpu.memory_space<vmem>>, vector<16xf32>,
        tpu.vector_store %arg12[%swap3A_808, %swap3A_809], %mul3A_805 {strides = array<i32>} : memref<128x128xf32, #tpu.memory_space<vmem>>, vector<16xf32>,
        %add3A_811 = arith.constant 5 : i32
        %add3A_812 = arith.addi %add3A_244, %add3A_811 : i32
        %get3A_813 = arith.index_cast %add3A_812 : i32 to index
        %get3A_814 = arith.constant 80 : index
        %get3A_815 = tpu.vector_load %arg12[%get3A_813, %get3A_814] {strides = array<i32>} : memref<128x128xf32, #tpu.memory_space<vmem>>, vector<16xf32>,
        %mul3A_816 = arith.mulf %get3A_815, %gather3A_755 : vector<16xf32>
        %add3A_817 = arith.constant 5 : i32
        %add3A_818 = arith.addi %add3A_244, %add3A_817 : i32
        %swap3A_819 = arith.index_cast %add3A_818 : i32 to index
        %swap3A_820 = arith.constant 80 : index
        %swap3A_821 = tpu.vector_load %arg12[%swap3A_819, %swap3A_820] {strides = array<i32>} : memref<128x128xf32, #tpu.memory_space<vmem>>, vector<16xf32>,
        tpu.vector_store %arg12[%swap3A_819, %swap3A_820], %mul3A_816 {strides = array<i32>} : memref<128x128xf32, #tpu.memory_space<vmem>>, vector<16xf32>,
        %add3A_822 = arith.constant 5 : i32
        %add3A_823 = arith.addi %add3A_244, %add3A_822 : i32
        %get3A_824 = arith.index_cast %add3A_823 : i32 to index
        %get3A_825 = arith.constant 96 : index
        %get3A_826 = tpu.vector_load %arg12[%get3A_824, %get3A_825] {strides = array<i32>} : memref<128x128xf32, #tpu.memory_space<vmem>>, vector<16xf32>,
        %mul3A_827 = arith.mulf %get3A_826, %gather3A_755 : vector<16xf32>
        %add3A_828 = arith.constant 5 : i32
        %add3A_829 = arith.addi %add3A_244, %add3A_828 : i32
        %swap3A_830 = arith.index_cast %add3A_829 : i32 to index
        %swap3A_831 = arith.constant 96 : index
        %swap3A_832 = tpu.vector_load %arg12[%swap3A_830, %swap3A_831] {strides = array<i32>} : memref<128x128xf32, #tpu.memory_space<vmem>>, vector<16xf32>,
        tpu.vector_store %arg12[%swap3A_830, %swap3A_831], %mul3A_827 {strides = array<i32>} : memref<128x128xf32, #tpu.memory_space<vmem>>, vector<16xf32>,
        %add3A_833 = arith.constant 5 : i32
        %add3A_834 = arith.addi %add3A_244, %add3A_833 : i32
        %get3A_835 = arith.index_cast %add3A_834 : i32 to index
        %get3A_836 = arith.constant 112 : index
        %get3A_837 = tpu.vector_load %arg12[%get3A_835, %get3A_836] {strides = array<i32>} : memref<128x128xf32, #tpu.memory_space<vmem>>, vector<16xf32>,
        %mul3A_838 = arith.mulf %get3A_837, %gather3A_755 : vector<16xf32>
        %add3A_839 = arith.constant 5 : i32
        %add3A_840 = arith.addi %add3A_244, %add3A_839 : i32
        %swap3A_841 = arith.index_cast %add3A_840 : i32 to index
        %swap3A_842 = arith.constant 112 : index
        %swap3A_843 = tpu.vector_load %arg12[%swap3A_841, %swap3A_842] {strides = array<i32>} : memref<128x128xf32, #tpu.memory_space<vmem>>, vector<16xf32>,
        tpu.vector_store %arg12[%swap3A_841, %swap3A_842], %mul3A_838 {strides = array<i32>} : memref<128x128xf32, #tpu.memory_space<vmem>>, vector<16xf32>,
        %broadcast_in_dim3A_844 = arith.constant 6 : i32
        %broadcast_in_dim3A_845 = vector.broadcast %broadcast_in_dim3A_844 : i32 to vector<16xi32>
        %lt3A_846 = arith.constant 0 : i32
        %lt3A_847 = vector.broadcast %lt3A_846 : i32 to vector<16xi32>
        %lt3A_848 = arith.cmpi slt, %broadcast_in_dim3A_845, %lt3A_847 : vector<16xi32>
        %add3A_849 = arith.constant 16 : i32
        %add3A_850 = vector.broadcast %add3A_849 : i32 to vector<16xi32>
        %add3A_851 = arith.addi %broadcast_in_dim3A_845, %add3A_850 : vector<16xi32>
        %select_n3A_852 = arith.select %lt3A_848, %add3A_851, %broadcast_in_dim3A_845 : vector<16xi1>, vector<16xi32>
        %broadcast_in_dim3A_853 = vector.shape_cast %select_n3A_852 : vector<16xi32> to vector<16x1xi32>
        %gather3A_854 = vector.shape_cast %broadcast_in_dim3A_853 : vector<16x1xi32> to vector<16xi32>
        %gather3A_855 = tpu.dynamic_gather %get3A_246[%gather3A_854] in [0] : vector<16xf32>, vector<16xi32> -> vector<16xf32>
        %add3A_856 = arith.constant 6 : i32
        %add3A_857 = arith.addi %add3A_244, %add3A_856 : i32
        %get3A_858 = arith.index_cast %add3A_857 : i32 to index
        %get3A_859 = arith.constant 0 : index
        %get3A_860 = tpu.vector_load %arg12[%get3A_858, %get3A_859] {strides = array<i32>} : memref<128x128xf32, #tpu.memory_space<vmem>>, vector<16xf32>,
        %mul3A_861 = arith.mulf %get3A_860, %gather3A_855 : vector<16xf32>
        %add3A_862 = arith.constant 6 : i32
        %add3A_863 = arith.addi %add3A_244, %add3A_862 : i32
        %swap3A_864 = arith.index_cast %add3A_863 : i32 to index
        %swap3A_865 = arith.constant 0 : index
        %swap3A_866 = tpu.vector_load %arg12[%swap3A_864, %swap3A_865] {strides = array<i32>} : memref<128x128xf32, #tpu.memory_space<vmem>>, vector<16xf32>,
        tpu.vector_store %arg12[%swap3A_864, %swap3A_865], %mul3A_861 {strides = array<i32>} : memref<128x128xf32, #tpu.memory_space<vmem>>, vector<16xf32>,
        %add3A_867 = arith.constant 6 : i32
        %add3A_868 = arith.addi %add3A_244, %add3A_867 : i32
        %get3A_869 = arith.index_cast %add3A_868 : i32 to index
        %get3A_870 = arith.constant 16 : index
        %get3A_871 = tpu.vector_load %arg12[%get3A_869, %get3A_870] {strides = array<i32>} : memref<128x128xf32, #tpu.memory_space<vmem>>, vector<16xf32>,
        %mul3A_872 = arith.mulf %get3A_871, %gather3A_855 : vector<16xf32>
        %add3A_873 = arith.constant 6 : i32
        %add3A_874 = arith.addi %add3A_244, %add3A_873 : i32
        %swap3A_875 = arith.index_cast %add3A_874 : i32 to index
        %swap3A_876 = arith.constant 16 : index
        %swap3A_877 = tpu.vector_load %arg12[%swap3A_875, %swap3A_876] {strides = array<i32>} : memref<128x128xf32, #tpu.memory_space<vmem>>, vector<16xf32>,
        tpu.vector_store %arg12[%swap3A_875, %swap3A_876], %mul3A_872 {strides = array<i32>} : memref<128x128xf32, #tpu.memory_space<vmem>>, vector<16xf32>,
        %add3A_878 = arith.constant 6 : i32
        %add3A_879 = arith.addi %add3A_244, %add3A_878 : i32
        %get3A_880 = arith.index_cast %add3A_879 : i32 to index
        %get3A_881 = arith.constant 32 : index
        %get3A_882 = tpu.vector_load %arg12[%get3A_880, %get3A_881] {strides = array<i32>} : memref<128x128xf32, #tpu.memory_space<vmem>>, vector<16xf32>,
        %mul3A_883 = arith.mulf %get3A_882, %gather3A_855 : vector<16xf32>
        %add3A_884 = arith.constant 6 : i32
        %add3A_885 = arith.addi %add3A_244, %add3A_884 : i32
        %swap3A_886 = arith.index_cast %add3A_885 : i32 to index
        %swap3A_887 = arith.constant 32 : index
        %swap3A_888 = tpu.vector_load %arg12[%swap3A_886, %swap3A_887] {strides = array<i32>} : memref<128x128xf32, #tpu.memory_space<vmem>>, vector<16xf32>,
        tpu.vector_store %arg12[%swap3A_886, %swap3A_887], %mul3A_883 {strides = array<i32>} : memref<128x128xf32, #tpu.memory_space<vmem>>, vector<16xf32>,
        %add3A_889 = arith.constant 6 : i32
        %add3A_890 = arith.addi %add3A_244, %add3A_889 : i32
        %get3A_891 = arith.index_cast %add3A_890 : i32 to index
        %get3A_892 = arith.constant 48 : index
        %get3A_893 = tpu.vector_load %arg12[%get3A_891, %get3A_892] {strides = array<i32>} : memref<128x128xf32, #tpu.memory_space<vmem>>, vector<16xf32>,
        %mul3A_894 = arith.mulf %get3A_893, %gather3A_855 : vector<16xf32>
        %add3A_895 = arith.constant 6 : i32
        %add3A_896 = arith.addi %add3A_244, %add3A_895 : i32
        %swap3A_897 = arith.index_cast %add3A_896 : i32 to index
        %swap3A_898 = arith.constant 48 : index
        %swap3A_899 = tpu.vector_load %arg12[%swap3A_897, %swap3A_898] {strides = array<i32>} : memref<128x128xf32, #tpu.memory_space<vmem>>, vector<16xf32>,
        tpu.vector_store %arg12[%swap3A_897, %swap3A_898], %mul3A_894 {strides = array<i32>} : memref<128x128xf32, #tpu.memory_space<vmem>>, vector<16xf32>,
        %add3A_900 = arith.constant 6 : i32
        %add3A_901 = arith.addi %add3A_244, %add3A_900 : i32
        %get3A_902 = arith.index_cast %add3A_901 : i32 to index
        %get3A_903 = arith.constant 64 : index
        %get3A_904 = tpu.vector_load %arg12[%get3A_902, %get3A_903] {strides = array<i32>} : memref<128x128xf32, #tpu.memory_space<vmem>>, vector<16xf32>,
        %mul3A_905 = arith.mulf %get3A_904, %gather3A_855 : vector<16xf32>
        %add3A_906 = arith.constant 6 : i32
        %add3A_907 = arith.addi %add3A_244, %add3A_906 : i32
        %swap3A_908 = arith.index_cast %add3A_907 : i32 to index
        %swap3A_909 = arith.constant 64 : index
        %swap3A_910 = tpu.vector_load %arg12[%swap3A_908, %swap3A_909] {strides = array<i32>} : memref<128x128xf32, #tpu.memory_space<vmem>>, vector<16xf32>,
        tpu.vector_store %arg12[%swap3A_908, %swap3A_909], %mul3A_905 {strides = array<i32>} : memref<128x128xf32, #tpu.memory_space<vmem>>, vector<16xf32>,
        %add3A_911 = arith.constant 6 : i32
        %add3A_912 = arith.addi %add3A_244, %add3A_911 : i32
        %get3A_913 = arith.index_cast %add3A_912 : i32 to index
        %get3A_914 = arith.constant 80 : index
        %get3A_915 = tpu.vector_load %arg12[%get3A_913, %get3A_914] {strides = array<i32>} : memref<128x128xf32, #tpu.memory_space<vmem>>, vector<16xf32>,
        %mul3A_916 = arith.mulf %get3A_915, %gather3A_855 : vector<16xf32>
        %add3A_917 = arith.constant 6 : i32
        %add3A_918 = arith.addi %add3A_244, %add3A_917 : i32
        %swap3A_919 = arith.index_cast %add3A_918 : i32 to index
        %swap3A_920 = arith.constant 80 : index
        %swap3A_921 = tpu.vector_load %arg12[%swap3A_919, %swap3A_920] {strides = array<i32>} : memref<128x128xf32, #tpu.memory_space<vmem>>, vector<16xf32>,
        tpu.vector_store %arg12[%swap3A_919, %swap3A_920], %mul3A_916 {strides = array<i32>} : memref<128x128xf32, #tpu.memory_space<vmem>>, vector<16xf32>,
        %add3A_922 = arith.constant 6 : i32
        %add3A_923 = arith.addi %add3A_244, %add3A_922 : i32
        %get3A_924 = arith.index_cast %add3A_923 : i32 to index
        %get3A_925 = arith.constant 96 : index
        %get3A_926 = tpu.vector_load %arg12[%get3A_924, %get3A_925] {strides = array<i32>} : memref<128x128xf32, #tpu.memory_space<vmem>>, vector<16xf32>,
        %mul3A_927 = arith.mulf %get3A_926, %gather3A_855 : vector<16xf32>
        %add3A_928 = arith.constant 6 : i32
        %add3A_929 = arith.addi %add3A_244, %add3A_928 : i32
        %swap3A_930 = arith.index_cast %add3A_929 : i32 to index
        %swap3A_931 = arith.constant 96 : index
        %swap3A_932 = tpu.vector_load %arg12[%swap3A_930, %swap3A_931] {strides = array<i32>} : memref<128x128xf32, #tpu.memory_space<vmem>>, vector<16xf32>,
        tpu.vector_store %arg12[%swap3A_930, %swap3A_931], %mul3A_927 {strides = array<i32>} : memref<128x128xf32, #tpu.memory_space<vmem>>, vector<16xf32>,
        %add3A_933 = arith.constant 6 : i32
        %add3A_934 = arith.addi %add3A_244, %add3A_933 : i32
        %get3A_935 = arith.index_cast %add3A_934 : i32 to index
        %get3A_936 = arith.constant 112 : index
        %get3A_937 = tpu.vector_load %arg12[%get3A_935, %get3A_936] {strides = array<i32>} : memref<128x128xf32, #tpu.memory_space<vmem>>, vector<16xf32>,
        %mul3A_938 = arith.mulf %get3A_937, %gather3A_855 : vector<16xf32>
        %add3A_939 = arith.constant 6 : i32
        %add3A_940 = arith.addi %add3A_244, %add3A_939 : i32
        %swap3A_941 = arith.index_cast %add3A_940 : i32 to index
        %swap3A_942 = arith.constant 112 : index
        %swap3A_943 = tpu.vector_load %arg12[%swap3A_941, %swap3A_942] {strides = array<i32>} : memref<128x128xf32, #tpu.memory_space<vmem>>, vector<16xf32>,
        tpu.vector_store %arg12[%swap3A_941, %swap3A_942], %mul3A_938 {strides = array<i32>} : memref<128x128xf32, #tpu.memory_space<vmem>>, vector<16xf32>,
        %broadcast_in_dim3A_944 = arith.constant 7 : i32
        %broadcast_in_dim3A_945 = vector.broadcast %broadcast_in_dim3A_944 : i32 to vector<16xi32>
        %lt3A_946 = arith.constant 0 : i32
        %lt3A_947 = vector.broadcast %lt3A_946 : i32 to vector<16xi32>
        %lt3A_948 = arith.cmpi slt, %broadcast_in_dim3A_945, %lt3A_947 : vector<16xi32>
        %add3A_949 = arith.constant 16 : i32
        %add3A_950 = vector.broadcast %add3A_949 : i32 to vector<16xi32>
        %add3A_951 = arith.addi %broadcast_in_dim3A_945, %add3A_950 : vector<16xi32>
        %select_n3A_952 = arith.select %lt3A_948, %add3A_951, %broadcast_in_dim3A_945 : vector<16xi1>, vector<16xi32>
        %broadcast_in_dim3A_953 = vector.shape_cast %select_n3A_952 : vector<16xi32> to vector<16x1xi32>
        %gather3A_954 = vector.shape_cast %broadcast_in_dim3A_953 : vector<16x1xi32> to vector<16xi32>
        %gather3A_955 = tpu.dynamic_gather %get3A_246[%gather3A_954] in [0] : vector<16xf32>, vector<16xi32> -> vector<16xf32>
        %add3A_956 = arith.constant 7 : i32
        %add3A_957 = arith.addi %add3A_244, %add3A_956 : i32
        %get3A_958 = arith.index_cast %add3A_957 : i32 to index
        %get3A_959 = arith.constant 0 : index
        %get3A_960 = tpu.vector_load %arg12[%get3A_958, %get3A_959] {strides = array<i32>} : memref<128x128xf32, #tpu.memory_space<vmem>>, vector<16xf32>,
        %mul3A_961 = arith.mulf %get3A_960, %gather3A_955 : vector<16xf32>
        %add3A_962 = arith.constant 7 : i32
        %add3A_963 = arith.addi %add3A_244, %add3A_962 : i32
        %swap3A_964 = arith.index_cast %add3A_963 : i32 to index
        %swap3A_965 = arith.constant 0 : index
        %swap3A_966 = tpu.vector_load %arg12[%swap3A_964, %swap3A_965] {strides = array<i32>} : memref<128x128xf32, #tpu.memory_space<vmem>>, vector<16xf32>,
        tpu.vector_store %arg12[%swap3A_964, %swap3A_965], %mul3A_961 {strides = array<i32>} : memref<128x128xf32, #tpu.memory_space<vmem>>, vector<16xf32>,
        %add3A_967 = arith.constant 7 : i32
        %add3A_968 = arith.addi %add3A_244, %add3A_967 : i32
        %get3A_969 = arith.index_cast %add3A_968 : i32 to index
        %get3A_970 = arith.constant 16 : index
        %get3A_971 = tpu.vector_load %arg12[%get3A_969, %get3A_970] {strides = array<i32>} : memref<128x128xf32, #tpu.memory_space<vmem>>, vector<16xf32>,
        %mul3A_972 = arith.mulf %get3A_971, %gather3A_955 : vector<16xf32>
        %add3A_973 = arith.constant 7 : i32
        %add3A_974 = arith.addi %add3A_244, %add3A_973 : i32
        %swap3A_975 = arith.index_cast %add3A_974 : i32 to index
        %swap3A_976 = arith.constant 16 : index
        %swap3A_977 = tpu.vector_load %arg12[%swap3A_975, %swap3A_976] {strides = array<i32>} : memref<128x128xf32, #tpu.memory_space<vmem>>, vector<16xf32>,
        tpu.vector_store %arg12[%swap3A_975, %swap3A_976], %mul3A_972 {strides = array<i32>} : memref<128x128xf32, #tpu.memory_space<vmem>>, vector<16xf32>,
        %add3A_978 = arith.constant 7 : i32
        %add3A_979 = arith.addi %add3A_244, %add3A_978 : i32
        %get3A_980 = arith.index_cast %add3A_979 : i32 to index
        %get3A_981 = arith.constant 32 : index
        %get3A_982 = tpu.vector_load %arg12[%get3A_980, %get3A_981] {strides = array<i32>} : memref<128x128xf32, #tpu.memory_space<vmem>>, vector<16xf32>,
        %mul3A_983 = arith.mulf %get3A_982, %gather3A_955 : vector<16xf32>
        %add3A_984 = arith.constant 7 : i32
        %add3A_985 = arith.addi %add3A_244, %add3A_984 : i32
        %swap3A_986 = arith.index_cast %add3A_985 : i32 to index
        %swap3A_987 = arith.constant 32 : index
        %swap3A_988 = tpu.vector_load %arg12[%swap3A_986, %swap3A_987] {strides = array<i32>} : memref<128x128xf32, #tpu.memory_space<vmem>>, vector<16xf32>,
        tpu.vector_store %arg12[%swap3A_986, %swap3A_987], %mul3A_983 {strides = array<i32>} : memref<128x128xf32, #tpu.memory_space<vmem>>, vector<16xf32>,
        %add3A_989 = arith.constant 7 : i32
        %add3A_990 = arith.addi %add3A_244, %add3A_989 : i32
        %get3A_991 = arith.index_cast %add3A_990 : i32 to index
        %get3A_992 = arith.constant 48 : index
        %get3A_993 = tpu.vector_load %arg12[%get3A_991, %get3A_992] {strides = array<i32>} : memref<128x128xf32, #tpu.memory_space<vmem>>, vector<16xf32>,
        %mul3A_994 = arith.mulf %get3A_993, %gather3A_955 : vector<16xf32>
        %add3A_995 = arith.constant 7 : i32
        %add3A_996 = arith.addi %add3A_244, %add3A_995 : i32
        %swap3A_997 = arith.index_cast %add3A_996 : i32 to index
        %swap3A_998 = arith.constant 48 : index
        %swap3A_999 = tpu.vector_load %arg12[%swap3A_997, %swap3A_998] {strides = array<i32>} : memref<128x128xf32, #tpu.memory_space<vmem>>, vector<16xf32>,
        tpu.vector_store %arg12[%swap3A_997, %swap3A_998], %mul3A_994 {strides = array<i32>} : memref<128x128xf32, #tpu.memory_space<vmem>>, vector<16xf32>,
        %add3A_1000 = arith.constant 7 : i32
        %add3A_1001 = arith.addi %add3A_244, %add3A_1000 : i32
        %get3A_1002 = arith.index_cast %add3A_1001 : i32 to index
        %get3A_1003 = arith.constant 64 : index
        %get3A_1004 = tpu.vector_load %arg12[%get3A_1002, %get3A_1003] {strides = array<i32>} : memref<128x128xf32, #tpu.memory_space<vmem>>, vector<16xf32>,
        %mul3A_1005 = arith.mulf %get3A_1004, %gather3A_955 : vector<16xf32>
        %add3A_1006 = arith.constant 7 : i32
        %add3A_1007 = arith.addi %add3A_244, %add3A_1006 : i32
        %swap3A_1008 = arith.index_cast %add3A_1007 : i32 to index
        %swap3A_1009 = arith.constant 64 : index
        %swap3A_1010 = tpu.vector_load %arg12[%swap3A_1008, %swap3A_1009] {strides = array<i32>} : memref<128x128xf32, #tpu.memory_space<vmem>>, vector<16xf32>,
        tpu.vector_store %arg12[%swap3A_1008, %swap3A_1009], %mul3A_1005 {strides = array<i32>} : memref<128x128xf32, #tpu.memory_space<vmem>>, vector<16xf32>,
        %add3A_1011 = arith.constant 7 : i32
        %add3A_1012 = arith.addi %add3A_244, %add3A_1011 : i32
        %get3A_1013 = arith.index_cast %add3A_1012 : i32 to index
        %get3A_1014 = arith.constant 80 : index
        %get3A_1015 = tpu.vector_load %arg12[%get3A_1013, %get3A_1014] {strides = array<i32>} : memref<128x128xf32, #tpu.memory_space<vmem>>, vector<16xf32>,
        %mul3A_1016 = arith.mulf %get3A_1015, %gather3A_955 : vector<16xf32>
        %add3A_1017 = arith.constant 7 : i32
        %add3A_1018 = arith.addi %add3A_244, %add3A_1017 : i32
        %swap3A_1019 = arith.index_cast %add3A_1018 : i32 to index
        %swap3A_1020 = arith.constant 80 : index
        %swap3A_1021 = tpu.vector_load %arg12[%swap3A_1019, %swap3A_1020] {strides = array<i32>} : memref<128x128xf32, #tpu.memory_space<vmem>>, vector<16xf32>,
        tpu.vector_store %arg12[%swap3A_1019, %swap3A_1020], %mul3A_1016 {strides = array<i32>} : memref<128x128xf32, #tpu.memory_space<vmem>>, vector<16xf32>,
        %add3A_1022 = arith.constant 7 : i32
        %add3A_1023 = arith.addi %add3A_244, %add3A_1022 : i32
        %get3A_1024 = arith.index_cast %add3A_1023 : i32 to index
        %get3A_1025 = arith.constant 96 : index
        %get3A_1026 = tpu.vector_load %arg12[%get3A_1024, %get3A_1025] {strides = array<i32>} : memref<128x128xf32, #tpu.memory_space<vmem>>, vector<16xf32>,
        %mul3A_1027 = arith.mulf %get3A_1026, %gather3A_955 : vector<16xf32>
        %add3A_1028 = arith.constant 7 : i32
        %add3A_1029 = arith.addi %add3A_244, %add3A_1028 : i32
        %swap3A_1030 = arith.index_cast %add3A_1029 : i32 to index
        %swap3A_1031 = arith.constant 96 : index
        %swap3A_1032 = tpu.vector_load %arg12[%swap3A_1030, %swap3A_1031] {strides = array<i32>} : memref<128x128xf32, #tpu.memory_space<vmem>>, vector<16xf32>,
        tpu.vector_store %arg12[%swap3A_1030, %swap3A_1031], %mul3A_1027 {strides = array<i32>} : memref<128x128xf32, #tpu.memory_space<vmem>>, vector<16xf32>,
        %add3A_1033 = arith.constant 7 : i32
        %add3A_1034 = arith.addi %add3A_244, %add3A_1033 : i32
        %get3A_1035 = arith.index_cast %add3A_1034 : i32 to index
        %get3A_1036 = arith.constant 112 : index
        %get3A_1037 = tpu.vector_load %arg12[%get3A_1035, %get3A_1036] {strides = array<i32>} : memref<128x128xf32, #tpu.memory_space<vmem>>, vector<16xf32>,
        %mul3A_1038 = arith.mulf %get3A_1037, %gather3A_955 : vector<16xf32>
        %add3A_1039 = arith.constant 7 : i32
        %add3A_1040 = arith.addi %add3A_244, %add3A_1039 : i32
        %swap3A_1041 = arith.index_cast %add3A_1040 : i32 to index
        %swap3A_1042 = arith.constant 112 : index
        %swap3A_1043 = tpu.vector_load %arg12[%swap3A_1041, %swap3A_1042] {strides = array<i32>} : memref<128x128xf32, #tpu.memory_space<vmem>>, vector<16xf32>,
        tpu.vector_store %arg12[%swap3A_1041, %swap3A_1042], %mul3A_1038 {strides = array<i32>} : memref<128x128xf32, #tpu.memory_space<vmem>>, vector<16xf32>,
        %broadcast_in_dim3A_1044 = arith.constant 8 : i32
        %broadcast_in_dim3A_1045 = vector.broadcast %broadcast_in_dim3A_1044 : i32 to vector<16xi32>
        %lt3A_1046 = arith.constant 0 : i32
        %lt3A_1047 = vector.broadcast %lt3A_1046 : i32 to vector<16xi32>
        %lt3A_1048 = arith.cmpi slt, %broadcast_in_dim3A_1045, %lt3A_1047 : vector<16xi32>
        %add3A_1049 = arith.constant 16 : i32
        %add3A_1050 = vector.broadcast %add3A_1049 : i32 to vector<16xi32>
        %add3A_1051 = arith.addi %broadcast_in_dim3A_1045, %add3A_1050 : vector<16xi32>
        %select_n3A_1052 = arith.select %lt3A_1048, %add3A_1051, %broadcast_in_dim3A_1045 : vector<16xi1>, vector<16xi32>
        %broadcast_in_dim3A_1053 = vector.shape_cast %select_n3A_1052 : vector<16xi32> to vector<16x1xi32>
        %gather3A_1054 = vector.shape_cast %broadcast_in_dim3A_1053 : vector<16x1xi32> to vector<16xi32>
        %gather3A_1055 = tpu.dynamic_gather %get3A_246[%gather3A_1054] in [0] : vector<16xf32>, vector<16xi32> -> vector<16xf32>
        %add3A_1056 = arith.constant 8 : i32
        %add3A_1057 = arith.addi %add3A_244, %add3A_1056 : i32
        %get3A_1058 = arith.index_cast %add3A_1057 : i32 to index
        %get3A_1059 = arith.constant 0 : index
        %get3A_1060 = tpu.vector_load %arg12[%get3A_1058, %get3A_1059] {strides = array<i32>} : memref<128x128xf32, #tpu.memory_space<vmem>>, vector<16xf32>,
        %mul3A_1061 = arith.mulf %get3A_1060, %gather3A_1055 : vector<16xf32>
        %add3A_1062 = arith.constant 8 : i32
        %add3A_1063 = arith.addi %add3A_244, %add3A_1062 : i32
        %swap3A_1064 = arith.index_cast %add3A_1063 : i32 to index
        %swap3A_1065 = arith.constant 0 : index
        %swap3A_1066 = tpu.vector_load %arg12[%swap3A_1064, %swap3A_1065] {strides = array<i32>} : memref<128x128xf32, #tpu.memory_space<vmem>>, vector<16xf32>,
        tpu.vector_store %arg12[%swap3A_1064, %swap3A_1065], %mul3A_1061 {strides = array<i32>} : memref<128x128xf32, #tpu.memory_space<vmem>>, vector<16xf32>,
        %add3A_1067 = arith.constant 8 : i32
        %add3A_1068 = arith.addi %add3A_244, %add3A_1067 : i32
        %get3A_1069 = arith.index_cast %add3A_1068 : i32 to index
        %get3A_1070 = arith.constant 16 : index
        %get3A_1071 = tpu.vector_load %arg12[%get3A_1069, %get3A_1070] {strides = array<i32>} : memref<128x128xf32, #tpu.memory_space<vmem>>, vector<16xf32>,
        %mul3A_1072 = arith.mulf %get3A_1071, %gather3A_1055 : vector<16xf32>
        %add3A_1073 = arith.constant 8 : i32
        %add3A_1074 = arith.addi %add3A_244, %add3A_1073 : i32
        %swap3A_1075 = arith.index_cast %add3A_1074 : i32 to index
        %swap3A_1076 = arith.constant 16 : index
        %swap3A_1077 = tpu.vector_load %arg12[%swap3A_1075, %swap3A_1076] {strides = array<i32>} : memref<128x128xf32, #tpu.memory_space<vmem>>, vector<16xf32>,
        tpu.vector_store %arg12[%swap3A_1075, %swap3A_1076], %mul3A_1072 {strides = array<i32>} : memref<128x128xf32, #tpu.memory_space<vmem>>, vector<16xf32>,
        %add3A_1078 = arith.constant 8 : i32
        %add3A_1079 = arith.addi %add3A_244, %add3A_1078 : i32
        %get3A_1080 = arith.index_cast %add3A_1079 : i32 to index
        %get3A_1081 = arith.constant 32 : index
        %get3A_1082 = tpu.vector_load %arg12[%get3A_1080, %get3A_1081] {strides = array<i32>} : memref<128x128xf32, #tpu.memory_space<vmem>>, vector<16xf32>,
        %mul3A_1083 = arith.mulf %get3A_1082, %gather3A_1055 : vector<16xf32>
        %add3A_1084 = arith.constant 8 : i32
        %add3A_1085 = arith.addi %add3A_244, %add3A_1084 : i32
        %swap3A_1086 = arith.index_cast %add3A_1085 : i32 to index
        %swap3A_1087 = arith.constant 32 : index
        %swap3A_1088 = tpu.vector_load %arg12[%swap3A_1086, %swap3A_1087] {strides = array<i32>} : memref<128x128xf32, #tpu.memory_space<vmem>>, vector<16xf32>,
        tpu.vector_store %arg12[%swap3A_1086, %swap3A_1087], %mul3A_1083 {strides = array<i32>} : memref<128x128xf32, #tpu.memory_space<vmem>>, vector<16xf32>,
        %add3A_1089 = arith.constant 8 : i32
        %add3A_1090 = arith.addi %add3A_244, %add3A_1089 : i32
        %get3A_1091 = arith.index_cast %add3A_1090 : i32 to index
        %get3A_1092 = arith.constant 48 : index
        %get3A_1093 = tpu.vector_load %arg12[%get3A_1091, %get3A_1092] {strides = array<i32>} : memref<128x128xf32, #tpu.memory_space<vmem>>, vector<16xf32>,
        %mul3A_1094 = arith.mulf %get3A_1093, %gather3A_1055 : vector<16xf32>
        %add3A_1095 = arith.constant 8 : i32
        %add3A_1096 = arith.addi %add3A_244, %add3A_1095 : i32
        %swap3A_1097 = arith.index_cast %add3A_1096 : i32 to index
        %swap3A_1098 = arith.constant 48 : index
        %swap3A_1099 = tpu.vector_load %arg12[%swap3A_1097, %swap3A_1098] {strides = array<i32>} : memref<128x128xf32, #tpu.memory_space<vmem>>, vector<16xf32>,
        tpu.vector_store %arg12[%swap3A_1097, %swap3A_1098], %mul3A_1094 {strides = array<i32>} : memref<128x128xf32, #tpu.memory_space<vmem>>, vector<16xf32>,
        %add3A_1100 = arith.constant 8 : i32
        %add3A_1101 = arith.addi %add3A_244, %add3A_1100 : i32
        %get3A_1102 = arith.index_cast %add3A_1101 : i32 to index
        %get3A_1103 = arith.constant 64 : index
        %get3A_1104 = tpu.vector_load %arg12[%get3A_1102, %get3A_1103] {strides = array<i32>} : memref<128x128xf32, #tpu.memory_space<vmem>>, vector<16xf32>,
        %mul3A_1105 = arith.mulf %get3A_1104, %gather3A_1055 : vector<16xf32>
        %add3A_1106 = arith.constant 8 : i32
        %add3A_1107 = arith.addi %add3A_244, %add3A_1106 : i32
        %swap3A_1108 = arith.index_cast %add3A_1107 : i32 to index
        %swap3A_1109 = arith.constant 64 : index
        %swap3A_1110 = tpu.vector_load %arg12[%swap3A_1108, %swap3A_1109] {strides = array<i32>} : memref<128x128xf32, #tpu.memory_space<vmem>>, vector<16xf32>,
        tpu.vector_store %arg12[%swap3A_1108, %swap3A_1109], %mul3A_1105 {strides = array<i32>} : memref<128x128xf32, #tpu.memory_space<vmem>>, vector<16xf32>,
        %add3A_1111 = arith.constant 8 : i32
        %add3A_1112 = arith.addi %add3A_244, %add3A_1111 : i32
        %get3A_1113 = arith.index_cast %add3A_1112 : i32 to index
        %get3A_1114 = arith.constant 80 : index
        %get3A_1115 = tpu.vector_load %arg12[%get3A_1113, %get3A_1114] {strides = array<i32>} : memref<128x128xf32, #tpu.memory_space<vmem>>, vector<16xf32>,
        %mul3A_1116 = arith.mulf %get3A_1115, %gather3A_1055 : vector<16xf32>
        %add3A_1117 = arith.constant 8 : i32
        %add3A_1118 = arith.addi %add3A_244, %add3A_1117 : i32
        %swap3A_1119 = arith.index_cast %add3A_1118 : i32 to index
        %swap3A_1120 = arith.constant 80 : index
        %swap3A_1121 = tpu.vector_load %arg12[%swap3A_1119, %swap3A_1120] {strides = array<i32>} : memref<128x128xf32, #tpu.memory_space<vmem>>, vector<16xf32>,
        tpu.vector_store %arg12[%swap3A_1119, %swap3A_1120], %mul3A_1116 {strides = array<i32>} : memref<128x128xf32, #tpu.memory_space<vmem>>, vector<16xf32>,
        %add3A_1122 = arith.constant 8 : i32
        %add3A_1123 = arith.addi %add3A_244, %add3A_1122 : i32
        %get3A_1124 = arith.index_cast %add3A_1123 : i32 to index
        %get3A_1125 = arith.constant 96 : index
        %get3A_1126 = tpu.vector_load %arg12[%get3A_1124, %get3A_1125] {strides = array<i32>} : memref<128x128xf32, #tpu.memory_space<vmem>>, vector<16xf32>,
        %mul3A_1127 = arith.mulf %get3A_1126, %gather3A_1055 : vector<16xf32>
        %add3A_1128 = arith.constant 8 : i32
        %add3A_1129 = arith.addi %add3A_244, %add3A_1128 : i32
        %swap3A_1130 = arith.index_cast %add3A_1129 : i32 to index
        %swap3A_1131 = arith.constant 96 : index
        %swap3A_1132 = tpu.vector_load %arg12[%swap3A_1130, %swap3A_1131] {strides = array<i32>} : memref<128x128xf32, #tpu.memory_space<vmem>>, vector<16xf32>,
        tpu.vector_store %arg12[%swap3A_1130, %swap3A_1131], %mul3A_1127 {strides = array<i32>} : memref<128x128xf32, #tpu.memory_space<vmem>>, vector<16xf32>,
        %add3A_1133 = arith.constant 8 : i32
        %add3A_1134 = arith.addi %add3A_244, %add3A_1133 : i32
        %get3A_1135 = arith.index_cast %add3A_1134 : i32 to index
        %get3A_1136 = arith.constant 112 : index
        %get3A_1137 = tpu.vector_load %arg12[%get3A_1135, %get3A_1136] {strides = array<i32>} : memref<128x128xf32, #tpu.memory_space<vmem>>, vector<16xf32>,
        %mul3A_1138 = arith.mulf %get3A_1137, %gather3A_1055 : vector<16xf32>
        %add3A_1139 = arith.constant 8 : i32
        %add3A_1140 = arith.addi %add3A_244, %add3A_1139 : i32
        %swap3A_1141 = arith.index_cast %add3A_1140 : i32 to index
        %swap3A_1142 = arith.constant 112 : index
        %swap3A_1143 = tpu.vector_load %arg12[%swap3A_1141, %swap3A_1142] {strides = array<i32>} : memref<128x128xf32, #tpu.memory_space<vmem>>, vector<16xf32>,
        tpu.vector_store %arg12[%swap3A_1141, %swap3A_1142], %mul3A_1138 {strides = array<i32>} : memref<128x128xf32, #tpu.memory_space<vmem>>, vector<16xf32>,
        %broadcast_in_dim3A_1144 = arith.constant 9 : i32
        %broadcast_in_dim3A_1145 = vector.broadcast %broadcast_in_dim3A_1144 : i32 to vector<16xi32>
        %lt3A_1146 = arith.constant 0 : i32
        %lt3A_1147 = vector.broadcast %lt3A_1146 : i32 to vector<16xi32>
        %lt3A_1148 = arith.cmpi slt, %broadcast_in_dim3A_1145, %lt3A_1147 : vector<16xi32>
        %add3A_1149 = arith.constant 16 : i32
        %add3A_1150 = vector.broadcast %add3A_1149 : i32 to vector<16xi32>
        %add3A_1151 = arith.addi %broadcast_in_dim3A_1145, %add3A_1150 : vector<16xi32>
        %select_n3A_1152 = arith.select %lt3A_1148, %add3A_1151, %broadcast_in_dim3A_1145 : vector<16xi1>, vector<16xi32>
        %broadcast_in_dim3A_1153 = vector.shape_cast %select_n3A_1152 : vector<16xi32> to vector<16x1xi32>
        %gather3A_1154 = vector.shape_cast %broadcast_in_dim3A_1153 : vector<16x1xi32> to vector<16xi32>
        %gather3A_1155 = tpu.dynamic_gather %get3A_246[%gather3A_1154] in [0] : vector<16xf32>, vector<16xi32> -> vector<16xf32>
        %add3A_1156 = arith.constant 9 : i32
        %add3A_1157 = arith.addi %add3A_244, %add3A_1156 : i32
        %get3A_1158 = arith.index_cast %add3A_1157 : i32 to index
        %get3A_1159 = arith.constant 0 : index
        %get3A_1160 = tpu.vector_load %arg12[%get3A_1158, %get3A_1159] {strides = array<i32>} : memref<128x128xf32, #tpu.memory_space<vmem>>, vector<16xf32>,
        %mul3A_1161 = arith.mulf %get3A_1160, %gather3A_1155 : vector<16xf32>
        %add3A_1162 = arith.constant 9 : i32
        %add3A_1163 = arith.addi %add3A_244, %add3A_1162 : i32
        %swap3A_1164 = arith.index_cast %add3A_1163 : i32 to index
        %swap3A_1165 = arith.constant 0 : index
        %swap3A_1166 = tpu.vector_load %arg12[%swap3A_1164, %swap3A_1165] {strides = array<i32>} : memref<128x128xf32, #tpu.memory_space<vmem>>, vector<16xf32>,
        tpu.vector_store %arg12[%swap3A_1164, %swap3A_1165], %mul3A_1161 {strides = array<i32>} : memref<128x128xf32, #tpu.memory_space<vmem>>, vector<16xf32>,
        %add3A_1167 = arith.constant 9 : i32
        %add3A_1168 = arith.addi %add3A_244, %add3A_1167 : i32
        %get3A_1169 = arith.index_cast %add3A_1168 : i32 to index
        %get3A_1170 = arith.constant 16 : index
        %get3A_1171 = tpu.vector_load %arg12[%get3A_1169, %get3A_1170] {strides = array<i32>} : memref<128x128xf32, #tpu.memory_space<vmem>>, vector<16xf32>,
        %mul3A_1172 = arith.mulf %get3A_1171, %gather3A_1155 : vector<16xf32>
        %add3A_1173 = arith.constant 9 : i32
        %add3A_1174 = arith.addi %add3A_244, %add3A_1173 : i32
        %swap3A_1175 = arith.index_cast %add3A_1174 : i32 to index
        %swap3A_1176 = arith.constant 16 : index
        %swap3A_1177 = tpu.vector_load %arg12[%swap3A_1175, %swap3A_1176] {strides = array<i32>} : memref<128x128xf32, #tpu.memory_space<vmem>>, vector<16xf32>,
        tpu.vector_store %arg12[%swap3A_1175, %swap3A_1176], %mul3A_1172 {strides = array<i32>} : memref<128x128xf32, #tpu.memory_space<vmem>>, vector<16xf32>,
        %add3A_1178 = arith.constant 9 : i32
        %add3A_1179 = arith.addi %add3A_244, %add3A_1178 : i32
        %get3A_1180 = arith.index_cast %add3A_1179 : i32 to index
        %get3A_1181 = arith.constant 32 : index
        %get3A_1182 = tpu.vector_load %arg12[%get3A_1180, %get3A_1181] {strides = array<i32>} : memref<128x128xf32, #tpu.memory_space<vmem>>, vector<16xf32>,
        %mul3A_1183 = arith.mulf %get3A_1182, %gather3A_1155 : vector<16xf32>
        %add3A_1184 = arith.constant 9 : i32
        %add3A_1185 = arith.addi %add3A_244, %add3A_1184 : i32
        %swap3A_1186 = arith.index_cast %add3A_1185 : i32 to index
        %swap3A_1187 = arith.constant 32 : index
        %swap3A_1188 = tpu.vector_load %arg12[%swap3A_1186, %swap3A_1187] {strides = array<i32>} : memref<128x128xf32, #tpu.memory_space<vmem>>, vector<16xf32>,
        tpu.vector_store %arg12[%swap3A_1186, %swap3A_1187], %mul3A_1183 {strides = array<i32>} : memref<128x128xf32, #tpu.memory_space<vmem>>, vector<16xf32>,
        %add3A_1189 = arith.constant 9 : i32
        %add3A_1190 = arith.addi %add3A_244, %add3A_1189 : i32
        %get3A_1191 = arith.index_cast %add3A_1190 : i32 to index
        %get3A_1192 = arith.constant 48 : index
        %get3A_1193 = tpu.vector_load %arg12[%get3A_1191, %get3A_1192] {strides = array<i32>} : memref<128x128xf32, #tpu.memory_space<vmem>>, vector<16xf32>,
        %mul3A_1194 = arith.mulf %get3A_1193, %gather3A_1155 : vector<16xf32>
        %add3A_1195 = arith.constant 9 : i32
        %add3A_1196 = arith.addi %add3A_244, %add3A_1195 : i32
        %swap3A_1197 = arith.index_cast %add3A_1196 : i32 to index
        %swap3A_1198 = arith.constant 48 : index
        %swap3A_1199 = tpu.vector_load %arg12[%swap3A_1197, %swap3A_1198] {strides = array<i32>} : memref<128x128xf32, #tpu.memory_space<vmem>>, vector<16xf32>,
        tpu.vector_store %arg12[%swap3A_1197, %swap3A_1198], %mul3A_1194 {strides = array<i32>} : memref<128x128xf32, #tpu.memory_space<vmem>>, vector<16xf32>,
        %add3A_1200 = arith.constant 9 : i32
        %add3A_1201 = arith.addi %add3A_244, %add3A_1200 : i32
        %get3A_1202 = arith.index_cast %add3A_1201 : i32 to index
        %get3A_1203 = arith.constant 64 : index
        %get3A_1204 = tpu.vector_load %arg12[%get3A_1202, %get3A_1203] {strides = array<i32>} : memref<128x128xf32, #tpu.memory_space<vmem>>, vector<16xf32>,
        %mul3A_1205 = arith.mulf %get3A_1204, %gather3A_1155 : vector<16xf32>
        %add3A_1206 = arith.constant 9 : i32
        %add3A_1207 = arith.addi %add3A_244, %add3A_1206 : i32
        %swap3A_1208 = arith.index_cast %add3A_1207 : i32 to index
        %swap3A_1209 = arith.constant 64 : index
        %swap3A_1210 = tpu.vector_load %arg12[%swap3A_1208, %swap3A_1209] {strides = array<i32>} : memref<128x128xf32, #tpu.memory_space<vmem>>, vector<16xf32>,
        tpu.vector_store %arg12[%swap3A_1208, %swap3A_1209], %mul3A_1205 {strides = array<i32>} : memref<128x128xf32, #tpu.memory_space<vmem>>, vector<16xf32>,
        %add3A_1211 = arith.constant 9 : i32
        %add3A_1212 = arith.addi %add3A_244, %add3A_1211 : i32
        %get3A_1213 = arith.index_cast %add3A_1212 : i32 to index
        %get3A_1214 = arith.constant 80 : index
        %get3A_1215 = tpu.vector_load %arg12[%get3A_1213, %get3A_1214] {strides = array<i32>} : memref<128x128xf32, #tpu.memory_space<vmem>>, vector<16xf32>,
        %mul3A_1216 = arith.mulf %get3A_1215, %gather3A_1155 : vector<16xf32>
        %add3A_1217 = arith.constant 9 : i32
        %add3A_1218 = arith.addi %add3A_244, %add3A_1217 : i32
        %swap3A_1219 = arith.index_cast %add3A_1218 : i32 to index
        %swap3A_1220 = arith.constant 80 : index
        %swap3A_1221 = tpu.vector_load %arg12[%swap3A_1219, %swap3A_1220] {strides = array<i32>} : memref<128x128xf32, #tpu.memory_space<vmem>>, vector<16xf32>,
        tpu.vector_store %arg12[%swap3A_1219, %swap3A_1220], %mul3A_1216 {strides = array<i32>} : memref<128x128xf32, #tpu.memory_space<vmem>>, vector<16xf32>,
        %add3A_1222 = arith.constant 9 : i32
        %add3A_1223 = arith.addi %add3A_244, %add3A_1222 : i32
        %get3A_1224 = arith.index_cast %add3A_1223 : i32 to index
        %get3A_1225 = arith.constant 96 : index
        %get3A_1226 = tpu.vector_load %arg12[%get3A_1224, %get3A_1225] {strides = array<i32>} : memref<128x128xf32, #tpu.memory_space<vmem>>, vector<16xf32>,
        %mul3A_1227 = arith.mulf %get3A_1226, %gather3A_1155 : vector<16xf32>
        %add3A_1228 = arith.constant 9 : i32
        %add3A_1229 = arith.addi %add3A_244, %add3A_1228 : i32
        %swap3A_1230 = arith.index_cast %add3A_1229 : i32 to index
        %swap3A_1231 = arith.constant 96 : index
        %swap3A_1232 = tpu.vector_load %arg12[%swap3A_1230, %swap3A_1231] {strides = array<i32>} : memref<128x128xf32, #tpu.memory_space<vmem>>, vector<16xf32>,
        tpu.vector_store %arg12[%swap3A_1230, %swap3A_1231], %mul3A_1227 {strides = array<i32>} : memref<128x128xf32, #tpu.memory_space<vmem>>, vector<16xf32>,
        %add3A_1233 = arith.constant 9 : i32
        %add3A_1234 = arith.addi %add3A_244, %add3A_1233 : i32
        %get3A_1235 = arith.index_cast %add3A_1234 : i32 to index
        %get3A_1236 = arith.constant 112 : index
        %get3A_1237 = tpu.vector_load %arg12[%get3A_1235, %get3A_1236] {strides = array<i32>} : memref<128x128xf32, #tpu.memory_space<vmem>>, vector<16xf32>,
        %mul3A_1238 = arith.mulf %get3A_1237, %gather3A_1155 : vector<16xf32>
        %add3A_1239 = arith.constant 9 : i32
        %add3A_1240 = arith.addi %add3A_244, %add3A_1239 : i32
        %swap3A_1241 = arith.index_cast %add3A_1240 : i32 to index
        %swap3A_1242 = arith.constant 112 : index
        %swap3A_1243 = tpu.vector_load %arg12[%swap3A_1241, %swap3A_1242] {strides = array<i32>} : memref<128x128xf32, #tpu.memory_space<vmem>>, vector<16xf32>,
        tpu.vector_store %arg12[%swap3A_1241, %swap3A_1242], %mul3A_1238 {strides = array<i32>} : memref<128x128xf32, #tpu.memory_space<vmem>>, vector<16xf32>,
        %broadcast_in_dim3A_1244 = arith.constant 10 : i32
        %broadcast_in_dim3A_1245 = vector.broadcast %broadcast_in_dim3A_1244 : i32 to vector<16xi32>
        %lt3A_1246 = arith.constant 0 : i32
        %lt3A_1247 = vector.broadcast %lt3A_1246 : i32 to vector<16xi32>
        %lt3A_1248 = arith.cmpi slt, %broadcast_in_dim3A_1245, %lt3A_1247 : vector<16xi32>
        %add3A_1249 = arith.constant 16 : i32
        %add3A_1250 = vector.broadcast %add3A_1249 : i32 to vector<16xi32>
        %add3A_1251 = arith.addi %broadcast_in_dim3A_1245, %add3A_1250 : vector<16xi32>
        %select_n3A_1252 = arith.select %lt3A_1248, %add3A_1251, %broadcast_in_dim3A_1245 : vector<16xi1>, vector<16xi32>
        %broadcast_in_dim3A_1253 = vector.shape_cast %select_n3A_1252 : vector<16xi32> to vector<16x1xi32>
        %gather3A_1254 = vector.shape_cast %broadcast_in_dim3A_1253 : vector<16x1xi32> to vector<16xi32>
        %gather3A_1255 = tpu.dynamic_gather %get3A_246[%gather3A_1254] in [0] : vector<16xf32>, vector<16xi32> -> vector<16xf32>
        %add3A_1256 = arith.constant 10 : i32
        %add3A_1257 = arith.addi %add3A_244, %add3A_1256 : i32
        %get3A_1258 = arith.index_cast %add3A_1257 : i32 to index
        %get3A_1259 = arith.constant 0 : index
        %get3A_1260 = tpu.vector_load %arg12[%get3A_1258, %get3A_1259] {strides = array<i32>} : memref<128x128xf32, #tpu.memory_space<vmem>>, vector<16xf32>,
        %mul3A_1261 = arith.mulf %get3A_1260, %gather3A_1255 : vector<16xf32>
        %add3A_1262 = arith.constant 10 : i32
        %add3A_1263 = arith.addi %add3A_244, %add3A_1262 : i32
        %swap3A_1264 = arith.index_cast %add3A_1263 : i32 to index
        %swap3A_1265 = arith.constant 0 : index
        %swap3A_1266 = tpu.vector_load %arg12[%swap3A_1264, %swap3A_1265] {strides = array<i32>} : memref<128x128xf32, #tpu.memory_space<vmem>>, vector<16xf32>,
        tpu.vector_store %arg12[%swap3A_1264, %swap3A_1265], %mul3A_1261 {strides = array<i32>} : memref<128x128xf32, #tpu.memory_space<vmem>>, vector<16xf32>,
        %add3A_1267 = arith.constant 10 : i32
        %add3A_1268 = arith.addi %add3A_244, %add3A_1267 : i32
        %get3A_1269 = arith.index_cast %add3A_1268 : i32 to index
        %get3A_1270 = arith.constant 16 : index
        %get3A_1271 = tpu.vector_load %arg12[%get3A_1269, %get3A_1270] {strides = array<i32>} : memref<128x128xf32, #tpu.memory_space<vmem>>, vector<16xf32>,
        %mul3A_1272 = arith.mulf %get3A_1271, %gather3A_1255 : vector<16xf32>
        %add3A_1273 = arith.constant 10 : i32
        %add3A_1274 = arith.addi %add3A_244, %add3A_1273 : i32
        %swap3A_1275 = arith.index_cast %add3A_1274 : i32 to index
        %swap3A_1276 = arith.constant 16 : index
        %swap3A_1277 = tpu.vector_load %arg12[%swap3A_1275, %swap3A_1276] {strides = array<i32>} : memref<128x128xf32, #tpu.memory_space<vmem>>, vector<16xf32>,
        tpu.vector_store %arg12[%swap3A_1275, %swap3A_1276], %mul3A_1272 {strides = array<i32>} : memref<128x128xf32, #tpu.memory_space<vmem>>, vector<16xf32>,
        %add3A_1278 = arith.constant 10 : i32
        %add3A_1279 = arith.addi %add3A_244, %add3A_1278 : i32
        %get3A_1280 = arith.index_cast %add3A_1279 : i32 to index
        %get3A_1281 = arith.constant 32 : index
        %get3A_1282 = tpu.vector_load %arg12[%get3A_1280, %get3A_1281] {strides = array<i32>} : memref<128x128xf32, #tpu.memory_space<vmem>>, vector<16xf32>,
        %mul3A_1283 = arith.mulf %get3A_1282, %gather3A_1255 : vector<16xf32>
        %add3A_1284 = arith.constant 10 : i32
        %add3A_1285 = arith.addi %add3A_244, %add3A_1284 : i32
        %swap3A_1286 = arith.index_cast %add3A_1285 : i32 to index
        %swap3A_1287 = arith.constant 32 : index
        %swap3A_1288 = tpu.vector_load %arg12[%swap3A_1286, %swap3A_1287] {strides = array<i32>} : memref<128x128xf32, #tpu.memory_space<vmem>>, vector<16xf32>,
        tpu.vector_store %arg12[%swap3A_1286, %swap3A_1287], %mul3A_1283 {strides = array<i32>} : memref<128x128xf32, #tpu.memory_space<vmem>>, vector<16xf32>,
        %add3A_1289 = arith.constant 10 : i32
        %add3A_1290 = arith.addi %add3A_244, %add3A_1289 : i32
        %get3A_1291 = arith.index_cast %add3A_1290 : i32 to index
        %get3A_1292 = arith.constant 48 : index
        %get3A_1293 = tpu.vector_load %arg12[%get3A_1291, %get3A_1292] {strides = array<i32>} : memref<128x128xf32, #tpu.memory_space<vmem>>, vector<16xf32>,
        %mul3A_1294 = arith.mulf %get3A_1293, %gather3A_1255 : vector<16xf32>
        %add3A_1295 = arith.constant 10 : i32
        %add3A_1296 = arith.addi %add3A_244, %add3A_1295 : i32
        %swap3A_1297 = arith.index_cast %add3A_1296 : i32 to index
        %swap3A_1298 = arith.constant 48 : index
        %swap3A_1299 = tpu.vector_load %arg12[%swap3A_1297, %swap3A_1298] {strides = array<i32>} : memref<128x128xf32, #tpu.memory_space<vmem>>, vector<16xf32>,
        tpu.vector_store %arg12[%swap3A_1297, %swap3A_1298], %mul3A_1294 {strides = array<i32>} : memref<128x128xf32, #tpu.memory_space<vmem>>, vector<16xf32>,
        %add3A_1300 = arith.constant 10 : i32
        %add3A_1301 = arith.addi %add3A_244, %add3A_1300 : i32
        %get3A_1302 = arith.index_cast %add3A_1301 : i32 to index
        %get3A_1303 = arith.constant 64 : index
        %get3A_1304 = tpu.vector_load %arg12[%get3A_1302, %get3A_1303] {strides = array<i32>} : memref<128x128xf32, #tpu.memory_space<vmem>>, vector<16xf32>,
        %mul3A_1305 = arith.mulf %get3A_1304, %gather3A_1255 : vector<16xf32>
        %add3A_1306 = arith.constant 10 : i32
        %add3A_1307 = arith.addi %add3A_244, %add3A_1306 : i32
        %swap3A_1308 = arith.index_cast %add3A_1307 : i32 to index
        %swap3A_1309 = arith.constant 64 : index
        %swap3A_1310 = tpu.vector_load %arg12[%swap3A_1308, %swap3A_1309] {strides = array<i32>} : memref<128x128xf32, #tpu.memory_space<vmem>>, vector<16xf32>,
        tpu.vector_store %arg12[%swap3A_1308, %swap3A_1309], %mul3A_1305 {strides = array<i32>} : memref<128x128xf32, #tpu.memory_space<vmem>>, vector<16xf32>,
        %add3A_1311 = arith.constant 10 : i32
        %add3A_1312 = arith.addi %add3A_244, %add3A_1311 : i32
        %get3A_1313 = arith.index_cast %add3A_1312 : i32 to index
        %get3A_1314 = arith.constant 80 : index
        %get3A_1315 = tpu.vector_load %arg12[%get3A_1313, %get3A_1314] {strides = array<i32>} : memref<128x128xf32, #tpu.memory_space<vmem>>, vector<16xf32>,
        %mul3A_1316 = arith.mulf %get3A_1315, %gather3A_1255 : vector<16xf32>
        %add3A_1317 = arith.constant 10 : i32
        %add3A_1318 = arith.addi %add3A_244, %add3A_1317 : i32
        %swap3A_1319 = arith.index_cast %add3A_1318 : i32 to index
        %swap3A_1320 = arith.constant 80 : index
        %swap3A_1321 = tpu.vector_load %arg12[%swap3A_1319, %swap3A_1320] {strides = array<i32>} : memref<128x128xf32, #tpu.memory_space<vmem>>, vector<16xf32>,
        tpu.vector_store %arg12[%swap3A_1319, %swap3A_1320], %mul3A_1316 {strides = array<i32>} : memref<128x128xf32, #tpu.memory_space<vmem>>, vector<16xf32>,
        %add3A_1322 = arith.constant 10 : i32
        %add3A_1323 = arith.addi %add3A_244, %add3A_1322 : i32
        %get3A_1324 = arith.index_cast %add3A_1323 : i32 to index
        %get3A_1325 = arith.constant 96 : index
        %get3A_1326 = tpu.vector_load %arg12[%get3A_1324, %get3A_1325] {strides = array<i32>} : memref<128x128xf32, #tpu.memory_space<vmem>>, vector<16xf32>,
        %mul3A_1327 = arith.mulf %get3A_1326, %gather3A_1255 : vector<16xf32>
        %add3A_1328 = arith.constant 10 : i32
        %add3A_1329 = arith.addi %add3A_244, %add3A_1328 : i32
        %swap3A_1330 = arith.index_cast %add3A_1329 : i32 to index
        %swap3A_1331 = arith.constant 96 : index
        %swap3A_1332 = tpu.vector_load %arg12[%swap3A_1330, %swap3A_1331] {strides = array<i32>} : memref<128x128xf32, #tpu.memory_space<vmem>>, vector<16xf32>,
        tpu.vector_store %arg12[%swap3A_1330, %swap3A_1331], %mul3A_1327 {strides = array<i32>} : memref<128x128xf32, #tpu.memory_space<vmem>>, vector<16xf32>,
        %add3A_1333 = arith.constant 10 : i32
        %add3A_1334 = arith.addi %add3A_244, %add3A_1333 : i32
        %get3A_1335 = arith.index_cast %add3A_1334 : i32 to index
        %get3A_1336 = arith.constant 112 : index
        %get3A_1337 = tpu.vector_load %arg12[%get3A_1335, %get3A_1336] {strides = array<i32>} : memref<128x128xf32, #tpu.memory_space<vmem>>, vector<16xf32>,
        %mul3A_1338 = arith.mulf %get3A_1337, %gather3A_1255 : vector<16xf32>
        %add3A_1339 = arith.constant 10 : i32
        %add3A_1340 = arith.addi %add3A_244, %add3A_1339 : i32
        %swap3A_1341 = arith.index_cast %add3A_1340 : i32 to index
        %swap3A_1342 = arith.constant 112 : index
        %swap3A_1343 = tpu.vector_load %arg12[%swap3A_1341, %swap3A_1342] {strides = array<i32>} : memref<128x128xf32, #tpu.memory_space<vmem>>, vector<16xf32>,
        tpu.vector_store %arg12[%swap3A_1341, %swap3A_1342], %mul3A_1338 {strides = array<i32>} : memref<128x128xf32, #tpu.memory_space<vmem>>, vector<16xf32>,
        %broadcast_in_dim3A_1344 = arith.constant 11 : i32
        %broadcast_in_dim3A_1345 = vector.broadcast %broadcast_in_dim3A_1344 : i32 to vector<16xi32>
        %lt3A_1346 = arith.constant 0 : i32
        %lt3A_1347 = vector.broadcast %lt3A_1346 : i32 to vector<16xi32>
        %lt3A_1348 = arith.cmpi slt, %broadcast_in_dim3A_1345, %lt3A_1347 : vector<16xi32>
        %add3A_1349 = arith.constant 16 : i32
        %add3A_1350 = vector.broadcast %add3A_1349 : i32 to vector<16xi32>
        %add3A_1351 = arith.addi %broadcast_in_dim3A_1345, %add3A_1350 : vector<16xi32>
        %select_n3A_1352 = arith.select %lt3A_1348, %add3A_1351, %broadcast_in_dim3A_1345 : vector<16xi1>, vector<16xi32>
        %broadcast_in_dim3A_1353 = vector.shape_cast %select_n3A_1352 : vector<16xi32> to vector<16x1xi32>
        %gather3A_1354 = vector.shape_cast %broadcast_in_dim3A_1353 : vector<16x1xi32> to vector<16xi32>
        %gather3A_1355 = tpu.dynamic_gather %get3A_246[%gather3A_1354] in [0] : vector<16xf32>, vector<16xi32> -> vector<16xf32>
        %add3A_1356 = arith.constant 11 : i32
        %add3A_1357 = arith.addi %add3A_244, %add3A_1356 : i32
        %get3A_1358 = arith.index_cast %add3A_1357 : i32 to index
        %get3A_1359 = arith.constant 0 : index
        %get3A_1360 = tpu.vector_load %arg12[%get3A_1358, %get3A_1359] {strides = array<i32>} : memref<128x128xf32, #tpu.memory_space<vmem>>, vector<16xf32>,
        %mul3A_1361 = arith.mulf %get3A_1360, %gather3A_1355 : vector<16xf32>
        %add3A_1362 = arith.constant 11 : i32
        %add3A_1363 = arith.addi %add3A_244, %add3A_1362 : i32
        %swap3A_1364 = arith.index_cast %add3A_1363 : i32 to index
        %swap3A_1365 = arith.constant 0 : index
        %swap3A_1366 = tpu.vector_load %arg12[%swap3A_1364, %swap3A_1365] {strides = array<i32>} : memref<128x128xf32, #tpu.memory_space<vmem>>, vector<16xf32>,
        tpu.vector_store %arg12[%swap3A_1364, %swap3A_1365], %mul3A_1361 {strides = array<i32>} : memref<128x128xf32, #tpu.memory_space<vmem>>, vector<16xf32>,
        %add3A_1367 = arith.constant 11 : i32
        %add3A_1368 = arith.addi %add3A_244, %add3A_1367 : i32
        %get3A_1369 = arith.index_cast %add3A_1368 : i32 to index
        %get3A_1370 = arith.constant 16 : index
        %get3A_1371 = tpu.vector_load %arg12[%get3A_1369, %get3A_1370] {strides = array<i32>} : memref<128x128xf32, #tpu.memory_space<vmem>>, vector<16xf32>,
        %mul3A_1372 = arith.mulf %get3A_1371, %gather3A_1355 : vector<16xf32>
        %add3A_1373 = arith.constant 11 : i32
        %add3A_1374 = arith.addi %add3A_244, %add3A_1373 : i32
        %swap3A_1375 = arith.index_cast %add3A_1374 : i32 to index
        %swap3A_1376 = arith.constant 16 : index
        %swap3A_1377 = tpu.vector_load %arg12[%swap3A_1375, %swap3A_1376] {strides = array<i32>} : memref<128x128xf32, #tpu.memory_space<vmem>>, vector<16xf32>,
        tpu.vector_store %arg12[%swap3A_1375, %swap3A_1376], %mul3A_1372 {strides = array<i32>} : memref<128x128xf32, #tpu.memory_space<vmem>>, vector<16xf32>,
        %add3A_1378 = arith.constant 11 : i32
        %add3A_1379 = arith.addi %add3A_244, %add3A_1378 : i32
        %get3A_1380 = arith.index_cast %add3A_1379 : i32 to index
        %get3A_1381 = arith.constant 32 : index
        %get3A_1382 = tpu.vector_load %arg12[%get3A_1380, %get3A_1381] {strides = array<i32>} : memref<128x128xf32, #tpu.memory_space<vmem>>, vector<16xf32>,
        %mul3A_1383 = arith.mulf %get3A_1382, %gather3A_1355 : vector<16xf32>
        %add3A_1384 = arith.constant 11 : i32
        %add3A_1385 = arith.addi %add3A_244, %add3A_1384 : i32
        %swap3A_1386 = arith.index_cast %add3A_1385 : i32 to index
        %swap3A_1387 = arith.constant 32 : index
        %swap3A_1388 = tpu.vector_load %arg12[%swap3A_1386, %swap3A_1387] {strides = array<i32>} : memref<128x128xf32, #tpu.memory_space<vmem>>, vector<16xf32>,
        tpu.vector_store %arg12[%swap3A_1386, %swap3A_1387], %mul3A_1383 {strides = array<i32>} : memref<128x128xf32, #tpu.memory_space<vmem>>, vector<16xf32>,
        %add3A_1389 = arith.constant 11 : i32
        %add3A_1390 = arith.addi %add3A_244, %add3A_1389 : i32
        %get3A_1391 = arith.index_cast %add3A_1390 : i32 to index
        %get3A_1392 = arith.constant 48 : index
        %get3A_1393 = tpu.vector_load %arg12[%get3A_1391, %get3A_1392] {strides = array<i32>} : memref<128x128xf32, #tpu.memory_space<vmem>>, vector<16xf32>,
        %mul3A_1394 = arith.mulf %get3A_1393, %gather3A_1355 : vector<16xf32>
        %add3A_1395 = arith.constant 11 : i32
        %add3A_1396 = arith.addi %add3A_244, %add3A_1395 : i32
        %swap3A_1397 = arith.index_cast %add3A_1396 : i32 to index
        %swap3A_1398 = arith.constant 48 : index
        %swap3A_1399 = tpu.vector_load %arg12[%swap3A_1397, %swap3A_1398] {strides = array<i32>} : memref<128x128xf32, #tpu.memory_space<vmem>>, vector<16xf32>,
        tpu.vector_store %arg12[%swap3A_1397, %swap3A_1398], %mul3A_1394 {strides = array<i32>} : memref<128x128xf32, #tpu.memory_space<vmem>>, vector<16xf32>,
        %add3A_1400 = arith.constant 11 : i32
        %add3A_1401 = arith.addi %add3A_244, %add3A_1400 : i32
        %get3A_1402 = arith.index_cast %add3A_1401 : i32 to index
        %get3A_1403 = arith.constant 64 : index
        %get3A_1404 = tpu.vector_load %arg12[%get3A_1402, %get3A_1403] {strides = array<i32>} : memref<128x128xf32, #tpu.memory_space<vmem>>, vector<16xf32>,
        %mul3A_1405 = arith.mulf %get3A_1404, %gather3A_1355 : vector<16xf32>
        %add3A_1406 = arith.constant 11 : i32
        %add3A_1407 = arith.addi %add3A_244, %add3A_1406 : i32
        %swap3A_1408 = arith.index_cast %add3A_1407 : i32 to index
        %swap3A_1409 = arith.constant 64 : index
        %swap3A_1410 = tpu.vector_load %arg12[%swap3A_1408, %swap3A_1409] {strides = array<i32>} : memref<128x128xf32, #tpu.memory_space<vmem>>, vector<16xf32>,
        tpu.vector_store %arg12[%swap3A_1408, %swap3A_1409], %mul3A_1405 {strides = array<i32>} : memref<128x128xf32, #tpu.memory_space<vmem>>, vector<16xf32>,
        %add3A_1411 = arith.constant 11 : i32
        %add3A_1412 = arith.addi %add3A_244, %add3A_1411 : i32
        %get3A_1413 = arith.index_cast %add3A_1412 : i32 to index
        %get3A_1414 = arith.constant 80 : index
        %get3A_1415 = tpu.vector_load %arg12[%get3A_1413, %get3A_1414] {strides = array<i32>} : memref<128x128xf32, #tpu.memory_space<vmem>>, vector<16xf32>,
        %mul3A_1416 = arith.mulf %get3A_1415, %gather3A_1355 : vector<16xf32>
        %add3A_1417 = arith.constant 11 : i32
        %add3A_1418 = arith.addi %add3A_244, %add3A_1417 : i32
        %swap3A_1419 = arith.index_cast %add3A_1418 : i32 to index
        %swap3A_1420 = arith.constant 80 : index
        %swap3A_1421 = tpu.vector_load %arg12[%swap3A_1419, %swap3A_1420] {strides = array<i32>} : memref<128x128xf32, #tpu.memory_space<vmem>>, vector<16xf32>,
        tpu.vector_store %arg12[%swap3A_1419, %swap3A_1420], %mul3A_1416 {strides = array<i32>} : memref<128x128xf32, #tpu.memory_space<vmem>>, vector<16xf32>,
        %add3A_1422 = arith.constant 11 : i32
        %add3A_1423 = arith.addi %add3A_244, %add3A_1422 : i32
        %get3A_1424 = arith.index_cast %add3A_1423 : i32 to index
        %get3A_1425 = arith.constant 96 : index
        %get3A_1426 = tpu.vector_load %arg12[%get3A_1424, %get3A_1425] {strides = array<i32>} : memref<128x128xf32, #tpu.memory_space<vmem>>, vector<16xf32>,
        %mul3A_1427 = arith.mulf %get3A_1426, %gather3A_1355 : vector<16xf32>
        %add3A_1428 = arith.constant 11 : i32
        %add3A_1429 = arith.addi %add3A_244, %add3A_1428 : i32
        %swap3A_1430 = arith.index_cast %add3A_1429 : i32 to index
        %swap3A_1431 = arith.constant 96 : index
        %swap3A_1432 = tpu.vector_load %arg12[%swap3A_1430, %swap3A_1431] {strides = array<i32>} : memref<128x128xf32, #tpu.memory_space<vmem>>, vector<16xf32>,
        tpu.vector_store %arg12[%swap3A_1430, %swap3A_1431], %mul3A_1427 {strides = array<i32>} : memref<128x128xf32, #tpu.memory_space<vmem>>, vector<16xf32>,
        %add3A_1433 = arith.constant 11 : i32
        %add3A_1434 = arith.addi %add3A_244, %add3A_1433 : i32
        %get3A_1435 = arith.index_cast %add3A_1434 : i32 to index
        %get3A_1436 = arith.constant 112 : index
        %get3A_1437 = tpu.vector_load %arg12[%get3A_1435, %get3A_1436] {strides = array<i32>} : memref<128x128xf32, #tpu.memory_space<vmem>>, vector<16xf32>,
        %mul3A_1438 = arith.mulf %get3A_1437, %gather3A_1355 : vector<16xf32>
        %add3A_1439 = arith.constant 11 : i32
        %add3A_1440 = arith.addi %add3A_244, %add3A_1439 : i32
        %swap3A_1441 = arith.index_cast %add3A_1440 : i32 to index
        %swap3A_1442 = arith.constant 112 : index
        %swap3A_1443 = tpu.vector_load %arg12[%swap3A_1441, %swap3A_1442] {strides = array<i32>} : memref<128x128xf32, #tpu.memory_space<vmem>>, vector<16xf32>,
        tpu.vector_store %arg12[%swap3A_1441, %swap3A_1442], %mul3A_1438 {strides = array<i32>} : memref<128x128xf32, #tpu.memory_space<vmem>>, vector<16xf32>,
        %broadcast_in_dim3A_1444 = arith.constant 12 : i32
        %broadcast_in_dim3A_1445 = vector.broadcast %broadcast_in_dim3A_1444 : i32 to vector<16xi32>
        %lt3A_1446 = arith.constant 0 : i32
        %lt3A_1447 = vector.broadcast %lt3A_1446 : i32 to vector<16xi32>
        %lt3A_1448 = arith.cmpi slt, %broadcast_in_dim3A_1445, %lt3A_1447 : vector<16xi32>
        %add3A_1449 = arith.constant 16 : i32
        %add3A_1450 = vector.broadcast %add3A_1449 : i32 to vector<16xi32>
        %add3A_1451 = arith.addi %broadcast_in_dim3A_1445, %add3A_1450 : vector<16xi32>
        %select_n3A_1452 = arith.select %lt3A_1448, %add3A_1451, %broadcast_in_dim3A_1445 : vector<16xi1>, vector<16xi32>
        %broadcast_in_dim3A_1453 = vector.shape_cast %select_n3A_1452 : vector<16xi32> to vector<16x1xi32>
        %gather3A_1454 = vector.shape_cast %broadcast_in_dim3A_1453 : vector<16x1xi32> to vector<16xi32>
        %gather3A_1455 = tpu.dynamic_gather %get3A_246[%gather3A_1454] in [0] : vector<16xf32>, vector<16xi32> -> vector<16xf32>
        %add3A_1456 = arith.constant 12 : i32
        %add3A_1457 = arith.addi %add3A_244, %add3A_1456 : i32
        %get3A_1458 = arith.index_cast %add3A_1457 : i32 to index
        %get3A_1459 = arith.constant 0 : index
        %get3A_1460 = tpu.vector_load %arg12[%get3A_1458, %get3A_1459] {strides = array<i32>} : memref<128x128xf32, #tpu.memory_space<vmem>>, vector<16xf32>,
        %mul3A_1461 = arith.mulf %get3A_1460, %gather3A_1455 : vector<16xf32>
        %add3A_1462 = arith.constant 12 : i32
        %add3A_1463 = arith.addi %add3A_244, %add3A_1462 : i32
        %swap3A_1464 = arith.index_cast %add3A_1463 : i32 to index
        %swap3A_1465 = arith.constant 0 : index
        %swap3A_1466 = tpu.vector_load %arg12[%swap3A_1464, %swap3A_1465] {strides = array<i32>} : memref<128x128xf32, #tpu.memory_space<vmem>>, vector<16xf32>,
        tpu.vector_store %arg12[%swap3A_1464, %swap3A_1465], %mul3A_1461 {strides = array<i32>} : memref<128x128xf32, #tpu.memory_space<vmem>>, vector<16xf32>,
        %add3A_1467 = arith.constant 12 : i32
        %add3A_1468 = arith.addi %add3A_244, %add3A_1467 : i32
        %get3A_1469 = arith.index_cast %add3A_1468 : i32 to index
        %get3A_1470 = arith.constant 16 : index
        %get3A_1471 = tpu.vector_load %arg12[%get3A_1469, %get3A_1470] {strides = array<i32>} : memref<128x128xf32, #tpu.memory_space<vmem>>, vector<16xf32>,
        %mul3A_1472 = arith.mulf %get3A_1471, %gather3A_1455 : vector<16xf32>
        %add3A_1473 = arith.constant 12 : i32
        %add3A_1474 = arith.addi %add3A_244, %add3A_1473 : i32
        %swap3A_1475 = arith.index_cast %add3A_1474 : i32 to index
        %swap3A_1476 = arith.constant 16 : index
        %swap3A_1477 = tpu.vector_load %arg12[%swap3A_1475, %swap3A_1476] {strides = array<i32>} : memref<128x128xf32, #tpu.memory_space<vmem>>, vector<16xf32>,
        tpu.vector_store %arg12[%swap3A_1475, %swap3A_1476], %mul3A_1472 {strides = array<i32>} : memref<128x128xf32, #tpu.memory_space<vmem>>, vector<16xf32>,
        %add3A_1478 = arith.constant 12 : i32
        %add3A_1479 = arith.addi %add3A_244, %add3A_1478 : i32
        %get3A_1480 = arith.index_cast %add3A_1479 : i32 to index
        %get3A_1481 = arith.constant 32 : index
        %get3A_1482 = tpu.vector_load %arg12[%get3A_1480, %get3A_1481] {strides = array<i32>} : memref<128x128xf32, #tpu.memory_space<vmem>>, vector<16xf32>,
        %mul3A_1483 = arith.mulf %get3A_1482, %gather3A_1455 : vector<16xf32>
        %add3A_1484 = arith.constant 12 : i32
        %add3A_1485 = arith.addi %add3A_244, %add3A_1484 : i32
        %swap3A_1486 = arith.index_cast %add3A_1485 : i32 to index
        %swap3A_1487 = arith.constant 32 : index
        %swap3A_1488 = tpu.vector_load %arg12[%swap3A_1486, %swap3A_1487] {strides = array<i32>} : memref<128x128xf32, #tpu.memory_space<vmem>>, vector<16xf32>,
        tpu.vector_store %arg12[%swap3A_1486, %swap3A_1487], %mul3A_1483 {strides = array<i32>} : memref<128x128xf32, #tpu.memory_space<vmem>>, vector<16xf32>,
        %add3A_1489 = arith.constant 12 : i32
        %add3A_1490 = arith.addi %add3A_244, %add3A_1489 : i32
        %get3A_1491 = arith.index_cast %add3A_1490 : i32 to index
        %get3A_1492 = arith.constant 48 : index
        %get3A_1493 = tpu.vector_load %arg12[%get3A_1491, %get3A_1492] {strides = array<i32>} : memref<128x128xf32, #tpu.memory_space<vmem>>, vector<16xf32>,
        %mul3A_1494 = arith.mulf %get3A_1493, %gather3A_1455 : vector<16xf32>
        %add3A_1495 = arith.constant 12 : i32
        %add3A_1496 = arith.addi %add3A_244, %add3A_1495 : i32
        %swap3A_1497 = arith.index_cast %add3A_1496 : i32 to index
        %swap3A_1498 = arith.constant 48 : index
        %swap3A_1499 = tpu.vector_load %arg12[%swap3A_1497, %swap3A_1498] {strides = array<i32>} : memref<128x128xf32, #tpu.memory_space<vmem>>, vector<16xf32>,
        tpu.vector_store %arg12[%swap3A_1497, %swap3A_1498], %mul3A_1494 {strides = array<i32>} : memref<128x128xf32, #tpu.memory_space<vmem>>, vector<16xf32>,
        %add3A_1500 = arith.constant 12 : i32
        %add3A_1501 = arith.addi %add3A_244, %add3A_1500 : i32
        %get3A_1502 = arith.index_cast %add3A_1501 : i32 to index
        %get3A_1503 = arith.constant 64 : index
        %get3A_1504 = tpu.vector_load %arg12[%get3A_1502, %get3A_1503] {strides = array<i32>} : memref<128x128xf32, #tpu.memory_space<vmem>>, vector<16xf32>,
        %mul3A_1505 = arith.mulf %get3A_1504, %gather3A_1455 : vector<16xf32>
        %add3A_1506 = arith.constant 12 : i32
        %add3A_1507 = arith.addi %add3A_244, %add3A_1506 : i32
        %swap3A_1508 = arith.index_cast %add3A_1507 : i32 to index
        %swap3A_1509 = arith.constant 64 : index
        %swap3A_1510 = tpu.vector_load %arg12[%swap3A_1508, %swap3A_1509] {strides = array<i32>} : memref<128x128xf32, #tpu.memory_space<vmem>>, vector<16xf32>,
        tpu.vector_store %arg12[%swap3A_1508, %swap3A_1509], %mul3A_1505 {strides = array<i32>} : memref<128x128xf32, #tpu.memory_space<vmem>>, vector<16xf32>,
        %add3A_1511 = arith.constant 12 : i32
        %add3A_1512 = arith.addi %add3A_244, %add3A_1511 : i32
        %get3A_1513 = arith.index_cast %add3A_1512 : i32 to index
        %get3A_1514 = arith.constant 80 : index
        %get3A_1515 = tpu.vector_load %arg12[%get3A_1513, %get3A_1514] {strides = array<i32>} : memref<128x128xf32, #tpu.memory_space<vmem>>, vector<16xf32>,
        %mul3A_1516 = arith.mulf %get3A_1515, %gather3A_1455 : vector<16xf32>
        %add3A_1517 = arith.constant 12 : i32
        %add3A_1518 = arith.addi %add3A_244, %add3A_1517 : i32
        %swap3A_1519 = arith.index_cast %add3A_1518 : i32 to index
        %swap3A_1520 = arith.constant 80 : index
        %swap3A_1521 = tpu.vector_load %arg12[%swap3A_1519, %swap3A_1520] {strides = array<i32>} : memref<128x128xf32, #tpu.memory_space<vmem>>, vector<16xf32>,
        tpu.vector_store %arg12[%swap3A_1519, %swap3A_1520], %mul3A_1516 {strides = array<i32>} : memref<128x128xf32, #tpu.memory_space<vmem>>, vector<16xf32>,
        %add3A_1522 = arith.constant 12 : i32
        %add3A_1523 = arith.addi %add3A_244, %add3A_1522 : i32
        %get3A_1524 = arith.index_cast %add3A_1523 : i32 to index
        %get3A_1525 = arith.constant 96 : index
        %get3A_1526 = tpu.vector_load %arg12[%get3A_1524, %get3A_1525] {strides = array<i32>} : memref<128x128xf32, #tpu.memory_space<vmem>>, vector<16xf32>,
        %mul3A_1527 = arith.mulf %get3A_1526, %gather3A_1455 : vector<16xf32>
        %add3A_1528 = arith.constant 12 : i32
        %add3A_1529 = arith.addi %add3A_244, %add3A_1528 : i32
        %swap3A_1530 = arith.index_cast %add3A_1529 : i32 to index
        %swap3A_1531 = arith.constant 96 : index
        %swap3A_1532 = tpu.vector_load %arg12[%swap3A_1530, %swap3A_1531] {strides = array<i32>} : memref<128x128xf32, #tpu.memory_space<vmem>>, vector<16xf32>,
        tpu.vector_store %arg12[%swap3A_1530, %swap3A_1531], %mul3A_1527 {strides = array<i32>} : memref<128x128xf32, #tpu.memory_space<vmem>>, vector<16xf32>,
        %add3A_1533 = arith.constant 12 : i32
        %add3A_1534 = arith.addi %add3A_244, %add3A_1533 : i32
        %get3A_1535 = arith.index_cast %add3A_1534 : i32 to index
        %get3A_1536 = arith.constant 112 : index
        %get3A_1537 = tpu.vector_load %arg12[%get3A_1535, %get3A_1536] {strides = array<i32>} : memref<128x128xf32, #tpu.memory_space<vmem>>, vector<16xf32>,
        %mul3A_1538 = arith.mulf %get3A_1537, %gather3A_1455 : vector<16xf32>
        %add3A_1539 = arith.constant 12 : i32
        %add3A_1540 = arith.addi %add3A_244, %add3A_1539 : i32
        %swap3A_1541 = arith.index_cast %add3A_1540 : i32 to index
        %swap3A_1542 = arith.constant 112 : index
        %swap3A_1543 = tpu.vector_load %arg12[%swap3A_1541, %swap3A_1542] {strides = array<i32>} : memref<128x128xf32, #tpu.memory_space<vmem>>, vector<16xf32>,
        tpu.vector_store %arg12[%swap3A_1541, %swap3A_1542], %mul3A_1538 {strides = array<i32>} : memref<128x128xf32, #tpu.memory_space<vmem>>, vector<16xf32>,
        %broadcast_in_dim3A_1544 = arith.constant 13 : i32
        %broadcast_in_dim3A_1545 = vector.broadcast %broadcast_in_dim3A_1544 : i32 to vector<16xi32>
        %lt3A_1546 = arith.constant 0 : i32
        %lt3A_1547 = vector.broadcast %lt3A_1546 : i32 to vector<16xi32>
        %lt3A_1548 = arith.cmpi slt, %broadcast_in_dim3A_1545, %lt3A_1547 : vector<16xi32>
        %add3A_1549 = arith.constant 16 : i32
        %add3A_1550 = vector.broadcast %add3A_1549 : i32 to vector<16xi32>
        %add3A_1551 = arith.addi %broadcast_in_dim3A_1545, %add3A_1550 : vector<16xi32>
        %select_n3A_1552 = arith.select %lt3A_1548, %add3A_1551, %broadcast_in_dim3A_1545 : vector<16xi1>, vector<16xi32>
        %broadcast_in_dim3A_1553 = vector.shape_cast %select_n3A_1552 : vector<16xi32> to vector<16x1xi32>
        %gather3A_1554 = vector.shape_cast %broadcast_in_dim3A_1553 : vector<16x1xi32> to vector<16xi32>
        %gather3A_1555 = tpu.dynamic_gather %get3A_246[%gather3A_1554] in [0] : vector<16xf32>, vector<16xi32> -> vector<16xf32>
        %add3A_1556 = arith.constant 13 : i32
        %add3A_1557 = arith.addi %add3A_244, %add3A_1556 : i32
        %get3A_1558 = arith.index_cast %add3A_1557 : i32 to index
        %get3A_1559 = arith.constant 0 : index
        %get3A_1560 = tpu.vector_load %arg12[%get3A_1558, %get3A_1559] {strides = array<i32>} : memref<128x128xf32, #tpu.memory_space<vmem>>, vector<16xf32>,
        %mul3A_1561 = arith.mulf %get3A_1560, %gather3A_1555 : vector<16xf32>
        %add3A_1562 = arith.constant 13 : i32
        %add3A_1563 = arith.addi %add3A_244, %add3A_1562 : i32
        %swap3A_1564 = arith.index_cast %add3A_1563 : i32 to index
        %swap3A_1565 = arith.constant 0 : index
        %swap3A_1566 = tpu.vector_load %arg12[%swap3A_1564, %swap3A_1565] {strides = array<i32>} : memref<128x128xf32, #tpu.memory_space<vmem>>, vector<16xf32>,
        tpu.vector_store %arg12[%swap3A_1564, %swap3A_1565], %mul3A_1561 {strides = array<i32>} : memref<128x128xf32, #tpu.memory_space<vmem>>, vector<16xf32>,
        %add3A_1567 = arith.constant 13 : i32
        %add3A_1568 = arith.addi %add3A_244, %add3A_1567 : i32
        %get3A_1569 = arith.index_cast %add3A_1568 : i32 to index
        %get3A_1570 = arith.constant 16 : index
        %get3A_1571 = tpu.vector_load %arg12[%get3A_1569, %get3A_1570] {strides = array<i32>} : memref<128x128xf32, #tpu.memory_space<vmem>>, vector<16xf32>,
        %mul3A_1572 = arith.mulf %get3A_1571, %gather3A_1555 : vector<16xf32>
        %add3A_1573 = arith.constant 13 : i32
        %add3A_1574 = arith.addi %add3A_244, %add3A_1573 : i32
        %swap3A_1575 = arith.index_cast %add3A_1574 : i32 to index
        %swap3A_1576 = arith.constant 16 : index
        %swap3A_1577 = tpu.vector_load %arg12[%swap3A_1575, %swap3A_1576] {strides = array<i32>} : memref<128x128xf32, #tpu.memory_space<vmem>>, vector<16xf32>,
        tpu.vector_store %arg12[%swap3A_1575, %swap3A_1576], %mul3A_1572 {strides = array<i32>} : memref<128x128xf32, #tpu.memory_space<vmem>>, vector<16xf32>,
        %add3A_1578 = arith.constant 13 : i32
        %add3A_1579 = arith.addi %add3A_244, %add3A_1578 : i32
        %get3A_1580 = arith.index_cast %add3A_1579 : i32 to index
        %get3A_1581 = arith.constant 32 : index
        %get3A_1582 = tpu.vector_load %arg12[%get3A_1580, %get3A_1581] {strides = array<i32>} : memref<128x128xf32, #tpu.memory_space<vmem>>, vector<16xf32>,
        %mul3A_1583 = arith.mulf %get3A_1582, %gather3A_1555 : vector<16xf32>
        %add3A_1584 = arith.constant 13 : i32
        %add3A_1585 = arith.addi %add3A_244, %add3A_1584 : i32
        %swap3A_1586 = arith.index_cast %add3A_1585 : i32 to index
        %swap3A_1587 = arith.constant 32 : index
        %swap3A_1588 = tpu.vector_load %arg12[%swap3A_1586, %swap3A_1587] {strides = array<i32>} : memref<128x128xf32, #tpu.memory_space<vmem>>, vector<16xf32>,
        tpu.vector_store %arg12[%swap3A_1586, %swap3A_1587], %mul3A_1583 {strides = array<i32>} : memref<128x128xf32, #tpu.memory_space<vmem>>, vector<16xf32>,
        %add3A_1589 = arith.constant 13 : i32
        %add3A_1590 = arith.addi %add3A_244, %add3A_1589 : i32
        %get3A_1591 = arith.index_cast %add3A_1590 : i32 to index
        %get3A_1592 = arith.constant 48 : index
        %get3A_1593 = tpu.vector_load %arg12[%get3A_1591, %get3A_1592] {strides = array<i32>} : memref<128x128xf32, #tpu.memory_space<vmem>>, vector<16xf32>,
        %mul3A_1594 = arith.mulf %get3A_1593, %gather3A_1555 : vector<16xf32>
        %add3A_1595 = arith.constant 13 : i32
        %add3A_1596 = arith.addi %add3A_244, %add3A_1595 : i32
        %swap3A_1597 = arith.index_cast %add3A_1596 : i32 to index
        %swap3A_1598 = arith.constant 48 : index
        %swap3A_1599 = tpu.vector_load %arg12[%swap3A_1597, %swap3A_1598] {strides = array<i32>} : memref<128x128xf32, #tpu.memory_space<vmem>>, vector<16xf32>,
        tpu.vector_store %arg12[%swap3A_1597, %swap3A_1598], %mul3A_1594 {strides = array<i32>} : memref<128x128xf32, #tpu.memory_space<vmem>>, vector<16xf32>,
        %add3A_1600 = arith.constant 13 : i32
        %add3A_1601 = arith.addi %add3A_244, %add3A_1600 : i32
        %get3A_1602 = arith.index_cast %add3A_1601 : i32 to index
        %get3A_1603 = arith.constant 64 : index
        %get3A_1604 = tpu.vector_load %arg12[%get3A_1602, %get3A_1603] {strides = array<i32>} : memref<128x128xf32, #tpu.memory_space<vmem>>, vector<16xf32>,
        %mul3A_1605 = arith.mulf %get3A_1604, %gather3A_1555 : vector<16xf32>
        %add3A_1606 = arith.constant 13 : i32
        %add3A_1607 = arith.addi %add3A_244, %add3A_1606 : i32
        %swap3A_1608 = arith.index_cast %add3A_1607 : i32 to index
        %swap3A_1609 = arith.constant 64 : index
        %swap3A_1610 = tpu.vector_load %arg12[%swap3A_1608, %swap3A_1609] {strides = array<i32>} : memref<128x128xf32, #tpu.memory_space<vmem>>, vector<16xf32>,
        tpu.vector_store %arg12[%swap3A_1608, %swap3A_1609], %mul3A_1605 {strides = array<i32>} : memref<128x128xf32, #tpu.memory_space<vmem>>, vector<16xf32>,
        %add3A_1611 = arith.constant 13 : i32
        %add3A_1612 = arith.addi %add3A_244, %add3A_1611 : i32
        %get3A_1613 = arith.index_cast %add3A_1612 : i32 to index
        %get3A_1614 = arith.constant 80 : index
        %get3A_1615 = tpu.vector_load %arg12[%get3A_1613, %get3A_1614] {strides = array<i32>} : memref<128x128xf32, #tpu.memory_space<vmem>>, vector<16xf32>,
        %mul3A_1616 = arith.mulf %get3A_1615, %gather3A_1555 : vector<16xf32>
        %add3A_1617 = arith.constant 13 : i32
        %add3A_1618 = arith.addi %add3A_244, %add3A_1617 : i32
        %swap3A_1619 = arith.index_cast %add3A_1618 : i32 to index
        %swap3A_1620 = arith.constant 80 : index
        %swap3A_1621 = tpu.vector_load %arg12[%swap3A_1619, %swap3A_1620] {strides = array<i32>} : memref<128x128xf32, #tpu.memory_space<vmem>>, vector<16xf32>,
        tpu.vector_store %arg12[%swap3A_1619, %swap3A_1620], %mul3A_1616 {strides = array<i32>} : memref<128x128xf32, #tpu.memory_space<vmem>>, vector<16xf32>,
        %add3A_1622 = arith.constant 13 : i32
        %add3A_1623 = arith.addi %add3A_244, %add3A_1622 : i32
        %get3A_1624 = arith.index_cast %add3A_1623 : i32 to index
        %get3A_1625 = arith.constant 96 : index
        %get3A_1626 = tpu.vector_load %arg12[%get3A_1624, %get3A_1625] {strides = array<i32>} : memref<128x128xf32, #tpu.memory_space<vmem>>, vector<16xf32>,
        %mul3A_1627 = arith.mulf %get3A_1626, %gather3A_1555 : vector<16xf32>
        %add3A_1628 = arith.constant 13 : i32
        %add3A_1629 = arith.addi %add3A_244, %add3A_1628 : i32
        %swap3A_1630 = arith.index_cast %add3A_1629 : i32 to index
        %swap3A_1631 = arith.constant 96 : index
        %swap3A_1632 = tpu.vector_load %arg12[%swap3A_1630, %swap3A_1631] {strides = array<i32>} : memref<128x128xf32, #tpu.memory_space<vmem>>, vector<16xf32>,
        tpu.vector_store %arg12[%swap3A_1630, %swap3A_1631], %mul3A_1627 {strides = array<i32>} : memref<128x128xf32, #tpu.memory_space<vmem>>, vector<16xf32>,
        %add3A_1633 = arith.constant 13 : i32
        %add3A_1634 = arith.addi %add3A_244, %add3A_1633 : i32
        %get3A_1635 = arith.index_cast %add3A_1634 : i32 to index
        %get3A_1636 = arith.constant 112 : index
        %get3A_1637 = tpu.vector_load %arg12[%get3A_1635, %get3A_1636] {strides = array<i32>} : memref<128x128xf32, #tpu.memory_space<vmem>>, vector<16xf32>,
        %mul3A_1638 = arith.mulf %get3A_1637, %gather3A_1555 : vector<16xf32>
        %add3A_1639 = arith.constant 13 : i32
        %add3A_1640 = arith.addi %add3A_244, %add3A_1639 : i32
        %swap3A_1641 = arith.index_cast %add3A_1640 : i32 to index
        %swap3A_1642 = arith.constant 112 : index
        %swap3A_1643 = tpu.vector_load %arg12[%swap3A_1641, %swap3A_1642] {strides = array<i32>} : memref<128x128xf32, #tpu.memory_space<vmem>>, vector<16xf32>,
        tpu.vector_store %arg12[%swap3A_1641, %swap3A_1642], %mul3A_1638 {strides = array<i32>} : memref<128x128xf32, #tpu.memory_space<vmem>>, vector<16xf32>,
        %broadcast_in_dim3A_1644 = arith.constant 14 : i32
        %broadcast_in_dim3A_1645 = vector.broadcast %broadcast_in_dim3A_1644 : i32 to vector<16xi32>
        %lt3A_1646 = arith.constant 0 : i32
        %lt3A_1647 = vector.broadcast %lt3A_1646 : i32 to vector<16xi32>
        %lt3A_1648 = arith.cmpi slt, %broadcast_in_dim3A_1645, %lt3A_1647 : vector<16xi32>
        %add3A_1649 = arith.constant 16 : i32
        %add3A_1650 = vector.broadcast %add3A_1649 : i32 to vector<16xi32>
        %add3A_1651 = arith.addi %broadcast_in_dim3A_1645, %add3A_1650 : vector<16xi32>
        %select_n3A_1652 = arith.select %lt3A_1648, %add3A_1651, %broadcast_in_dim3A_1645 : vector<16xi1>, vector<16xi32>
        %broadcast_in_dim3A_1653 = vector.shape_cast %select_n3A_1652 : vector<16xi32> to vector<16x1xi32>
        %gather3A_1654 = vector.shape_cast %broadcast_in_dim3A_1653 : vector<16x1xi32> to vector<16xi32>
        %gather3A_1655 = tpu.dynamic_gather %get3A_246[%gather3A_1654] in [0] : vector<16xf32>, vector<16xi32> -> vector<16xf32>
        %add3A_1656 = arith.constant 14 : i32
        %add3A_1657 = arith.addi %add3A_244, %add3A_1656 : i32
        %get3A_1658 = arith.index_cast %add3A_1657 : i32 to index
        %get3A_1659 = arith.constant 0 : index
        %get3A_1660 = tpu.vector_load %arg12[%get3A_1658, %get3A_1659] {strides = array<i32>} : memref<128x128xf32, #tpu.memory_space<vmem>>, vector<16xf32>,
        %mul3A_1661 = arith.mulf %get3A_1660, %gather3A_1655 : vector<16xf32>
        %add3A_1662 = arith.constant 14 : i32
        %add3A_1663 = arith.addi %add3A_244, %add3A_1662 : i32
        %swap3A_1664 = arith.index_cast %add3A_1663 : i32 to index
        %swap3A_1665 = arith.constant 0 : index
        %swap3A_1666 = tpu.vector_load %arg12[%swap3A_1664, %swap3A_1665] {strides = array<i32>} : memref<128x128xf32, #tpu.memory_space<vmem>>, vector<16xf32>,
        tpu.vector_store %arg12[%swap3A_1664, %swap3A_1665], %mul3A_1661 {strides = array<i32>} : memref<128x128xf32, #tpu.memory_space<vmem>>, vector<16xf32>,
        %add3A_1667 = arith.constant 14 : i32
        %add3A_1668 = arith.addi %add3A_244, %add3A_1667 : i32
        %get3A_1669 = arith.index_cast %add3A_1668 : i32 to index
        %get3A_1670 = arith.constant 16 : index
        %get3A_1671 = tpu.vector_load %arg12[%get3A_1669, %get3A_1670] {strides = array<i32>} : memref<128x128xf32, #tpu.memory_space<vmem>>, vector<16xf32>,
        %mul3A_1672 = arith.mulf %get3A_1671, %gather3A_1655 : vector<16xf32>
        %add3A_1673 = arith.constant 14 : i32
        %add3A_1674 = arith.addi %add3A_244, %add3A_1673 : i32
        %swap3A_1675 = arith.index_cast %add3A_1674 : i32 to index
        %swap3A_1676 = arith.constant 16 : index
        %swap3A_1677 = tpu.vector_load %arg12[%swap3A_1675, %swap3A_1676] {strides = array<i32>} : memref<128x128xf32, #tpu.memory_space<vmem>>, vector<16xf32>,
        tpu.vector_store %arg12[%swap3A_1675, %swap3A_1676], %mul3A_1672 {strides = array<i32>} : memref<128x128xf32, #tpu.memory_space<vmem>>, vector<16xf32>,
        %add3A_1678 = arith.constant 14 : i32
        %add3A_1679 = arith.addi %add3A_244, %add3A_1678 : i32
        %get3A_1680 = arith.index_cast %add3A_1679 : i32 to index
        %get3A_1681 = arith.constant 32 : index
        %get3A_1682 = tpu.vector_load %arg12[%get3A_1680, %get3A_1681] {strides = array<i32>} : memref<128x128xf32, #tpu.memory_space<vmem>>, vector<16xf32>,
        %mul3A_1683 = arith.mulf %get3A_1682, %gather3A_1655 : vector<16xf32>
        %add3A_1684 = arith.constant 14 : i32
        %add3A_1685 = arith.addi %add3A_244, %add3A_1684 : i32
        %swap3A_1686 = arith.index_cast %add3A_1685 : i32 to index
        %swap3A_1687 = arith.constant 32 : index
        %swap3A_1688 = tpu.vector_load %arg12[%swap3A_1686, %swap3A_1687] {strides = array<i32>} : memref<128x128xf32, #tpu.memory_space<vmem>>, vector<16xf32>,
        tpu.vector_store %arg12[%swap3A_1686, %swap3A_1687], %mul3A_1683 {strides = array<i32>} : memref<128x128xf32, #tpu.memory_space<vmem>>, vector<16xf32>,
        %add3A_1689 = arith.constant 14 : i32
        %add3A_1690 = arith.addi %add3A_244, %add3A_1689 : i32
        %get3A_1691 = arith.index_cast %add3A_1690 : i32 to index
        %get3A_1692 = arith.constant 48 : index
        %get3A_1693 = tpu.vector_load %arg12[%get3A_1691, %get3A_1692] {strides = array<i32>} : memref<128x128xf32, #tpu.memory_space<vmem>>, vector<16xf32>,
        %mul3A_1694 = arith.mulf %get3A_1693, %gather3A_1655 : vector<16xf32>
        %add3A_1695 = arith.constant 14 : i32
        %add3A_1696 = arith.addi %add3A_244, %add3A_1695 : i32
        %swap3A_1697 = arith.index_cast %add3A_1696 : i32 to index
        %swap3A_1698 = arith.constant 48 : index
        %swap3A_1699 = tpu.vector_load %arg12[%swap3A_1697, %swap3A_1698] {strides = array<i32>} : memref<128x128xf32, #tpu.memory_space<vmem>>, vector<16xf32>,
        tpu.vector_store %arg12[%swap3A_1697, %swap3A_1698], %mul3A_1694 {strides = array<i32>} : memref<128x128xf32, #tpu.memory_space<vmem>>, vector<16xf32>,
        %add3A_1700 = arith.constant 14 : i32
        %add3A_1701 = arith.addi %add3A_244, %add3A_1700 : i32
        %get3A_1702 = arith.index_cast %add3A_1701 : i32 to index
        %get3A_1703 = arith.constant 64 : index
        %get3A_1704 = tpu.vector_load %arg12[%get3A_1702, %get3A_1703] {strides = array<i32>} : memref<128x128xf32, #tpu.memory_space<vmem>>, vector<16xf32>,
        %mul3A_1705 = arith.mulf %get3A_1704, %gather3A_1655 : vector<16xf32>
        %add3A_1706 = arith.constant 14 : i32
        %add3A_1707 = arith.addi %add3A_244, %add3A_1706 : i32
        %swap3A_1708 = arith.index_cast %add3A_1707 : i32 to index
        %swap3A_1709 = arith.constant 64 : index
        %swap3A_1710 = tpu.vector_load %arg12[%swap3A_1708, %swap3A_1709] {strides = array<i32>} : memref<128x128xf32, #tpu.memory_space<vmem>>, vector<16xf32>,
        tpu.vector_store %arg12[%swap3A_1708, %swap3A_1709], %mul3A_1705 {strides = array<i32>} : memref<128x128xf32, #tpu.memory_space<vmem>>, vector<16xf32>,
        %add3A_1711 = arith.constant 14 : i32
        %add3A_1712 = arith.addi %add3A_244, %add3A_1711 : i32
        %get3A_1713 = arith.index_cast %add3A_1712 : i32 to index
        %get3A_1714 = arith.constant 80 : index
        %get3A_1715 = tpu.vector_load %arg12[%get3A_1713, %get3A_1714] {strides = array<i32>} : memref<128x128xf32, #tpu.memory_space<vmem>>, vector<16xf32>,
        %mul3A_1716 = arith.mulf %get3A_1715, %gather3A_1655 : vector<16xf32>
        %add3A_1717 = arith.constant 14 : i32
        %add3A_1718 = arith.addi %add3A_244, %add3A_1717 : i32
        %swap3A_1719 = arith.index_cast %add3A_1718 : i32 to index
        %swap3A_1720 = arith.constant 80 : index
        %swap3A_1721 = tpu.vector_load %arg12[%swap3A_1719, %swap3A_1720] {strides = array<i32>} : memref<128x128xf32, #tpu.memory_space<vmem>>, vector<16xf32>,
        tpu.vector_store %arg12[%swap3A_1719, %swap3A_1720], %mul3A_1716 {strides = array<i32>} : memref<128x128xf32, #tpu.memory_space<vmem>>, vector<16xf32>,
        %add3A_1722 = arith.constant 14 : i32
        %add3A_1723 = arith.addi %add3A_244, %add3A_1722 : i32
        %get3A_1724 = arith.index_cast %add3A_1723 : i32 to index
        %get3A_1725 = arith.constant 96 : index
        %get3A_1726 = tpu.vector_load %arg12[%get3A_1724, %get3A_1725] {strides = array<i32>} : memref<128x128xf32, #tpu.memory_space<vmem>>, vector<16xf32>,
        %mul3A_1727 = arith.mulf %get3A_1726, %gather3A_1655 : vector<16xf32>
        %add3A_1728 = arith.constant 14 : i32
        %add3A_1729 = arith.addi %add3A_244, %add3A_1728 : i32
        %swap3A_1730 = arith.index_cast %add3A_1729 : i32 to index
        %swap3A_1731 = arith.constant 96 : index
        %swap3A_1732 = tpu.vector_load %arg12[%swap3A_1730, %swap3A_1731] {strides = array<i32>} : memref<128x128xf32, #tpu.memory_space<vmem>>, vector<16xf32>,
        tpu.vector_store %arg12[%swap3A_1730, %swap3A_1731], %mul3A_1727 {strides = array<i32>} : memref<128x128xf32, #tpu.memory_space<vmem>>, vector<16xf32>,
        %add3A_1733 = arith.constant 14 : i32
        %add3A_1734 = arith.addi %add3A_244, %add3A_1733 : i32
        %get3A_1735 = arith.index_cast %add3A_1734 : i32 to index
        %get3A_1736 = arith.constant 112 : index
        %get3A_1737 = tpu.vector_load %arg12[%get3A_1735, %get3A_1736] {strides = array<i32>} : memref<128x128xf32, #tpu.memory_space<vmem>>, vector<16xf32>,
        %mul3A_1738 = arith.mulf %get3A_1737, %gather3A_1655 : vector<16xf32>
        %add3A_1739 = arith.constant 14 : i32
        %add3A_1740 = arith.addi %add3A_244, %add3A_1739 : i32
        %swap3A_1741 = arith.index_cast %add3A_1740 : i32 to index
        %swap3A_1742 = arith.constant 112 : index
        %swap3A_1743 = tpu.vector_load %arg12[%swap3A_1741, %swap3A_1742] {strides = array<i32>} : memref<128x128xf32, #tpu.memory_space<vmem>>, vector<16xf32>,
        tpu.vector_store %arg12[%swap3A_1741, %swap3A_1742], %mul3A_1738 {strides = array<i32>} : memref<128x128xf32, #tpu.memory_space<vmem>>, vector<16xf32>,
        %broadcast_in_dim3A_1744 = arith.constant 15 : i32
        %broadcast_in_dim3A_1745 = vector.broadcast %broadcast_in_dim3A_1744 : i32 to vector<16xi32>
        %lt3A_1746 = arith.constant 0 : i32
        %lt3A_1747 = vector.broadcast %lt3A_1746 : i32 to vector<16xi32>
        %lt3A_1748 = arith.cmpi slt, %broadcast_in_dim3A_1745, %lt3A_1747 : vector<16xi32>
        %add3A_1749 = arith.constant 16 : i32
        %add3A_1750 = vector.broadcast %add3A_1749 : i32 to vector<16xi32>
        %add3A_1751 = arith.addi %broadcast_in_dim3A_1745, %add3A_1750 : vector<16xi32>
        %select_n3A_1752 = arith.select %lt3A_1748, %add3A_1751, %broadcast_in_dim3A_1745 : vector<16xi1>, vector<16xi32>
        %broadcast_in_dim3A_1753 = vector.shape_cast %select_n3A_1752 : vector<16xi32> to vector<16x1xi32>
        %gather3A_1754 = vector.shape_cast %broadcast_in_dim3A_1753 : vector<16x1xi32> to vector<16xi32>
        %gather3A_1755 = tpu.dynamic_gather %get3A_246[%gather3A_1754] in [0] : vector<16xf32>, vector<16xi32> -> vector<16xf32>
        %add3A_1756 = arith.constant 15 : i32
        %add3A_1757 = arith.addi %add3A_244, %add3A_1756 : i32
        %get3A_1758 = arith.index_cast %add3A_1757 : i32 to index
        %get3A_1759 = arith.constant 0 : index
        %get3A_1760 = tpu.vector_load %arg12[%get3A_1758, %get3A_1759] {strides = array<i32>} : memref<128x128xf32, #tpu.memory_space<vmem>>, vector<16xf32>,
        %mul3A_1761 = arith.mulf %get3A_1760, %gather3A_1755 : vector<16xf32>
        %add3A_1762 = arith.constant 15 : i32
        %add3A_1763 = arith.addi %add3A_244, %add3A_1762 : i32
        %swap3A_1764 = arith.index_cast %add3A_1763 : i32 to index
        %swap3A_1765 = arith.constant 0 : index
        %swap3A_1766 = tpu.vector_load %arg12[%swap3A_1764, %swap3A_1765] {strides = array<i32>} : memref<128x128xf32, #tpu.memory_space<vmem>>, vector<16xf32>,
        tpu.vector_store %arg12[%swap3A_1764, %swap3A_1765], %mul3A_1761 {strides = array<i32>} : memref<128x128xf32, #tpu.memory_space<vmem>>, vector<16xf32>,
        %add3A_1767 = arith.constant 15 : i32
        %add3A_1768 = arith.addi %add3A_244, %add3A_1767 : i32
        %get3A_1769 = arith.index_cast %add3A_1768 : i32 to index
        %get3A_1770 = arith.constant 16 : index
        %get3A_1771 = tpu.vector_load %arg12[%get3A_1769, %get3A_1770] {strides = array<i32>} : memref<128x128xf32, #tpu.memory_space<vmem>>, vector<16xf32>,
        %mul3A_1772 = arith.mulf %get3A_1771, %gather3A_1755 : vector<16xf32>
        %add3A_1773 = arith.constant 15 : i32
        %add3A_1774 = arith.addi %add3A_244, %add3A_1773 : i32
        %swap3A_1775 = arith.index_cast %add3A_1774 : i32 to index
        %swap3A_1776 = arith.constant 16 : index
        %swap3A_1777 = tpu.vector_load %arg12[%swap3A_1775, %swap3A_1776] {strides = array<i32>} : memref<128x128xf32, #tpu.memory_space<vmem>>, vector<16xf32>,
        tpu.vector_store %arg12[%swap3A_1775, %swap3A_1776], %mul3A_1772 {strides = array<i32>} : memref<128x128xf32, #tpu.memory_space<vmem>>, vector<16xf32>,
        %add3A_1778 = arith.constant 15 : i32
        %add3A_1779 = arith.addi %add3A_244, %add3A_1778 : i32
        %get3A_1780 = arith.index_cast %add3A_1779 : i32 to index
        %get3A_1781 = arith.constant 32 : index
        %get3A_1782 = tpu.vector_load %arg12[%get3A_1780, %get3A_1781] {strides = array<i32>} : memref<128x128xf32, #tpu.memory_space<vmem>>, vector<16xf32>,
        %mul3A_1783 = arith.mulf %get3A_1782, %gather3A_1755 : vector<16xf32>
        %add3A_1784 = arith.constant 15 : i32
        %add3A_1785 = arith.addi %add3A_244, %add3A_1784 : i32
        %swap3A_1786 = arith.index_cast %add3A_1785 : i32 to index
        %swap3A_1787 = arith.constant 32 : index
        %swap3A_1788 = tpu.vector_load %arg12[%swap3A_1786, %swap3A_1787] {strides = array<i32>} : memref<128x128xf32, #tpu.memory_space<vmem>>, vector<16xf32>,
        tpu.vector_store %arg12[%swap3A_1786, %swap3A_1787], %mul3A_1783 {strides = array<i32>} : memref<128x128xf32, #tpu.memory_space<vmem>>, vector<16xf32>,
        %add3A_1789 = arith.constant 15 : i32
        %add3A_1790 = arith.addi %add3A_244, %add3A_1789 : i32
        %get3A_1791 = arith.index_cast %add3A_1790 : i32 to index
        %get3A_1792 = arith.constant 48 : index
        %get3A_1793 = tpu.vector_load %arg12[%get3A_1791, %get3A_1792] {strides = array<i32>} : memref<128x128xf32, #tpu.memory_space<vmem>>, vector<16xf32>,
        %mul3A_1794 = arith.mulf %get3A_1793, %gather3A_1755 : vector<16xf32>
        %add3A_1795 = arith.constant 15 : i32
        %add3A_1796 = arith.addi %add3A_244, %add3A_1795 : i32
        %swap3A_1797 = arith.index_cast %add3A_1796 : i32 to index
        %swap3A_1798 = arith.constant 48 : index
        %swap3A_1799 = tpu.vector_load %arg12[%swap3A_1797, %swap3A_1798] {strides = array<i32>} : memref<128x128xf32, #tpu.memory_space<vmem>>, vector<16xf32>,
        tpu.vector_store %arg12[%swap3A_1797, %swap3A_1798], %mul3A_1794 {strides = array<i32>} : memref<128x128xf32, #tpu.memory_space<vmem>>, vector<16xf32>,
        %add3A_1800 = arith.constant 15 : i32
        %add3A_1801 = arith.addi %add3A_244, %add3A_1800 : i32
        %get3A_1802 = arith.index_cast %add3A_1801 : i32 to index
        %get3A_1803 = arith.constant 64 : index
        %get3A_1804 = tpu.vector_load %arg12[%get3A_1802, %get3A_1803] {strides = array<i32>} : memref<128x128xf32, #tpu.memory_space<vmem>>, vector<16xf32>,
        %mul3A_1805 = arith.mulf %get3A_1804, %gather3A_1755 : vector<16xf32>
        %add3A_1806 = arith.constant 15 : i32
        %add3A_1807 = arith.addi %add3A_244, %add3A_1806 : i32
        %swap3A_1808 = arith.index_cast %add3A_1807 : i32 to index
        %swap3A_1809 = arith.constant 64 : index
        %swap3A_1810 = tpu.vector_load %arg12[%swap3A_1808, %swap3A_1809] {strides = array<i32>} : memref<128x128xf32, #tpu.memory_space<vmem>>, vector<16xf32>,
        tpu.vector_store %arg12[%swap3A_1808, %swap3A_1809], %mul3A_1805 {strides = array<i32>} : memref<128x128xf32, #tpu.memory_space<vmem>>, vector<16xf32>,
        %add3A_1811 = arith.constant 15 : i32
        %add3A_1812 = arith.addi %add3A_244, %add3A_1811 : i32
        %get3A_1813 = arith.index_cast %add3A_1812 : i32 to index
        %get3A_1814 = arith.constant 80 : index
        %get3A_1815 = tpu.vector_load %arg12[%get3A_1813, %get3A_1814] {strides = array<i32>} : memref<128x128xf32, #tpu.memory_space<vmem>>, vector<16xf32>,
        %mul3A_1816 = arith.mulf %get3A_1815, %gather3A_1755 : vector<16xf32>
        %add3A_1817 = arith.constant 15 : i32
        %add3A_1818 = arith.addi %add3A_244, %add3A_1817 : i32
        %swap3A_1819 = arith.index_cast %add3A_1818 : i32 to index
        %swap3A_1820 = arith.constant 80 : index
        %swap3A_1821 = tpu.vector_load %arg12[%swap3A_1819, %swap3A_1820] {strides = array<i32>} : memref<128x128xf32, #tpu.memory_space<vmem>>, vector<16xf32>,
        tpu.vector_store %arg12[%swap3A_1819, %swap3A_1820], %mul3A_1816 {strides = array<i32>} : memref<128x128xf32, #tpu.memory_space<vmem>>, vector<16xf32>,
        %add3A_1822 = arith.constant 15 : i32
        %add3A_1823 = arith.addi %add3A_244, %add3A_1822 : i32
        %get3A_1824 = arith.index_cast %add3A_1823 : i32 to index
        %get3A_1825 = arith.constant 96 : index
        %get3A_1826 = tpu.vector_load %arg12[%get3A_1824, %get3A_1825] {strides = array<i32>} : memref<128x128xf32, #tpu.memory_space<vmem>>, vector<16xf32>,
        %mul3A_1827 = arith.mulf %get3A_1826, %gather3A_1755 : vector<16xf32>
        %add3A_1828 = arith.constant 15 : i32
        %add3A_1829 = arith.addi %add3A_244, %add3A_1828 : i32
        %swap3A_1830 = arith.index_cast %add3A_1829 : i32 to index
        %swap3A_1831 = arith.constant 96 : index
        %swap3A_1832 = tpu.vector_load %arg12[%swap3A_1830, %swap3A_1831] {strides = array<i32>} : memref<128x128xf32, #tpu.memory_space<vmem>>, vector<16xf32>,
        tpu.vector_store %arg12[%swap3A_1830, %swap3A_1831], %mul3A_1827 {strides = array<i32>} : memref<128x128xf32, #tpu.memory_space<vmem>>, vector<16xf32>,
        %add3A_1833 = arith.constant 15 : i32
        %add3A_1834 = arith.addi %add3A_244, %add3A_1833 : i32
        %get3A_1835 = arith.index_cast %add3A_1834 : i32 to index
        %get3A_1836 = arith.constant 112 : index
        %get3A_1837 = tpu.vector_load %arg12[%get3A_1835, %get3A_1836] {strides = array<i32>} : memref<128x128xf32, #tpu.memory_space<vmem>>, vector<16xf32>,
        %mul3A_1838 = arith.mulf %get3A_1837, %gather3A_1755 : vector<16xf32>
        %add3A_1839 = arith.constant 15 : i32
        %add3A_1840 = arith.addi %add3A_244, %add3A_1839 : i32
        %swap3A_1841 = arith.index_cast %add3A_1840 : i32 to index
        %swap3A_1842 = arith.constant 112 : index
        %swap3A_1843 = tpu.vector_load %arg12[%swap3A_1841, %swap3A_1842] {strides = array<i32>} : memref<128x128xf32, #tpu.memory_space<vmem>>, vector<16xf32>,
        tpu.vector_store %arg12[%swap3A_1841, %swap3A_1842], %mul3A_1838 {strides = array<i32>} : memref<128x128xf32, #tpu.memory_space<vmem>>, vector<16xf32>,
      }
      %scan3A_180 = arith.constant 8 : i32
      %mul3A_181 = arith.constant 128 : i32
      %mul3A_182 = arith.muli %add3A_155, %mul3A_181 : i32
      %add3A_183 = arith.addi %mul3A_2, %mul3A_182 : i32
      %dma_start3A_184 = arith.constant 0 : i32
      %dma_start3A_185 = tpu.memref_slice %arg5[%add3A_183, %dma_start3A_184] : memref<532480x128xf32, #tpu.memory_space<hbm>> -> memref<128x128xf32, #tpu.memory_space<hbm>>
      %dma_start3A_186 = arith.constant 0 : i32
      %dma_start3A_187 = tpu.memref_slice %arg5[%add3A_183, %dma_start3A_186] : memref<532480x128xf32, #tpu.memory_space<hbm>> -> memref<128x128xf32, #tpu.memory_space<hbm>>
      tpu.enqueue_dma source(%arg12 : memref<128x128xf32, #tpu.memory_space<vmem>>) target(%dma_start3A_187 : memref<128x128xf32, #tpu.memory_space<hbm>>) target_semaphore(%arg20 : memref<!tpu.dma_semaphore, #tpu.memory_space<semaphore_mem>>)
      %add3A_188 = arith.constant 2 : i32
      %add3A_189 = arith.addi %add3A_155, %add3A_188 : i32
      %lt3A_190 = arith.constant 130 : i32
      %lt3A_191 = arith.cmpi slt, %add3A_189, %lt3A_190 : i32
      %convert_element_type3A_192 = arith.extui %lt3A_191 : i1 to i32
      %cond3A_193 = arith.constant 0 : i32
      %cond3A_194 = arith.cmpi ne, %convert_element_type3A_192, %cond3A_193 : i32
      scf.if %cond3A_194 {
        %add3A_240 = arith.constant 2 : i32
        %add3A_241 = arith.addi %add3A_155, %add3A_240 : i32
        %mul3A_242 = arith.constant 128 : i32
        %mul3A_243 = arith.muli %add3A_241, %mul3A_242 : i32
        %add3A_244 = arith.addi %mul3A_2, %mul3A_243 : i32
        %dma_start3A_245 = tpu.memref_slice %arg3[%add3A_244] : memref<532480xf32, #tpu.memory_space<hbm>> -> memref<128xf32, #tpu.memory_space<hbm>>
        %dma_start3A_246 = tpu.memref_slice %arg3[%add3A_244] : memref<532480xf32, #tpu.memory_space<hbm>> -> memref<128xf32, #tpu.memory_space<hbm>>
        tpu.enqueue_dma source(%dma_start3A_246 : memref<128xf32, #tpu.memory_space<hbm>>) target(%arg10 : memref<128xf32, #tpu.memory_space<vmem>>) target_semaphore(%arg18 : memref<!tpu.dma_semaphore, #tpu.memory_space<semaphore_mem>>)
      } else {
      }
      %add3A_195 = arith.constant 1 : i32
      %add3A_196 = arith.addi %add3A_153, %add3A_195 : i32
      %gt3A_197 = arith.constant 0 : i32
      %gt3A_198 = arith.cmpi sgt, %add3A_196, %gt3A_197 : i32
      %convert_element_type3A_199 = arith.extui %gt3A_198 : i1 to i32
      %cond3A_200 = arith.constant 0 : i32
      %cond3A_201 = arith.cmpi ne, %convert_element_type3A_199, %cond3A_200 : i32
      scf.if %cond3A_201 {
        %dma_wait3A_240 = arith.constant 0 : i32
        %dma_wait3A_241 = tpu.memref_slice %arg5[%mul3A_2, %dma_wait3A_240] : memref<532480x128xf32, #tpu.memory_space<hbm>> -> memref<128x128xf32, #tpu.memory_space<hbm>>
        %dma_wait3A_242 = arith.constant 0 : i32
        %dma_wait3A_243 = tpu.memref_slice %arg5[%mul3A_2, %dma_wait3A_242] : memref<532480x128xf32, #tpu.memory_space<hbm>> -> memref<128x128xf32, #tpu.memory_space<hbm>>
        tpu.wait_dma2 semaphore(%arg20 : memref<!tpu.dma_semaphore, #tpu.memory_space<semaphore_mem>>) src(%arg12 : memref<128x128xf32, #tpu.memory_space<vmem>>) dst(%dma_wait3A_243 : memref<128x128xf32, #tpu.memory_space<hbm>>)
      } else {
      }
      %add3A_202 = arith.constant 1 : i32
      %add3A_203 = arith.addi %add3A_196, %add3A_202 : i32
      %lt3A_204 = arith.constant 130 : i32
      %lt3A_205 = arith.cmpi slt, %add3A_203, %lt3A_204 : i32
      %convert_element_type3A_206 = arith.extui %lt3A_205 : i1 to i32
      %cond3A_207 = arith.constant 0 : i32
      %cond3A_208 = arith.cmpi ne, %convert_element_type3A_206, %cond3A_207 : i32
      scf.if %cond3A_208 {
        %add3A_240 = arith.constant 1 : i32
        %add3A_241 = arith.addi %add3A_196, %add3A_240 : i32
        %mul3A_242 = arith.constant 128 : i32
        %mul3A_243 = arith.muli %add3A_241, %mul3A_242 : i32
        %add3A_244 = arith.addi %mul3A_2, %mul3A_243 : i32
        %dma_wait3A_245 = tpu.memref_slice %arg2[%add3A_244] : memref<532480xi32, #tpu.memory_space<hbm>> -> memref<128xi32, #tpu.memory_space<hbm>>
        %dma_wait3A_246 = tpu.memref_slice %arg2[%add3A_244] : memref<532480xi32, #tpu.memory_space<hbm>> -> memref<128xi32, #tpu.memory_space<hbm>>
        tpu.wait_dma2 semaphore(%arg16 : memref<!tpu.dma_semaphore, #tpu.memory_space<semaphore_mem>>) src(%dma_wait3A_246 : memref<128xi32, #tpu.memory_space<hbm>>) dst(%arg6 : memref<128xi32, #tpu.memory_space<vmem>>)
        %add3A_247 = arith.constant 0 : i32
        %add3A_248 = arith.addi %add3A_244, %add3A_247 : i32
        %add3A_249 = vector.broadcast %add3A_248 : i32 to vector<16xi32>
        %add3A_250 = arith.addi %iota3A, %add3A_249 : vector<16xi32>
        %rem3A_251 = arith.constant 26 : i32
        %rem3A_252 = vector.broadcast %rem3A_251 : i32 to vector<16xi32>
        %rem3A_253 = arith.remsi %add3A_250, %rem3A_252 : vector<16xi32>
        %get3A_254 = arith.constant 0 : index
        %get3A_255 = tpu.vector_load %arg6[%get3A_254] {strides = array<i32>} : memref<128xi32, #tpu.memory_space<vmem>>, vector<16xi32>,
        %mul3A_256 = arith.constant 1001 : i32
        %mul3A_257 = vector.broadcast %mul3A_256 : i32 to vector<16xi32>
        %mul3A_258 = arith.muli %rem3A_253, %mul3A_257 : vector<16xi32>
        %add3A_259 = arith.addi %get3A_255, %mul3A_258 : vector<16xi32>
        %swap3A_260 = arith.constant 0 : index
        %swap3A_261 = tpu.vector_load %arg8[%swap3A_260] {strides = array<i32>} : memref<128xi32, #tpu.memory_space<vmem>>, vector<16xi32>,
        tpu.vector_store %arg8[%swap3A_260], %add3A_259 {strides = array<i32>} : memref<128xi32, #tpu.memory_space<vmem>>, vector<16xi32>,
        %add3A_262 = arith.constant 16 : i32
        %add3A_263 = arith.addi %add3A_244, %add3A_262 : i32
        %add3A_264 = vector.broadcast %add3A_263 : i32 to vector<16xi32>
        %add3A_265 = arith.addi %iota3A, %add3A_264 : vector<16xi32>
        %rem3A_266 = arith.constant 26 : i32
        %rem3A_267 = vector.broadcast %rem3A_266 : i32 to vector<16xi32>
        %rem3A_268 = arith.remsi %add3A_265, %rem3A_267 : vector<16xi32>
        %get3A_269 = arith.constant 16 : index
        %get3A_270 = tpu.vector_load %arg6[%get3A_269] {strides = array<i32>} : memref<128xi32, #tpu.memory_space<vmem>>, vector<16xi32>,
        %mul3A_271 = arith.constant 1001 : i32
        %mul3A_272 = vector.broadcast %mul3A_271 : i32 to vector<16xi32>
        %mul3A_273 = arith.muli %rem3A_268, %mul3A_272 : vector<16xi32>
        %add3A_274 = arith.addi %get3A_270, %mul3A_273 : vector<16xi32>
        %swap3A_275 = arith.constant 16 : index
        %swap3A_276 = tpu.vector_load %arg8[%swap3A_275] {strides = array<i32>} : memref<128xi32, #tpu.memory_space<vmem>>, vector<16xi32>,
        tpu.vector_store %arg8[%swap3A_275], %add3A_274 {strides = array<i32>} : memref<128xi32, #tpu.memory_space<vmem>>, vector<16xi32>,
        %add3A_277 = arith.constant 32 : i32
        %add3A_278 = arith.addi %add3A_244, %add3A_277 : i32
        %add3A_279 = vector.broadcast %add3A_278 : i32 to vector<16xi32>
        %add3A_280 = arith.addi %iota3A, %add3A_279 : vector<16xi32>
        %rem3A_281 = arith.constant 26 : i32
        %rem3A_282 = vector.broadcast %rem3A_281 : i32 to vector<16xi32>
        %rem3A_283 = arith.remsi %add3A_280, %rem3A_282 : vector<16xi32>
        %get3A_284 = arith.constant 32 : index
        %get3A_285 = tpu.vector_load %arg6[%get3A_284] {strides = array<i32>} : memref<128xi32, #tpu.memory_space<vmem>>, vector<16xi32>,
        %mul3A_286 = arith.constant 1001 : i32
        %mul3A_287 = vector.broadcast %mul3A_286 : i32 to vector<16xi32>
        %mul3A_288 = arith.muli %rem3A_283, %mul3A_287 : vector<16xi32>
        %add3A_289 = arith.addi %get3A_285, %mul3A_288 : vector<16xi32>
        %swap3A_290 = arith.constant 32 : index
        %swap3A_291 = tpu.vector_load %arg8[%swap3A_290] {strides = array<i32>} : memref<128xi32, #tpu.memory_space<vmem>>, vector<16xi32>,
        tpu.vector_store %arg8[%swap3A_290], %add3A_289 {strides = array<i32>} : memref<128xi32, #tpu.memory_space<vmem>>, vector<16xi32>,
        %add3A_292 = arith.constant 48 : i32
        %add3A_293 = arith.addi %add3A_244, %add3A_292 : i32
        %add3A_294 = vector.broadcast %add3A_293 : i32 to vector<16xi32>
        %add3A_295 = arith.addi %iota3A, %add3A_294 : vector<16xi32>
        %rem3A_296 = arith.constant 26 : i32
        %rem3A_297 = vector.broadcast %rem3A_296 : i32 to vector<16xi32>
        %rem3A_298 = arith.remsi %add3A_295, %rem3A_297 : vector<16xi32>
        %get3A_299 = arith.constant 48 : index
        %get3A_300 = tpu.vector_load %arg6[%get3A_299] {strides = array<i32>} : memref<128xi32, #tpu.memory_space<vmem>>, vector<16xi32>,
        %mul3A_301 = arith.constant 1001 : i32
        %mul3A_302 = vector.broadcast %mul3A_301 : i32 to vector<16xi32>
        %mul3A_303 = arith.muli %rem3A_298, %mul3A_302 : vector<16xi32>
        %add3A_304 = arith.addi %get3A_300, %mul3A_303 : vector<16xi32>
        %swap3A_305 = arith.constant 48 : index
        %swap3A_306 = tpu.vector_load %arg8[%swap3A_305] {strides = array<i32>} : memref<128xi32, #tpu.memory_space<vmem>>, vector<16xi32>,
        tpu.vector_store %arg8[%swap3A_305], %add3A_304 {strides = array<i32>} : memref<128xi32, #tpu.memory_space<vmem>>, vector<16xi32>,
        %add3A_307 = arith.constant 64 : i32
        %add3A_308 = arith.addi %add3A_244, %add3A_307 : i32
        %add3A_309 = vector.broadcast %add3A_308 : i32 to vector<16xi32>
        %add3A_310 = arith.addi %iota3A, %add3A_309 : vector<16xi32>
        %rem3A_311 = arith.constant 26 : i32
        %rem3A_312 = vector.broadcast %rem3A_311 : i32 to vector<16xi32>
        %rem3A_313 = arith.remsi %add3A_310, %rem3A_312 : vector<16xi32>
        %get3A_314 = arith.constant 64 : index
        %get3A_315 = tpu.vector_load %arg6[%get3A_314] {strides = array<i32>} : memref<128xi32, #tpu.memory_space<vmem>>, vector<16xi32>,
        %mul3A_316 = arith.constant 1001 : i32
        %mul3A_317 = vector.broadcast %mul3A_316 : i32 to vector<16xi32>
        %mul3A_318 = arith.muli %rem3A_313, %mul3A_317 : vector<16xi32>
        %add3A_319 = arith.addi %get3A_315, %mul3A_318 : vector<16xi32>
        %swap3A_320 = arith.constant 64 : index
        %swap3A_321 = tpu.vector_load %arg8[%swap3A_320] {strides = array<i32>} : memref<128xi32, #tpu.memory_space<vmem>>, vector<16xi32>,
        tpu.vector_store %arg8[%swap3A_320], %add3A_319 {strides = array<i32>} : memref<128xi32, #tpu.memory_space<vmem>>, vector<16xi32>,
        %add3A_322 = arith.constant 80 : i32
        %add3A_323 = arith.addi %add3A_244, %add3A_322 : i32
        %add3A_324 = vector.broadcast %add3A_323 : i32 to vector<16xi32>
        %add3A_325 = arith.addi %iota3A, %add3A_324 : vector<16xi32>
        %rem3A_326 = arith.constant 26 : i32
        %rem3A_327 = vector.broadcast %rem3A_326 : i32 to vector<16xi32>
        %rem3A_328 = arith.remsi %add3A_325, %rem3A_327 : vector<16xi32>
        %get3A_329 = arith.constant 80 : index
        %get3A_330 = tpu.vector_load %arg6[%get3A_329] {strides = array<i32>} : memref<128xi32, #tpu.memory_space<vmem>>, vector<16xi32>,
        %mul3A_331 = arith.constant 1001 : i32
        %mul3A_332 = vector.broadcast %mul3A_331 : i32 to vector<16xi32>
        %mul3A_333 = arith.muli %rem3A_328, %mul3A_332 : vector<16xi32>
        %add3A_334 = arith.addi %get3A_330, %mul3A_333 : vector<16xi32>
        %swap3A_335 = arith.constant 80 : index
        %swap3A_336 = tpu.vector_load %arg8[%swap3A_335] {strides = array<i32>} : memref<128xi32, #tpu.memory_space<vmem>>, vector<16xi32>,
        tpu.vector_store %arg8[%swap3A_335], %add3A_334 {strides = array<i32>} : memref<128xi32, #tpu.memory_space<vmem>>, vector<16xi32>,
        %add3A_337 = arith.constant 96 : i32
        %add3A_338 = arith.addi %add3A_244, %add3A_337 : i32
        %add3A_339 = vector.broadcast %add3A_338 : i32 to vector<16xi32>
        %add3A_340 = arith.addi %iota3A, %add3A_339 : vector<16xi32>
        %rem3A_341 = arith.constant 26 : i32
        %rem3A_342 = vector.broadcast %rem3A_341 : i32 to vector<16xi32>
        %rem3A_343 = arith.remsi %add3A_340, %rem3A_342 : vector<16xi32>
        %get3A_344 = arith.constant 96 : index
        %get3A_345 = tpu.vector_load %arg6[%get3A_344] {strides = array<i32>} : memref<128xi32, #tpu.memory_space<vmem>>, vector<16xi32>,
        %mul3A_346 = arith.constant 1001 : i32
        %mul3A_347 = vector.broadcast %mul3A_346 : i32 to vector<16xi32>
        %mul3A_348 = arith.muli %rem3A_343, %mul3A_347 : vector<16xi32>
        %add3A_349 = arith.addi %get3A_345, %mul3A_348 : vector<16xi32>
        %swap3A_350 = arith.constant 96 : index
        %swap3A_351 = tpu.vector_load %arg8[%swap3A_350] {strides = array<i32>} : memref<128xi32, #tpu.memory_space<vmem>>, vector<16xi32>,
        tpu.vector_store %arg8[%swap3A_350], %add3A_349 {strides = array<i32>} : memref<128xi32, #tpu.memory_space<vmem>>, vector<16xi32>,
        %add3A_352 = arith.constant 112 : i32
        %add3A_353 = arith.addi %add3A_244, %add3A_352 : i32
        %add3A_354 = vector.broadcast %add3A_353 : i32 to vector<16xi32>
        %add3A_355 = arith.addi %iota3A, %add3A_354 : vector<16xi32>
        %rem3A_356 = arith.constant 26 : i32
        %rem3A_357 = vector.broadcast %rem3A_356 : i32 to vector<16xi32>
        %rem3A_358 = arith.remsi %add3A_355, %rem3A_357 : vector<16xi32>
        %get3A_359 = arith.constant 112 : index
        %get3A_360 = tpu.vector_load %arg6[%get3A_359] {strides = array<i32>} : memref<128xi32, #tpu.memory_space<vmem>>, vector<16xi32>,
        %mul3A_361 = arith.constant 1001 : i32
        %mul3A_362 = vector.broadcast %mul3A_361 : i32 to vector<16xi32>
        %mul3A_363 = arith.muli %rem3A_358, %mul3A_362 : vector<16xi32>
        %add3A_364 = arith.addi %get3A_360, %mul3A_363 : vector<16xi32>
        %swap3A_365 = arith.constant 112 : index
        %swap3A_366 = tpu.vector_load %arg8[%swap3A_365] {strides = array<i32>} : memref<128xi32, #tpu.memory_space<vmem>>, vector<16xi32>,
        tpu.vector_store %arg8[%swap3A_365], %add3A_364 {strides = array<i32>} : memref<128xi32, #tpu.memory_space<vmem>>, vector<16xi32>,
        %dma_start3A_367 = arith.constant 0 : i32
        %dma_start3A_368 = arith.constant 0 : i32
        %dma_start3A_369 = tpu.memref_slice %arg4[%dma_start3A_367, %dma_start3A_368] : memref<26026x128xf32, #tpu.memory_space<hbm>> -> memref<26026x128xf32, #tpu.memory_space<hbm>>
        tpu.enqueue_indirect_dma source(%dma_start3A_369 : memref<26026x128xf32, #tpu.memory_space<hbm>>) target(%arg12 : memref<128x128xf32, #tpu.memory_space<vmem>>) offsets(%arg8 : memref<128xi32, #tpu.memory_space<vmem>>) semaphore(%arg14 : memref<!tpu.dma_semaphore, #tpu.memory_space<semaphore_mem>>)
      } else {
      }
      %dma_wait3A_209 = arith.constant 0 : i32
      %dma_wait3A_210 = arith.constant 0 : i32
      %dma_wait3A_211 = tpu.memref_slice %arg4[%dma_wait3A_209, %dma_wait3A_210] : memref<26026x128xf32, #tpu.memory_space<hbm>> -> memref<26026x128xf32, #tpu.memory_space<hbm>>
      tpu.wait_indirect_dma semaphore(%arg15 : memref<!tpu.dma_semaphore, #tpu.memory_space<semaphore_mem>>) src(%dma_wait3A_211 : memref<26026x128xf32, #tpu.memory_space<hbm>>) dst(%arg13 : memref<128x128xf32, #tpu.memory_space<vmem>>)
      %add3A_212 = arith.constant 2 : i32
      %add3A_213 = arith.addi %add3A_196, %add3A_212 : i32
      %lt3A_214 = arith.constant 130 : i32
      %lt3A_215 = arith.cmpi slt, %add3A_213, %lt3A_214 : i32
      %convert_element_type3A_216 = arith.extui %lt3A_215 : i1 to i32
      %cond3A_217 = arith.constant 0 : i32
      %cond3A_218 = arith.cmpi ne, %convert_element_type3A_216, %cond3A_217 : i32
      scf.if %cond3A_218 {
        %add3A_240 = arith.constant 2 : i32
        %add3A_241 = arith.addi %add3A_196, %add3A_240 : i32
        %mul3A_242 = arith.constant 128 : i32
        %mul3A_243 = arith.muli %add3A_241, %mul3A_242 : i32
        %add3A_244 = arith.addi %mul3A_2, %mul3A_243 : i32
        %dma_start3A_245 = tpu.memref_slice %arg2[%add3A_244] : memref<532480xi32, #tpu.memory_space<hbm>> -> memref<128xi32, #tpu.memory_space<hbm>>
        %dma_start3A_246 = tpu.memref_slice %arg2[%add3A_244] : memref<532480xi32, #tpu.memory_space<hbm>> -> memref<128xi32, #tpu.memory_space<hbm>>
        tpu.enqueue_dma source(%dma_start3A_246 : memref<128xi32, #tpu.memory_space<hbm>>) target(%arg7 : memref<128xi32, #tpu.memory_space<vmem>>) target_semaphore(%arg17 : memref<!tpu.dma_semaphore, #tpu.memory_space<semaphore_mem>>)
      } else {
      }
      %dma_wait3A_219 = tpu.memref_slice %arg3[%mul3A_2] : memref<532480xf32, #tpu.memory_space<hbm>> -> memref<128xf32, #tpu.memory_space<hbm>>
      %dma_wait3A_220 = tpu.memref_slice %arg3[%mul3A_2] : memref<532480xf32, #tpu.memory_space<hbm>> -> memref<128xf32, #tpu.memory_space<hbm>>
      tpu.wait_dma2 semaphore(%arg19 : memref<!tpu.dma_semaphore, #tpu.memory_space<semaphore_mem>>) src(%dma_wait3A_220 : memref<128xf32, #tpu.memory_space<hbm>>) dst(%arg11 : memref<128xf32, #tpu.memory_space<vmem>>)
      %scan3A_221 = arith.constant 0 : i32
      %scan3A_222 = arith.constant 8 : i32
      %scan3A_223 = arith.addi %scan3A_221, %scan3A_222 : i32
      %scan3A_224 = arith.constant 1 : i32
      scf.for %scan3A_240 = %scan3A_221 to %scan3A_223 step %scan3A_224  : i32 {
        %mul3A_241 = arith.constant 16 : i32
        %mul3A_242 = arith.muli %scan3A_240, %mul3A_241 : i32
        %add3A_243 = arith.constant 0 : i32
        %add3A_244 = arith.addi %add3A_243, %mul3A_242 : i32
        %get3A_245 = arith.index_cast %add3A_244 : i32 to index
        %get3A_246 = tpu.vector_load %arg11[%get3A_245] {strides = array<i32>} : memref<128xf32, #tpu.memory_space<vmem>>, vector<16xf32>,
        %broadcast_in_dim3A = arith.constant 0 : i32
        %broadcast_in_dim3A_247 = vector.broadcast %broadcast_in_dim3A : i32 to vector<16xi32>
        %lt3A_248 = arith.constant 0 : i32
        %lt3A_249 = vector.broadcast %lt3A_248 : i32 to vector<16xi32>
        %lt3A_250 = arith.cmpi slt, %broadcast_in_dim3A_247, %lt3A_249 : vector<16xi32>
        %add3A_251 = arith.constant 16 : i32
        %add3A_252 = vector.broadcast %add3A_251 : i32 to vector<16xi32>
        %add3A_253 = arith.addi %broadcast_in_dim3A_247, %add3A_252 : vector<16xi32>
        %select_n3A = arith.select %lt3A_250, %add3A_253, %broadcast_in_dim3A_247 : vector<16xi1>, vector<16xi32>
        %broadcast_in_dim3A_254 = vector.shape_cast %select_n3A : vector<16xi32> to vector<16x1xi32>
        %gather3A = vector.shape_cast %broadcast_in_dim3A_254 : vector<16x1xi32> to vector<16xi32>
        %gather3A_255 = tpu.dynamic_gather %get3A_246[%gather3A] in [0] : vector<16xf32>, vector<16xi32> -> vector<16xf32>
        %add3A_256 = arith.constant 0 : i32
        %add3A_257 = arith.addi %add3A_244, %add3A_256 : i32
        %get3A_258 = arith.index_cast %add3A_257 : i32 to index
        %get3A_259 = arith.constant 0 : index
        %get3A_260 = tpu.vector_load %arg13[%get3A_258, %get3A_259] {strides = array<i32>} : memref<128x128xf32, #tpu.memory_space<vmem>>, vector<16xf32>,
        %mul3A_261 = arith.mulf %get3A_260, %gather3A_255 : vector<16xf32>
        %add3A_262 = arith.constant 0 : i32
        %add3A_263 = arith.addi %add3A_244, %add3A_262 : i32
        %swap3A_264 = arith.index_cast %add3A_263 : i32 to index
        %swap3A_265 = arith.constant 0 : index
        %swap3A_266 = tpu.vector_load %arg13[%swap3A_264, %swap3A_265] {strides = array<i32>} : memref<128x128xf32, #tpu.memory_space<vmem>>, vector<16xf32>,
        tpu.vector_store %arg13[%swap3A_264, %swap3A_265], %mul3A_261 {strides = array<i32>} : memref<128x128xf32, #tpu.memory_space<vmem>>, vector<16xf32>,
        %add3A_267 = arith.constant 0 : i32
        %add3A_268 = arith.addi %add3A_244, %add3A_267 : i32
        %get3A_269 = arith.index_cast %add3A_268 : i32 to index
        %get3A_270 = arith.constant 16 : index
        %get3A_271 = tpu.vector_load %arg13[%get3A_269, %get3A_270] {strides = array<i32>} : memref<128x128xf32, #tpu.memory_space<vmem>>, vector<16xf32>,
        %mul3A_272 = arith.mulf %get3A_271, %gather3A_255 : vector<16xf32>
        %add3A_273 = arith.constant 0 : i32
        %add3A_274 = arith.addi %add3A_244, %add3A_273 : i32
        %swap3A_275 = arith.index_cast %add3A_274 : i32 to index
        %swap3A_276 = arith.constant 16 : index
        %swap3A_277 = tpu.vector_load %arg13[%swap3A_275, %swap3A_276] {strides = array<i32>} : memref<128x128xf32, #tpu.memory_space<vmem>>, vector<16xf32>,
        tpu.vector_store %arg13[%swap3A_275, %swap3A_276], %mul3A_272 {strides = array<i32>} : memref<128x128xf32, #tpu.memory_space<vmem>>, vector<16xf32>,
        %add3A_278 = arith.constant 0 : i32
        %add3A_279 = arith.addi %add3A_244, %add3A_278 : i32
        %get3A_280 = arith.index_cast %add3A_279 : i32 to index
        %get3A_281 = arith.constant 32 : index
        %get3A_282 = tpu.vector_load %arg13[%get3A_280, %get3A_281] {strides = array<i32>} : memref<128x128xf32, #tpu.memory_space<vmem>>, vector<16xf32>,
        %mul3A_283 = arith.mulf %get3A_282, %gather3A_255 : vector<16xf32>
        %add3A_284 = arith.constant 0 : i32
        %add3A_285 = arith.addi %add3A_244, %add3A_284 : i32
        %swap3A_286 = arith.index_cast %add3A_285 : i32 to index
        %swap3A_287 = arith.constant 32 : index
        %swap3A_288 = tpu.vector_load %arg13[%swap3A_286, %swap3A_287] {strides = array<i32>} : memref<128x128xf32, #tpu.memory_space<vmem>>, vector<16xf32>,
        tpu.vector_store %arg13[%swap3A_286, %swap3A_287], %mul3A_283 {strides = array<i32>} : memref<128x128xf32, #tpu.memory_space<vmem>>, vector<16xf32>,
        %add3A_289 = arith.constant 0 : i32
        %add3A_290 = arith.addi %add3A_244, %add3A_289 : i32
        %get3A_291 = arith.index_cast %add3A_290 : i32 to index
        %get3A_292 = arith.constant 48 : index
        %get3A_293 = tpu.vector_load %arg13[%get3A_291, %get3A_292] {strides = array<i32>} : memref<128x128xf32, #tpu.memory_space<vmem>>, vector<16xf32>,
        %mul3A_294 = arith.mulf %get3A_293, %gather3A_255 : vector<16xf32>
        %add3A_295 = arith.constant 0 : i32
        %add3A_296 = arith.addi %add3A_244, %add3A_295 : i32
        %swap3A_297 = arith.index_cast %add3A_296 : i32 to index
        %swap3A_298 = arith.constant 48 : index
        %swap3A_299 = tpu.vector_load %arg13[%swap3A_297, %swap3A_298] {strides = array<i32>} : memref<128x128xf32, #tpu.memory_space<vmem>>, vector<16xf32>,
        tpu.vector_store %arg13[%swap3A_297, %swap3A_298], %mul3A_294 {strides = array<i32>} : memref<128x128xf32, #tpu.memory_space<vmem>>, vector<16xf32>,
        %add3A_300 = arith.constant 0 : i32
        %add3A_301 = arith.addi %add3A_244, %add3A_300 : i32
        %get3A_302 = arith.index_cast %add3A_301 : i32 to index
        %get3A_303 = arith.constant 64 : index
        %get3A_304 = tpu.vector_load %arg13[%get3A_302, %get3A_303] {strides = array<i32>} : memref<128x128xf32, #tpu.memory_space<vmem>>, vector<16xf32>,
        %mul3A_305 = arith.mulf %get3A_304, %gather3A_255 : vector<16xf32>
        %add3A_306 = arith.constant 0 : i32
        %add3A_307 = arith.addi %add3A_244, %add3A_306 : i32
        %swap3A_308 = arith.index_cast %add3A_307 : i32 to index
        %swap3A_309 = arith.constant 64 : index
        %swap3A_310 = tpu.vector_load %arg13[%swap3A_308, %swap3A_309] {strides = array<i32>} : memref<128x128xf32, #tpu.memory_space<vmem>>, vector<16xf32>,
        tpu.vector_store %arg13[%swap3A_308, %swap3A_309], %mul3A_305 {strides = array<i32>} : memref<128x128xf32, #tpu.memory_space<vmem>>, vector<16xf32>,
        %add3A_311 = arith.constant 0 : i32
        %add3A_312 = arith.addi %add3A_244, %add3A_311 : i32
        %get3A_313 = arith.index_cast %add3A_312 : i32 to index
        %get3A_314 = arith.constant 80 : index
        %get3A_315 = tpu.vector_load %arg13[%get3A_313, %get3A_314] {strides = array<i32>} : memref<128x128xf32, #tpu.memory_space<vmem>>, vector<16xf32>,
        %mul3A_316 = arith.mulf %get3A_315, %gather3A_255 : vector<16xf32>
        %add3A_317 = arith.constant 0 : i32
        %add3A_318 = arith.addi %add3A_244, %add3A_317 : i32
        %swap3A_319 = arith.index_cast %add3A_318 : i32 to index
        %swap3A_320 = arith.constant 80 : index
        %swap3A_321 = tpu.vector_load %arg13[%swap3A_319, %swap3A_320] {strides = array<i32>} : memref<128x128xf32, #tpu.memory_space<vmem>>, vector<16xf32>,
        tpu.vector_store %arg13[%swap3A_319, %swap3A_320], %mul3A_316 {strides = array<i32>} : memref<128x128xf32, #tpu.memory_space<vmem>>, vector<16xf32>,
        %add3A_322 = arith.constant 0 : i32
        %add3A_323 = arith.addi %add3A_244, %add3A_322 : i32
        %get3A_324 = arith.index_cast %add3A_323 : i32 to index
        %get3A_325 = arith.constant 96 : index
        %get3A_326 = tpu.vector_load %arg13[%get3A_324, %get3A_325] {strides = array<i32>} : memref<128x128xf32, #tpu.memory_space<vmem>>, vector<16xf32>,
        %mul3A_327 = arith.mulf %get3A_326, %gather3A_255 : vector<16xf32>
        %add3A_328 = arith.constant 0 : i32
        %add3A_329 = arith.addi %add3A_244, %add3A_328 : i32
        %swap3A_330 = arith.index_cast %add3A_329 : i32 to index
        %swap3A_331 = arith.constant 96 : index
        %swap3A_332 = tpu.vector_load %arg13[%swap3A_330, %swap3A_331] {strides = array<i32>} : memref<128x128xf32, #tpu.memory_space<vmem>>, vector<16xf32>,
        tpu.vector_store %arg13[%swap3A_330, %swap3A_331], %mul3A_327 {strides = array<i32>} : memref<128x128xf32, #tpu.memory_space<vmem>>, vector<16xf32>,
        %add3A_333 = arith.constant 0 : i32
        %add3A_334 = arith.addi %add3A_244, %add3A_333 : i32
        %get3A_335 = arith.index_cast %add3A_334 : i32 to index
        %get3A_336 = arith.constant 112 : index
        %get3A_337 = tpu.vector_load %arg13[%get3A_335, %get3A_336] {strides = array<i32>} : memref<128x128xf32, #tpu.memory_space<vmem>>, vector<16xf32>,
        %mul3A_338 = arith.mulf %get3A_337, %gather3A_255 : vector<16xf32>
        %add3A_339 = arith.constant 0 : i32
        %add3A_340 = arith.addi %add3A_244, %add3A_339 : i32
        %swap3A_341 = arith.index_cast %add3A_340 : i32 to index
        %swap3A_342 = arith.constant 112 : index
        %swap3A_343 = tpu.vector_load %arg13[%swap3A_341, %swap3A_342] {strides = array<i32>} : memref<128x128xf32, #tpu.memory_space<vmem>>, vector<16xf32>,
        tpu.vector_store %arg13[%swap3A_341, %swap3A_342], %mul3A_338 {strides = array<i32>} : memref<128x128xf32, #tpu.memory_space<vmem>>, vector<16xf32>,
        %broadcast_in_dim3A_344 = arith.constant 1 : i32
        %broadcast_in_dim3A_345 = vector.broadcast %broadcast_in_dim3A_344 : i32 to vector<16xi32>
        %lt3A_346 = arith.constant 0 : i32
        %lt3A_347 = vector.broadcast %lt3A_346 : i32 to vector<16xi32>
        %lt3A_348 = arith.cmpi slt, %broadcast_in_dim3A_345, %lt3A_347 : vector<16xi32>
        %add3A_349 = arith.constant 16 : i32
        %add3A_350 = vector.broadcast %add3A_349 : i32 to vector<16xi32>
        %add3A_351 = arith.addi %broadcast_in_dim3A_345, %add3A_350 : vector<16xi32>
        %select_n3A_352 = arith.select %lt3A_348, %add3A_351, %broadcast_in_dim3A_345 : vector<16xi1>, vector<16xi32>
        %broadcast_in_dim3A_353 = vector.shape_cast %select_n3A_352 : vector<16xi32> to vector<16x1xi32>
        %gather3A_354 = vector.shape_cast %broadcast_in_dim3A_353 : vector<16x1xi32> to vector<16xi32>
        %gather3A_355 = tpu.dynamic_gather %get3A_246[%gather3A_354] in [0] : vector<16xf32>, vector<16xi32> -> vector<16xf32>
        %add3A_356 = arith.constant 1 : i32
        %add3A_357 = arith.addi %add3A_244, %add3A_356 : i32
        %get3A_358 = arith.index_cast %add3A_357 : i32 to index
        %get3A_359 = arith.constant 0 : index
        %get3A_360 = tpu.vector_load %arg13[%get3A_358, %get3A_359] {strides = array<i32>} : memref<128x128xf32, #tpu.memory_space<vmem>>, vector<16xf32>,
        %mul3A_361 = arith.mulf %get3A_360, %gather3A_355 : vector<16xf32>
        %add3A_362 = arith.constant 1 : i32
        %add3A_363 = arith.addi %add3A_244, %add3A_362 : i32
        %swap3A_364 = arith.index_cast %add3A_363 : i32 to index
        %swap3A_365 = arith.constant 0 : index
        %swap3A_366 = tpu.vector_load %arg13[%swap3A_364, %swap3A_365] {strides = array<i32>} : memref<128x128xf32, #tpu.memory_space<vmem>>, vector<16xf32>,
        tpu.vector_store %arg13[%swap3A_364, %swap3A_365], %mul3A_361 {strides = array<i32>} : memref<128x128xf32, #tpu.memory_space<vmem>>, vector<16xf32>,
        %add3A_367 = arith.constant 1 : i32
        %add3A_368 = arith.addi %add3A_244, %add3A_367 : i32
        %get3A_369 = arith.index_cast %add3A_368 : i32 to index
        %get3A_370 = arith.constant 16 : index
        %get3A_371 = tpu.vector_load %arg13[%get3A_369, %get3A_370] {strides = array<i32>} : memref<128x128xf32, #tpu.memory_space<vmem>>, vector<16xf32>,
        %mul3A_372 = arith.mulf %get3A_371, %gather3A_355 : vector<16xf32>
        %add3A_373 = arith.constant 1 : i32
        %add3A_374 = arith.addi %add3A_244, %add3A_373 : i32
        %swap3A_375 = arith.index_cast %add3A_374 : i32 to index
        %swap3A_376 = arith.constant 16 : index
        %swap3A_377 = tpu.vector_load %arg13[%swap3A_375, %swap3A_376] {strides = array<i32>} : memref<128x128xf32, #tpu.memory_space<vmem>>, vector<16xf32>,
        tpu.vector_store %arg13[%swap3A_375, %swap3A_376], %mul3A_372 {strides = array<i32>} : memref<128x128xf32, #tpu.memory_space<vmem>>, vector<16xf32>,
        %add3A_378 = arith.constant 1 : i32
        %add3A_379 = arith.addi %add3A_244, %add3A_378 : i32
        %get3A_380 = arith.index_cast %add3A_379 : i32 to index
        %get3A_381 = arith.constant 32 : index
        %get3A_382 = tpu.vector_load %arg13[%get3A_380, %get3A_381] {strides = array<i32>} : memref<128x128xf32, #tpu.memory_space<vmem>>, vector<16xf32>,
        %mul3A_383 = arith.mulf %get3A_382, %gather3A_355 : vector<16xf32>
        %add3A_384 = arith.constant 1 : i32
        %add3A_385 = arith.addi %add3A_244, %add3A_384 : i32
        %swap3A_386 = arith.index_cast %add3A_385 : i32 to index
        %swap3A_387 = arith.constant 32 : index
        %swap3A_388 = tpu.vector_load %arg13[%swap3A_386, %swap3A_387] {strides = array<i32>} : memref<128x128xf32, #tpu.memory_space<vmem>>, vector<16xf32>,
        tpu.vector_store %arg13[%swap3A_386, %swap3A_387], %mul3A_383 {strides = array<i32>} : memref<128x128xf32, #tpu.memory_space<vmem>>, vector<16xf32>,
        %add3A_389 = arith.constant 1 : i32
        %add3A_390 = arith.addi %add3A_244, %add3A_389 : i32
        %get3A_391 = arith.index_cast %add3A_390 : i32 to index
        %get3A_392 = arith.constant 48 : index
        %get3A_393 = tpu.vector_load %arg13[%get3A_391, %get3A_392] {strides = array<i32>} : memref<128x128xf32, #tpu.memory_space<vmem>>, vector<16xf32>,
        %mul3A_394 = arith.mulf %get3A_393, %gather3A_355 : vector<16xf32>
        %add3A_395 = arith.constant 1 : i32
        %add3A_396 = arith.addi %add3A_244, %add3A_395 : i32
        %swap3A_397 = arith.index_cast %add3A_396 : i32 to index
        %swap3A_398 = arith.constant 48 : index
        %swap3A_399 = tpu.vector_load %arg13[%swap3A_397, %swap3A_398] {strides = array<i32>} : memref<128x128xf32, #tpu.memory_space<vmem>>, vector<16xf32>,
        tpu.vector_store %arg13[%swap3A_397, %swap3A_398], %mul3A_394 {strides = array<i32>} : memref<128x128xf32, #tpu.memory_space<vmem>>, vector<16xf32>,
        %add3A_400 = arith.constant 1 : i32
        %add3A_401 = arith.addi %add3A_244, %add3A_400 : i32
        %get3A_402 = arith.index_cast %add3A_401 : i32 to index
        %get3A_403 = arith.constant 64 : index
        %get3A_404 = tpu.vector_load %arg13[%get3A_402, %get3A_403] {strides = array<i32>} : memref<128x128xf32, #tpu.memory_space<vmem>>, vector<16xf32>,
        %mul3A_405 = arith.mulf %get3A_404, %gather3A_355 : vector<16xf32>
        %add3A_406 = arith.constant 1 : i32
        %add3A_407 = arith.addi %add3A_244, %add3A_406 : i32
        %swap3A_408 = arith.index_cast %add3A_407 : i32 to index
        %swap3A_409 = arith.constant 64 : index
        %swap3A_410 = tpu.vector_load %arg13[%swap3A_408, %swap3A_409] {strides = array<i32>} : memref<128x128xf32, #tpu.memory_space<vmem>>, vector<16xf32>,
        tpu.vector_store %arg13[%swap3A_408, %swap3A_409], %mul3A_405 {strides = array<i32>} : memref<128x128xf32, #tpu.memory_space<vmem>>, vector<16xf32>,
        %add3A_411 = arith.constant 1 : i32
        %add3A_412 = arith.addi %add3A_244, %add3A_411 : i32
        %get3A_413 = arith.index_cast %add3A_412 : i32 to index
        %get3A_414 = arith.constant 80 : index
        %get3A_415 = tpu.vector_load %arg13[%get3A_413, %get3A_414] {strides = array<i32>} : memref<128x128xf32, #tpu.memory_space<vmem>>, vector<16xf32>,
        %mul3A_416 = arith.mulf %get3A_415, %gather3A_355 : vector<16xf32>
        %add3A_417 = arith.constant 1 : i32
        %add3A_418 = arith.addi %add3A_244, %add3A_417 : i32
        %swap3A_419 = arith.index_cast %add3A_418 : i32 to index
        %swap3A_420 = arith.constant 80 : index
        %swap3A_421 = tpu.vector_load %arg13[%swap3A_419, %swap3A_420] {strides = array<i32>} : memref<128x128xf32, #tpu.memory_space<vmem>>, vector<16xf32>,
        tpu.vector_store %arg13[%swap3A_419, %swap3A_420], %mul3A_416 {strides = array<i32>} : memref<128x128xf32, #tpu.memory_space<vmem>>, vector<16xf32>,
        %add3A_422 = arith.constant 1 : i32
        %add3A_423 = arith.addi %add3A_244, %add3A_422 : i32
        %get3A_424 = arith.index_cast %add3A_423 : i32 to index
        %get3A_425 = arith.constant 96 : index
        %get3A_426 = tpu.vector_load %arg13[%get3A_424, %get3A_425] {strides = array<i32>} : memref<128x128xf32, #tpu.memory_space<vmem>>, vector<16xf32>,
        %mul3A_427 = arith.mulf %get3A_426, %gather3A_355 : vector<16xf32>
        %add3A_428 = arith.constant 1 : i32
        %add3A_429 = arith.addi %add3A_244, %add3A_428 : i32
        %swap3A_430 = arith.index_cast %add3A_429 : i32 to index
        %swap3A_431 = arith.constant 96 : index
        %swap3A_432 = tpu.vector_load %arg13[%swap3A_430, %swap3A_431] {strides = array<i32>} : memref<128x128xf32, #tpu.memory_space<vmem>>, vector<16xf32>,
        tpu.vector_store %arg13[%swap3A_430, %swap3A_431], %mul3A_427 {strides = array<i32>} : memref<128x128xf32, #tpu.memory_space<vmem>>, vector<16xf32>,
        %add3A_433 = arith.constant 1 : i32
        %add3A_434 = arith.addi %add3A_244, %add3A_433 : i32
        %get3A_435 = arith.index_cast %add3A_434 : i32 to index
        %get3A_436 = arith.constant 112 : index
        %get3A_437 = tpu.vector_load %arg13[%get3A_435, %get3A_436] {strides = array<i32>} : memref<128x128xf32, #tpu.memory_space<vmem>>, vector<16xf32>,
        %mul3A_438 = arith.mulf %get3A_437, %gather3A_355 : vector<16xf32>
        %add3A_439 = arith.constant 1 : i32
        %add3A_440 = arith.addi %add3A_244, %add3A_439 : i32
        %swap3A_441 = arith.index_cast %add3A_440 : i32 to index
        %swap3A_442 = arith.constant 112 : index
        %swap3A_443 = tpu.vector_load %arg13[%swap3A_441, %swap3A_442] {strides = array<i32>} : memref<128x128xf32, #tpu.memory_space<vmem>>, vector<16xf32>,
        tpu.vector_store %arg13[%swap3A_441, %swap3A_442], %mul3A_438 {strides = array<i32>} : memref<128x128xf32, #tpu.memory_space<vmem>>, vector<16xf32>,
        %broadcast_in_dim3A_444 = arith.constant 2 : i32
        %broadcast_in_dim3A_445 = vector.broadcast %broadcast_in_dim3A_444 : i32 to vector<16xi32>
        %lt3A_446 = arith.constant 0 : i32
        %lt3A_447 = vector.broadcast %lt3A_446 : i32 to vector<16xi32>
        %lt3A_448 = arith.cmpi slt, %broadcast_in_dim3A_445, %lt3A_447 : vector<16xi32>
        %add3A_449 = arith.constant 16 : i32
        %add3A_450 = vector.broadcast %add3A_449 : i32 to vector<16xi32>
        %add3A_451 = arith.addi %broadcast_in_dim3A_445, %add3A_450 : vector<16xi32>
        %select_n3A_452 = arith.select %lt3A_448, %add3A_451, %broadcast_in_dim3A_445 : vector<16xi1>, vector<16xi32>
        %broadcast_in_dim3A_453 = vector.shape_cast %select_n3A_452 : vector<16xi32> to vector<16x1xi32>
        %gather3A_454 = vector.shape_cast %broadcast_in_dim3A_453 : vector<16x1xi32> to vector<16xi32>
        %gather3A_455 = tpu.dynamic_gather %get3A_246[%gather3A_454] in [0] : vector<16xf32>, vector<16xi32> -> vector<16xf32>
        %add3A_456 = arith.constant 2 : i32
        %add3A_457 = arith.addi %add3A_244, %add3A_456 : i32
        %get3A_458 = arith.index_cast %add3A_457 : i32 to index
        %get3A_459 = arith.constant 0 : index
        %get3A_460 = tpu.vector_load %arg13[%get3A_458, %get3A_459] {strides = array<i32>} : memref<128x128xf32, #tpu.memory_space<vmem>>, vector<16xf32>,
        %mul3A_461 = arith.mulf %get3A_460, %gather3A_455 : vector<16xf32>
        %add3A_462 = arith.constant 2 : i32
        %add3A_463 = arith.addi %add3A_244, %add3A_462 : i32
        %swap3A_464 = arith.index_cast %add3A_463 : i32 to index
        %swap3A_465 = arith.constant 0 : index
        %swap3A_466 = tpu.vector_load %arg13[%swap3A_464, %swap3A_465] {strides = array<i32>} : memref<128x128xf32, #tpu.memory_space<vmem>>, vector<16xf32>,
        tpu.vector_store %arg13[%swap3A_464, %swap3A_465], %mul3A_461 {strides = array<i32>} : memref<128x128xf32, #tpu.memory_space<vmem>>, vector<16xf32>,
        %add3A_467 = arith.constant 2 : i32
        %add3A_468 = arith.addi %add3A_244, %add3A_467 : i32
        %get3A_469 = arith.index_cast %add3A_468 : i32 to index
        %get3A_470 = arith.constant 16 : index
        %get3A_471 = tpu.vector_load %arg13[%get3A_469, %get3A_470] {strides = array<i32>} : memref<128x128xf32, #tpu.memory_space<vmem>>, vector<16xf32>,
        %mul3A_472 = arith.mulf %get3A_471, %gather3A_455 : vector<16xf32>
        %add3A_473 = arith.constant 2 : i32
        %add3A_474 = arith.addi %add3A_244, %add3A_473 : i32
        %swap3A_475 = arith.index_cast %add3A_474 : i32 to index
        %swap3A_476 = arith.constant 16 : index
        %swap3A_477 = tpu.vector_load %arg13[%swap3A_475, %swap3A_476] {strides = array<i32>} : memref<128x128xf32, #tpu.memory_space<vmem>>, vector<16xf32>,
        tpu.vector_store %arg13[%swap3A_475, %swap3A_476], %mul3A_472 {strides = array<i32>} : memref<128x128xf32, #tpu.memory_space<vmem>>, vector<16xf32>,
        %add3A_478 = arith.constant 2 : i32
        %add3A_479 = arith.addi %add3A_244, %add3A_478 : i32
        %get3A_480 = arith.index_cast %add3A_479 : i32 to index
        %get3A_481 = arith.constant 32 : index
        %get3A_482 = tpu.vector_load %arg13[%get3A_480, %get3A_481] {strides = array<i32>} : memref<128x128xf32, #tpu.memory_space<vmem>>, vector<16xf32>,
        %mul3A_483 = arith.mulf %get3A_482, %gather3A_455 : vector<16xf32>
        %add3A_484 = arith.constant 2 : i32
        %add3A_485 = arith.addi %add3A_244, %add3A_484 : i32
        %swap3A_486 = arith.index_cast %add3A_485 : i32 to index
        %swap3A_487 = arith.constant 32 : index
        %swap3A_488 = tpu.vector_load %arg13[%swap3A_486, %swap3A_487] {strides = array<i32>} : memref<128x128xf32, #tpu.memory_space<vmem>>, vector<16xf32>,
        tpu.vector_store %arg13[%swap3A_486, %swap3A_487], %mul3A_483 {strides = array<i32>} : memref<128x128xf32, #tpu.memory_space<vmem>>, vector<16xf32>,
        %add3A_489 = arith.constant 2 : i32
        %add3A_490 = arith.addi %add3A_244, %add3A_489 : i32
        %get3A_491 = arith.index_cast %add3A_490 : i32 to index
        %get3A_492 = arith.constant 48 : index
        %get3A_493 = tpu.vector_load %arg13[%get3A_491, %get3A_492] {strides = array<i32>} : memref<128x128xf32, #tpu.memory_space<vmem>>, vector<16xf32>,
        %mul3A_494 = arith.mulf %get3A_493, %gather3A_455 : vector<16xf32>
        %add3A_495 = arith.constant 2 : i32
        %add3A_496 = arith.addi %add3A_244, %add3A_495 : i32
        %swap3A_497 = arith.index_cast %add3A_496 : i32 to index
        %swap3A_498 = arith.constant 48 : index
        %swap3A_499 = tpu.vector_load %arg13[%swap3A_497, %swap3A_498] {strides = array<i32>} : memref<128x128xf32, #tpu.memory_space<vmem>>, vector<16xf32>,
        tpu.vector_store %arg13[%swap3A_497, %swap3A_498], %mul3A_494 {strides = array<i32>} : memref<128x128xf32, #tpu.memory_space<vmem>>, vector<16xf32>,
        %add3A_500 = arith.constant 2 : i32
        %add3A_501 = arith.addi %add3A_244, %add3A_500 : i32
        %get3A_502 = arith.index_cast %add3A_501 : i32 to index
        %get3A_503 = arith.constant 64 : index
        %get3A_504 = tpu.vector_load %arg13[%get3A_502, %get3A_503] {strides = array<i32>} : memref<128x128xf32, #tpu.memory_space<vmem>>, vector<16xf32>,
        %mul3A_505 = arith.mulf %get3A_504, %gather3A_455 : vector<16xf32>
        %add3A_506 = arith.constant 2 : i32
        %add3A_507 = arith.addi %add3A_244, %add3A_506 : i32
        %swap3A_508 = arith.index_cast %add3A_507 : i32 to index
        %swap3A_509 = arith.constant 64 : index
        %swap3A_510 = tpu.vector_load %arg13[%swap3A_508, %swap3A_509] {strides = array<i32>} : memref<128x128xf32, #tpu.memory_space<vmem>>, vector<16xf32>,
        tpu.vector_store %arg13[%swap3A_508, %swap3A_509], %mul3A_505 {strides = array<i32>} : memref<128x128xf32, #tpu.memory_space<vmem>>, vector<16xf32>,
        %add3A_511 = arith.constant 2 : i32
        %add3A_512 = arith.addi %add3A_244, %add3A_511 : i32
        %get3A_513 = arith.index_cast %add3A_512 : i32 to index
        %get3A_514 = arith.constant 80 : index
        %get3A_515 = tpu.vector_load %arg13[%get3A_513, %get3A_514] {strides = array<i32>} : memref<128x128xf32, #tpu.memory_space<vmem>>, vector<16xf32>,
        %mul3A_516 = arith.mulf %get3A_515, %gather3A_455 : vector<16xf32>
        %add3A_517 = arith.constant 2 : i32
        %add3A_518 = arith.addi %add3A_244, %add3A_517 : i32
        %swap3A_519 = arith.index_cast %add3A_518 : i32 to index
        %swap3A_520 = arith.constant 80 : index
        %swap3A_521 = tpu.vector_load %arg13[%swap3A_519, %swap3A_520] {strides = array<i32>} : memref<128x128xf32, #tpu.memory_space<vmem>>, vector<16xf32>,
        tpu.vector_store %arg13[%swap3A_519, %swap3A_520], %mul3A_516 {strides = array<i32>} : memref<128x128xf32, #tpu.memory_space<vmem>>, vector<16xf32>,
        %add3A_522 = arith.constant 2 : i32
        %add3A_523 = arith.addi %add3A_244, %add3A_522 : i32
        %get3A_524 = arith.index_cast %add3A_523 : i32 to index
        %get3A_525 = arith.constant 96 : index
        %get3A_526 = tpu.vector_load %arg13[%get3A_524, %get3A_525] {strides = array<i32>} : memref<128x128xf32, #tpu.memory_space<vmem>>, vector<16xf32>,
        %mul3A_527 = arith.mulf %get3A_526, %gather3A_455 : vector<16xf32>
        %add3A_528 = arith.constant 2 : i32
        %add3A_529 = arith.addi %add3A_244, %add3A_528 : i32
        %swap3A_530 = arith.index_cast %add3A_529 : i32 to index
        %swap3A_531 = arith.constant 96 : index
        %swap3A_532 = tpu.vector_load %arg13[%swap3A_530, %swap3A_531] {strides = array<i32>} : memref<128x128xf32, #tpu.memory_space<vmem>>, vector<16xf32>,
        tpu.vector_store %arg13[%swap3A_530, %swap3A_531], %mul3A_527 {strides = array<i32>} : memref<128x128xf32, #tpu.memory_space<vmem>>, vector<16xf32>,
        %add3A_533 = arith.constant 2 : i32
        %add3A_534 = arith.addi %add3A_244, %add3A_533 : i32
        %get3A_535 = arith.index_cast %add3A_534 : i32 to index
        %get3A_536 = arith.constant 112 : index
        %get3A_537 = tpu.vector_load %arg13[%get3A_535, %get3A_536] {strides = array<i32>} : memref<128x128xf32, #tpu.memory_space<vmem>>, vector<16xf32>,
        %mul3A_538 = arith.mulf %get3A_537, %gather3A_455 : vector<16xf32>
        %add3A_539 = arith.constant 2 : i32
        %add3A_540 = arith.addi %add3A_244, %add3A_539 : i32
        %swap3A_541 = arith.index_cast %add3A_540 : i32 to index
        %swap3A_542 = arith.constant 112 : index
        %swap3A_543 = tpu.vector_load %arg13[%swap3A_541, %swap3A_542] {strides = array<i32>} : memref<128x128xf32, #tpu.memory_space<vmem>>, vector<16xf32>,
        tpu.vector_store %arg13[%swap3A_541, %swap3A_542], %mul3A_538 {strides = array<i32>} : memref<128x128xf32, #tpu.memory_space<vmem>>, vector<16xf32>,
        %broadcast_in_dim3A_544 = arith.constant 3 : i32
        %broadcast_in_dim3A_545 = vector.broadcast %broadcast_in_dim3A_544 : i32 to vector<16xi32>
        %lt3A_546 = arith.constant 0 : i32
        %lt3A_547 = vector.broadcast %lt3A_546 : i32 to vector<16xi32>
        %lt3A_548 = arith.cmpi slt, %broadcast_in_dim3A_545, %lt3A_547 : vector<16xi32>
        %add3A_549 = arith.constant 16 : i32
        %add3A_550 = vector.broadcast %add3A_549 : i32 to vector<16xi32>
        %add3A_551 = arith.addi %broadcast_in_dim3A_545, %add3A_550 : vector<16xi32>
        %select_n3A_552 = arith.select %lt3A_548, %add3A_551, %broadcast_in_dim3A_545 : vector<16xi1>, vector<16xi32>
        %broadcast_in_dim3A_553 = vector.shape_cast %select_n3A_552 : vector<16xi32> to vector<16x1xi32>
        %gather3A_554 = vector.shape_cast %broadcast_in_dim3A_553 : vector<16x1xi32> to vector<16xi32>
        %gather3A_555 = tpu.dynamic_gather %get3A_246[%gather3A_554] in [0] : vector<16xf32>, vector<16xi32> -> vector<16xf32>
        %add3A_556 = arith.constant 3 : i32
        %add3A_557 = arith.addi %add3A_244, %add3A_556 : i32
        %get3A_558 = arith.index_cast %add3A_557 : i32 to index
        %get3A_559 = arith.constant 0 : index
        %get3A_560 = tpu.vector_load %arg13[%get3A_558, %get3A_559] {strides = array<i32>} : memref<128x128xf32, #tpu.memory_space<vmem>>, vector<16xf32>,
        %mul3A_561 = arith.mulf %get3A_560, %gather3A_555 : vector<16xf32>
        %add3A_562 = arith.constant 3 : i32
        %add3A_563 = arith.addi %add3A_244, %add3A_562 : i32
        %swap3A_564 = arith.index_cast %add3A_563 : i32 to index
        %swap3A_565 = arith.constant 0 : index
        %swap3A_566 = tpu.vector_load %arg13[%swap3A_564, %swap3A_565] {strides = array<i32>} : memref<128x128xf32, #tpu.memory_space<vmem>>, vector<16xf32>,
        tpu.vector_store %arg13[%swap3A_564, %swap3A_565], %mul3A_561 {strides = array<i32>} : memref<128x128xf32, #tpu.memory_space<vmem>>, vector<16xf32>,
        %add3A_567 = arith.constant 3 : i32
        %add3A_568 = arith.addi %add3A_244, %add3A_567 : i32
        %get3A_569 = arith.index_cast %add3A_568 : i32 to index
        %get3A_570 = arith.constant 16 : index
        %get3A_571 = tpu.vector_load %arg13[%get3A_569, %get3A_570] {strides = array<i32>} : memref<128x128xf32, #tpu.memory_space<vmem>>, vector<16xf32>,
        %mul3A_572 = arith.mulf %get3A_571, %gather3A_555 : vector<16xf32>
        %add3A_573 = arith.constant 3 : i32
        %add3A_574 = arith.addi %add3A_244, %add3A_573 : i32
        %swap3A_575 = arith.index_cast %add3A_574 : i32 to index
        %swap3A_576 = arith.constant 16 : index
        %swap3A_577 = tpu.vector_load %arg13[%swap3A_575, %swap3A_576] {strides = array<i32>} : memref<128x128xf32, #tpu.memory_space<vmem>>, vector<16xf32>,
        tpu.vector_store %arg13[%swap3A_575, %swap3A_576], %mul3A_572 {strides = array<i32>} : memref<128x128xf32, #tpu.memory_space<vmem>>, vector<16xf32>,
        %add3A_578 = arith.constant 3 : i32
        %add3A_579 = arith.addi %add3A_244, %add3A_578 : i32
        %get3A_580 = arith.index_cast %add3A_579 : i32 to index
        %get3A_581 = arith.constant 32 : index
        %get3A_582 = tpu.vector_load %arg13[%get3A_580, %get3A_581] {strides = array<i32>} : memref<128x128xf32, #tpu.memory_space<vmem>>, vector<16xf32>,
        %mul3A_583 = arith.mulf %get3A_582, %gather3A_555 : vector<16xf32>
        %add3A_584 = arith.constant 3 : i32
        %add3A_585 = arith.addi %add3A_244, %add3A_584 : i32
        %swap3A_586 = arith.index_cast %add3A_585 : i32 to index
        %swap3A_587 = arith.constant 32 : index
        %swap3A_588 = tpu.vector_load %arg13[%swap3A_586, %swap3A_587] {strides = array<i32>} : memref<128x128xf32, #tpu.memory_space<vmem>>, vector<16xf32>,
        tpu.vector_store %arg13[%swap3A_586, %swap3A_587], %mul3A_583 {strides = array<i32>} : memref<128x128xf32, #tpu.memory_space<vmem>>, vector<16xf32>,
        %add3A_589 = arith.constant 3 : i32
        %add3A_590 = arith.addi %add3A_244, %add3A_589 : i32
        %get3A_591 = arith.index_cast %add3A_590 : i32 to index
        %get3A_592 = arith.constant 48 : index
        %get3A_593 = tpu.vector_load %arg13[%get3A_591, %get3A_592] {strides = array<i32>} : memref<128x128xf32, #tpu.memory_space<vmem>>, vector<16xf32>,
        %mul3A_594 = arith.mulf %get3A_593, %gather3A_555 : vector<16xf32>
        %add3A_595 = arith.constant 3 : i32
        %add3A_596 = arith.addi %add3A_244, %add3A_595 : i32
        %swap3A_597 = arith.index_cast %add3A_596 : i32 to index
        %swap3A_598 = arith.constant 48 : index
        %swap3A_599 = tpu.vector_load %arg13[%swap3A_597, %swap3A_598] {strides = array<i32>} : memref<128x128xf32, #tpu.memory_space<vmem>>, vector<16xf32>,
        tpu.vector_store %arg13[%swap3A_597, %swap3A_598], %mul3A_594 {strides = array<i32>} : memref<128x128xf32, #tpu.memory_space<vmem>>, vector<16xf32>,
        %add3A_600 = arith.constant 3 : i32
        %add3A_601 = arith.addi %add3A_244, %add3A_600 : i32
        %get3A_602 = arith.index_cast %add3A_601 : i32 to index
        %get3A_603 = arith.constant 64 : index
        %get3A_604 = tpu.vector_load %arg13[%get3A_602, %get3A_603] {strides = array<i32>} : memref<128x128xf32, #tpu.memory_space<vmem>>, vector<16xf32>,
        %mul3A_605 = arith.mulf %get3A_604, %gather3A_555 : vector<16xf32>
        %add3A_606 = arith.constant 3 : i32
        %add3A_607 = arith.addi %add3A_244, %add3A_606 : i32
        %swap3A_608 = arith.index_cast %add3A_607 : i32 to index
        %swap3A_609 = arith.constant 64 : index
        %swap3A_610 = tpu.vector_load %arg13[%swap3A_608, %swap3A_609] {strides = array<i32>} : memref<128x128xf32, #tpu.memory_space<vmem>>, vector<16xf32>,
        tpu.vector_store %arg13[%swap3A_608, %swap3A_609], %mul3A_605 {strides = array<i32>} : memref<128x128xf32, #tpu.memory_space<vmem>>, vector<16xf32>,
        %add3A_611 = arith.constant 3 : i32
        %add3A_612 = arith.addi %add3A_244, %add3A_611 : i32
        %get3A_613 = arith.index_cast %add3A_612 : i32 to index
        %get3A_614 = arith.constant 80 : index
        %get3A_615 = tpu.vector_load %arg13[%get3A_613, %get3A_614] {strides = array<i32>} : memref<128x128xf32, #tpu.memory_space<vmem>>, vector<16xf32>,
        %mul3A_616 = arith.mulf %get3A_615, %gather3A_555 : vector<16xf32>
        %add3A_617 = arith.constant 3 : i32
        %add3A_618 = arith.addi %add3A_244, %add3A_617 : i32
        %swap3A_619 = arith.index_cast %add3A_618 : i32 to index
        %swap3A_620 = arith.constant 80 : index
        %swap3A_621 = tpu.vector_load %arg13[%swap3A_619, %swap3A_620] {strides = array<i32>} : memref<128x128xf32, #tpu.memory_space<vmem>>, vector<16xf32>,
        tpu.vector_store %arg13[%swap3A_619, %swap3A_620], %mul3A_616 {strides = array<i32>} : memref<128x128xf32, #tpu.memory_space<vmem>>, vector<16xf32>,
        %add3A_622 = arith.constant 3 : i32
        %add3A_623 = arith.addi %add3A_244, %add3A_622 : i32
        %get3A_624 = arith.index_cast %add3A_623 : i32 to index
        %get3A_625 = arith.constant 96 : index
        %get3A_626 = tpu.vector_load %arg13[%get3A_624, %get3A_625] {strides = array<i32>} : memref<128x128xf32, #tpu.memory_space<vmem>>, vector<16xf32>,
        %mul3A_627 = arith.mulf %get3A_626, %gather3A_555 : vector<16xf32>
        %add3A_628 = arith.constant 3 : i32
        %add3A_629 = arith.addi %add3A_244, %add3A_628 : i32
        %swap3A_630 = arith.index_cast %add3A_629 : i32 to index
        %swap3A_631 = arith.constant 96 : index
        %swap3A_632 = tpu.vector_load %arg13[%swap3A_630, %swap3A_631] {strides = array<i32>} : memref<128x128xf32, #tpu.memory_space<vmem>>, vector<16xf32>,
        tpu.vector_store %arg13[%swap3A_630, %swap3A_631], %mul3A_627 {strides = array<i32>} : memref<128x128xf32, #tpu.memory_space<vmem>>, vector<16xf32>,
        %add3A_633 = arith.constant 3 : i32
        %add3A_634 = arith.addi %add3A_244, %add3A_633 : i32
        %get3A_635 = arith.index_cast %add3A_634 : i32 to index
        %get3A_636 = arith.constant 112 : index
        %get3A_637 = tpu.vector_load %arg13[%get3A_635, %get3A_636] {strides = array<i32>} : memref<128x128xf32, #tpu.memory_space<vmem>>, vector<16xf32>,
        %mul3A_638 = arith.mulf %get3A_637, %gather3A_555 : vector<16xf32>
        %add3A_639 = arith.constant 3 : i32
        %add3A_640 = arith.addi %add3A_244, %add3A_639 : i32
        %swap3A_641 = arith.index_cast %add3A_640 : i32 to index
        %swap3A_642 = arith.constant 112 : index
        %swap3A_643 = tpu.vector_load %arg13[%swap3A_641, %swap3A_642] {strides = array<i32>} : memref<128x128xf32, #tpu.memory_space<vmem>>, vector<16xf32>,
        tpu.vector_store %arg13[%swap3A_641, %swap3A_642], %mul3A_638 {strides = array<i32>} : memref<128x128xf32, #tpu.memory_space<vmem>>, vector<16xf32>,
        %broadcast_in_dim3A_644 = arith.constant 4 : i32
        %broadcast_in_dim3A_645 = vector.broadcast %broadcast_in_dim3A_644 : i32 to vector<16xi32>
        %lt3A_646 = arith.constant 0 : i32
        %lt3A_647 = vector.broadcast %lt3A_646 : i32 to vector<16xi32>
        %lt3A_648 = arith.cmpi slt, %broadcast_in_dim3A_645, %lt3A_647 : vector<16xi32>
        %add3A_649 = arith.constant 16 : i32
        %add3A_650 = vector.broadcast %add3A_649 : i32 to vector<16xi32>
        %add3A_651 = arith.addi %broadcast_in_dim3A_645, %add3A_650 : vector<16xi32>
        %select_n3A_652 = arith.select %lt3A_648, %add3A_651, %broadcast_in_dim3A_645 : vector<16xi1>, vector<16xi32>
        %broadcast_in_dim3A_653 = vector.shape_cast %select_n3A_652 : vector<16xi32> to vector<16x1xi32>
        %gather3A_654 = vector.shape_cast %broadcast_in_dim3A_653 : vector<16x1xi32> to vector<16xi32>
        %gather3A_655 = tpu.dynamic_gather %get3A_246[%gather3A_654] in [0] : vector<16xf32>, vector<16xi32> -> vector<16xf32>
        %add3A_656 = arith.constant 4 : i32
        %add3A_657 = arith.addi %add3A_244, %add3A_656 : i32
        %get3A_658 = arith.index_cast %add3A_657 : i32 to index
        %get3A_659 = arith.constant 0 : index
        %get3A_660 = tpu.vector_load %arg13[%get3A_658, %get3A_659] {strides = array<i32>} : memref<128x128xf32, #tpu.memory_space<vmem>>, vector<16xf32>,
        %mul3A_661 = arith.mulf %get3A_660, %gather3A_655 : vector<16xf32>
        %add3A_662 = arith.constant 4 : i32
        %add3A_663 = arith.addi %add3A_244, %add3A_662 : i32
        %swap3A_664 = arith.index_cast %add3A_663 : i32 to index
        %swap3A_665 = arith.constant 0 : index
        %swap3A_666 = tpu.vector_load %arg13[%swap3A_664, %swap3A_665] {strides = array<i32>} : memref<128x128xf32, #tpu.memory_space<vmem>>, vector<16xf32>,
        tpu.vector_store %arg13[%swap3A_664, %swap3A_665], %mul3A_661 {strides = array<i32>} : memref<128x128xf32, #tpu.memory_space<vmem>>, vector<16xf32>,
        %add3A_667 = arith.constant 4 : i32
        %add3A_668 = arith.addi %add3A_244, %add3A_667 : i32
        %get3A_669 = arith.index_cast %add3A_668 : i32 to index
        %get3A_670 = arith.constant 16 : index
        %get3A_671 = tpu.vector_load %arg13[%get3A_669, %get3A_670] {strides = array<i32>} : memref<128x128xf32, #tpu.memory_space<vmem>>, vector<16xf32>,
        %mul3A_672 = arith.mulf %get3A_671, %gather3A_655 : vector<16xf32>
        %add3A_673 = arith.constant 4 : i32
        %add3A_674 = arith.addi %add3A_244, %add3A_673 : i32
        %swap3A_675 = arith.index_cast %add3A_674 : i32 to index
        %swap3A_676 = arith.constant 16 : index
        %swap3A_677 = tpu.vector_load %arg13[%swap3A_675, %swap3A_676] {strides = array<i32>} : memref<128x128xf32, #tpu.memory_space<vmem>>, vector<16xf32>,
        tpu.vector_store %arg13[%swap3A_675, %swap3A_676], %mul3A_672 {strides = array<i32>} : memref<128x128xf32, #tpu.memory_space<vmem>>, vector<16xf32>,
        %add3A_678 = arith.constant 4 : i32
        %add3A_679 = arith.addi %add3A_244, %add3A_678 : i32
        %get3A_680 = arith.index_cast %add3A_679 : i32 to index
        %get3A_681 = arith.constant 32 : index
        %get3A_682 = tpu.vector_load %arg13[%get3A_680, %get3A_681] {strides = array<i32>} : memref<128x128xf32, #tpu.memory_space<vmem>>, vector<16xf32>,
        %mul3A_683 = arith.mulf %get3A_682, %gather3A_655 : vector<16xf32>
        %add3A_684 = arith.constant 4 : i32
        %add3A_685 = arith.addi %add3A_244, %add3A_684 : i32
        %swap3A_686 = arith.index_cast %add3A_685 : i32 to index
        %swap3A_687 = arith.constant 32 : index
        %swap3A_688 = tpu.vector_load %arg13[%swap3A_686, %swap3A_687] {strides = array<i32>} : memref<128x128xf32, #tpu.memory_space<vmem>>, vector<16xf32>,
        tpu.vector_store %arg13[%swap3A_686, %swap3A_687], %mul3A_683 {strides = array<i32>} : memref<128x128xf32, #tpu.memory_space<vmem>>, vector<16xf32>,
        %add3A_689 = arith.constant 4 : i32
        %add3A_690 = arith.addi %add3A_244, %add3A_689 : i32
        %get3A_691 = arith.index_cast %add3A_690 : i32 to index
        %get3A_692 = arith.constant 48 : index
        %get3A_693 = tpu.vector_load %arg13[%get3A_691, %get3A_692] {strides = array<i32>} : memref<128x128xf32, #tpu.memory_space<vmem>>, vector<16xf32>,
        %mul3A_694 = arith.mulf %get3A_693, %gather3A_655 : vector<16xf32>
        %add3A_695 = arith.constant 4 : i32
        %add3A_696 = arith.addi %add3A_244, %add3A_695 : i32
        %swap3A_697 = arith.index_cast %add3A_696 : i32 to index
        %swap3A_698 = arith.constant 48 : index
        %swap3A_699 = tpu.vector_load %arg13[%swap3A_697, %swap3A_698] {strides = array<i32>} : memref<128x128xf32, #tpu.memory_space<vmem>>, vector<16xf32>,
        tpu.vector_store %arg13[%swap3A_697, %swap3A_698], %mul3A_694 {strides = array<i32>} : memref<128x128xf32, #tpu.memory_space<vmem>>, vector<16xf32>,
        %add3A_700 = arith.constant 4 : i32
        %add3A_701 = arith.addi %add3A_244, %add3A_700 : i32
        %get3A_702 = arith.index_cast %add3A_701 : i32 to index
        %get3A_703 = arith.constant 64 : index
        %get3A_704 = tpu.vector_load %arg13[%get3A_702, %get3A_703] {strides = array<i32>} : memref<128x128xf32, #tpu.memory_space<vmem>>, vector<16xf32>,
        %mul3A_705 = arith.mulf %get3A_704, %gather3A_655 : vector<16xf32>
        %add3A_706 = arith.constant 4 : i32
        %add3A_707 = arith.addi %add3A_244, %add3A_706 : i32
        %swap3A_708 = arith.index_cast %add3A_707 : i32 to index
        %swap3A_709 = arith.constant 64 : index
        %swap3A_710 = tpu.vector_load %arg13[%swap3A_708, %swap3A_709] {strides = array<i32>} : memref<128x128xf32, #tpu.memory_space<vmem>>, vector<16xf32>,
        tpu.vector_store %arg13[%swap3A_708, %swap3A_709], %mul3A_705 {strides = array<i32>} : memref<128x128xf32, #tpu.memory_space<vmem>>, vector<16xf32>,
        %add3A_711 = arith.constant 4 : i32
        %add3A_712 = arith.addi %add3A_244, %add3A_711 : i32
        %get3A_713 = arith.index_cast %add3A_712 : i32 to index
        %get3A_714 = arith.constant 80 : index
        %get3A_715 = tpu.vector_load %arg13[%get3A_713, %get3A_714] {strides = array<i32>} : memref<128x128xf32, #tpu.memory_space<vmem>>, vector<16xf32>,
        %mul3A_716 = arith.mulf %get3A_715, %gather3A_655 : vector<16xf32>
        %add3A_717 = arith.constant 4 : i32
        %add3A_718 = arith.addi %add3A_244, %add3A_717 : i32
        %swap3A_719 = arith.index_cast %add3A_718 : i32 to index
        %swap3A_720 = arith.constant 80 : index
        %swap3A_721 = tpu.vector_load %arg13[%swap3A_719, %swap3A_720] {strides = array<i32>} : memref<128x128xf32, #tpu.memory_space<vmem>>, vector<16xf32>,
        tpu.vector_store %arg13[%swap3A_719, %swap3A_720], %mul3A_716 {strides = array<i32>} : memref<128x128xf32, #tpu.memory_space<vmem>>, vector<16xf32>,
        %add3A_722 = arith.constant 4 : i32
        %add3A_723 = arith.addi %add3A_244, %add3A_722 : i32
        %get3A_724 = arith.index_cast %add3A_723 : i32 to index
        %get3A_725 = arith.constant 96 : index
        %get3A_726 = tpu.vector_load %arg13[%get3A_724, %get3A_725] {strides = array<i32>} : memref<128x128xf32, #tpu.memory_space<vmem>>, vector<16xf32>,
        %mul3A_727 = arith.mulf %get3A_726, %gather3A_655 : vector<16xf32>
        %add3A_728 = arith.constant 4 : i32
        %add3A_729 = arith.addi %add3A_244, %add3A_728 : i32
        %swap3A_730 = arith.index_cast %add3A_729 : i32 to index
        %swap3A_731 = arith.constant 96 : index
        %swap3A_732 = tpu.vector_load %arg13[%swap3A_730, %swap3A_731] {strides = array<i32>} : memref<128x128xf32, #tpu.memory_space<vmem>>, vector<16xf32>,
        tpu.vector_store %arg13[%swap3A_730, %swap3A_731], %mul3A_727 {strides = array<i32>} : memref<128x128xf32, #tpu.memory_space<vmem>>, vector<16xf32>,
        %add3A_733 = arith.constant 4 : i32
        %add3A_734 = arith.addi %add3A_244, %add3A_733 : i32
        %get3A_735 = arith.index_cast %add3A_734 : i32 to index
        %get3A_736 = arith.constant 112 : index
        %get3A_737 = tpu.vector_load %arg13[%get3A_735, %get3A_736] {strides = array<i32>} : memref<128x128xf32, #tpu.memory_space<vmem>>, vector<16xf32>,
        %mul3A_738 = arith.mulf %get3A_737, %gather3A_655 : vector<16xf32>
        %add3A_739 = arith.constant 4 : i32
        %add3A_740 = arith.addi %add3A_244, %add3A_739 : i32
        %swap3A_741 = arith.index_cast %add3A_740 : i32 to index
        %swap3A_742 = arith.constant 112 : index
        %swap3A_743 = tpu.vector_load %arg13[%swap3A_741, %swap3A_742] {strides = array<i32>} : memref<128x128xf32, #tpu.memory_space<vmem>>, vector<16xf32>,
        tpu.vector_store %arg13[%swap3A_741, %swap3A_742], %mul3A_738 {strides = array<i32>} : memref<128x128xf32, #tpu.memory_space<vmem>>, vector<16xf32>,
        %broadcast_in_dim3A_744 = arith.constant 5 : i32
        %broadcast_in_dim3A_745 = vector.broadcast %broadcast_in_dim3A_744 : i32 to vector<16xi32>
        %lt3A_746 = arith.constant 0 : i32
        %lt3A_747 = vector.broadcast %lt3A_746 : i32 to vector<16xi32>
        %lt3A_748 = arith.cmpi slt, %broadcast_in_dim3A_745, %lt3A_747 : vector<16xi32>
        %add3A_749 = arith.constant 16 : i32
        %add3A_750 = vector.broadcast %add3A_749 : i32 to vector<16xi32>
        %add3A_751 = arith.addi %broadcast_in_dim3A_745, %add3A_750 : vector<16xi32>
        %select_n3A_752 = arith.select %lt3A_748, %add3A_751, %broadcast_in_dim3A_745 : vector<16xi1>, vector<16xi32>
        %broadcast_in_dim3A_753 = vector.shape_cast %select_n3A_752 : vector<16xi32> to vector<16x1xi32>
        %gather3A_754 = vector.shape_cast %broadcast_in_dim3A_753 : vector<16x1xi32> to vector<16xi32>
        %gather3A_755 = tpu.dynamic_gather %get3A_246[%gather3A_754] in [0] : vector<16xf32>, vector<16xi32> -> vector<16xf32>
        %add3A_756 = arith.constant 5 : i32
        %add3A_757 = arith.addi %add3A_244, %add3A_756 : i32
        %get3A_758 = arith.index_cast %add3A_757 : i32 to index
        %get3A_759 = arith.constant 0 : index
        %get3A_760 = tpu.vector_load %arg13[%get3A_758, %get3A_759] {strides = array<i32>} : memref<128x128xf32, #tpu.memory_space<vmem>>, vector<16xf32>,
        %mul3A_761 = arith.mulf %get3A_760, %gather3A_755 : vector<16xf32>
        %add3A_762 = arith.constant 5 : i32
        %add3A_763 = arith.addi %add3A_244, %add3A_762 : i32
        %swap3A_764 = arith.index_cast %add3A_763 : i32 to index
        %swap3A_765 = arith.constant 0 : index
        %swap3A_766 = tpu.vector_load %arg13[%swap3A_764, %swap3A_765] {strides = array<i32>} : memref<128x128xf32, #tpu.memory_space<vmem>>, vector<16xf32>,
        tpu.vector_store %arg13[%swap3A_764, %swap3A_765], %mul3A_761 {strides = array<i32>} : memref<128x128xf32, #tpu.memory_space<vmem>>, vector<16xf32>,
        %add3A_767 = arith.constant 5 : i32
        %add3A_768 = arith.addi %add3A_244, %add3A_767 : i32
        %get3A_769 = arith.index_cast %add3A_768 : i32 to index
        %get3A_770 = arith.constant 16 : index
        %get3A_771 = tpu.vector_load %arg13[%get3A_769, %get3A_770] {strides = array<i32>} : memref<128x128xf32, #tpu.memory_space<vmem>>, vector<16xf32>,
        %mul3A_772 = arith.mulf %get3A_771, %gather3A_755 : vector<16xf32>
        %add3A_773 = arith.constant 5 : i32
        %add3A_774 = arith.addi %add3A_244, %add3A_773 : i32
        %swap3A_775 = arith.index_cast %add3A_774 : i32 to index
        %swap3A_776 = arith.constant 16 : index
        %swap3A_777 = tpu.vector_load %arg13[%swap3A_775, %swap3A_776] {strides = array<i32>} : memref<128x128xf32, #tpu.memory_space<vmem>>, vector<16xf32>,
        tpu.vector_store %arg13[%swap3A_775, %swap3A_776], %mul3A_772 {strides = array<i32>} : memref<128x128xf32, #tpu.memory_space<vmem>>, vector<16xf32>,
        %add3A_778 = arith.constant 5 : i32
        %add3A_779 = arith.addi %add3A_244, %add3A_778 : i32
        %get3A_780 = arith.index_cast %add3A_779 : i32 to index
        %get3A_781 = arith.constant 32 : index
        %get3A_782 = tpu.vector_load %arg13[%get3A_780, %get3A_781] {strides = array<i32>} : memref<128x128xf32, #tpu.memory_space<vmem>>, vector<16xf32>,
        %mul3A_783 = arith.mulf %get3A_782, %gather3A_755 : vector<16xf32>
        %add3A_784 = arith.constant 5 : i32
        %add3A_785 = arith.addi %add3A_244, %add3A_784 : i32
        %swap3A_786 = arith.index_cast %add3A_785 : i32 to index
        %swap3A_787 = arith.constant 32 : index
        %swap3A_788 = tpu.vector_load %arg13[%swap3A_786, %swap3A_787] {strides = array<i32>} : memref<128x128xf32, #tpu.memory_space<vmem>>, vector<16xf32>,
        tpu.vector_store %arg13[%swap3A_786, %swap3A_787], %mul3A_783 {strides = array<i32>} : memref<128x128xf32, #tpu.memory_space<vmem>>, vector<16xf32>,
        %add3A_789 = arith.constant 5 : i32
        %add3A_790 = arith.addi %add3A_244, %add3A_789 : i32
        %get3A_791 = arith.index_cast %add3A_790 : i32 to index
        %get3A_792 = arith.constant 48 : index
        %get3A_793 = tpu.vector_load %arg13[%get3A_791, %get3A_792] {strides = array<i32>} : memref<128x128xf32, #tpu.memory_space<vmem>>, vector<16xf32>,
        %mul3A_794 = arith.mulf %get3A_793, %gather3A_755 : vector<16xf32>
        %add3A_795 = arith.constant 5 : i32
        %add3A_796 = arith.addi %add3A_244, %add3A_795 : i32
        %swap3A_797 = arith.index_cast %add3A_796 : i32 to index
        %swap3A_798 = arith.constant 48 : index
        %swap3A_799 = tpu.vector_load %arg13[%swap3A_797, %swap3A_798] {strides = array<i32>} : memref<128x128xf32, #tpu.memory_space<vmem>>, vector<16xf32>,
        tpu.vector_store %arg13[%swap3A_797, %swap3A_798], %mul3A_794 {strides = array<i32>} : memref<128x128xf32, #tpu.memory_space<vmem>>, vector<16xf32>,
        %add3A_800 = arith.constant 5 : i32
        %add3A_801 = arith.addi %add3A_244, %add3A_800 : i32
        %get3A_802 = arith.index_cast %add3A_801 : i32 to index
        %get3A_803 = arith.constant 64 : index
        %get3A_804 = tpu.vector_load %arg13[%get3A_802, %get3A_803] {strides = array<i32>} : memref<128x128xf32, #tpu.memory_space<vmem>>, vector<16xf32>,
        %mul3A_805 = arith.mulf %get3A_804, %gather3A_755 : vector<16xf32>
        %add3A_806 = arith.constant 5 : i32
        %add3A_807 = arith.addi %add3A_244, %add3A_806 : i32
        %swap3A_808 = arith.index_cast %add3A_807 : i32 to index
        %swap3A_809 = arith.constant 64 : index
        %swap3A_810 = tpu.vector_load %arg13[%swap3A_808, %swap3A_809] {strides = array<i32>} : memref<128x128xf32, #tpu.memory_space<vmem>>, vector<16xf32>,
        tpu.vector_store %arg13[%swap3A_808, %swap3A_809], %mul3A_805 {strides = array<i32>} : memref<128x128xf32, #tpu.memory_space<vmem>>, vector<16xf32>,
        %add3A_811 = arith.constant 5 : i32
        %add3A_812 = arith.addi %add3A_244, %add3A_811 : i32
        %get3A_813 = arith.index_cast %add3A_812 : i32 to index
        %get3A_814 = arith.constant 80 : index
        %get3A_815 = tpu.vector_load %arg13[%get3A_813, %get3A_814] {strides = array<i32>} : memref<128x128xf32, #tpu.memory_space<vmem>>, vector<16xf32>,
        %mul3A_816 = arith.mulf %get3A_815, %gather3A_755 : vector<16xf32>
        %add3A_817 = arith.constant 5 : i32
        %add3A_818 = arith.addi %add3A_244, %add3A_817 : i32
        %swap3A_819 = arith.index_cast %add3A_818 : i32 to index
        %swap3A_820 = arith.constant 80 : index
        %swap3A_821 = tpu.vector_load %arg13[%swap3A_819, %swap3A_820] {strides = array<i32>} : memref<128x128xf32, #tpu.memory_space<vmem>>, vector<16xf32>,
        tpu.vector_store %arg13[%swap3A_819, %swap3A_820], %mul3A_816 {strides = array<i32>} : memref<128x128xf32, #tpu.memory_space<vmem>>, vector<16xf32>,
        %add3A_822 = arith.constant 5 : i32
        %add3A_823 = arith.addi %add3A_244, %add3A_822 : i32
        %get3A_824 = arith.index_cast %add3A_823 : i32 to index
        %get3A_825 = arith.constant 96 : index
        %get3A_826 = tpu.vector_load %arg13[%get3A_824, %get3A_825] {strides = array<i32>} : memref<128x128xf32, #tpu.memory_space<vmem>>, vector<16xf32>,
        %mul3A_827 = arith.mulf %get3A_826, %gather3A_755 : vector<16xf32>
        %add3A_828 = arith.constant 5 : i32
        %add3A_829 = arith.addi %add3A_244, %add3A_828 : i32
        %swap3A_830 = arith.index_cast %add3A_829 : i32 to index
        %swap3A_831 = arith.constant 96 : index
        %swap3A_832 = tpu.vector_load %arg13[%swap3A_830, %swap3A_831] {strides = array<i32>} : memref<128x128xf32, #tpu.memory_space<vmem>>, vector<16xf32>,
        tpu.vector_store %arg13[%swap3A_830, %swap3A_831], %mul3A_827 {strides = array<i32>} : memref<128x128xf32, #tpu.memory_space<vmem>>, vector<16xf32>,
        %add3A_833 = arith.constant 5 : i32
        %add3A_834 = arith.addi %add3A_244, %add3A_833 : i32
        %get3A_835 = arith.index_cast %add3A_834 : i32 to index
        %get3A_836 = arith.constant 112 : index
        %get3A_837 = tpu.vector_load %arg13[%get3A_835, %get3A_836] {strides = array<i32>} : memref<128x128xf32, #tpu.memory_space<vmem>>, vector<16xf32>,
        %mul3A_838 = arith.mulf %get3A_837, %gather3A_755 : vector<16xf32>
        %add3A_839 = arith.constant 5 : i32
        %add3A_840 = arith.addi %add3A_244, %add3A_839 : i32
        %swap3A_841 = arith.index_cast %add3A_840 : i32 to index
        %swap3A_842 = arith.constant 112 : index
        %swap3A_843 = tpu.vector_load %arg13[%swap3A_841, %swap3A_842] {strides = array<i32>} : memref<128x128xf32, #tpu.memory_space<vmem>>, vector<16xf32>,
        tpu.vector_store %arg13[%swap3A_841, %swap3A_842], %mul3A_838 {strides = array<i32>} : memref<128x128xf32, #tpu.memory_space<vmem>>, vector<16xf32>,
        %broadcast_in_dim3A_844 = arith.constant 6 : i32
        %broadcast_in_dim3A_845 = vector.broadcast %broadcast_in_dim3A_844 : i32 to vector<16xi32>
        %lt3A_846 = arith.constant 0 : i32
        %lt3A_847 = vector.broadcast %lt3A_846 : i32 to vector<16xi32>
        %lt3A_848 = arith.cmpi slt, %broadcast_in_dim3A_845, %lt3A_847 : vector<16xi32>
        %add3A_849 = arith.constant 16 : i32
        %add3A_850 = vector.broadcast %add3A_849 : i32 to vector<16xi32>
        %add3A_851 = arith.addi %broadcast_in_dim3A_845, %add3A_850 : vector<16xi32>
        %select_n3A_852 = arith.select %lt3A_848, %add3A_851, %broadcast_in_dim3A_845 : vector<16xi1>, vector<16xi32>
        %broadcast_in_dim3A_853 = vector.shape_cast %select_n3A_852 : vector<16xi32> to vector<16x1xi32>
        %gather3A_854 = vector.shape_cast %broadcast_in_dim3A_853 : vector<16x1xi32> to vector<16xi32>
        %gather3A_855 = tpu.dynamic_gather %get3A_246[%gather3A_854] in [0] : vector<16xf32>, vector<16xi32> -> vector<16xf32>
        %add3A_856 = arith.constant 6 : i32
        %add3A_857 = arith.addi %add3A_244, %add3A_856 : i32
        %get3A_858 = arith.index_cast %add3A_857 : i32 to index
        %get3A_859 = arith.constant 0 : index
        %get3A_860 = tpu.vector_load %arg13[%get3A_858, %get3A_859] {strides = array<i32>} : memref<128x128xf32, #tpu.memory_space<vmem>>, vector<16xf32>,
        %mul3A_861 = arith.mulf %get3A_860, %gather3A_855 : vector<16xf32>
        %add3A_862 = arith.constant 6 : i32
        %add3A_863 = arith.addi %add3A_244, %add3A_862 : i32
        %swap3A_864 = arith.index_cast %add3A_863 : i32 to index
        %swap3A_865 = arith.constant 0 : index
        %swap3A_866 = tpu.vector_load %arg13[%swap3A_864, %swap3A_865] {strides = array<i32>} : memref<128x128xf32, #tpu.memory_space<vmem>>, vector<16xf32>,
        tpu.vector_store %arg13[%swap3A_864, %swap3A_865], %mul3A_861 {strides = array<i32>} : memref<128x128xf32, #tpu.memory_space<vmem>>, vector<16xf32>,
        %add3A_867 = arith.constant 6 : i32
        %add3A_868 = arith.addi %add3A_244, %add3A_867 : i32
        %get3A_869 = arith.index_cast %add3A_868 : i32 to index
        %get3A_870 = arith.constant 16 : index
        %get3A_871 = tpu.vector_load %arg13[%get3A_869, %get3A_870] {strides = array<i32>} : memref<128x128xf32, #tpu.memory_space<vmem>>, vector<16xf32>,
        %mul3A_872 = arith.mulf %get3A_871, %gather3A_855 : vector<16xf32>
        %add3A_873 = arith.constant 6 : i32
        %add3A_874 = arith.addi %add3A_244, %add3A_873 : i32
        %swap3A_875 = arith.index_cast %add3A_874 : i32 to index
        %swap3A_876 = arith.constant 16 : index
        %swap3A_877 = tpu.vector_load %arg13[%swap3A_875, %swap3A_876] {strides = array<i32>} : memref<128x128xf32, #tpu.memory_space<vmem>>, vector<16xf32>,
        tpu.vector_store %arg13[%swap3A_875, %swap3A_876], %mul3A_872 {strides = array<i32>} : memref<128x128xf32, #tpu.memory_space<vmem>>, vector<16xf32>,
        %add3A_878 = arith.constant 6 : i32
        %add3A_879 = arith.addi %add3A_244, %add3A_878 : i32
        %get3A_880 = arith.index_cast %add3A_879 : i32 to index
        %get3A_881 = arith.constant 32 : index
        %get3A_882 = tpu.vector_load %arg13[%get3A_880, %get3A_881] {strides = array<i32>} : memref<128x128xf32, #tpu.memory_space<vmem>>, vector<16xf32>,
        %mul3A_883 = arith.mulf %get3A_882, %gather3A_855 : vector<16xf32>
        %add3A_884 = arith.constant 6 : i32
        %add3A_885 = arith.addi %add3A_244, %add3A_884 : i32
        %swap3A_886 = arith.index_cast %add3A_885 : i32 to index
        %swap3A_887 = arith.constant 32 : index
        %swap3A_888 = tpu.vector_load %arg13[%swap3A_886, %swap3A_887] {strides = array<i32>} : memref<128x128xf32, #tpu.memory_space<vmem>>, vector<16xf32>,
        tpu.vector_store %arg13[%swap3A_886, %swap3A_887], %mul3A_883 {strides = array<i32>} : memref<128x128xf32, #tpu.memory_space<vmem>>, vector<16xf32>,
        %add3A_889 = arith.constant 6 : i32
        %add3A_890 = arith.addi %add3A_244, %add3A_889 : i32
        %get3A_891 = arith.index_cast %add3A_890 : i32 to index
        %get3A_892 = arith.constant 48 : index
        %get3A_893 = tpu.vector_load %arg13[%get3A_891, %get3A_892] {strides = array<i32>} : memref<128x128xf32, #tpu.memory_space<vmem>>, vector<16xf32>,
        %mul3A_894 = arith.mulf %get3A_893, %gather3A_855 : vector<16xf32>
        %add3A_895 = arith.constant 6 : i32
        %add3A_896 = arith.addi %add3A_244, %add3A_895 : i32
        %swap3A_897 = arith.index_cast %add3A_896 : i32 to index
        %swap3A_898 = arith.constant 48 : index
        %swap3A_899 = tpu.vector_load %arg13[%swap3A_897, %swap3A_898] {strides = array<i32>} : memref<128x128xf32, #tpu.memory_space<vmem>>, vector<16xf32>,
        tpu.vector_store %arg13[%swap3A_897, %swap3A_898], %mul3A_894 {strides = array<i32>} : memref<128x128xf32, #tpu.memory_space<vmem>>, vector<16xf32>,
        %add3A_900 = arith.constant 6 : i32
        %add3A_901 = arith.addi %add3A_244, %add3A_900 : i32
        %get3A_902 = arith.index_cast %add3A_901 : i32 to index
        %get3A_903 = arith.constant 64 : index
        %get3A_904 = tpu.vector_load %arg13[%get3A_902, %get3A_903] {strides = array<i32>} : memref<128x128xf32, #tpu.memory_space<vmem>>, vector<16xf32>,
        %mul3A_905 = arith.mulf %get3A_904, %gather3A_855 : vector<16xf32>
        %add3A_906 = arith.constant 6 : i32
        %add3A_907 = arith.addi %add3A_244, %add3A_906 : i32
        %swap3A_908 = arith.index_cast %add3A_907 : i32 to index
        %swap3A_909 = arith.constant 64 : index
        %swap3A_910 = tpu.vector_load %arg13[%swap3A_908, %swap3A_909] {strides = array<i32>} : memref<128x128xf32, #tpu.memory_space<vmem>>, vector<16xf32>,
        tpu.vector_store %arg13[%swap3A_908, %swap3A_909], %mul3A_905 {strides = array<i32>} : memref<128x128xf32, #tpu.memory_space<vmem>>, vector<16xf32>,
        %add3A_911 = arith.constant 6 : i32
        %add3A_912 = arith.addi %add3A_244, %add3A_911 : i32
        %get3A_913 = arith.index_cast %add3A_912 : i32 to index
        %get3A_914 = arith.constant 80 : index
        %get3A_915 = tpu.vector_load %arg13[%get3A_913, %get3A_914] {strides = array<i32>} : memref<128x128xf32, #tpu.memory_space<vmem>>, vector<16xf32>,
        %mul3A_916 = arith.mulf %get3A_915, %gather3A_855 : vector<16xf32>
        %add3A_917 = arith.constant 6 : i32
        %add3A_918 = arith.addi %add3A_244, %add3A_917 : i32
        %swap3A_919 = arith.index_cast %add3A_918 : i32 to index
        %swap3A_920 = arith.constant 80 : index
        %swap3A_921 = tpu.vector_load %arg13[%swap3A_919, %swap3A_920] {strides = array<i32>} : memref<128x128xf32, #tpu.memory_space<vmem>>, vector<16xf32>,
        tpu.vector_store %arg13[%swap3A_919, %swap3A_920], %mul3A_916 {strides = array<i32>} : memref<128x128xf32, #tpu.memory_space<vmem>>, vector<16xf32>,
        %add3A_922 = arith.constant 6 : i32
        %add3A_923 = arith.addi %add3A_244, %add3A_922 : i32
        %get3A_924 = arith.index_cast %add3A_923 : i32 to index
        %get3A_925 = arith.constant 96 : index
        %get3A_926 = tpu.vector_load %arg13[%get3A_924, %get3A_925] {strides = array<i32>} : memref<128x128xf32, #tpu.memory_space<vmem>>, vector<16xf32>,
        %mul3A_927 = arith.mulf %get3A_926, %gather3A_855 : vector<16xf32>
        %add3A_928 = arith.constant 6 : i32
        %add3A_929 = arith.addi %add3A_244, %add3A_928 : i32
        %swap3A_930 = arith.index_cast %add3A_929 : i32 to index
        %swap3A_931 = arith.constant 96 : index
        %swap3A_932 = tpu.vector_load %arg13[%swap3A_930, %swap3A_931] {strides = array<i32>} : memref<128x128xf32, #tpu.memory_space<vmem>>, vector<16xf32>,
        tpu.vector_store %arg13[%swap3A_930, %swap3A_931], %mul3A_927 {strides = array<i32>} : memref<128x128xf32, #tpu.memory_space<vmem>>, vector<16xf32>,
        %add3A_933 = arith.constant 6 : i32
        %add3A_934 = arith.addi %add3A_244, %add3A_933 : i32
        %get3A_935 = arith.index_cast %add3A_934 : i32 to index
        %get3A_936 = arith.constant 112 : index
        %get3A_937 = tpu.vector_load %arg13[%get3A_935, %get3A_936] {strides = array<i32>} : memref<128x128xf32, #tpu.memory_space<vmem>>, vector<16xf32>,
        %mul3A_938 = arith.mulf %get3A_937, %gather3A_855 : vector<16xf32>
        %add3A_939 = arith.constant 6 : i32
        %add3A_940 = arith.addi %add3A_244, %add3A_939 : i32
        %swap3A_941 = arith.index_cast %add3A_940 : i32 to index
        %swap3A_942 = arith.constant 112 : index
        %swap3A_943 = tpu.vector_load %arg13[%swap3A_941, %swap3A_942] {strides = array<i32>} : memref<128x128xf32, #tpu.memory_space<vmem>>, vector<16xf32>,
        tpu.vector_store %arg13[%swap3A_941, %swap3A_942], %mul3A_938 {strides = array<i32>} : memref<128x128xf32, #tpu.memory_space<vmem>>, vector<16xf32>,
        %broadcast_in_dim3A_944 = arith.constant 7 : i32
        %broadcast_in_dim3A_945 = vector.broadcast %broadcast_in_dim3A_944 : i32 to vector<16xi32>
        %lt3A_946 = arith.constant 0 : i32
        %lt3A_947 = vector.broadcast %lt3A_946 : i32 to vector<16xi32>
        %lt3A_948 = arith.cmpi slt, %broadcast_in_dim3A_945, %lt3A_947 : vector<16xi32>
        %add3A_949 = arith.constant 16 : i32
        %add3A_950 = vector.broadcast %add3A_949 : i32 to vector<16xi32>
        %add3A_951 = arith.addi %broadcast_in_dim3A_945, %add3A_950 : vector<16xi32>
        %select_n3A_952 = arith.select %lt3A_948, %add3A_951, %broadcast_in_dim3A_945 : vector<16xi1>, vector<16xi32>
        %broadcast_in_dim3A_953 = vector.shape_cast %select_n3A_952 : vector<16xi32> to vector<16x1xi32>
        %gather3A_954 = vector.shape_cast %broadcast_in_dim3A_953 : vector<16x1xi32> to vector<16xi32>
        %gather3A_955 = tpu.dynamic_gather %get3A_246[%gather3A_954] in [0] : vector<16xf32>, vector<16xi32> -> vector<16xf32>
        %add3A_956 = arith.constant 7 : i32
        %add3A_957 = arith.addi %add3A_244, %add3A_956 : i32
        %get3A_958 = arith.index_cast %add3A_957 : i32 to index
        %get3A_959 = arith.constant 0 : index
        %get3A_960 = tpu.vector_load %arg13[%get3A_958, %get3A_959] {strides = array<i32>} : memref<128x128xf32, #tpu.memory_space<vmem>>, vector<16xf32>,
        %mul3A_961 = arith.mulf %get3A_960, %gather3A_955 : vector<16xf32>
        %add3A_962 = arith.constant 7 : i32
        %add3A_963 = arith.addi %add3A_244, %add3A_962 : i32
        %swap3A_964 = arith.index_cast %add3A_963 : i32 to index
        %swap3A_965 = arith.constant 0 : index
        %swap3A_966 = tpu.vector_load %arg13[%swap3A_964, %swap3A_965] {strides = array<i32>} : memref<128x128xf32, #tpu.memory_space<vmem>>, vector<16xf32>,
        tpu.vector_store %arg13[%swap3A_964, %swap3A_965], %mul3A_961 {strides = array<i32>} : memref<128x128xf32, #tpu.memory_space<vmem>>, vector<16xf32>,
        %add3A_967 = arith.constant 7 : i32
        %add3A_968 = arith.addi %add3A_244, %add3A_967 : i32
        %get3A_969 = arith.index_cast %add3A_968 : i32 to index
        %get3A_970 = arith.constant 16 : index
        %get3A_971 = tpu.vector_load %arg13[%get3A_969, %get3A_970] {strides = array<i32>} : memref<128x128xf32, #tpu.memory_space<vmem>>, vector<16xf32>,
        %mul3A_972 = arith.mulf %get3A_971, %gather3A_955 : vector<16xf32>
        %add3A_973 = arith.constant 7 : i32
        %add3A_974 = arith.addi %add3A_244, %add3A_973 : i32
        %swap3A_975 = arith.index_cast %add3A_974 : i32 to index
        %swap3A_976 = arith.constant 16 : index
        %swap3A_977 = tpu.vector_load %arg13[%swap3A_975, %swap3A_976] {strides = array<i32>} : memref<128x128xf32, #tpu.memory_space<vmem>>, vector<16xf32>,
        tpu.vector_store %arg13[%swap3A_975, %swap3A_976], %mul3A_972 {strides = array<i32>} : memref<128x128xf32, #tpu.memory_space<vmem>>, vector<16xf32>,
        %add3A_978 = arith.constant 7 : i32
        %add3A_979 = arith.addi %add3A_244, %add3A_978 : i32
        %get3A_980 = arith.index_cast %add3A_979 : i32 to index
        %get3A_981 = arith.constant 32 : index
        %get3A_982 = tpu.vector_load %arg13[%get3A_980, %get3A_981] {strides = array<i32>} : memref<128x128xf32, #tpu.memory_space<vmem>>, vector<16xf32>,
        %mul3A_983 = arith.mulf %get3A_982, %gather3A_955 : vector<16xf32>
        %add3A_984 = arith.constant 7 : i32
        %add3A_985 = arith.addi %add3A_244, %add3A_984 : i32
        %swap3A_986 = arith.index_cast %add3A_985 : i32 to index
        %swap3A_987 = arith.constant 32 : index
        %swap3A_988 = tpu.vector_load %arg13[%swap3A_986, %swap3A_987] {strides = array<i32>} : memref<128x128xf32, #tpu.memory_space<vmem>>, vector<16xf32>,
        tpu.vector_store %arg13[%swap3A_986, %swap3A_987], %mul3A_983 {strides = array<i32>} : memref<128x128xf32, #tpu.memory_space<vmem>>, vector<16xf32>,
        %add3A_989 = arith.constant 7 : i32
        %add3A_990 = arith.addi %add3A_244, %add3A_989 : i32
        %get3A_991 = arith.index_cast %add3A_990 : i32 to index
        %get3A_992 = arith.constant 48 : index
        %get3A_993 = tpu.vector_load %arg13[%get3A_991, %get3A_992] {strides = array<i32>} : memref<128x128xf32, #tpu.memory_space<vmem>>, vector<16xf32>,
        %mul3A_994 = arith.mulf %get3A_993, %gather3A_955 : vector<16xf32>
        %add3A_995 = arith.constant 7 : i32
        %add3A_996 = arith.addi %add3A_244, %add3A_995 : i32
        %swap3A_997 = arith.index_cast %add3A_996 : i32 to index
        %swap3A_998 = arith.constant 48 : index
        %swap3A_999 = tpu.vector_load %arg13[%swap3A_997, %swap3A_998] {strides = array<i32>} : memref<128x128xf32, #tpu.memory_space<vmem>>, vector<16xf32>,
        tpu.vector_store %arg13[%swap3A_997, %swap3A_998], %mul3A_994 {strides = array<i32>} : memref<128x128xf32, #tpu.memory_space<vmem>>, vector<16xf32>,
        %add3A_1000 = arith.constant 7 : i32
        %add3A_1001 = arith.addi %add3A_244, %add3A_1000 : i32
        %get3A_1002 = arith.index_cast %add3A_1001 : i32 to index
        %get3A_1003 = arith.constant 64 : index
        %get3A_1004 = tpu.vector_load %arg13[%get3A_1002, %get3A_1003] {strides = array<i32>} : memref<128x128xf32, #tpu.memory_space<vmem>>, vector<16xf32>,
        %mul3A_1005 = arith.mulf %get3A_1004, %gather3A_955 : vector<16xf32>
        %add3A_1006 = arith.constant 7 : i32
        %add3A_1007 = arith.addi %add3A_244, %add3A_1006 : i32
        %swap3A_1008 = arith.index_cast %add3A_1007 : i32 to index
        %swap3A_1009 = arith.constant 64 : index
        %swap3A_1010 = tpu.vector_load %arg13[%swap3A_1008, %swap3A_1009] {strides = array<i32>} : memref<128x128xf32, #tpu.memory_space<vmem>>, vector<16xf32>,
        tpu.vector_store %arg13[%swap3A_1008, %swap3A_1009], %mul3A_1005 {strides = array<i32>} : memref<128x128xf32, #tpu.memory_space<vmem>>, vector<16xf32>,
        %add3A_1011 = arith.constant 7 : i32
        %add3A_1012 = arith.addi %add3A_244, %add3A_1011 : i32
        %get3A_1013 = arith.index_cast %add3A_1012 : i32 to index
        %get3A_1014 = arith.constant 80 : index
        %get3A_1015 = tpu.vector_load %arg13[%get3A_1013, %get3A_1014] {strides = array<i32>} : memref<128x128xf32, #tpu.memory_space<vmem>>, vector<16xf32>,
        %mul3A_1016 = arith.mulf %get3A_1015, %gather3A_955 : vector<16xf32>
        %add3A_1017 = arith.constant 7 : i32
        %add3A_1018 = arith.addi %add3A_244, %add3A_1017 : i32
        %swap3A_1019 = arith.index_cast %add3A_1018 : i32 to index
        %swap3A_1020 = arith.constant 80 : index
        %swap3A_1021 = tpu.vector_load %arg13[%swap3A_1019, %swap3A_1020] {strides = array<i32>} : memref<128x128xf32, #tpu.memory_space<vmem>>, vector<16xf32>,
        tpu.vector_store %arg13[%swap3A_1019, %swap3A_1020], %mul3A_1016 {strides = array<i32>} : memref<128x128xf32, #tpu.memory_space<vmem>>, vector<16xf32>,
        %add3A_1022 = arith.constant 7 : i32
        %add3A_1023 = arith.addi %add3A_244, %add3A_1022 : i32
        %get3A_1024 = arith.index_cast %add3A_1023 : i32 to index
        %get3A_1025 = arith.constant 96 : index
        %get3A_1026 = tpu.vector_load %arg13[%get3A_1024, %get3A_1025] {strides = array<i32>} : memref<128x128xf32, #tpu.memory_space<vmem>>, vector<16xf32>,
        %mul3A_1027 = arith.mulf %get3A_1026, %gather3A_955 : vector<16xf32>
        %add3A_1028 = arith.constant 7 : i32
        %add3A_1029 = arith.addi %add3A_244, %add3A_1028 : i32
        %swap3A_1030 = arith.index_cast %add3A_1029 : i32 to index
        %swap3A_1031 = arith.constant 96 : index
        %swap3A_1032 = tpu.vector_load %arg13[%swap3A_1030, %swap3A_1031] {strides = array<i32>} : memref<128x128xf32, #tpu.memory_space<vmem>>, vector<16xf32>,
        tpu.vector_store %arg13[%swap3A_1030, %swap3A_1031], %mul3A_1027 {strides = array<i32>} : memref<128x128xf32, #tpu.memory_space<vmem>>, vector<16xf32>,
        %add3A_1033 = arith.constant 7 : i32
        %add3A_1034 = arith.addi %add3A_244, %add3A_1033 : i32
        %get3A_1035 = arith.index_cast %add3A_1034 : i32 to index
        %get3A_1036 = arith.constant 112 : index
        %get3A_1037 = tpu.vector_load %arg13[%get3A_1035, %get3A_1036] {strides = array<i32>} : memref<128x128xf32, #tpu.memory_space<vmem>>, vector<16xf32>,
        %mul3A_1038 = arith.mulf %get3A_1037, %gather3A_955 : vector<16xf32>
        %add3A_1039 = arith.constant 7 : i32
        %add3A_1040 = arith.addi %add3A_244, %add3A_1039 : i32
        %swap3A_1041 = arith.index_cast %add3A_1040 : i32 to index
        %swap3A_1042 = arith.constant 112 : index
        %swap3A_1043 = tpu.vector_load %arg13[%swap3A_1041, %swap3A_1042] {strides = array<i32>} : memref<128x128xf32, #tpu.memory_space<vmem>>, vector<16xf32>,
        tpu.vector_store %arg13[%swap3A_1041, %swap3A_1042], %mul3A_1038 {strides = array<i32>} : memref<128x128xf32, #tpu.memory_space<vmem>>, vector<16xf32>,
        %broadcast_in_dim3A_1044 = arith.constant 8 : i32
        %broadcast_in_dim3A_1045 = vector.broadcast %broadcast_in_dim3A_1044 : i32 to vector<16xi32>
        %lt3A_1046 = arith.constant 0 : i32
        %lt3A_1047 = vector.broadcast %lt3A_1046 : i32 to vector<16xi32>
        %lt3A_1048 = arith.cmpi slt, %broadcast_in_dim3A_1045, %lt3A_1047 : vector<16xi32>
        %add3A_1049 = arith.constant 16 : i32
        %add3A_1050 = vector.broadcast %add3A_1049 : i32 to vector<16xi32>
        %add3A_1051 = arith.addi %broadcast_in_dim3A_1045, %add3A_1050 : vector<16xi32>
        %select_n3A_1052 = arith.select %lt3A_1048, %add3A_1051, %broadcast_in_dim3A_1045 : vector<16xi1>, vector<16xi32>
        %broadcast_in_dim3A_1053 = vector.shape_cast %select_n3A_1052 : vector<16xi32> to vector<16x1xi32>
        %gather3A_1054 = vector.shape_cast %broadcast_in_dim3A_1053 : vector<16x1xi32> to vector<16xi32>
        %gather3A_1055 = tpu.dynamic_gather %get3A_246[%gather3A_1054] in [0] : vector<16xf32>, vector<16xi32> -> vector<16xf32>
        %add3A_1056 = arith.constant 8 : i32
        %add3A_1057 = arith.addi %add3A_244, %add3A_1056 : i32
        %get3A_1058 = arith.index_cast %add3A_1057 : i32 to index
        %get3A_1059 = arith.constant 0 : index
        %get3A_1060 = tpu.vector_load %arg13[%get3A_1058, %get3A_1059] {strides = array<i32>} : memref<128x128xf32, #tpu.memory_space<vmem>>, vector<16xf32>,
        %mul3A_1061 = arith.mulf %get3A_1060, %gather3A_1055 : vector<16xf32>
        %add3A_1062 = arith.constant 8 : i32
        %add3A_1063 = arith.addi %add3A_244, %add3A_1062 : i32
        %swap3A_1064 = arith.index_cast %add3A_1063 : i32 to index
        %swap3A_1065 = arith.constant 0 : index
        %swap3A_1066 = tpu.vector_load %arg13[%swap3A_1064, %swap3A_1065] {strides = array<i32>} : memref<128x128xf32, #tpu.memory_space<vmem>>, vector<16xf32>,
        tpu.vector_store %arg13[%swap3A_1064, %swap3A_1065], %mul3A_1061 {strides = array<i32>} : memref<128x128xf32, #tpu.memory_space<vmem>>, vector<16xf32>,
        %add3A_1067 = arith.constant 8 : i32
        %add3A_1068 = arith.addi %add3A_244, %add3A_1067 : i32
        %get3A_1069 = arith.index_cast %add3A_1068 : i32 to index
        %get3A_1070 = arith.constant 16 : index
        %get3A_1071 = tpu.vector_load %arg13[%get3A_1069, %get3A_1070] {strides = array<i32>} : memref<128x128xf32, #tpu.memory_space<vmem>>, vector<16xf32>,
        %mul3A_1072 = arith.mulf %get3A_1071, %gather3A_1055 : vector<16xf32>
        %add3A_1073 = arith.constant 8 : i32
        %add3A_1074 = arith.addi %add3A_244, %add3A_1073 : i32
        %swap3A_1075 = arith.index_cast %add3A_1074 : i32 to index
        %swap3A_1076 = arith.constant 16 : index
        %swap3A_1077 = tpu.vector_load %arg13[%swap3A_1075, %swap3A_1076] {strides = array<i32>} : memref<128x128xf32, #tpu.memory_space<vmem>>, vector<16xf32>,
        tpu.vector_store %arg13[%swap3A_1075, %swap3A_1076], %mul3A_1072 {strides = array<i32>} : memref<128x128xf32, #tpu.memory_space<vmem>>, vector<16xf32>,
        %add3A_1078 = arith.constant 8 : i32
        %add3A_1079 = arith.addi %add3A_244, %add3A_1078 : i32
        %get3A_1080 = arith.index_cast %add3A_1079 : i32 to index
        %get3A_1081 = arith.constant 32 : index
        %get3A_1082 = tpu.vector_load %arg13[%get3A_1080, %get3A_1081] {strides = array<i32>} : memref<128x128xf32, #tpu.memory_space<vmem>>, vector<16xf32>,
        %mul3A_1083 = arith.mulf %get3A_1082, %gather3A_1055 : vector<16xf32>
        %add3A_1084 = arith.constant 8 : i32
        %add3A_1085 = arith.addi %add3A_244, %add3A_1084 : i32
        %swap3A_1086 = arith.index_cast %add3A_1085 : i32 to index
        %swap3A_1087 = arith.constant 32 : index
        %swap3A_1088 = tpu.vector_load %arg13[%swap3A_1086, %swap3A_1087] {strides = array<i32>} : memref<128x128xf32, #tpu.memory_space<vmem>>, vector<16xf32>,
        tpu.vector_store %arg13[%swap3A_1086, %swap3A_1087], %mul3A_1083 {strides = array<i32>} : memref<128x128xf32, #tpu.memory_space<vmem>>, vector<16xf32>,
        %add3A_1089 = arith.constant 8 : i32
        %add3A_1090 = arith.addi %add3A_244, %add3A_1089 : i32
        %get3A_1091 = arith.index_cast %add3A_1090 : i32 to index
        %get3A_1092 = arith.constant 48 : index
        %get3A_1093 = tpu.vector_load %arg13[%get3A_1091, %get3A_1092] {strides = array<i32>} : memref<128x128xf32, #tpu.memory_space<vmem>>, vector<16xf32>,
        %mul3A_1094 = arith.mulf %get3A_1093, %gather3A_1055 : vector<16xf32>
        %add3A_1095 = arith.constant 8 : i32
        %add3A_1096 = arith.addi %add3A_244, %add3A_1095 : i32
        %swap3A_1097 = arith.index_cast %add3A_1096 : i32 to index
        %swap3A_1098 = arith.constant 48 : index
        %swap3A_1099 = tpu.vector_load %arg13[%swap3A_1097, %swap3A_1098] {strides = array<i32>} : memref<128x128xf32, #tpu.memory_space<vmem>>, vector<16xf32>,
        tpu.vector_store %arg13[%swap3A_1097, %swap3A_1098], %mul3A_1094 {strides = array<i32>} : memref<128x128xf32, #tpu.memory_space<vmem>>, vector<16xf32>,
        %add3A_1100 = arith.constant 8 : i32
        %add3A_1101 = arith.addi %add3A_244, %add3A_1100 : i32
        %get3A_1102 = arith.index_cast %add3A_1101 : i32 to index
        %get3A_1103 = arith.constant 64 : index
        %get3A_1104 = tpu.vector_load %arg13[%get3A_1102, %get3A_1103] {strides = array<i32>} : memref<128x128xf32, #tpu.memory_space<vmem>>, vector<16xf32>,
        %mul3A_1105 = arith.mulf %get3A_1104, %gather3A_1055 : vector<16xf32>
        %add3A_1106 = arith.constant 8 : i32
        %add3A_1107 = arith.addi %add3A_244, %add3A_1106 : i32
        %swap3A_1108 = arith.index_cast %add3A_1107 : i32 to index
        %swap3A_1109 = arith.constant 64 : index
        %swap3A_1110 = tpu.vector_load %arg13[%swap3A_1108, %swap3A_1109] {strides = array<i32>} : memref<128x128xf32, #tpu.memory_space<vmem>>, vector<16xf32>,
        tpu.vector_store %arg13[%swap3A_1108, %swap3A_1109], %mul3A_1105 {strides = array<i32>} : memref<128x128xf32, #tpu.memory_space<vmem>>, vector<16xf32>,
        %add3A_1111 = arith.constant 8 : i32
        %add3A_1112 = arith.addi %add3A_244, %add3A_1111 : i32
        %get3A_1113 = arith.index_cast %add3A_1112 : i32 to index
        %get3A_1114 = arith.constant 80 : index
        %get3A_1115 = tpu.vector_load %arg13[%get3A_1113, %get3A_1114] {strides = array<i32>} : memref<128x128xf32, #tpu.memory_space<vmem>>, vector<16xf32>,
        %mul3A_1116 = arith.mulf %get3A_1115, %gather3A_1055 : vector<16xf32>
        %add3A_1117 = arith.constant 8 : i32
        %add3A_1118 = arith.addi %add3A_244, %add3A_1117 : i32
        %swap3A_1119 = arith.index_cast %add3A_1118 : i32 to index
        %swap3A_1120 = arith.constant 80 : index
        %swap3A_1121 = tpu.vector_load %arg13[%swap3A_1119, %swap3A_1120] {strides = array<i32>} : memref<128x128xf32, #tpu.memory_space<vmem>>, vector<16xf32>,
        tpu.vector_store %arg13[%swap3A_1119, %swap3A_1120], %mul3A_1116 {strides = array<i32>} : memref<128x128xf32, #tpu.memory_space<vmem>>, vector<16xf32>,
        %add3A_1122 = arith.constant 8 : i32
        %add3A_1123 = arith.addi %add3A_244, %add3A_1122 : i32
        %get3A_1124 = arith.index_cast %add3A_1123 : i32 to index
        %get3A_1125 = arith.constant 96 : index
        %get3A_1126 = tpu.vector_load %arg13[%get3A_1124, %get3A_1125] {strides = array<i32>} : memref<128x128xf32, #tpu.memory_space<vmem>>, vector<16xf32>,
        %mul3A_1127 = arith.mulf %get3A_1126, %gather3A_1055 : vector<16xf32>
        %add3A_1128 = arith.constant 8 : i32
        %add3A_1129 = arith.addi %add3A_244, %add3A_1128 : i32
        %swap3A_1130 = arith.index_cast %add3A_1129 : i32 to index
        %swap3A_1131 = arith.constant 96 : index
        %swap3A_1132 = tpu.vector_load %arg13[%swap3A_1130, %swap3A_1131] {strides = array<i32>} : memref<128x128xf32, #tpu.memory_space<vmem>>, vector<16xf32>,
        tpu.vector_store %arg13[%swap3A_1130, %swap3A_1131], %mul3A_1127 {strides = array<i32>} : memref<128x128xf32, #tpu.memory_space<vmem>>, vector<16xf32>,
        %add3A_1133 = arith.constant 8 : i32
        %add3A_1134 = arith.addi %add3A_244, %add3A_1133 : i32
        %get3A_1135 = arith.index_cast %add3A_1134 : i32 to index
        %get3A_1136 = arith.constant 112 : index
        %get3A_1137 = tpu.vector_load %arg13[%get3A_1135, %get3A_1136] {strides = array<i32>} : memref<128x128xf32, #tpu.memory_space<vmem>>, vector<16xf32>,
        %mul3A_1138 = arith.mulf %get3A_1137, %gather3A_1055 : vector<16xf32>
        %add3A_1139 = arith.constant 8 : i32
        %add3A_1140 = arith.addi %add3A_244, %add3A_1139 : i32
        %swap3A_1141 = arith.index_cast %add3A_1140 : i32 to index
        %swap3A_1142 = arith.constant 112 : index
        %swap3A_1143 = tpu.vector_load %arg13[%swap3A_1141, %swap3A_1142] {strides = array<i32>} : memref<128x128xf32, #tpu.memory_space<vmem>>, vector<16xf32>,
        tpu.vector_store %arg13[%swap3A_1141, %swap3A_1142], %mul3A_1138 {strides = array<i32>} : memref<128x128xf32, #tpu.memory_space<vmem>>, vector<16xf32>,
        %broadcast_in_dim3A_1144 = arith.constant 9 : i32
        %broadcast_in_dim3A_1145 = vector.broadcast %broadcast_in_dim3A_1144 : i32 to vector<16xi32>
        %lt3A_1146 = arith.constant 0 : i32
        %lt3A_1147 = vector.broadcast %lt3A_1146 : i32 to vector<16xi32>
        %lt3A_1148 = arith.cmpi slt, %broadcast_in_dim3A_1145, %lt3A_1147 : vector<16xi32>
        %add3A_1149 = arith.constant 16 : i32
        %add3A_1150 = vector.broadcast %add3A_1149 : i32 to vector<16xi32>
        %add3A_1151 = arith.addi %broadcast_in_dim3A_1145, %add3A_1150 : vector<16xi32>
        %select_n3A_1152 = arith.select %lt3A_1148, %add3A_1151, %broadcast_in_dim3A_1145 : vector<16xi1>, vector<16xi32>
        %broadcast_in_dim3A_1153 = vector.shape_cast %select_n3A_1152 : vector<16xi32> to vector<16x1xi32>
        %gather3A_1154 = vector.shape_cast %broadcast_in_dim3A_1153 : vector<16x1xi32> to vector<16xi32>
        %gather3A_1155 = tpu.dynamic_gather %get3A_246[%gather3A_1154] in [0] : vector<16xf32>, vector<16xi32> -> vector<16xf32>
        %add3A_1156 = arith.constant 9 : i32
        %add3A_1157 = arith.addi %add3A_244, %add3A_1156 : i32
        %get3A_1158 = arith.index_cast %add3A_1157 : i32 to index
        %get3A_1159 = arith.constant 0 : index
        %get3A_1160 = tpu.vector_load %arg13[%get3A_1158, %get3A_1159] {strides = array<i32>} : memref<128x128xf32, #tpu.memory_space<vmem>>, vector<16xf32>,
        %mul3A_1161 = arith.mulf %get3A_1160, %gather3A_1155 : vector<16xf32>
        %add3A_1162 = arith.constant 9 : i32
        %add3A_1163 = arith.addi %add3A_244, %add3A_1162 : i32
        %swap3A_1164 = arith.index_cast %add3A_1163 : i32 to index
        %swap3A_1165 = arith.constant 0 : index
        %swap3A_1166 = tpu.vector_load %arg13[%swap3A_1164, %swap3A_1165] {strides = array<i32>} : memref<128x128xf32, #tpu.memory_space<vmem>>, vector<16xf32>,
        tpu.vector_store %arg13[%swap3A_1164, %swap3A_1165], %mul3A_1161 {strides = array<i32>} : memref<128x128xf32, #tpu.memory_space<vmem>>, vector<16xf32>,
        %add3A_1167 = arith.constant 9 : i32
        %add3A_1168 = arith.addi %add3A_244, %add3A_1167 : i32
        %get3A_1169 = arith.index_cast %add3A_1168 : i32 to index
        %get3A_1170 = arith.constant 16 : index
        %get3A_1171 = tpu.vector_load %arg13[%get3A_1169, %get3A_1170] {strides = array<i32>} : memref<128x128xf32, #tpu.memory_space<vmem>>, vector<16xf32>,
        %mul3A_1172 = arith.mulf %get3A_1171, %gather3A_1155 : vector<16xf32>
        %add3A_1173 = arith.constant 9 : i32
        %add3A_1174 = arith.addi %add3A_244, %add3A_1173 : i32
        %swap3A_1175 = arith.index_cast %add3A_1174 : i32 to index
        %swap3A_1176 = arith.constant 16 : index
        %swap3A_1177 = tpu.vector_load %arg13[%swap3A_1175, %swap3A_1176] {strides = array<i32>} : memref<128x128xf32, #tpu.memory_space<vmem>>, vector<16xf32>,
        tpu.vector_store %arg13[%swap3A_1175, %swap3A_1176], %mul3A_1172 {strides = array<i32>} : memref<128x128xf32, #tpu.memory_space<vmem>>, vector<16xf32>,
        %add3A_1178 = arith.constant 9 : i32
        %add3A_1179 = arith.addi %add3A_244, %add3A_1178 : i32
        %get3A_1180 = arith.index_cast %add3A_1179 : i32 to index
        %get3A_1181 = arith.constant 32 : index
        %get3A_1182 = tpu.vector_load %arg13[%get3A_1180, %get3A_1181] {strides = array<i32>} : memref<128x128xf32, #tpu.memory_space<vmem>>, vector<16xf32>,
        %mul3A_1183 = arith.mulf %get3A_1182, %gather3A_1155 : vector<16xf32>
        %add3A_1184 = arith.constant 9 : i32
        %add3A_1185 = arith.addi %add3A_244, %add3A_1184 : i32
        %swap3A_1186 = arith.index_cast %add3A_1185 : i32 to index
        %swap3A_1187 = arith.constant 32 : index
        %swap3A_1188 = tpu.vector_load %arg13[%swap3A_1186, %swap3A_1187] {strides = array<i32>} : memref<128x128xf32, #tpu.memory_space<vmem>>, vector<16xf32>,
        tpu.vector_store %arg13[%swap3A_1186, %swap3A_1187], %mul3A_1183 {strides = array<i32>} : memref<128x128xf32, #tpu.memory_space<vmem>>, vector<16xf32>,
        %add3A_1189 = arith.constant 9 : i32
        %add3A_1190 = arith.addi %add3A_244, %add3A_1189 : i32
        %get3A_1191 = arith.index_cast %add3A_1190 : i32 to index
        %get3A_1192 = arith.constant 48 : index
        %get3A_1193 = tpu.vector_load %arg13[%get3A_1191, %get3A_1192] {strides = array<i32>} : memref<128x128xf32, #tpu.memory_space<vmem>>, vector<16xf32>,
        %mul3A_1194 = arith.mulf %get3A_1193, %gather3A_1155 : vector<16xf32>
        %add3A_1195 = arith.constant 9 : i32
        %add3A_1196 = arith.addi %add3A_244, %add3A_1195 : i32
        %swap3A_1197 = arith.index_cast %add3A_1196 : i32 to index
        %swap3A_1198 = arith.constant 48 : index
        %swap3A_1199 = tpu.vector_load %arg13[%swap3A_1197, %swap3A_1198] {strides = array<i32>} : memref<128x128xf32, #tpu.memory_space<vmem>>, vector<16xf32>,
        tpu.vector_store %arg13[%swap3A_1197, %swap3A_1198], %mul3A_1194 {strides = array<i32>} : memref<128x128xf32, #tpu.memory_space<vmem>>, vector<16xf32>,
        %add3A_1200 = arith.constant 9 : i32
        %add3A_1201 = arith.addi %add3A_244, %add3A_1200 : i32
        %get3A_1202 = arith.index_cast %add3A_1201 : i32 to index
        %get3A_1203 = arith.constant 64 : index
        %get3A_1204 = tpu.vector_load %arg13[%get3A_1202, %get3A_1203] {strides = array<i32>} : memref<128x128xf32, #tpu.memory_space<vmem>>, vector<16xf32>,
        %mul3A_1205 = arith.mulf %get3A_1204, %gather3A_1155 : vector<16xf32>
        %add3A_1206 = arith.constant 9 : i32
        %add3A_1207 = arith.addi %add3A_244, %add3A_1206 : i32
        %swap3A_1208 = arith.index_cast %add3A_1207 : i32 to index
        %swap3A_1209 = arith.constant 64 : index
        %swap3A_1210 = tpu.vector_load %arg13[%swap3A_1208, %swap3A_1209] {strides = array<i32>} : memref<128x128xf32, #tpu.memory_space<vmem>>, vector<16xf32>,
        tpu.vector_store %arg13[%swap3A_1208, %swap3A_1209], %mul3A_1205 {strides = array<i32>} : memref<128x128xf32, #tpu.memory_space<vmem>>, vector<16xf32>,
        %add3A_1211 = arith.constant 9 : i32
        %add3A_1212 = arith.addi %add3A_244, %add3A_1211 : i32
        %get3A_1213 = arith.index_cast %add3A_1212 : i32 to index
        %get3A_1214 = arith.constant 80 : index
        %get3A_1215 = tpu.vector_load %arg13[%get3A_1213, %get3A_1214] {strides = array<i32>} : memref<128x128xf32, #tpu.memory_space<vmem>>, vector<16xf32>,
        %mul3A_1216 = arith.mulf %get3A_1215, %gather3A_1155 : vector<16xf32>
        %add3A_1217 = arith.constant 9 : i32
        %add3A_1218 = arith.addi %add3A_244, %add3A_1217 : i32
        %swap3A_1219 = arith.index_cast %add3A_1218 : i32 to index
        %swap3A_1220 = arith.constant 80 : index
        %swap3A_1221 = tpu.vector_load %arg13[%swap3A_1219, %swap3A_1220] {strides = array<i32>} : memref<128x128xf32, #tpu.memory_space<vmem>>, vector<16xf32>,
        tpu.vector_store %arg13[%swap3A_1219, %swap3A_1220], %mul3A_1216 {strides = array<i32>} : memref<128x128xf32, #tpu.memory_space<vmem>>, vector<16xf32>,
        %add3A_1222 = arith.constant 9 : i32
        %add3A_1223 = arith.addi %add3A_244, %add3A_1222 : i32
        %get3A_1224 = arith.index_cast %add3A_1223 : i32 to index
        %get3A_1225 = arith.constant 96 : index
        %get3A_1226 = tpu.vector_load %arg13[%get3A_1224, %get3A_1225] {strides = array<i32>} : memref<128x128xf32, #tpu.memory_space<vmem>>, vector<16xf32>,
        %mul3A_1227 = arith.mulf %get3A_1226, %gather3A_1155 : vector<16xf32>
        %add3A_1228 = arith.constant 9 : i32
        %add3A_1229 = arith.addi %add3A_244, %add3A_1228 : i32
        %swap3A_1230 = arith.index_cast %add3A_1229 : i32 to index
        %swap3A_1231 = arith.constant 96 : index
        %swap3A_1232 = tpu.vector_load %arg13[%swap3A_1230, %swap3A_1231] {strides = array<i32>} : memref<128x128xf32, #tpu.memory_space<vmem>>, vector<16xf32>,
        tpu.vector_store %arg13[%swap3A_1230, %swap3A_1231], %mul3A_1227 {strides = array<i32>} : memref<128x128xf32, #tpu.memory_space<vmem>>, vector<16xf32>,
        %add3A_1233 = arith.constant 9 : i32
        %add3A_1234 = arith.addi %add3A_244, %add3A_1233 : i32
        %get3A_1235 = arith.index_cast %add3A_1234 : i32 to index
        %get3A_1236 = arith.constant 112 : index
        %get3A_1237 = tpu.vector_load %arg13[%get3A_1235, %get3A_1236] {strides = array<i32>} : memref<128x128xf32, #tpu.memory_space<vmem>>, vector<16xf32>,
        %mul3A_1238 = arith.mulf %get3A_1237, %gather3A_1155 : vector<16xf32>
        %add3A_1239 = arith.constant 9 : i32
        %add3A_1240 = arith.addi %add3A_244, %add3A_1239 : i32
        %swap3A_1241 = arith.index_cast %add3A_1240 : i32 to index
        %swap3A_1242 = arith.constant 112 : index
        %swap3A_1243 = tpu.vector_load %arg13[%swap3A_1241, %swap3A_1242] {strides = array<i32>} : memref<128x128xf32, #tpu.memory_space<vmem>>, vector<16xf32>,
        tpu.vector_store %arg13[%swap3A_1241, %swap3A_1242], %mul3A_1238 {strides = array<i32>} : memref<128x128xf32, #tpu.memory_space<vmem>>, vector<16xf32>,
        %broadcast_in_dim3A_1244 = arith.constant 10 : i32
        %broadcast_in_dim3A_1245 = vector.broadcast %broadcast_in_dim3A_1244 : i32 to vector<16xi32>
        %lt3A_1246 = arith.constant 0 : i32
        %lt3A_1247 = vector.broadcast %lt3A_1246 : i32 to vector<16xi32>
        %lt3A_1248 = arith.cmpi slt, %broadcast_in_dim3A_1245, %lt3A_1247 : vector<16xi32>
        %add3A_1249 = arith.constant 16 : i32
        %add3A_1250 = vector.broadcast %add3A_1249 : i32 to vector<16xi32>
        %add3A_1251 = arith.addi %broadcast_in_dim3A_1245, %add3A_1250 : vector<16xi32>
        %select_n3A_1252 = arith.select %lt3A_1248, %add3A_1251, %broadcast_in_dim3A_1245 : vector<16xi1>, vector<16xi32>
        %broadcast_in_dim3A_1253 = vector.shape_cast %select_n3A_1252 : vector<16xi32> to vector<16x1xi32>
        %gather3A_1254 = vector.shape_cast %broadcast_in_dim3A_1253 : vector<16x1xi32> to vector<16xi32>
        %gather3A_1255 = tpu.dynamic_gather %get3A_246[%gather3A_1254] in [0] : vector<16xf32>, vector<16xi32> -> vector<16xf32>
        %add3A_1256 = arith.constant 10 : i32
        %add3A_1257 = arith.addi %add3A_244, %add3A_1256 : i32
        %get3A_1258 = arith.index_cast %add3A_1257 : i32 to index
        %get3A_1259 = arith.constant 0 : index
        %get3A_1260 = tpu.vector_load %arg13[%get3A_1258, %get3A_1259] {strides = array<i32>} : memref<128x128xf32, #tpu.memory_space<vmem>>, vector<16xf32>,
        %mul3A_1261 = arith.mulf %get3A_1260, %gather3A_1255 : vector<16xf32>
        %add3A_1262 = arith.constant 10 : i32
        %add3A_1263 = arith.addi %add3A_244, %add3A_1262 : i32
        %swap3A_1264 = arith.index_cast %add3A_1263 : i32 to index
        %swap3A_1265 = arith.constant 0 : index
        %swap3A_1266 = tpu.vector_load %arg13[%swap3A_1264, %swap3A_1265] {strides = array<i32>} : memref<128x128xf32, #tpu.memory_space<vmem>>, vector<16xf32>,
        tpu.vector_store %arg13[%swap3A_1264, %swap3A_1265], %mul3A_1261 {strides = array<i32>} : memref<128x128xf32, #tpu.memory_space<vmem>>, vector<16xf32>,
        %add3A_1267 = arith.constant 10 : i32
        %add3A_1268 = arith.addi %add3A_244, %add3A_1267 : i32
        %get3A_1269 = arith.index_cast %add3A_1268 : i32 to index
        %get3A_1270 = arith.constant 16 : index
        %get3A_1271 = tpu.vector_load %arg13[%get3A_1269, %get3A_1270] {strides = array<i32>} : memref<128x128xf32, #tpu.memory_space<vmem>>, vector<16xf32>,
        %mul3A_1272 = arith.mulf %get3A_1271, %gather3A_1255 : vector<16xf32>
        %add3A_1273 = arith.constant 10 : i32
        %add3A_1274 = arith.addi %add3A_244, %add3A_1273 : i32
        %swap3A_1275 = arith.index_cast %add3A_1274 : i32 to index
        %swap3A_1276 = arith.constant 16 : index
        %swap3A_1277 = tpu.vector_load %arg13[%swap3A_1275, %swap3A_1276] {strides = array<i32>} : memref<128x128xf32, #tpu.memory_space<vmem>>, vector<16xf32>,
        tpu.vector_store %arg13[%swap3A_1275, %swap3A_1276], %mul3A_1272 {strides = array<i32>} : memref<128x128xf32, #tpu.memory_space<vmem>>, vector<16xf32>,
        %add3A_1278 = arith.constant 10 : i32
        %add3A_1279 = arith.addi %add3A_244, %add3A_1278 : i32
        %get3A_1280 = arith.index_cast %add3A_1279 : i32 to index
        %get3A_1281 = arith.constant 32 : index
        %get3A_1282 = tpu.vector_load %arg13[%get3A_1280, %get3A_1281] {strides = array<i32>} : memref<128x128xf32, #tpu.memory_space<vmem>>, vector<16xf32>,
        %mul3A_1283 = arith.mulf %get3A_1282, %gather3A_1255 : vector<16xf32>
        %add3A_1284 = arith.constant 10 : i32
        %add3A_1285 = arith.addi %add3A_244, %add3A_1284 : i32
        %swap3A_1286 = arith.index_cast %add3A_1285 : i32 to index
        %swap3A_1287 = arith.constant 32 : index
        %swap3A_1288 = tpu.vector_load %arg13[%swap3A_1286, %swap3A_1287] {strides = array<i32>} : memref<128x128xf32, #tpu.memory_space<vmem>>, vector<16xf32>,
        tpu.vector_store %arg13[%swap3A_1286, %swap3A_1287], %mul3A_1283 {strides = array<i32>} : memref<128x128xf32, #tpu.memory_space<vmem>>, vector<16xf32>,
        %add3A_1289 = arith.constant 10 : i32
        %add3A_1290 = arith.addi %add3A_244, %add3A_1289 : i32
        %get3A_1291 = arith.index_cast %add3A_1290 : i32 to index
        %get3A_1292 = arith.constant 48 : index
        %get3A_1293 = tpu.vector_load %arg13[%get3A_1291, %get3A_1292] {strides = array<i32>} : memref<128x128xf32, #tpu.memory_space<vmem>>, vector<16xf32>,
        %mul3A_1294 = arith.mulf %get3A_1293, %gather3A_1255 : vector<16xf32>
        %add3A_1295 = arith.constant 10 : i32
        %add3A_1296 = arith.addi %add3A_244, %add3A_1295 : i32
        %swap3A_1297 = arith.index_cast %add3A_1296 : i32 to index
        %swap3A_1298 = arith.constant 48 : index
        %swap3A_1299 = tpu.vector_load %arg13[%swap3A_1297, %swap3A_1298] {strides = array<i32>} : memref<128x128xf32, #tpu.memory_space<vmem>>, vector<16xf32>,
        tpu.vector_store %arg13[%swap3A_1297, %swap3A_1298], %mul3A_1294 {strides = array<i32>} : memref<128x128xf32, #tpu.memory_space<vmem>>, vector<16xf32>,
        %add3A_1300 = arith.constant 10 : i32
        %add3A_1301 = arith.addi %add3A_244, %add3A_1300 : i32
        %get3A_1302 = arith.index_cast %add3A_1301 : i32 to index
        %get3A_1303 = arith.constant 64 : index
        %get3A_1304 = tpu.vector_load %arg13[%get3A_1302, %get3A_1303] {strides = array<i32>} : memref<128x128xf32, #tpu.memory_space<vmem>>, vector<16xf32>,
        %mul3A_1305 = arith.mulf %get3A_1304, %gather3A_1255 : vector<16xf32>
        %add3A_1306 = arith.constant 10 : i32
        %add3A_1307 = arith.addi %add3A_244, %add3A_1306 : i32
        %swap3A_1308 = arith.index_cast %add3A_1307 : i32 to index
        %swap3A_1309 = arith.constant 64 : index
        %swap3A_1310 = tpu.vector_load %arg13[%swap3A_1308, %swap3A_1309] {strides = array<i32>} : memref<128x128xf32, #tpu.memory_space<vmem>>, vector<16xf32>,
        tpu.vector_store %arg13[%swap3A_1308, %swap3A_1309], %mul3A_1305 {strides = array<i32>} : memref<128x128xf32, #tpu.memory_space<vmem>>, vector<16xf32>,
        %add3A_1311 = arith.constant 10 : i32
        %add3A_1312 = arith.addi %add3A_244, %add3A_1311 : i32
        %get3A_1313 = arith.index_cast %add3A_1312 : i32 to index
        %get3A_1314 = arith.constant 80 : index
        %get3A_1315 = tpu.vector_load %arg13[%get3A_1313, %get3A_1314] {strides = array<i32>} : memref<128x128xf32, #tpu.memory_space<vmem>>, vector<16xf32>,
        %mul3A_1316 = arith.mulf %get3A_1315, %gather3A_1255 : vector<16xf32>
        %add3A_1317 = arith.constant 10 : i32
        %add3A_1318 = arith.addi %add3A_244, %add3A_1317 : i32
        %swap3A_1319 = arith.index_cast %add3A_1318 : i32 to index
        %swap3A_1320 = arith.constant 80 : index
        %swap3A_1321 = tpu.vector_load %arg13[%swap3A_1319, %swap3A_1320] {strides = array<i32>} : memref<128x128xf32, #tpu.memory_space<vmem>>, vector<16xf32>,
        tpu.vector_store %arg13[%swap3A_1319, %swap3A_1320], %mul3A_1316 {strides = array<i32>} : memref<128x128xf32, #tpu.memory_space<vmem>>, vector<16xf32>,
        %add3A_1322 = arith.constant 10 : i32
        %add3A_1323 = arith.addi %add3A_244, %add3A_1322 : i32
        %get3A_1324 = arith.index_cast %add3A_1323 : i32 to index
        %get3A_1325 = arith.constant 96 : index
        %get3A_1326 = tpu.vector_load %arg13[%get3A_1324, %get3A_1325] {strides = array<i32>} : memref<128x128xf32, #tpu.memory_space<vmem>>, vector<16xf32>,
        %mul3A_1327 = arith.mulf %get3A_1326, %gather3A_1255 : vector<16xf32>
        %add3A_1328 = arith.constant 10 : i32
        %add3A_1329 = arith.addi %add3A_244, %add3A_1328 : i32
        %swap3A_1330 = arith.index_cast %add3A_1329 : i32 to index
        %swap3A_1331 = arith.constant 96 : index
        %swap3A_1332 = tpu.vector_load %arg13[%swap3A_1330, %swap3A_1331] {strides = array<i32>} : memref<128x128xf32, #tpu.memory_space<vmem>>, vector<16xf32>,
        tpu.vector_store %arg13[%swap3A_1330, %swap3A_1331], %mul3A_1327 {strides = array<i32>} : memref<128x128xf32, #tpu.memory_space<vmem>>, vector<16xf32>,
        %add3A_1333 = arith.constant 10 : i32
        %add3A_1334 = arith.addi %add3A_244, %add3A_1333 : i32
        %get3A_1335 = arith.index_cast %add3A_1334 : i32 to index
        %get3A_1336 = arith.constant 112 : index
        %get3A_1337 = tpu.vector_load %arg13[%get3A_1335, %get3A_1336] {strides = array<i32>} : memref<128x128xf32, #tpu.memory_space<vmem>>, vector<16xf32>,
        %mul3A_1338 = arith.mulf %get3A_1337, %gather3A_1255 : vector<16xf32>
        %add3A_1339 = arith.constant 10 : i32
        %add3A_1340 = arith.addi %add3A_244, %add3A_1339 : i32
        %swap3A_1341 = arith.index_cast %add3A_1340 : i32 to index
        %swap3A_1342 = arith.constant 112 : index
        %swap3A_1343 = tpu.vector_load %arg13[%swap3A_1341, %swap3A_1342] {strides = array<i32>} : memref<128x128xf32, #tpu.memory_space<vmem>>, vector<16xf32>,
        tpu.vector_store %arg13[%swap3A_1341, %swap3A_1342], %mul3A_1338 {strides = array<i32>} : memref<128x128xf32, #tpu.memory_space<vmem>>, vector<16xf32>,
        %broadcast_in_dim3A_1344 = arith.constant 11 : i32
        %broadcast_in_dim3A_1345 = vector.broadcast %broadcast_in_dim3A_1344 : i32 to vector<16xi32>
        %lt3A_1346 = arith.constant 0 : i32
        %lt3A_1347 = vector.broadcast %lt3A_1346 : i32 to vector<16xi32>
        %lt3A_1348 = arith.cmpi slt, %broadcast_in_dim3A_1345, %lt3A_1347 : vector<16xi32>
        %add3A_1349 = arith.constant 16 : i32
        %add3A_1350 = vector.broadcast %add3A_1349 : i32 to vector<16xi32>
        %add3A_1351 = arith.addi %broadcast_in_dim3A_1345, %add3A_1350 : vector<16xi32>
        %select_n3A_1352 = arith.select %lt3A_1348, %add3A_1351, %broadcast_in_dim3A_1345 : vector<16xi1>, vector<16xi32>
        %broadcast_in_dim3A_1353 = vector.shape_cast %select_n3A_1352 : vector<16xi32> to vector<16x1xi32>
        %gather3A_1354 = vector.shape_cast %broadcast_in_dim3A_1353 : vector<16x1xi32> to vector<16xi32>
        %gather3A_1355 = tpu.dynamic_gather %get3A_246[%gather3A_1354] in [0] : vector<16xf32>, vector<16xi32> -> vector<16xf32>
        %add3A_1356 = arith.constant 11 : i32
        %add3A_1357 = arith.addi %add3A_244, %add3A_1356 : i32
        %get3A_1358 = arith.index_cast %add3A_1357 : i32 to index
        %get3A_1359 = arith.constant 0 : index
        %get3A_1360 = tpu.vector_load %arg13[%get3A_1358, %get3A_1359] {strides = array<i32>} : memref<128x128xf32, #tpu.memory_space<vmem>>, vector<16xf32>,
        %mul3A_1361 = arith.mulf %get3A_1360, %gather3A_1355 : vector<16xf32>
        %add3A_1362 = arith.constant 11 : i32
        %add3A_1363 = arith.addi %add3A_244, %add3A_1362 : i32
        %swap3A_1364 = arith.index_cast %add3A_1363 : i32 to index
        %swap3A_1365 = arith.constant 0 : index
        %swap3A_1366 = tpu.vector_load %arg13[%swap3A_1364, %swap3A_1365] {strides = array<i32>} : memref<128x128xf32, #tpu.memory_space<vmem>>, vector<16xf32>,
        tpu.vector_store %arg13[%swap3A_1364, %swap3A_1365], %mul3A_1361 {strides = array<i32>} : memref<128x128xf32, #tpu.memory_space<vmem>>, vector<16xf32>,
        %add3A_1367 = arith.constant 11 : i32
        %add3A_1368 = arith.addi %add3A_244, %add3A_1367 : i32
        %get3A_1369 = arith.index_cast %add3A_1368 : i32 to index
        %get3A_1370 = arith.constant 16 : index
        %get3A_1371 = tpu.vector_load %arg13[%get3A_1369, %get3A_1370] {strides = array<i32>} : memref<128x128xf32, #tpu.memory_space<vmem>>, vector<16xf32>,
        %mul3A_1372 = arith.mulf %get3A_1371, %gather3A_1355 : vector<16xf32>
        %add3A_1373 = arith.constant 11 : i32
        %add3A_1374 = arith.addi %add3A_244, %add3A_1373 : i32
        %swap3A_1375 = arith.index_cast %add3A_1374 : i32 to index
        %swap3A_1376 = arith.constant 16 : index
        %swap3A_1377 = tpu.vector_load %arg13[%swap3A_1375, %swap3A_1376] {strides = array<i32>} : memref<128x128xf32, #tpu.memory_space<vmem>>, vector<16xf32>,
        tpu.vector_store %arg13[%swap3A_1375, %swap3A_1376], %mul3A_1372 {strides = array<i32>} : memref<128x128xf32, #tpu.memory_space<vmem>>, vector<16xf32>,
        %add3A_1378 = arith.constant 11 : i32
        %add3A_1379 = arith.addi %add3A_244, %add3A_1378 : i32
        %get3A_1380 = arith.index_cast %add3A_1379 : i32 to index
        %get3A_1381 = arith.constant 32 : index
        %get3A_1382 = tpu.vector_load %arg13[%get3A_1380, %get3A_1381] {strides = array<i32>} : memref<128x128xf32, #tpu.memory_space<vmem>>, vector<16xf32>,
        %mul3A_1383 = arith.mulf %get3A_1382, %gather3A_1355 : vector<16xf32>
        %add3A_1384 = arith.constant 11 : i32
        %add3A_1385 = arith.addi %add3A_244, %add3A_1384 : i32
        %swap3A_1386 = arith.index_cast %add3A_1385 : i32 to index
        %swap3A_1387 = arith.constant 32 : index
        %swap3A_1388 = tpu.vector_load %arg13[%swap3A_1386, %swap3A_1387] {strides = array<i32>} : memref<128x128xf32, #tpu.memory_space<vmem>>, vector<16xf32>,
        tpu.vector_store %arg13[%swap3A_1386, %swap3A_1387], %mul3A_1383 {strides = array<i32>} : memref<128x128xf32, #tpu.memory_space<vmem>>, vector<16xf32>,
        %add3A_1389 = arith.constant 11 : i32
        %add3A_1390 = arith.addi %add3A_244, %add3A_1389 : i32
        %get3A_1391 = arith.index_cast %add3A_1390 : i32 to index
        %get3A_1392 = arith.constant 48 : index
        %get3A_1393 = tpu.vector_load %arg13[%get3A_1391, %get3A_1392] {strides = array<i32>} : memref<128x128xf32, #tpu.memory_space<vmem>>, vector<16xf32>,
        %mul3A_1394 = arith.mulf %get3A_1393, %gather3A_1355 : vector<16xf32>
        %add3A_1395 = arith.constant 11 : i32
        %add3A_1396 = arith.addi %add3A_244, %add3A_1395 : i32
        %swap3A_1397 = arith.index_cast %add3A_1396 : i32 to index
        %swap3A_1398 = arith.constant 48 : index
        %swap3A_1399 = tpu.vector_load %arg13[%swap3A_1397, %swap3A_1398] {strides = array<i32>} : memref<128x128xf32, #tpu.memory_space<vmem>>, vector<16xf32>,
        tpu.vector_store %arg13[%swap3A_1397, %swap3A_1398], %mul3A_1394 {strides = array<i32>} : memref<128x128xf32, #tpu.memory_space<vmem>>, vector<16xf32>,
        %add3A_1400 = arith.constant 11 : i32
        %add3A_1401 = arith.addi %add3A_244, %add3A_1400 : i32
        %get3A_1402 = arith.index_cast %add3A_1401 : i32 to index
        %get3A_1403 = arith.constant 64 : index
        %get3A_1404 = tpu.vector_load %arg13[%get3A_1402, %get3A_1403] {strides = array<i32>} : memref<128x128xf32, #tpu.memory_space<vmem>>, vector<16xf32>,
        %mul3A_1405 = arith.mulf %get3A_1404, %gather3A_1355 : vector<16xf32>
        %add3A_1406 = arith.constant 11 : i32
        %add3A_1407 = arith.addi %add3A_244, %add3A_1406 : i32
        %swap3A_1408 = arith.index_cast %add3A_1407 : i32 to index
        %swap3A_1409 = arith.constant 64 : index
        %swap3A_1410 = tpu.vector_load %arg13[%swap3A_1408, %swap3A_1409] {strides = array<i32>} : memref<128x128xf32, #tpu.memory_space<vmem>>, vector<16xf32>,
        tpu.vector_store %arg13[%swap3A_1408, %swap3A_1409], %mul3A_1405 {strides = array<i32>} : memref<128x128xf32, #tpu.memory_space<vmem>>, vector<16xf32>,
        %add3A_1411 = arith.constant 11 : i32
        %add3A_1412 = arith.addi %add3A_244, %add3A_1411 : i32
        %get3A_1413 = arith.index_cast %add3A_1412 : i32 to index
        %get3A_1414 = arith.constant 80 : index
        %get3A_1415 = tpu.vector_load %arg13[%get3A_1413, %get3A_1414] {strides = array<i32>} : memref<128x128xf32, #tpu.memory_space<vmem>>, vector<16xf32>,
        %mul3A_1416 = arith.mulf %get3A_1415, %gather3A_1355 : vector<16xf32>
        %add3A_1417 = arith.constant 11 : i32
        %add3A_1418 = arith.addi %add3A_244, %add3A_1417 : i32
        %swap3A_1419 = arith.index_cast %add3A_1418 : i32 to index
        %swap3A_1420 = arith.constant 80 : index
        %swap3A_1421 = tpu.vector_load %arg13[%swap3A_1419, %swap3A_1420] {strides = array<i32>} : memref<128x128xf32, #tpu.memory_space<vmem>>, vector<16xf32>,
        tpu.vector_store %arg13[%swap3A_1419, %swap3A_1420], %mul3A_1416 {strides = array<i32>} : memref<128x128xf32, #tpu.memory_space<vmem>>, vector<16xf32>,
        %add3A_1422 = arith.constant 11 : i32
        %add3A_1423 = arith.addi %add3A_244, %add3A_1422 : i32
        %get3A_1424 = arith.index_cast %add3A_1423 : i32 to index
        %get3A_1425 = arith.constant 96 : index
        %get3A_1426 = tpu.vector_load %arg13[%get3A_1424, %get3A_1425] {strides = array<i32>} : memref<128x128xf32, #tpu.memory_space<vmem>>, vector<16xf32>,
        %mul3A_1427 = arith.mulf %get3A_1426, %gather3A_1355 : vector<16xf32>
        %add3A_1428 = arith.constant 11 : i32
        %add3A_1429 = arith.addi %add3A_244, %add3A_1428 : i32
        %swap3A_1430 = arith.index_cast %add3A_1429 : i32 to index
        %swap3A_1431 = arith.constant 96 : index
        %swap3A_1432 = tpu.vector_load %arg13[%swap3A_1430, %swap3A_1431] {strides = array<i32>} : memref<128x128xf32, #tpu.memory_space<vmem>>, vector<16xf32>,
        tpu.vector_store %arg13[%swap3A_1430, %swap3A_1431], %mul3A_1427 {strides = array<i32>} : memref<128x128xf32, #tpu.memory_space<vmem>>, vector<16xf32>,
        %add3A_1433 = arith.constant 11 : i32
        %add3A_1434 = arith.addi %add3A_244, %add3A_1433 : i32
        %get3A_1435 = arith.index_cast %add3A_1434 : i32 to index
        %get3A_1436 = arith.constant 112 : index
        %get3A_1437 = tpu.vector_load %arg13[%get3A_1435, %get3A_1436] {strides = array<i32>} : memref<128x128xf32, #tpu.memory_space<vmem>>, vector<16xf32>,
        %mul3A_1438 = arith.mulf %get3A_1437, %gather3A_1355 : vector<16xf32>
        %add3A_1439 = arith.constant 11 : i32
        %add3A_1440 = arith.addi %add3A_244, %add3A_1439 : i32
        %swap3A_1441 = arith.index_cast %add3A_1440 : i32 to index
        %swap3A_1442 = arith.constant 112 : index
        %swap3A_1443 = tpu.vector_load %arg13[%swap3A_1441, %swap3A_1442] {strides = array<i32>} : memref<128x128xf32, #tpu.memory_space<vmem>>, vector<16xf32>,
        tpu.vector_store %arg13[%swap3A_1441, %swap3A_1442], %mul3A_1438 {strides = array<i32>} : memref<128x128xf32, #tpu.memory_space<vmem>>, vector<16xf32>,
        %broadcast_in_dim3A_1444 = arith.constant 12 : i32
        %broadcast_in_dim3A_1445 = vector.broadcast %broadcast_in_dim3A_1444 : i32 to vector<16xi32>
        %lt3A_1446 = arith.constant 0 : i32
        %lt3A_1447 = vector.broadcast %lt3A_1446 : i32 to vector<16xi32>
        %lt3A_1448 = arith.cmpi slt, %broadcast_in_dim3A_1445, %lt3A_1447 : vector<16xi32>
        %add3A_1449 = arith.constant 16 : i32
        %add3A_1450 = vector.broadcast %add3A_1449 : i32 to vector<16xi32>
        %add3A_1451 = arith.addi %broadcast_in_dim3A_1445, %add3A_1450 : vector<16xi32>
        %select_n3A_1452 = arith.select %lt3A_1448, %add3A_1451, %broadcast_in_dim3A_1445 : vector<16xi1>, vector<16xi32>
        %broadcast_in_dim3A_1453 = vector.shape_cast %select_n3A_1452 : vector<16xi32> to vector<16x1xi32>
        %gather3A_1454 = vector.shape_cast %broadcast_in_dim3A_1453 : vector<16x1xi32> to vector<16xi32>
        %gather3A_1455 = tpu.dynamic_gather %get3A_246[%gather3A_1454] in [0] : vector<16xf32>, vector<16xi32> -> vector<16xf32>
        %add3A_1456 = arith.constant 12 : i32
        %add3A_1457 = arith.addi %add3A_244, %add3A_1456 : i32
        %get3A_1458 = arith.index_cast %add3A_1457 : i32 to index
        %get3A_1459 = arith.constant 0 : index
        %get3A_1460 = tpu.vector_load %arg13[%get3A_1458, %get3A_1459] {strides = array<i32>} : memref<128x128xf32, #tpu.memory_space<vmem>>, vector<16xf32>,
        %mul3A_1461 = arith.mulf %get3A_1460, %gather3A_1455 : vector<16xf32>
        %add3A_1462 = arith.constant 12 : i32
        %add3A_1463 = arith.addi %add3A_244, %add3A_1462 : i32
        %swap3A_1464 = arith.index_cast %add3A_1463 : i32 to index
        %swap3A_1465 = arith.constant 0 : index
        %swap3A_1466 = tpu.vector_load %arg13[%swap3A_1464, %swap3A_1465] {strides = array<i32>} : memref<128x128xf32, #tpu.memory_space<vmem>>, vector<16xf32>,
        tpu.vector_store %arg13[%swap3A_1464, %swap3A_1465], %mul3A_1461 {strides = array<i32>} : memref<128x128xf32, #tpu.memory_space<vmem>>, vector<16xf32>,
        %add3A_1467 = arith.constant 12 : i32
        %add3A_1468 = arith.addi %add3A_244, %add3A_1467 : i32
        %get3A_1469 = arith.index_cast %add3A_1468 : i32 to index
        %get3A_1470 = arith.constant 16 : index
        %get3A_1471 = tpu.vector_load %arg13[%get3A_1469, %get3A_1470] {strides = array<i32>} : memref<128x128xf32, #tpu.memory_space<vmem>>, vector<16xf32>,
        %mul3A_1472 = arith.mulf %get3A_1471, %gather3A_1455 : vector<16xf32>
        %add3A_1473 = arith.constant 12 : i32
        %add3A_1474 = arith.addi %add3A_244, %add3A_1473 : i32
        %swap3A_1475 = arith.index_cast %add3A_1474 : i32 to index
        %swap3A_1476 = arith.constant 16 : index
        %swap3A_1477 = tpu.vector_load %arg13[%swap3A_1475, %swap3A_1476] {strides = array<i32>} : memref<128x128xf32, #tpu.memory_space<vmem>>, vector<16xf32>,
        tpu.vector_store %arg13[%swap3A_1475, %swap3A_1476], %mul3A_1472 {strides = array<i32>} : memref<128x128xf32, #tpu.memory_space<vmem>>, vector<16xf32>,
        %add3A_1478 = arith.constant 12 : i32
        %add3A_1479 = arith.addi %add3A_244, %add3A_1478 : i32
        %get3A_1480 = arith.index_cast %add3A_1479 : i32 to index
        %get3A_1481 = arith.constant 32 : index
        %get3A_1482 = tpu.vector_load %arg13[%get3A_1480, %get3A_1481] {strides = array<i32>} : memref<128x128xf32, #tpu.memory_space<vmem>>, vector<16xf32>,
        %mul3A_1483 = arith.mulf %get3A_1482, %gather3A_1455 : vector<16xf32>
        %add3A_1484 = arith.constant 12 : i32
        %add3A_1485 = arith.addi %add3A_244, %add3A_1484 : i32
        %swap3A_1486 = arith.index_cast %add3A_1485 : i32 to index
        %swap3A_1487 = arith.constant 32 : index
        %swap3A_1488 = tpu.vector_load %arg13[%swap3A_1486, %swap3A_1487] {strides = array<i32>} : memref<128x128xf32, #tpu.memory_space<vmem>>, vector<16xf32>,
        tpu.vector_store %arg13[%swap3A_1486, %swap3A_1487], %mul3A_1483 {strides = array<i32>} : memref<128x128xf32, #tpu.memory_space<vmem>>, vector<16xf32>,
        %add3A_1489 = arith.constant 12 : i32
        %add3A_1490 = arith.addi %add3A_244, %add3A_1489 : i32
        %get3A_1491 = arith.index_cast %add3A_1490 : i32 to index
        %get3A_1492 = arith.constant 48 : index
        %get3A_1493 = tpu.vector_load %arg13[%get3A_1491, %get3A_1492] {strides = array<i32>} : memref<128x128xf32, #tpu.memory_space<vmem>>, vector<16xf32>,
        %mul3A_1494 = arith.mulf %get3A_1493, %gather3A_1455 : vector<16xf32>
        %add3A_1495 = arith.constant 12 : i32
        %add3A_1496 = arith.addi %add3A_244, %add3A_1495 : i32
        %swap3A_1497 = arith.index_cast %add3A_1496 : i32 to index
        %swap3A_1498 = arith.constant 48 : index
        %swap3A_1499 = tpu.vector_load %arg13[%swap3A_1497, %swap3A_1498] {strides = array<i32>} : memref<128x128xf32, #tpu.memory_space<vmem>>, vector<16xf32>,
        tpu.vector_store %arg13[%swap3A_1497, %swap3A_1498], %mul3A_1494 {strides = array<i32>} : memref<128x128xf32, #tpu.memory_space<vmem>>, vector<16xf32>,
        %add3A_1500 = arith.constant 12 : i32
        %add3A_1501 = arith.addi %add3A_244, %add3A_1500 : i32
        %get3A_1502 = arith.index_cast %add3A_1501 : i32 to index
        %get3A_1503 = arith.constant 64 : index
        %get3A_1504 = tpu.vector_load %arg13[%get3A_1502, %get3A_1503] {strides = array<i32>} : memref<128x128xf32, #tpu.memory_space<vmem>>, vector<16xf32>,
        %mul3A_1505 = arith.mulf %get3A_1504, %gather3A_1455 : vector<16xf32>
        %add3A_1506 = arith.constant 12 : i32
        %add3A_1507 = arith.addi %add3A_244, %add3A_1506 : i32
        %swap3A_1508 = arith.index_cast %add3A_1507 : i32 to index
        %swap3A_1509 = arith.constant 64 : index
        %swap3A_1510 = tpu.vector_load %arg13[%swap3A_1508, %swap3A_1509] {strides = array<i32>} : memref<128x128xf32, #tpu.memory_space<vmem>>, vector<16xf32>,
        tpu.vector_store %arg13[%swap3A_1508, %swap3A_1509], %mul3A_1505 {strides = array<i32>} : memref<128x128xf32, #tpu.memory_space<vmem>>, vector<16xf32>,
        %add3A_1511 = arith.constant 12 : i32
        %add3A_1512 = arith.addi %add3A_244, %add3A_1511 : i32
        %get3A_1513 = arith.index_cast %add3A_1512 : i32 to index
        %get3A_1514 = arith.constant 80 : index
        %get3A_1515 = tpu.vector_load %arg13[%get3A_1513, %get3A_1514] {strides = array<i32>} : memref<128x128xf32, #tpu.memory_space<vmem>>, vector<16xf32>,
        %mul3A_1516 = arith.mulf %get3A_1515, %gather3A_1455 : vector<16xf32>
        %add3A_1517 = arith.constant 12 : i32
        %add3A_1518 = arith.addi %add3A_244, %add3A_1517 : i32
        %swap3A_1519 = arith.index_cast %add3A_1518 : i32 to index
        %swap3A_1520 = arith.constant 80 : index
        %swap3A_1521 = tpu.vector_load %arg13[%swap3A_1519, %swap3A_1520] {strides = array<i32>} : memref<128x128xf32, #tpu.memory_space<vmem>>, vector<16xf32>,
        tpu.vector_store %arg13[%swap3A_1519, %swap3A_1520], %mul3A_1516 {strides = array<i32>} : memref<128x128xf32, #tpu.memory_space<vmem>>, vector<16xf32>,
        %add3A_1522 = arith.constant 12 : i32
        %add3A_1523 = arith.addi %add3A_244, %add3A_1522 : i32
        %get3A_1524 = arith.index_cast %add3A_1523 : i32 to index
        %get3A_1525 = arith.constant 96 : index
        %get3A_1526 = tpu.vector_load %arg13[%get3A_1524, %get3A_1525] {strides = array<i32>} : memref<128x128xf32, #tpu.memory_space<vmem>>, vector<16xf32>,
        %mul3A_1527 = arith.mulf %get3A_1526, %gather3A_1455 : vector<16xf32>
        %add3A_1528 = arith.constant 12 : i32
        %add3A_1529 = arith.addi %add3A_244, %add3A_1528 : i32
        %swap3A_1530 = arith.index_cast %add3A_1529 : i32 to index
        %swap3A_1531 = arith.constant 96 : index
        %swap3A_1532 = tpu.vector_load %arg13[%swap3A_1530, %swap3A_1531] {strides = array<i32>} : memref<128x128xf32, #tpu.memory_space<vmem>>, vector<16xf32>,
        tpu.vector_store %arg13[%swap3A_1530, %swap3A_1531], %mul3A_1527 {strides = array<i32>} : memref<128x128xf32, #tpu.memory_space<vmem>>, vector<16xf32>,
        %add3A_1533 = arith.constant 12 : i32
        %add3A_1534 = arith.addi %add3A_244, %add3A_1533 : i32
        %get3A_1535 = arith.index_cast %add3A_1534 : i32 to index
        %get3A_1536 = arith.constant 112 : index
        %get3A_1537 = tpu.vector_load %arg13[%get3A_1535, %get3A_1536] {strides = array<i32>} : memref<128x128xf32, #tpu.memory_space<vmem>>, vector<16xf32>,
        %mul3A_1538 = arith.mulf %get3A_1537, %gather3A_1455 : vector<16xf32>
        %add3A_1539 = arith.constant 12 : i32
        %add3A_1540 = arith.addi %add3A_244, %add3A_1539 : i32
        %swap3A_1541 = arith.index_cast %add3A_1540 : i32 to index
        %swap3A_1542 = arith.constant 112 : index
        %swap3A_1543 = tpu.vector_load %arg13[%swap3A_1541, %swap3A_1542] {strides = array<i32>} : memref<128x128xf32, #tpu.memory_space<vmem>>, vector<16xf32>,
        tpu.vector_store %arg13[%swap3A_1541, %swap3A_1542], %mul3A_1538 {strides = array<i32>} : memref<128x128xf32, #tpu.memory_space<vmem>>, vector<16xf32>,
        %broadcast_in_dim3A_1544 = arith.constant 13 : i32
        %broadcast_in_dim3A_1545 = vector.broadcast %broadcast_in_dim3A_1544 : i32 to vector<16xi32>
        %lt3A_1546 = arith.constant 0 : i32
        %lt3A_1547 = vector.broadcast %lt3A_1546 : i32 to vector<16xi32>
        %lt3A_1548 = arith.cmpi slt, %broadcast_in_dim3A_1545, %lt3A_1547 : vector<16xi32>
        %add3A_1549 = arith.constant 16 : i32
        %add3A_1550 = vector.broadcast %add3A_1549 : i32 to vector<16xi32>
        %add3A_1551 = arith.addi %broadcast_in_dim3A_1545, %add3A_1550 : vector<16xi32>
        %select_n3A_1552 = arith.select %lt3A_1548, %add3A_1551, %broadcast_in_dim3A_1545 : vector<16xi1>, vector<16xi32>
        %broadcast_in_dim3A_1553 = vector.shape_cast %select_n3A_1552 : vector<16xi32> to vector<16x1xi32>
        %gather3A_1554 = vector.shape_cast %broadcast_in_dim3A_1553 : vector<16x1xi32> to vector<16xi32>
        %gather3A_1555 = tpu.dynamic_gather %get3A_246[%gather3A_1554] in [0] : vector<16xf32>, vector<16xi32> -> vector<16xf32>
        %add3A_1556 = arith.constant 13 : i32
        %add3A_1557 = arith.addi %add3A_244, %add3A_1556 : i32
        %get3A_1558 = arith.index_cast %add3A_1557 : i32 to index
        %get3A_1559 = arith.constant 0 : index
        %get3A_1560 = tpu.vector_load %arg13[%get3A_1558, %get3A_1559] {strides = array<i32>} : memref<128x128xf32, #tpu.memory_space<vmem>>, vector<16xf32>,
        %mul3A_1561 = arith.mulf %get3A_1560, %gather3A_1555 : vector<16xf32>
        %add3A_1562 = arith.constant 13 : i32
        %add3A_1563 = arith.addi %add3A_244, %add3A_1562 : i32
        %swap3A_1564 = arith.index_cast %add3A_1563 : i32 to index
        %swap3A_1565 = arith.constant 0 : index
        %swap3A_1566 = tpu.vector_load %arg13[%swap3A_1564, %swap3A_1565] {strides = array<i32>} : memref<128x128xf32, #tpu.memory_space<vmem>>, vector<16xf32>,
        tpu.vector_store %arg13[%swap3A_1564, %swap3A_1565], %mul3A_1561 {strides = array<i32>} : memref<128x128xf32, #tpu.memory_space<vmem>>, vector<16xf32>,
        %add3A_1567 = arith.constant 13 : i32
        %add3A_1568 = arith.addi %add3A_244, %add3A_1567 : i32
        %get3A_1569 = arith.index_cast %add3A_1568 : i32 to index
        %get3A_1570 = arith.constant 16 : index
        %get3A_1571 = tpu.vector_load %arg13[%get3A_1569, %get3A_1570] {strides = array<i32>} : memref<128x128xf32, #tpu.memory_space<vmem>>, vector<16xf32>,
        %mul3A_1572 = arith.mulf %get3A_1571, %gather3A_1555 : vector<16xf32>
        %add3A_1573 = arith.constant 13 : i32
        %add3A_1574 = arith.addi %add3A_244, %add3A_1573 : i32
        %swap3A_1575 = arith.index_cast %add3A_1574 : i32 to index
        %swap3A_1576 = arith.constant 16 : index
        %swap3A_1577 = tpu.vector_load %arg13[%swap3A_1575, %swap3A_1576] {strides = array<i32>} : memref<128x128xf32, #tpu.memory_space<vmem>>, vector<16xf32>,
        tpu.vector_store %arg13[%swap3A_1575, %swap3A_1576], %mul3A_1572 {strides = array<i32>} : memref<128x128xf32, #tpu.memory_space<vmem>>, vector<16xf32>,
        %add3A_1578 = arith.constant 13 : i32
        %add3A_1579 = arith.addi %add3A_244, %add3A_1578 : i32
        %get3A_1580 = arith.index_cast %add3A_1579 : i32 to index
        %get3A_1581 = arith.constant 32 : index
        %get3A_1582 = tpu.vector_load %arg13[%get3A_1580, %get3A_1581] {strides = array<i32>} : memref<128x128xf32, #tpu.memory_space<vmem>>, vector<16xf32>,
        %mul3A_1583 = arith.mulf %get3A_1582, %gather3A_1555 : vector<16xf32>
        %add3A_1584 = arith.constant 13 : i32
        %add3A_1585 = arith.addi %add3A_244, %add3A_1584 : i32
        %swap3A_1586 = arith.index_cast %add3A_1585 : i32 to index
        %swap3A_1587 = arith.constant 32 : index
        %swap3A_1588 = tpu.vector_load %arg13[%swap3A_1586, %swap3A_1587] {strides = array<i32>} : memref<128x128xf32, #tpu.memory_space<vmem>>, vector<16xf32>,
        tpu.vector_store %arg13[%swap3A_1586, %swap3A_1587], %mul3A_1583 {strides = array<i32>} : memref<128x128xf32, #tpu.memory_space<vmem>>, vector<16xf32>,
        %add3A_1589 = arith.constant 13 : i32
        %add3A_1590 = arith.addi %add3A_244, %add3A_1589 : i32
        %get3A_1591 = arith.index_cast %add3A_1590 : i32 to index
        %get3A_1592 = arith.constant 48 : index
        %get3A_1593 = tpu.vector_load %arg13[%get3A_1591, %get3A_1592] {strides = array<i32>} : memref<128x128xf32, #tpu.memory_space<vmem>>, vector<16xf32>,
        %mul3A_1594 = arith.mulf %get3A_1593, %gather3A_1555 : vector<16xf32>
        %add3A_1595 = arith.constant 13 : i32
        %add3A_1596 = arith.addi %add3A_244, %add3A_1595 : i32
        %swap3A_1597 = arith.index_cast %add3A_1596 : i32 to index
        %swap3A_1598 = arith.constant 48 : index
        %swap3A_1599 = tpu.vector_load %arg13[%swap3A_1597, %swap3A_1598] {strides = array<i32>} : memref<128x128xf32, #tpu.memory_space<vmem>>, vector<16xf32>,
        tpu.vector_store %arg13[%swap3A_1597, %swap3A_1598], %mul3A_1594 {strides = array<i32>} : memref<128x128xf32, #tpu.memory_space<vmem>>, vector<16xf32>,
        %add3A_1600 = arith.constant 13 : i32
        %add3A_1601 = arith.addi %add3A_244, %add3A_1600 : i32
        %get3A_1602 = arith.index_cast %add3A_1601 : i32 to index
        %get3A_1603 = arith.constant 64 : index
        %get3A_1604 = tpu.vector_load %arg13[%get3A_1602, %get3A_1603] {strides = array<i32>} : memref<128x128xf32, #tpu.memory_space<vmem>>, vector<16xf32>,
        %mul3A_1605 = arith.mulf %get3A_1604, %gather3A_1555 : vector<16xf32>
        %add3A_1606 = arith.constant 13 : i32
        %add3A_1607 = arith.addi %add3A_244, %add3A_1606 : i32
        %swap3A_1608 = arith.index_cast %add3A_1607 : i32 to index
        %swap3A_1609 = arith.constant 64 : index
        %swap3A_1610 = tpu.vector_load %arg13[%swap3A_1608, %swap3A_1609] {strides = array<i32>} : memref<128x128xf32, #tpu.memory_space<vmem>>, vector<16xf32>,
        tpu.vector_store %arg13[%swap3A_1608, %swap3A_1609], %mul3A_1605 {strides = array<i32>} : memref<128x128xf32, #tpu.memory_space<vmem>>, vector<16xf32>,
        %add3A_1611 = arith.constant 13 : i32
        %add3A_1612 = arith.addi %add3A_244, %add3A_1611 : i32
        %get3A_1613 = arith.index_cast %add3A_1612 : i32 to index
        %get3A_1614 = arith.constant 80 : index
        %get3A_1615 = tpu.vector_load %arg13[%get3A_1613, %get3A_1614] {strides = array<i32>} : memref<128x128xf32, #tpu.memory_space<vmem>>, vector<16xf32>,
        %mul3A_1616 = arith.mulf %get3A_1615, %gather3A_1555 : vector<16xf32>
        %add3A_1617 = arith.constant 13 : i32
        %add3A_1618 = arith.addi %add3A_244, %add3A_1617 : i32
        %swap3A_1619 = arith.index_cast %add3A_1618 : i32 to index
        %swap3A_1620 = arith.constant 80 : index
        %swap3A_1621 = tpu.vector_load %arg13[%swap3A_1619, %swap3A_1620] {strides = array<i32>} : memref<128x128xf32, #tpu.memory_space<vmem>>, vector<16xf32>,
        tpu.vector_store %arg13[%swap3A_1619, %swap3A_1620], %mul3A_1616 {strides = array<i32>} : memref<128x128xf32, #tpu.memory_space<vmem>>, vector<16xf32>,
        %add3A_1622 = arith.constant 13 : i32
        %add3A_1623 = arith.addi %add3A_244, %add3A_1622 : i32
        %get3A_1624 = arith.index_cast %add3A_1623 : i32 to index
        %get3A_1625 = arith.constant 96 : index
        %get3A_1626 = tpu.vector_load %arg13[%get3A_1624, %get3A_1625] {strides = array<i32>} : memref<128x128xf32, #tpu.memory_space<vmem>>, vector<16xf32>,
        %mul3A_1627 = arith.mulf %get3A_1626, %gather3A_1555 : vector<16xf32>
        %add3A_1628 = arith.constant 13 : i32
        %add3A_1629 = arith.addi %add3A_244, %add3A_1628 : i32
        %swap3A_1630 = arith.index_cast %add3A_1629 : i32 to index
        %swap3A_1631 = arith.constant 96 : index
        %swap3A_1632 = tpu.vector_load %arg13[%swap3A_1630, %swap3A_1631] {strides = array<i32>} : memref<128x128xf32, #tpu.memory_space<vmem>>, vector<16xf32>,
        tpu.vector_store %arg13[%swap3A_1630, %swap3A_1631], %mul3A_1627 {strides = array<i32>} : memref<128x128xf32, #tpu.memory_space<vmem>>, vector<16xf32>,
        %add3A_1633 = arith.constant 13 : i32
        %add3A_1634 = arith.addi %add3A_244, %add3A_1633 : i32
        %get3A_1635 = arith.index_cast %add3A_1634 : i32 to index
        %get3A_1636 = arith.constant 112 : index
        %get3A_1637 = tpu.vector_load %arg13[%get3A_1635, %get3A_1636] {strides = array<i32>} : memref<128x128xf32, #tpu.memory_space<vmem>>, vector<16xf32>,
        %mul3A_1638 = arith.mulf %get3A_1637, %gather3A_1555 : vector<16xf32>
        %add3A_1639 = arith.constant 13 : i32
        %add3A_1640 = arith.addi %add3A_244, %add3A_1639 : i32
        %swap3A_1641 = arith.index_cast %add3A_1640 : i32 to index
        %swap3A_1642 = arith.constant 112 : index
        %swap3A_1643 = tpu.vector_load %arg13[%swap3A_1641, %swap3A_1642] {strides = array<i32>} : memref<128x128xf32, #tpu.memory_space<vmem>>, vector<16xf32>,
        tpu.vector_store %arg13[%swap3A_1641, %swap3A_1642], %mul3A_1638 {strides = array<i32>} : memref<128x128xf32, #tpu.memory_space<vmem>>, vector<16xf32>,
        %broadcast_in_dim3A_1644 = arith.constant 14 : i32
        %broadcast_in_dim3A_1645 = vector.broadcast %broadcast_in_dim3A_1644 : i32 to vector<16xi32>
        %lt3A_1646 = arith.constant 0 : i32
        %lt3A_1647 = vector.broadcast %lt3A_1646 : i32 to vector<16xi32>
        %lt3A_1648 = arith.cmpi slt, %broadcast_in_dim3A_1645, %lt3A_1647 : vector<16xi32>
        %add3A_1649 = arith.constant 16 : i32
        %add3A_1650 = vector.broadcast %add3A_1649 : i32 to vector<16xi32>
        %add3A_1651 = arith.addi %broadcast_in_dim3A_1645, %add3A_1650 : vector<16xi32>
        %select_n3A_1652 = arith.select %lt3A_1648, %add3A_1651, %broadcast_in_dim3A_1645 : vector<16xi1>, vector<16xi32>
        %broadcast_in_dim3A_1653 = vector.shape_cast %select_n3A_1652 : vector<16xi32> to vector<16x1xi32>
        %gather3A_1654 = vector.shape_cast %broadcast_in_dim3A_1653 : vector<16x1xi32> to vector<16xi32>
        %gather3A_1655 = tpu.dynamic_gather %get3A_246[%gather3A_1654] in [0] : vector<16xf32>, vector<16xi32> -> vector<16xf32>
        %add3A_1656 = arith.constant 14 : i32
        %add3A_1657 = arith.addi %add3A_244, %add3A_1656 : i32
        %get3A_1658 = arith.index_cast %add3A_1657 : i32 to index
        %get3A_1659 = arith.constant 0 : index
        %get3A_1660 = tpu.vector_load %arg13[%get3A_1658, %get3A_1659] {strides = array<i32>} : memref<128x128xf32, #tpu.memory_space<vmem>>, vector<16xf32>,
        %mul3A_1661 = arith.mulf %get3A_1660, %gather3A_1655 : vector<16xf32>
        %add3A_1662 = arith.constant 14 : i32
        %add3A_1663 = arith.addi %add3A_244, %add3A_1662 : i32
        %swap3A_1664 = arith.index_cast %add3A_1663 : i32 to index
        %swap3A_1665 = arith.constant 0 : index
        %swap3A_1666 = tpu.vector_load %arg13[%swap3A_1664, %swap3A_1665] {strides = array<i32>} : memref<128x128xf32, #tpu.memory_space<vmem>>, vector<16xf32>,
        tpu.vector_store %arg13[%swap3A_1664, %swap3A_1665], %mul3A_1661 {strides = array<i32>} : memref<128x128xf32, #tpu.memory_space<vmem>>, vector<16xf32>,
        %add3A_1667 = arith.constant 14 : i32
        %add3A_1668 = arith.addi %add3A_244, %add3A_1667 : i32
        %get3A_1669 = arith.index_cast %add3A_1668 : i32 to index
        %get3A_1670 = arith.constant 16 : index
        %get3A_1671 = tpu.vector_load %arg13[%get3A_1669, %get3A_1670] {strides = array<i32>} : memref<128x128xf32, #tpu.memory_space<vmem>>, vector<16xf32>,
        %mul3A_1672 = arith.mulf %get3A_1671, %gather3A_1655 : vector<16xf32>
        %add3A_1673 = arith.constant 14 : i32
        %add3A_1674 = arith.addi %add3A_244, %add3A_1673 : i32
        %swap3A_1675 = arith.index_cast %add3A_1674 : i32 to index
        %swap3A_1676 = arith.constant 16 : index
        %swap3A_1677 = tpu.vector_load %arg13[%swap3A_1675, %swap3A_1676] {strides = array<i32>} : memref<128x128xf32, #tpu.memory_space<vmem>>, vector<16xf32>,
        tpu.vector_store %arg13[%swap3A_1675, %swap3A_1676], %mul3A_1672 {strides = array<i32>} : memref<128x128xf32, #tpu.memory_space<vmem>>, vector<16xf32>,
        %add3A_1678 = arith.constant 14 : i32
        %add3A_1679 = arith.addi %add3A_244, %add3A_1678 : i32
        %get3A_1680 = arith.index_cast %add3A_1679 : i32 to index
        %get3A_1681 = arith.constant 32 : index
        %get3A_1682 = tpu.vector_load %arg13[%get3A_1680, %get3A_1681] {strides = array<i32>} : memref<128x128xf32, #tpu.memory_space<vmem>>, vector<16xf32>,
        %mul3A_1683 = arith.mulf %get3A_1682, %gather3A_1655 : vector<16xf32>
        %add3A_1684 = arith.constant 14 : i32
        %add3A_1685 = arith.addi %add3A_244, %add3A_1684 : i32
        %swap3A_1686 = arith.index_cast %add3A_1685 : i32 to index
        %swap3A_1687 = arith.constant 32 : index
        %swap3A_1688 = tpu.vector_load %arg13[%swap3A_1686, %swap3A_1687] {strides = array<i32>} : memref<128x128xf32, #tpu.memory_space<vmem>>, vector<16xf32>,
        tpu.vector_store %arg13[%swap3A_1686, %swap3A_1687], %mul3A_1683 {strides = array<i32>} : memref<128x128xf32, #tpu.memory_space<vmem>>, vector<16xf32>,
        %add3A_1689 = arith.constant 14 : i32
        %add3A_1690 = arith.addi %add3A_244, %add3A_1689 : i32
        %get3A_1691 = arith.index_cast %add3A_1690 : i32 to index
        %get3A_1692 = arith.constant 48 : index
        %get3A_1693 = tpu.vector_load %arg13[%get3A_1691, %get3A_1692] {strides = array<i32>} : memref<128x128xf32, #tpu.memory_space<vmem>>, vector<16xf32>,
        %mul3A_1694 = arith.mulf %get3A_1693, %gather3A_1655 : vector<16xf32>
        %add3A_1695 = arith.constant 14 : i32
        %add3A_1696 = arith.addi %add3A_244, %add3A_1695 : i32
        %swap3A_1697 = arith.index_cast %add3A_1696 : i32 to index
        %swap3A_1698 = arith.constant 48 : index
        %swap3A_1699 = tpu.vector_load %arg13[%swap3A_1697, %swap3A_1698] {strides = array<i32>} : memref<128x128xf32, #tpu.memory_space<vmem>>, vector<16xf32>,
        tpu.vector_store %arg13[%swap3A_1697, %swap3A_1698], %mul3A_1694 {strides = array<i32>} : memref<128x128xf32, #tpu.memory_space<vmem>>, vector<16xf32>,
        %add3A_1700 = arith.constant 14 : i32
        %add3A_1701 = arith.addi %add3A_244, %add3A_1700 : i32
        %get3A_1702 = arith.index_cast %add3A_1701 : i32 to index
        %get3A_1703 = arith.constant 64 : index
        %get3A_1704 = tpu.vector_load %arg13[%get3A_1702, %get3A_1703] {strides = array<i32>} : memref<128x128xf32, #tpu.memory_space<vmem>>, vector<16xf32>,
        %mul3A_1705 = arith.mulf %get3A_1704, %gather3A_1655 : vector<16xf32>
        %add3A_1706 = arith.constant 14 : i32
        %add3A_1707 = arith.addi %add3A_244, %add3A_1706 : i32
        %swap3A_1708 = arith.index_cast %add3A_1707 : i32 to index
        %swap3A_1709 = arith.constant 64 : index
        %swap3A_1710 = tpu.vector_load %arg13[%swap3A_1708, %swap3A_1709] {strides = array<i32>} : memref<128x128xf32, #tpu.memory_space<vmem>>, vector<16xf32>,
        tpu.vector_store %arg13[%swap3A_1708, %swap3A_1709], %mul3A_1705 {strides = array<i32>} : memref<128x128xf32, #tpu.memory_space<vmem>>, vector<16xf32>,
        %add3A_1711 = arith.constant 14 : i32
        %add3A_1712 = arith.addi %add3A_244, %add3A_1711 : i32
        %get3A_1713 = arith.index_cast %add3A_1712 : i32 to index
        %get3A_1714 = arith.constant 80 : index
        %get3A_1715 = tpu.vector_load %arg13[%get3A_1713, %get3A_1714] {strides = array<i32>} : memref<128x128xf32, #tpu.memory_space<vmem>>, vector<16xf32>,
        %mul3A_1716 = arith.mulf %get3A_1715, %gather3A_1655 : vector<16xf32>
        %add3A_1717 = arith.constant 14 : i32
        %add3A_1718 = arith.addi %add3A_244, %add3A_1717 : i32
        %swap3A_1719 = arith.index_cast %add3A_1718 : i32 to index
        %swap3A_1720 = arith.constant 80 : index
        %swap3A_1721 = tpu.vector_load %arg13[%swap3A_1719, %swap3A_1720] {strides = array<i32>} : memref<128x128xf32, #tpu.memory_space<vmem>>, vector<16xf32>,
        tpu.vector_store %arg13[%swap3A_1719, %swap3A_1720], %mul3A_1716 {strides = array<i32>} : memref<128x128xf32, #tpu.memory_space<vmem>>, vector<16xf32>,
        %add3A_1722 = arith.constant 14 : i32
        %add3A_1723 = arith.addi %add3A_244, %add3A_1722 : i32
        %get3A_1724 = arith.index_cast %add3A_1723 : i32 to index
        %get3A_1725 = arith.constant 96 : index
        %get3A_1726 = tpu.vector_load %arg13[%get3A_1724, %get3A_1725] {strides = array<i32>} : memref<128x128xf32, #tpu.memory_space<vmem>>, vector<16xf32>,
        %mul3A_1727 = arith.mulf %get3A_1726, %gather3A_1655 : vector<16xf32>
        %add3A_1728 = arith.constant 14 : i32
        %add3A_1729 = arith.addi %add3A_244, %add3A_1728 : i32
        %swap3A_1730 = arith.index_cast %add3A_1729 : i32 to index
        %swap3A_1731 = arith.constant 96 : index
        %swap3A_1732 = tpu.vector_load %arg13[%swap3A_1730, %swap3A_1731] {strides = array<i32>} : memref<128x128xf32, #tpu.memory_space<vmem>>, vector<16xf32>,
        tpu.vector_store %arg13[%swap3A_1730, %swap3A_1731], %mul3A_1727 {strides = array<i32>} : memref<128x128xf32, #tpu.memory_space<vmem>>, vector<16xf32>,
        %add3A_1733 = arith.constant 14 : i32
        %add3A_1734 = arith.addi %add3A_244, %add3A_1733 : i32
        %get3A_1735 = arith.index_cast %add3A_1734 : i32 to index
        %get3A_1736 = arith.constant 112 : index
        %get3A_1737 = tpu.vector_load %arg13[%get3A_1735, %get3A_1736] {strides = array<i32>} : memref<128x128xf32, #tpu.memory_space<vmem>>, vector<16xf32>,
        %mul3A_1738 = arith.mulf %get3A_1737, %gather3A_1655 : vector<16xf32>
        %add3A_1739 = arith.constant 14 : i32
        %add3A_1740 = arith.addi %add3A_244, %add3A_1739 : i32
        %swap3A_1741 = arith.index_cast %add3A_1740 : i32 to index
        %swap3A_1742 = arith.constant 112 : index
        %swap3A_1743 = tpu.vector_load %arg13[%swap3A_1741, %swap3A_1742] {strides = array<i32>} : memref<128x128xf32, #tpu.memory_space<vmem>>, vector<16xf32>,
        tpu.vector_store %arg13[%swap3A_1741, %swap3A_1742], %mul3A_1738 {strides = array<i32>} : memref<128x128xf32, #tpu.memory_space<vmem>>, vector<16xf32>,
        %broadcast_in_dim3A_1744 = arith.constant 15 : i32
        %broadcast_in_dim3A_1745 = vector.broadcast %broadcast_in_dim3A_1744 : i32 to vector<16xi32>
        %lt3A_1746 = arith.constant 0 : i32
        %lt3A_1747 = vector.broadcast %lt3A_1746 : i32 to vector<16xi32>
        %lt3A_1748 = arith.cmpi slt, %broadcast_in_dim3A_1745, %lt3A_1747 : vector<16xi32>
        %add3A_1749 = arith.constant 16 : i32
        %add3A_1750 = vector.broadcast %add3A_1749 : i32 to vector<16xi32>
        %add3A_1751 = arith.addi %broadcast_in_dim3A_1745, %add3A_1750 : vector<16xi32>
        %select_n3A_1752 = arith.select %lt3A_1748, %add3A_1751, %broadcast_in_dim3A_1745 : vector<16xi1>, vector<16xi32>
        %broadcast_in_dim3A_1753 = vector.shape_cast %select_n3A_1752 : vector<16xi32> to vector<16x1xi32>
        %gather3A_1754 = vector.shape_cast %broadcast_in_dim3A_1753 : vector<16x1xi32> to vector<16xi32>
        %gather3A_1755 = tpu.dynamic_gather %get3A_246[%gather3A_1754] in [0] : vector<16xf32>, vector<16xi32> -> vector<16xf32>
        %add3A_1756 = arith.constant 15 : i32
        %add3A_1757 = arith.addi %add3A_244, %add3A_1756 : i32
        %get3A_1758 = arith.index_cast %add3A_1757 : i32 to index
        %get3A_1759 = arith.constant 0 : index
        %get3A_1760 = tpu.vector_load %arg13[%get3A_1758, %get3A_1759] {strides = array<i32>} : memref<128x128xf32, #tpu.memory_space<vmem>>, vector<16xf32>,
        %mul3A_1761 = arith.mulf %get3A_1760, %gather3A_1755 : vector<16xf32>
        %add3A_1762 = arith.constant 15 : i32
        %add3A_1763 = arith.addi %add3A_244, %add3A_1762 : i32
        %swap3A_1764 = arith.index_cast %add3A_1763 : i32 to index
        %swap3A_1765 = arith.constant 0 : index
        %swap3A_1766 = tpu.vector_load %arg13[%swap3A_1764, %swap3A_1765] {strides = array<i32>} : memref<128x128xf32, #tpu.memory_space<vmem>>, vector<16xf32>,
        tpu.vector_store %arg13[%swap3A_1764, %swap3A_1765], %mul3A_1761 {strides = array<i32>} : memref<128x128xf32, #tpu.memory_space<vmem>>, vector<16xf32>,
        %add3A_1767 = arith.constant 15 : i32
        %add3A_1768 = arith.addi %add3A_244, %add3A_1767 : i32
        %get3A_1769 = arith.index_cast %add3A_1768 : i32 to index
        %get3A_1770 = arith.constant 16 : index
        %get3A_1771 = tpu.vector_load %arg13[%get3A_1769, %get3A_1770] {strides = array<i32>} : memref<128x128xf32, #tpu.memory_space<vmem>>, vector<16xf32>,
        %mul3A_1772 = arith.mulf %get3A_1771, %gather3A_1755 : vector<16xf32>
        %add3A_1773 = arith.constant 15 : i32
        %add3A_1774 = arith.addi %add3A_244, %add3A_1773 : i32
        %swap3A_1775 = arith.index_cast %add3A_1774 : i32 to index
        %swap3A_1776 = arith.constant 16 : index
        %swap3A_1777 = tpu.vector_load %arg13[%swap3A_1775, %swap3A_1776] {strides = array<i32>} : memref<128x128xf32, #tpu.memory_space<vmem>>, vector<16xf32>,
        tpu.vector_store %arg13[%swap3A_1775, %swap3A_1776], %mul3A_1772 {strides = array<i32>} : memref<128x128xf32, #tpu.memory_space<vmem>>, vector<16xf32>,
        %add3A_1778 = arith.constant 15 : i32
        %add3A_1779 = arith.addi %add3A_244, %add3A_1778 : i32
        %get3A_1780 = arith.index_cast %add3A_1779 : i32 to index
        %get3A_1781 = arith.constant 32 : index
        %get3A_1782 = tpu.vector_load %arg13[%get3A_1780, %get3A_1781] {strides = array<i32>} : memref<128x128xf32, #tpu.memory_space<vmem>>, vector<16xf32>,
        %mul3A_1783 = arith.mulf %get3A_1782, %gather3A_1755 : vector<16xf32>
        %add3A_1784 = arith.constant 15 : i32
        %add3A_1785 = arith.addi %add3A_244, %add3A_1784 : i32
        %swap3A_1786 = arith.index_cast %add3A_1785 : i32 to index
        %swap3A_1787 = arith.constant 32 : index
        %swap3A_1788 = tpu.vector_load %arg13[%swap3A_1786, %swap3A_1787] {strides = array<i32>} : memref<128x128xf32, #tpu.memory_space<vmem>>, vector<16xf32>,
        tpu.vector_store %arg13[%swap3A_1786, %swap3A_1787], %mul3A_1783 {strides = array<i32>} : memref<128x128xf32, #tpu.memory_space<vmem>>, vector<16xf32>,
        %add3A_1789 = arith.constant 15 : i32
        %add3A_1790 = arith.addi %add3A_244, %add3A_1789 : i32
        %get3A_1791 = arith.index_cast %add3A_1790 : i32 to index
        %get3A_1792 = arith.constant 48 : index
        %get3A_1793 = tpu.vector_load %arg13[%get3A_1791, %get3A_1792] {strides = array<i32>} : memref<128x128xf32, #tpu.memory_space<vmem>>, vector<16xf32>,
        %mul3A_1794 = arith.mulf %get3A_1793, %gather3A_1755 : vector<16xf32>
        %add3A_1795 = arith.constant 15 : i32
        %add3A_1796 = arith.addi %add3A_244, %add3A_1795 : i32
        %swap3A_1797 = arith.index_cast %add3A_1796 : i32 to index
        %swap3A_1798 = arith.constant 48 : index
        %swap3A_1799 = tpu.vector_load %arg13[%swap3A_1797, %swap3A_1798] {strides = array<i32>} : memref<128x128xf32, #tpu.memory_space<vmem>>, vector<16xf32>,
        tpu.vector_store %arg13[%swap3A_1797, %swap3A_1798], %mul3A_1794 {strides = array<i32>} : memref<128x128xf32, #tpu.memory_space<vmem>>, vector<16xf32>,
        %add3A_1800 = arith.constant 15 : i32
        %add3A_1801 = arith.addi %add3A_244, %add3A_1800 : i32
        %get3A_1802 = arith.index_cast %add3A_1801 : i32 to index
        %get3A_1803 = arith.constant 64 : index
        %get3A_1804 = tpu.vector_load %arg13[%get3A_1802, %get3A_1803] {strides = array<i32>} : memref<128x128xf32, #tpu.memory_space<vmem>>, vector<16xf32>,
        %mul3A_1805 = arith.mulf %get3A_1804, %gather3A_1755 : vector<16xf32>
        %add3A_1806 = arith.constant 15 : i32
        %add3A_1807 = arith.addi %add3A_244, %add3A_1806 : i32
        %swap3A_1808 = arith.index_cast %add3A_1807 : i32 to index
        %swap3A_1809 = arith.constant 64 : index
        %swap3A_1810 = tpu.vector_load %arg13[%swap3A_1808, %swap3A_1809] {strides = array<i32>} : memref<128x128xf32, #tpu.memory_space<vmem>>, vector<16xf32>,
        tpu.vector_store %arg13[%swap3A_1808, %swap3A_1809], %mul3A_1805 {strides = array<i32>} : memref<128x128xf32, #tpu.memory_space<vmem>>, vector<16xf32>,
        %add3A_1811 = arith.constant 15 : i32
        %add3A_1812 = arith.addi %add3A_244, %add3A_1811 : i32
        %get3A_1813 = arith.index_cast %add3A_1812 : i32 to index
        %get3A_1814 = arith.constant 80 : index
        %get3A_1815 = tpu.vector_load %arg13[%get3A_1813, %get3A_1814] {strides = array<i32>} : memref<128x128xf32, #tpu.memory_space<vmem>>, vector<16xf32>,
        %mul3A_1816 = arith.mulf %get3A_1815, %gather3A_1755 : vector<16xf32>
        %add3A_1817 = arith.constant 15 : i32
        %add3A_1818 = arith.addi %add3A_244, %add3A_1817 : i32
        %swap3A_1819 = arith.index_cast %add3A_1818 : i32 to index
        %swap3A_1820 = arith.constant 80 : index
        %swap3A_1821 = tpu.vector_load %arg13[%swap3A_1819, %swap3A_1820] {strides = array<i32>} : memref<128x128xf32, #tpu.memory_space<vmem>>, vector<16xf32>,
        tpu.vector_store %arg13[%swap3A_1819, %swap3A_1820], %mul3A_1816 {strides = array<i32>} : memref<128x128xf32, #tpu.memory_space<vmem>>, vector<16xf32>,
        %add3A_1822 = arith.constant 15 : i32
        %add3A_1823 = arith.addi %add3A_244, %add3A_1822 : i32
        %get3A_1824 = arith.index_cast %add3A_1823 : i32 to index
        %get3A_1825 = arith.constant 96 : index
        %get3A_1826 = tpu.vector_load %arg13[%get3A_1824, %get3A_1825] {strides = array<i32>} : memref<128x128xf32, #tpu.memory_space<vmem>>, vector<16xf32>,
        %mul3A_1827 = arith.mulf %get3A_1826, %gather3A_1755 : vector<16xf32>
        %add3A_1828 = arith.constant 15 : i32
        %add3A_1829 = arith.addi %add3A_244, %add3A_1828 : i32
        %swap3A_1830 = arith.index_cast %add3A_1829 : i32 to index
        %swap3A_1831 = arith.constant 96 : index
        %swap3A_1832 = tpu.vector_load %arg13[%swap3A_1830, %swap3A_1831] {strides = array<i32>} : memref<128x128xf32, #tpu.memory_space<vmem>>, vector<16xf32>,
        tpu.vector_store %arg13[%swap3A_1830, %swap3A_1831], %mul3A_1827 {strides = array<i32>} : memref<128x128xf32, #tpu.memory_space<vmem>>, vector<16xf32>,
        %add3A_1833 = arith.constant 15 : i32
        %add3A_1834 = arith.addi %add3A_244, %add3A_1833 : i32
        %get3A_1835 = arith.index_cast %add3A_1834 : i32 to index
        %get3A_1836 = arith.constant 112 : index
        %get3A_1837 = tpu.vector_load %arg13[%get3A_1835, %get3A_1836] {strides = array<i32>} : memref<128x128xf32, #tpu.memory_space<vmem>>, vector<16xf32>,
        %mul3A_1838 = arith.mulf %get3A_1837, %gather3A_1755 : vector<16xf32>
        %add3A_1839 = arith.constant 15 : i32
        %add3A_1840 = arith.addi %add3A_244, %add3A_1839 : i32
        %swap3A_1841 = arith.index_cast %add3A_1840 : i32 to index
        %swap3A_1842 = arith.constant 112 : index
        %swap3A_1843 = tpu.vector_load %arg13[%swap3A_1841, %swap3A_1842] {strides = array<i32>} : memref<128x128xf32, #tpu.memory_space<vmem>>, vector<16xf32>,
        tpu.vector_store %arg13[%swap3A_1841, %swap3A_1842], %mul3A_1838 {strides = array<i32>} : memref<128x128xf32, #tpu.memory_space<vmem>>, vector<16xf32>,
      }
      %scan3A_225 = arith.constant 8 : i32
      %mul3A_226 = arith.constant 128 : i32
      %mul3A_227 = arith.muli %add3A_196, %mul3A_226 : i32
      %add3A_228 = arith.addi %mul3A_2, %mul3A_227 : i32
      %dma_start3A_229 = arith.constant 0 : i32
      %dma_start3A_230 = tpu.memref_slice %arg5[%add3A_228, %dma_start3A_229] : memref<532480x128xf32, #tpu.memory_space<hbm>> -> memref<128x128xf32, #tpu.memory_space<hbm>>
      %dma_start3A_231 = arith.constant 0 : i32
      %dma_start3A_232 = tpu.memref_slice %arg5[%add3A_228, %dma_start3A_231] : memref<532480x128xf32, #tpu.memory_space<hbm>> -> memref<128x128xf32, #tpu.memory_space<hbm>>
      tpu.enqueue_dma source(%arg13 : memref<128x128xf32, #tpu.memory_space<vmem>>) target(%dma_start3A_232 : memref<128x128xf32, #tpu.memory_space<hbm>>) target_semaphore(%arg20 : memref<!tpu.dma_semaphore, #tpu.memory_space<semaphore_mem>>)
      %add3A_233 = arith.constant 2 : i32
      %add3A_234 = arith.addi %add3A_196, %add3A_233 : i32
      %lt3A_235 = arith.constant 130 : i32
      %lt3A_236 = arith.cmpi slt, %add3A_234, %lt3A_235 : i32
      %convert_element_type3A_237 = arith.extui %lt3A_236 : i1 to i32
      %cond3A_238 = arith.constant 0 : i32
      %cond3A_239 = arith.cmpi ne, %convert_element_type3A_237, %cond3A_238 : i32
      scf.if %cond3A_239 {
        %add3A_240 = arith.constant 2 : i32
        %add3A_241 = arith.addi %add3A_196, %add3A_240 : i32
        %mul3A_242 = arith.constant 128 : i32
        %mul3A_243 = arith.muli %add3A_241, %mul3A_242 : i32
        %add3A_244 = arith.addi %mul3A_2, %mul3A_243 : i32
        %dma_start3A_245 = tpu.memref_slice %arg3[%add3A_244] : memref<532480xf32, #tpu.memory_space<hbm>> -> memref<128xf32, #tpu.memory_space<hbm>>
        %dma_start3A_246 = tpu.memref_slice %arg3[%add3A_244] : memref<532480xf32, #tpu.memory_space<hbm>> -> memref<128xf32, #tpu.memory_space<hbm>>
        tpu.enqueue_dma source(%dma_start3A_246 : memref<128xf32, #tpu.memory_space<hbm>>) target(%arg11 : memref<128xf32, #tpu.memory_space<vmem>>) target_semaphore(%arg19 : memref<!tpu.dma_semaphore, #tpu.memory_space<semaphore_mem>>)
      } else {
      }
    }
    %scan3A_144 = arith.constant 65 : i32
    %dma_wait3A_145 = arith.constant 0 : i32
    %dma_wait3A_146 = tpu.memref_slice %arg5[%mul3A_2, %dma_wait3A_145] : memref<532480x128xf32, #tpu.memory_space<hbm>> -> memref<128x128xf32, #tpu.memory_space<hbm>>
    %dma_wait3A_147 = arith.constant 0 : i32
    %dma_wait3A_148 = tpu.memref_slice %arg5[%mul3A_2, %dma_wait3A_147] : memref<532480x128xf32, #tpu.memory_space<hbm>> -> memref<128x128xf32, #tpu.memory_space<hbm>>
    tpu.wait_dma2 semaphore(%arg20 : memref<!tpu.dma_semaphore, #tpu.memory_space<semaphore_mem>>) src(%arg13 : memref<128x128xf32, #tpu.memory_space<vmem>>) dst(%dma_wait3A_148 : memref<128x128xf32, #tpu.memory_space<hbm>>)
    return
  }
}

</mosaic_0001>

<sc_bundles>
// kernel: kernel.3.cloned.1.call-start
scs
__scs_entry_jumppad:
0x0: {  	(pc) =	sbr.rel $0x88, $3  }
0x1: {  	(tag) =	ssettag $0x0;
	lr =	simm.s32 $0x1  }
0x2: {  	[smem:$0x3F9E] =	sst lr;
	_ =	strace $0xD0000000  }
0x3: {  	_ = 	snop  }
0x4: {  	_ = 	snop  }
0x5: {  	_ = 	snop  }
0x6: {  	_ = 	snop  }
0x7: {  	_ = 	snop  }
__scs_overlays_trampoline_lowered:
0x8: {  	[smem:$0x3FAD] =	sst s0  }
0x9: {  	[smem:$0x3FAE] =	sst s1  }
0xa: {  	[smem:$0x3FAF] =	sst s2  }
0xb: {  	[smem:$0x3FB0] =	sst s3  }
0xc: {  	[smem:$0x3FB1] =	sst s4  }
0xd: {  	[smem:$0x3FB2] =	sst s5  }
0xe: {  	[smem:$0x3FB3] =	sst s6  }
0xf: {  	[smem:$0x3FB4] =	sst s7  }
0x10: {  	[smem:$0x3FB5] =	sst s8  }
0x11: {  	[smem:$0x3FB6] =	sst s9;
	s0 =	simm.s32 @!p0 $0x0  }
0x12: {  	s1 =	sld [smem:$0x3F9C];
	s0 =	simm.s32 @p0 $0x1  }
0x13: {  	[smem:$0x3FB7] =	sst s0;
	s0 =	simm.s32 @!p1 $0x0  }
0x14: {  	s2 =	sld [smem:$0x3F9B];
	s0 =	simm.s32 @p1 $0x1  }
0x15: {  	[smem:$0x3FB8] =	sst s0;
	s0 =	simm.s32 @!p2 $0x0  }
0x16: {  	s3 =	sld [smem:$0x3FDB];
	s0 =	simm.s32 @p2 $0x1  }
0x17: {  	s4 =	simm.s32 $0x1BF5;
	[smem:$0x3FBA] =	sst s0  }
0x18: {  	s0 =	sld [smem:$0x3F9D];
	_ =	swait.ge [sflag:s4], $0x0  }
0x19: {  	s7 =	sld [smem:$0x3F9E]  }
0x1a: {  	s8 =	sadd.s32 $0xFFFFE003, lr  }
0x1b: {  	s9 =	sadd.s32 $0xFFFFFEF7, lr;
	s5 =	simm.s32 $0xFFFFFFFF;
	p2 =	slt.u32 s8, $0xFFFFF086  }
0x1c: {  	p1 =	slt.u32 s9, $0xF7A;
	s5 =	simm.s32 @!p2 $0x0  }
0x1d: {  	s5 =	simm.s32 @p1 $0x1;
	p0 =	seq.s32 s7, s2  }
0x1e: {  	s7 =	smul.u32 @!p0 $0xF7A, s2;
	p2 =	seq.s32 @!p0 s5, $0x0  }
0x1f: {  	s9 =	smul.u32 $0xF7A, s1;
	s8 =	simm.s32 @!p0 $0x1BF5;
	p2 =	por !p2, p0  }
0x20: {  	[sflag:s8] =	ssyncset.s32 @!p0 $0xFFFFF086;
	s6 =	sadd.s32 @!p0 s3, s7;
	s7 =	simm.s32 @!p0 $0x108  }
0x21: {  	s3 =	sadd.s32 s3, s9;
	s6 =	sadd.s32 @!p0 $0x88, s6;
	s7 =	simm.s32 @p2 $0x1082  }
0x22: {  	[simem:s7], [sflag:s8] =	dma.local @!p0 [hbm:s6], $0xF7A  }
0x23: {  	s9 =	sor.u32 $0xD0000000, s2;
	s6 =	simm.s32 $0x108;
	_ =	swait.ge @!p0 [sflag:s8], $0x0  }
0x24: {  	s3 =	sadd.s32 $0x88, s3;
	s6 =	simm.s32 @!p1 $0x1082;
	[sflag:s4] =	ssyncset.s32 $0xFFFFF086  }
0x25: {  	[simem:s6], [sflag:s4] =	dma.local [hbm:s3], $0xF7A  }
0x26: {  	[smem:$0x3F9E] =	sst s1;
	(tag) =	ssettag s2;
	_ =	strace s9  }
0x27: {  	s1 =	sld [smem:$0x3FAE]  }
0x28: {  	s2 =	sld [smem:$0x3FAF]  }
0x29: {  	s4 =	sld [smem:$0x3FB1]  }
0x2a: {  	p0 =	seq.s32 s5, $0x0;
	s5 =	sld [smem:$0x3FB2]  }
0x2b: {  	s6 =	sld [smem:$0x3FB3]  }
0x2c: {  	s7 =	sld [smem:$0x3FB4]  }
0x2d: {  	s3 =	simm.s32 $0x108;
	s8 =	sld [smem:$0x3FB5]  }
0x2e: {  	s3 =	simm.s32 @!p0 $0x1082;
	s9 =	sld [smem:$0x3FB6]  }
0x2f: {  	lr =	sadd.s32 s0, s3;
	s0 =	sld [smem:$0x3FAD]  }
0x30: {  	s3 =	sld [smem:$0x3FB0]  }
0x31: {  	[smem:$0x3FB9] =	sst s10  }
0x32: {  	s10 =	sld [smem:$0x3FB7];
	_ =	sdelay $0x3  }
0x33: {  	p0 =	seq.s32 s10, $0x1;
	s10 =	sld [smem:$0x3FB9];
	_ =	sdelay $0x3  }
0x34: {  	[smem:$0x3FB9] =	sst s10  }
0x35: {  	s10 =	sld [smem:$0x3FB8];
	_ =	sdelay $0x3  }
0x36: {  	p1 =	seq.s32 s10, $0x1;
	s10 =	sld [smem:$0x3FB9];
	_ =	sdelay $0x3  }
0x37: {  	[smem:$0x3FB9] =	sst s10  }
0x38: {  	s10 =	sld [smem:$0x3FBA]  }
0x39: {  	_ = 	snop;
	(pc) =	sbr.ind lr, $3  }
0x3a: {  	_ = 	snop  }
0x3b: {  	_ = 	snop  }
0x3c: {  	p2 =	seq.s32 s10, $0x1;
	s10 =	sld [smem:$0x3FB9]  }
0x3d: {  	_ =	shalt  }
0x3e: {  	_ =	shalt  }
0x3f: {  	_ =	shalt  }
0x40: {  	_ =	shalt  }
0x41: {  	_ =	shalt  }
0x42: {  	_ =	shalt  }
0x43: {  	_ =	shalt  }
0x44: {  	_ =	shalt  }
0x45: {  	_ =	shalt  }
0x46: {  	_ =	shalt  }
0x47: {  	_ =	shalt  }
0x48: {  	_ =	shalt  }
0x49: {  	_ =	shalt  }
0x4a: {  	_ =	shalt  }
0x4b: {  	_ =	shalt  }
0x4c: {  	_ =	shalt  }
0x4d: {  	_ =	shalt  }
0x4e: {  	_ =	shalt  }
0x4f: {  	_ =	shalt  }
0x50: {  	_ =	shalt  }
0x51: {  	_ =	shalt  }
0x52: {  	_ =	shalt  }
0x53: {  	_ =	shalt  }
0x54: {  	_ =	shalt  }
0x55: {  	_ =	shalt  }
0x56: {  	_ =	shalt  }
0x57: {  	_ =	shalt  }
0x58: {  	_ =	shalt  }
0x59: {  	_ =	shalt  }
0x5a: {  	_ =	shalt  }
0x5b: {  	_ =	shalt  }
0x5c: {  	_ =	shalt  }
0x5d: {  	_ =	shalt  }
0x5e: {  	_ =	shalt  }
0x5f: {  	_ =	shalt  }
0x60: {  	_ =	shalt  }
0x61: {  	_ =	shalt  }
0x62: {  	_ =	shalt  }
0x63: {  	_ =	shalt  }
0x64: {  	_ =	shalt  }
0x65: {  	_ =	shalt  }
0x66: {  	_ =	shalt  }
0x67: {  	_ =	shalt  }
0x68: {  	_ =	shalt  }
0x69: {  	_ =	shalt  }
0x6a: {  	_ =	shalt  }
0x6b: {  	_ =	shalt  }
0x6c: {  	_ =	shalt  }
0x6d: {  	_ =	shalt  }
0x6e: {  	_ =	shalt  }
0x6f: {  	_ =	shalt  }
0x70: {  	_ =	shalt  }
0x71: {  	_ =	shalt  }
0x72: {  	_ =	shalt  }
0x73: {  	_ =	shalt  }
0x74: {  	_ =	shalt  }
0x75: {  	_ =	shalt  }
0x76: {  	_ =	shalt  }
0x77: {  	_ =	shalt  }
0x78: {  	_ =	shalt  }
0x79: {  	_ =	shalt  }
0x7a: {  	_ =	shalt  }
0x7b: {  	_ =	shalt  }
0x7c: {  	_ =	shalt  }
0x7d: {  	_ =	shalt  }
0x7e: {  	_ =	shalt  }
0x7f: {  	_ =	shalt  }
0x80: {  	_ =	shalt  }
0x81: {  	_ =	shalt  }
0x82: {  	_ =	shalt  }
0x83: {  	_ =	shalt  }
0x84: {  	_ =	shalt  }
0x85: {  	_ =	shalt  }
0x86: {  	_ =	shalt  }
0x87: {  	_ =	shalt  }
.Lfunc_end0:
.L_simem_size_0:
called_computation.1_lowered:
.L_overlay_start_0:
0x88: {  	s2 =	sld [smem:$0x3FD9]  }
0x89: {  	s3 =	sld [smem:$0x3FFE];
	_ =	sdelay $0x1  }
0x8a: {  	s1 =	srdreg.scid  }
0x8b: {  	s0 =	sand.u32 $0x1, s1  }
0x8c: {  	s17 =	sshll.u32 s0, $0xA;
	s2 =	sadd.s32 s3, s2  }
0x8d: {  	s2 =	sadd.s32 s2, s17  }
0x8e: {  	[smem:$0x3FC5] =	sst s2  }
0x8f: {  	_ = 	snop  }
0x90: {  	s2 =	sld [smem:$0x3FD0];
	(tm) =	ssettm $0x1  }
0x91: {  	s18 =	sld [smem:$0x3FFB];
	_ =	sdelay $0x3  }
0x92: {  	_ =	strace s18  }
0x93: {  	s3 =	sld [smem:$0x3FFC];
	_ =	sdelay $0x3  }
0x94: {  	_ =	strace s3  }
0x95: {  	s3 =	sld [smem:$0x3FFD];
	_ =	sdelay $0x3  }
0x96: {  	_ =	strace s3  }
0x97: {  	_ =	strace $0x8FFFFFFF  }
0x98: {  	s19 =	sld [smem:$0x3FDB];
	_ =	sdelay $0x1  }
0x99: {  	s4 =	simm.s32 $_scs_section_size  }
0x9a: {  	s5 =	simm.s32 $_size__tile_overlayer_lowered;
	s6 =	simm.s32 $_tile_overlayer_lowered  }
0x9b: {  	s22 =	simm.s32 $0x1BFF;
	s21 =	sshll.u32 s6, $0x1;
	s3 =	sadd.s32 s4, s19  }
0x9c: {  	s7 =	simm.s32 $0x0;
	s20 =	sshll.u32 s5, $0x1;
	s5 =	sadd.s32 s21, s3  }
0x9d: {  	[timem:s7], [sflag:s22] =	dma.local [hbm:s5], s20  }
0x9e: {  	_ =	swait.ge [sflag:s22], s20  }
0x9f: {  	s4 =	ssub.s32 $0x0, s20;
	[sflag:s22] =	ssyncset.done $0x0  }
0xa0: {  	[sflag:s22] =	ssyncadd.s32 s4;
	_ =	sdelay $0x1  }
0xa1: {  	s23 =	simm.s32 $0x1B8B  }
0xa2: {  	_ =	swait.ge [sflag:s23], $0x1  }
0xa3: {  	[sflag:s23] =	ssyncset.done $0x0  }
0xa4: {  	s25 =	simm.s32 $0x1B8E;
	s24 =	sld [smem:$0x3FFE];
	[sflag:s23] =	ssyncadd.s32 $0xFFFFFFFF  }
0xa5: {  	s26 =	simm.s32 $execute0_lowered;
	[smem:$0x3FD2] =	sst s25  }
0xa6: {  	s5 =	sshll.u32 s26, $0x1;
	_ =	strace $0x80000046;
	[dreg:$0x1] =	wrdreg $0xFFFFFFFF  }
0xa7: {  	s28 =	simm.s32 $_size_execute0_lowered;
	s3 =	sadd.s32 s3, s5;
	[dreg:$0x0] =	wrdreg $0x0  }
0xa8: {  	s5 =	sshll.u32 s28, $0x1;
	[dreg:$0x2] =	wrdreg s3  }
0xa9: {  	[dreg:$0x3] =	wrdreg s5  }
0xaa: {  	[dreg:$0x4] =	wrdreg $0xC0  }
0xab: {  	_ =	task [dreg:s7], $0x5FFFF  }
0xac: {  	[dreg:$0x1] =	wrdreg $0xFFFFFFFF  }
0xad: {  	[dreg:$0x0] =	wrdreg $0x60  }
0xae: {  	[dreg:$0x2] =	wrdreg s24  }
0xaf: {  	[dreg:$0x3] =	wrdreg s2  }
0xb0: {  	[dreg:$0x4] =	wrdreg $0x9  }
0xb1: {  	_ =	task.clear_ibuf [dreg:s7], $0x5FFFF;
	_ =	strace $0x90000046  }
0xb2: {  	s29 =	simm.s32 $0x9;
	_ =	strace $0x80000048  }
0xb3: {  	_ =	swait.ge [sflag:s29], $0x1  }
0xb4: {  	[sflag:s29] =	ssyncadd.s32 $0xFFFFFFFF  }
0xb5: {  	_ =	strace $0x90000048  }
0xb6: {  	_ =	sfence  }
0xb7: {  	s30 =	sld [smem:$0x0];
	_ =	sdelay $0x2  }
0xb8: {  	s31 =	sshll.u32 s1, $0xD;
	s1 =	sshrl.u32 s1, $0x2  }
0xb9: {  	s3 =	sand.u32 $0x4000, s31;
	s1 =	sadd.s32 s1, s30  }
0xba: {  	s0 =	sor.u32 s3, s0;
	s1 =	sshll.u32 s1, $0x11  }
0xbb: {  	s0 =	sor.u32 s1, s0  }
0xbc: {  	s0 =	sadd.s32 $0x8F2B, s0  }
0xbd: {  	[sflag:s0] =	ssyncadd.remote.s32 $0x1  }
0xbe: {  	_ =	sfence.sel $0xFFFF  }
0xbf: {  	[dreg:$0x0] =	wrdreg $0xFFFFFFFF;
	(pc) =	sbr.abs _section_cstart, $3  }
0xc0: {  	[dreg:$0x1] =	wrdreg $0xFFFFFFFF  }
0xc1: {  	_ =	task.clear_ibuf [dreg:s7], $0x2FFFF;
	_ =	strace $0x9FFFFFFF  }
0xc2: {  	(tm) =	ssettm $0x7FFFFFFF  }
0xc3: {  	_ =	shalt  }
tec
execute0_lowered:
.L_overlay_start_1:
0x0: {  	(tag) =	ssettag $0x1  }
0x1: {  	s0 =	srdreg.scid;
	s1 =	stileid.u32  }
0x2: {  	s2 =	sand.u32 $0x1, s0;
	s22 =	sshll.u32 s1, $0x1  }
0x3: {  	s0 =	sor.u32 s2, s22  }
0x4: {  	s1 =	smul.u32 $0x4100, s0  }
0x5: {  	v0 =	vlaneseq.u32;
	v14 =	vimm.s32 $0x5  }
0x6: {  	v15 =	vimm.s32 $0x6;
	v16 =	vimm.s32 $0x7;
	v1 =	vor.u32 s1, v0  }
0x7: {  	v17 =	vimm.s32 $0x8;
	v18 =	vimm.s32 $0x9;
	s3 =	sor.u32 $0x10, s1;
	v2 =	vmulhi.u32 $0x4EC4EC4F, v1  }
0x8: {  	v19 =	vimm.s32 $0xA;
	v20 =	vimm.s32 $0xB;
	v3 =	vor.u32 s3, v0  }
0x9: {  	v21 =	vimm.s32 $0xC;
	s23 =	sor.u32 $0x20, s1;
	s26 =	sor.u32 $0x50, s1;
	v4 =	vmulhi.u32 $0x4EC4EC4F, v3;
	v2 =	vshrl.u32 v2, $0x3  }
0xa: {  	s30 =	sor.u32 $0x60, s1;
	v5 =	vor.u32 s23, v0;
	v8 =	vor.u32 s26, v0;
	v2 =	vmul.u32 $0x1A, v2  }
0xb: {  	v10 =	vor.u32 s30, v0;
	v6 =	vmulhi.u32 $0x4EC4EC4F, v5;
	v4 =	vshrl.u32 v4, $0x3  }
0xc: {  	v9 =	vmulhi.u32 $0x4EC4EC4F, v8;
	v1 =	vsub.s32 v1, v2;
	v2 =	vmul.u32 $0x1A, v4  }
0xd: {  	v22 =	vimm.s32 $0xD;
	s24 =	sor.u32 $0x30, s1;
	v11 =	vmulhi.u32 $0x4EC4EC4F, v10;
	v4 =	vshrl.u32 v6, $0x3  }
0xe: {  	s7 =	rddreg [dreg:$0x0];
	s14 =	simm.s32 $0x200;
	s25 =	sor.u32 $0x40, s1;
	v2 =	vsub.s32 v3, v2;
	v3 =	vmul.u32 $0x1A, v4;
	v4 =	vor.u32 s24, v0  }
0xf: {  	s15 =	simm.s32 $0x80;
	s16 =	simm.s32 $0x280;
	v23 =	vimm.s32 $0xE;
	s4 =	sor.u32 $0x70, s1;
	v7 =	vor.u32 s25, v0;
	v6 =	vmulhi.u32 $0x4EC4EC4F, v4  }
0x10: {  	s17 =	simm.s32 $0x3;
	s18 =	simm.s32 $0x100;
	s19 =	simm.s32 $0x300;
	v12 =	vor.u32 s4, v0;
	v3 =	vsub.s32 v5, v3;
	v5 =	vmulhi.u32 $0x4EC4EC4F, v7  }
0x11: {  	s20 =	simm.s32 $0x4;
	s21 =	simm.s32 $0x180;
	v24 =	vimm.s32 $0xF;
	s28 =	simm.s32 $0x6;
	v13 =	vmulhi.u32 $0x4EC4EC4F, v12;
	v6 =	vshrl.u32 v6, $0x3  }
0x12: {  	s29 =	simm.s32 $0x0;
	s5 =	sadd.s32 $0x1A00, s7;
	s2 =	ssub.s32 $0x2, s2;
	v1 =	vmul.u32 $0x3E9, v1;
	v6 =	vmul.u32 $0x1A, v6;
	v5 =	vshrl.u32 v5, $0x3  }
0x13: {  	s6 =	sadd.s32 $0x11E00, s7;
	s7 =	sadd.s32 $0x22200, s7;
	s8 =	sshrl.u32 s2, $0x1;
	v2 =	vmul.u32 $0x3E9, v2;
	v3 =	vmul.u32 $0x3E9, v3;
	v5 =	vmul.u32 $0x1A, v5  }
0x14: {  	s22 =	simm.s32 $0x4300;
	s12 =	smul.u32 $0x208000, s0;
	s2 =	ssub.s32 s2, s8;
	v4 =	vsub.s32 v4, v6;
	v6 =	vshrl.u32 v9, $0x3;
	v9 =	vshrl.u32 v11, $0x3  }
0x15: {  	s9 =	sshrl.u32 s1, $0x3;
	s13 =	smax.u32 s2, $0x1;
	s3 =	rddreg [dreg:$0x1];
	v11 =	vshrl.u32 v13, $0x3;
	v13 =	vimm.s32 $0x4;
	v6 =	vmul.u32 $0x1A, v6  }
.Ltmp0:
0x16: {  	s4 =	simm.s32 $0x0;
	s31 =	sor.u32 $0x10, s9;
	v5 =	vsub.s32 v7, v5;
	v7 =	vmul.u32 $0x1A, v9;
	v9 =	vmul.u32 $0x1A, v11;
	(pc) =	sbr.rel .LBB2_1-.Ltmp0, $4  }
0x17: {  	s10 =	sadd.s32 s5, s9;
	s9 =	sadd.s32 s6, s9;
	s23 =	simm.s32 $0x1;
	v4 =	vmul.u32 $0x3E9, v4;
	v11 =	vimm.s32 $0x2;
	v5 =	vmul.u32 $0x3E9, v5  }
0x18: {  	s25 =	simm.s32 $0x7;
	s26 =	simm.s32 $0x2;
	[smem:$0x7FF] =	sst s4;
	v6 =	vsub.s32 v8, v6;
	v7 =	vsub.s32 v10, v7;
	v8 =	vsub.s32 v12, v9  }
0x19: {  	s11 =	sadd.s32 s6, s31;
	_ =	strace $0x80000047;
	[dreg:$0x3] =	wrdreg s10;
	v9 =	vimm.s32 $0x0;
	v10 =	vimm.s32 $0x1;
	v12 =	vimm.s32 $0x3  }
0x1a: {  	[dreg:$0x4] =	wrdreg s9;
	s10 =	sadd.s32 s5, s31;
	s24 =	simm.s32 $0x5;
	v6 =	vmul.u32 $0x3E9, v6;
	v7 =	vmul.u32 $0x3E9, v7;
	v8 =	vmul.u32 $0x3E9, v8  }
.LBB2_11:
0x1b: {  	s29 =	sadd.s32 $0x1, s29  }
0x1c: {  	p0 =	sne.s32 s29, s13  }
.Ltmp1:
0x1d: {  	_ = 	snop;
	(pc) =	sbr.rel @!p0 .LBB2_12-.Ltmp1, $4  }
0x1e: {  	_ = 	snop  }
0x1f: {  	_ =	swait.ge [sflag:s25], $0x4000  }
0x20: {  	[sflag:s25] =	ssyncset.done $0x0  }
0x21: {  	[sflag:s25] =	ssyncadd.s32 $0xFFFFC000  }
.LBB2_1:
0x22: {  	s0 =	rddreg [dreg:$0x3]  }
0x23: {  	[tilespmem:s4], [sflag:$0x3] =	stream.linear.gather [hbm4b:s0+s4], $0x80, $0x38;
	[tilespmem:$0x8300] =	vst v63  }
0x24: {  	s31 =	rddreg [dreg:$0x4]  }
0x25: {  	[tilespmem:s14], [sflag:$0x5] =	stream.linear.gather [hbm4b:s31+s4], $0x80, $0x38;
	[tilespmem:$0x8300] =	vst v63  }
0x26: {  	_ = 	snop  }
0x27: {  	[tilespmem:s15], [sflag:$0x4] =	stream.linear.gather [hbm4b:s10+s4], $0x80, $0x38;
	[tilespmem:$0x8300] =	vst v63  }
0x28: {  	_ = 	snop  }
0x29: {  	[tilespmem:s16], [sflag:$0x6] =	stream.linear.gather [hbm4b:s11+s4], $0x80, $0x38;
	[tilespmem:$0x8300] =	vst v63  }
0x2a: {  	_ =	swait.ge [sflag:s17], $0x80  }
0x2b: {  	[sflag:s17] =	ssyncset.done $0x0  }
0x2c: {  	[sflag:s17] =	ssyncadd.s32 $0xFFFFFF80  }
0x2d: {  	v25 =	vld [tilespmem:$0x0]  }
0x2e: {  	v26 =	vld [tilespmem:$0x10]  }
0x2f: {  	v27 =	vld [tilespmem:$0x20]  }
0x30: {  	v28 =	vld [tilespmem:$0x30]  }
0x31: {  	v29 =	vld [tilespmem:$0x40]  }
0x32: {  	v30 =	vld [tilespmem:$0x50];
	v25 =	vadd.s32 v1, v25  }
0x33: {  	[tilespmem:$0x100] =	vst v25;
	v25 =	vadd.s32 v2, v26;
	v26 =	vld [tilespmem:$0x60]  }
0x34: {  	[tilespmem:$0x110] =	vst v25;
	v25 =	vadd.s32 v3, v27;
	v27 =	vld [tilespmem:$0x70]  }
0x35: {  	[tilespmem:$0x120] =	vst v25;
	v25 =	vadd.s32 v4, v28  }
0x36: {  	[tilespmem:$0x130] =	vst v25;
	v25 =	vadd.s32 v5, v29  }
0x37: {  	[tilespmem:$0x140] =	vst v25;
	v25 =	vadd.s32 v6, v30  }
0x38: {  	[tilespmem:$0x150] =	vst v25;
	v25 =	vadd.s32 v7, v26  }
0x39: {  	[tilespmem:$0x160] =	vst v25;
	v25 =	vadd.s32 v8, v27  }
0x3a: {  	s30 =	simm.s32 $0x0;
	[tilespmem:$0x170] =	vst v25  }
0x3b: {  	[tilespmem:s19], [sflag:$0x1] =	stream.indirect.gather [hbm4b:s7+s15], $0x80, s18, s15, $0xb8;
	[tilespmem:$0x8300] =	vst v63  }
.LBB2_2:
0x3c: {  	s2 =	sshll.u32 s30, $0x1  }
0x3d: {  	s31 =	sor.u32 $0x1, s2  }
0x3e: {  	s8 =	sshll.u32 s31, $0x7  }
0x3f: {  	p0 =	seq.s32 s30, $0x0;
	s8 =	sadd.s32 s1, s8  }
0x40: {  	s0 =	simm.s32 @!p0 $0x7;
	v25 =	vor.u32 s8, v0;
	s9 =	sor.u32 $0x10, s8  }
0x41: {  	_ =	swait.ge @!p0 [sflag:s0], $0x4000;
	v26 =	vmulhi.u32 $0x4EC4EC4F, v25;
	v27 =	vor.u32 s9, v0;
	s9 =	sor.u32 $0x20, s8  }
0x42: {  	[sflag:s0] =	ssyncset.done @!p0 $0x0;
	v28 =	vmulhi.u32 $0x4EC4EC4F, v27;
	v29 =	vor.u32 s9, v0  }
0x43: {  	[sflag:s0] =	ssyncadd.s32 @!p0 $0xFFFFC000;
	s9 =	sor.u32 $0x30, s8;
	v26 =	vshrl.u32 v26, $0x3;
	v30 =	vmulhi.u32 $0x4EC4EC4F, v29  }
0x44: {  	_ =	swait.ge [sflag:s20], $0x80;
	v33 =	vor.u32 s9, v0;
	s9 =	sor.u32 $0x40, s8;
	v26 =	vmul.u32 $0x1A, v26;
	v28 =	vshrl.u32 v28, $0x3  }
0x45: {  	[sflag:s20] =	ssyncset.done $0x0;
	v52 =	vmulhi.u32 $0x4EC4EC4F, v33;
	v53 =	vor.u32 s9, v0;
	s9 =	sor.u32 $0x50, s8;
	v28 =	vmul.u32 $0x1A, v28  }
0x46: {  	[sflag:s20] =	ssyncadd.s32 $0xFFFFFF80;
	v30 =	vshrl.u32 v30, $0x3;
	v54 =	vmulhi.u32 $0x4EC4EC4F, v53;
	v55 =	vor.u32 s9, v0  }
0x47: {  	v31 =	vld [tilespmem:$0x80];
	s9 =	sor.u32 $0x60, s8;
	v25 =	vsub.s32 v25, v26;
	v26 =	vmul.u32 $0x1A, v30;
	v56 =	vmulhi.u32 $0x4EC4EC4F, v55  }
0x48: {  	v32 =	vld [tilespmem:$0x90];
	v57 =	vor.u32 s9, v0;
	v25 =	vmul.u32 $0x3E9, v25;
	v27 =	vsub.s32 v27, v28  }
0x49: {  	s9 =	sor.u32 $0x70, s8;
	v28 =	vshrl.u32 v52, $0x3;
	v30 =	vshrl.u32 v54, $0x3;
	v35 =	vmulhi.u32 $0x4EC4EC4F, v57  }
0x4a: {  	v51 =	vld [tilespmem:$0xA0];
	v36 =	vor.u32 s9, v0;
	v27 =	vmul.u32 $0x3E9, v27;
	v26 =	vsub.s32 v29, v26  }
0x4b: {  	v28 =	vmul.u32 $0x1A, v28;
	v30 =	vmul.u32 $0x1A, v30;
	v38 =	vmulhi.u32 $0x4EC4EC4F, v36  }
0x4c: {  	v34 =	vld [tilespmem:$0xB0];
	v25 =	vadd.s32 v25, v31;
	v26 =	vmul.u32 $0x3E9, v26;
	v35 =	vshrl.u32 v35, $0x3  }
0x4d: {  	v37 =	vld [tilespmem:$0xC0];
	v27 =	vadd.s32 v27, v32;
	v28 =	vsub.s32 v33, v28;
	v32 =	vshrl.u32 v56, $0x3  }
0x4e: {  	v39 =	vld [tilespmem:$0xD0];
	[tilespmem:$0x180] =	vst v25;
	v25 =	vsub.s32 v53, v30;
	v58 =	vmul.u32 $0x1A, v35;
	v32 =	vmul.u32 $0x1A, v32  }
0x4f: {  	v59 =	vld [tilespmem:$0xE0];
	v60 =	vshrl.u32 v38, $0x3;
	v26 =	vadd.s32 v26, v51;
	v28 =	vmul.u32 $0x3E9, v28  }
0x50: {  	v62 =	vld [tilespmem:$0xF0];
	[tilespmem:$0x190] =	vst v27;
	v25 =	vmul.u32 $0x3E9, v25;
	v61 =	vmul.u32 $0x1A, v60;
	v27 =	vsub.s32 v55, v32  }
0x51: {  	[tilespmem:$0x1A0] =	vst v26;
	v63 =	vsub.s32 v57, v58;
	v26 =	vadd.s32 v28, v34;
	v27 =	vmul.u32 $0x3E9, v27  }
0x52: {  	v25 =	vadd.s32 v25, v37;
	v28 =	vmul.u32 $0x3E9, v63;
	[tilespmem:$0x1B0] =	vst v26;
	v26 =	vsub.s32 v36, v61  }
0x53: {  	[tilespmem:$0x1C0] =	vst v25;
	v26 =	vmul.u32 $0x3E9, v26;
	v25 =	vadd.s32 v27, v39  }
0x54: {  	[tilespmem:$0x1D0] =	vst v25;
	v25 =	vadd.s32 v28, v59  }
0x55: {  	s0 =	sadd.s32 $0x2, s2;
	p0 =	seq.s32 s30, $0x40;
	[tilespmem:$0x1E0] =	vst v25;
	v25 =	vadd.s32 v26, v62  }
0x56: {  	s8 =	sshll.u32 @!p0 s0, $0x7;
	[tilespmem:$0x1F0] =	vst v25  }
0x57: {  	[tilespmem:s22], [sflag:$0x2] =	stream.indirect.gather [hbm4b:s7+s15], $0x80, s21, s15, $0xb8;
	[tilespmem:$0x8300] =	vst v63  }
0x58: {  	s8 =	sadd.s32 @!p0 s1, s8;
	_ =	swait.ge [sflag:s23], $0x4000  }
0x59: {  	s8 =	sshrl.u32 @!p0 s8, $0x3;
	[sflag:s23] =	ssyncset.done $0x0  }
0x5a: {  	s9 =	simm.s32 @!p0 $0x0;
	s8 =	sadd.s32 @!p0 s5, s8;
	[sflag:s23] =	ssyncadd.s32 $0xFFFFC000  }
0x5b: {  	[tilespmem:s9], [sflag:$0x3] =	stream.linear.gather @!p0 [hbm4b:s8+s9], $0x80, $0x38;
	[tilespmem:$0x8300] =	vst v63  }
0x5c: {  	_ =	swait.ge [sflag:s24], $0x80  }
0x5d: {  	[sflag:s24] =	ssyncset.done $0x0  }
0x5e: {  	s8 =	simm.s32 $0x0;
	[sflag:s24] =	ssyncadd.s32 $0xFFFFFF80  }
.LBB2_3:
0x5f: {  	s9 =	sshll.u32 s8, $0x4  }
0x60: {  	s9 =	sand.u32 $0x3FFFFFF0, s9  }
0x61: {  	v25 =	vld [tilespmem:s9+$0x200];
	s9 =	sshll.u32 s8, $0xB  }
0x62: {  	s9 =	sand.u32 $0x3FFFF800, s9  }
0x63: {  	v26 =	vld [tilespmem:s9+$0x300]  }
0x64: {  	v27 =	vld [tilespmem:s9+$0x310]  }
0x65: {  	v28 =	vld [tilespmem:s9+$0x320]  }
0x66: {  	v30 =	vld [tilespmem:s9+$0x330];
	v29 =	vperm.xlane v25, v9  }
0x67: {  	v31 =	vld [tilespmem:s9+$0x340]  }
0x68: {  	v32 =	vld [tilespmem:s9+$0x350];
	v26 =	vmul.f32 v26, v29  }
0x69: {  	v33 =	vld [tilespmem:s9+$0x360];
	v27 =	vmul.f32 v27, v29  }
0x6a: {  	v42 =	vld [tilespmem:s9+$0x370];
	[tilespmem:s9+$0x300] =	vst v26;
	v26 =	vmul.f32 v28, v29  }
0x6b: {  	v43 =	vld [tilespmem:s9+$0x380];
	[tilespmem:s9+$0x310] =	vst v27;
	v27 =	vmul.f32 v30, v29  }
0x6c: {  	v44 =	vld [tilespmem:s9+$0x390];
	[tilespmem:s9+$0x320] =	vst v26;
	v26 =	vmul.f32 v31, v29  }
0x6d: {  	v45 =	vld [tilespmem:s9+$0x3A0];
	[tilespmem:s9+$0x330] =	vst v27;
	v27 =	vmul.f32 v32, v29  }
0x6e: {  	v34 =	vld [tilespmem:s9+$0x3B0];
	v46 =	vperm.xlane v25, v10;
	[tilespmem:s9+$0x340] =	vst v26;
	v26 =	vmul.f32 v33, v29  }
0x6f: {  	v47 =	vld [tilespmem:s9+$0x3C0];
	[tilespmem:s9+$0x350] =	vst v27;
	v27 =	vmul.f32 v42, v29  }
0x70: {  	v48 =	vld [tilespmem:s9+$0x3D0];
	[tilespmem:s9+$0x360] =	vst v26;
	v26 =	vmul.f32 v43, v46  }
0x71: {  	v49 =	vld [tilespmem:s9+$0x3E0];
	[tilespmem:s9+$0x370] =	vst v27;
	v27 =	vmul.f32 v44, v46  }
0x72: {  	v50 =	vld [tilespmem:s9+$0x3F0];
	[tilespmem:s9+$0x380] =	vst v26;
	v26 =	vmul.f32 v45, v46  }
0x73: {  	v51 =	vld [tilespmem:s9+$0x400];
	[tilespmem:s9+$0x390] =	vst v27;
	v27 =	vmul.f32 v34, v46  }
0x74: {  	v52 =	vld [tilespmem:s9+$0x410];
	[tilespmem:s9+$0x3A0] =	vst v26;
	v26 =	vmul.f32 v47, v46  }
0x75: {  	v53 =	vld [tilespmem:s9+$0x420];
	[tilespmem:s9+$0x3B0] =	vst v27;
	v27 =	vmul.f32 v48, v46  }
0x76: {  	v55 =	vld [tilespmem:s9+$0x430];
	v54 =	vperm.xlane v25, v11;
	[tilespmem:s9+$0x3C0] =	vst v26;
	v26 =	vmul.f32 v49, v46  }
0x77: {  	v56 =	vld [tilespmem:s9+$0x440];
	[tilespmem:s9+$0x3D0] =	vst v27;
	v27 =	vmul.f32 v50, v46  }
0x78: {  	v57 =	vld [tilespmem:s9+$0x450];
	[tilespmem:s9+$0x3E0] =	vst v26;
	v26 =	vmul.f32 v51, v54  }
0x79: {  	v58 =	vld [tilespmem:s9+$0x460];
	[tilespmem:s9+$0x3F0] =	vst v27;
	v27 =	vmul.f32 v52, v54  }
0x7a: {  	v59 =	vld [tilespmem:s9+$0x470];
	[tilespmem:s9+$0x400] =	vst v26;
	v26 =	vmul.f32 v53, v54  }
0x7b: {  	v60 =	vld [tilespmem:s9+$0x480];
	[tilespmem:s9+$0x410] =	vst v27;
	v27 =	vmul.f32 v55, v54  }
0x7c: {  	v61 =	vld [tilespmem:s9+$0x490];
	[tilespmem:s9+$0x420] =	vst v26;
	v26 =	vmul.f32 v56, v54  }
0x7d: {  	v62 =	vld [tilespmem:s9+$0x4A0];
	[tilespmem:s9+$0x430] =	vst v27;
	v27 =	vmul.f32 v57, v54  }
0x7e: {  	v36 =	vld [tilespmem:s9+$0x4B0];
	v63 =	vperm.xlane v25, v12;
	[tilespmem:s9+$0x440] =	vst v26;
	v26 =	vmul.f32 v58, v54  }
0x7f: {  	v37 =	vld [tilespmem:s9+$0x4C0];
	[tilespmem:s9+$0x450] =	vst v27;
	v27 =	vmul.f32 v59, v54  }
0x80: {  	v38 =	vld [tilespmem:s9+$0x4D0];
	[tilespmem:s9+$0x460] =	vst v26;
	v26 =	vmul.f32 v60, v63  }
0x81: {  	v39 =	vld [tilespmem:s9+$0x4E0];
	[tilespmem:s9+$0x470] =	vst v27;
	v27 =	vmul.f32 v61, v63  }
0x82: {  	v40 =	vld [tilespmem:s9+$0x4F0];
	[tilespmem:s9+$0x480] =	vst v26;
	v26 =	vmul.f32 v62, v63  }
0x83: {  	v41 =	vld [tilespmem:s9+$0x500];
	[tilespmem:s9+$0x490] =	vst v27;
	v27 =	vmul.f32 v36, v63  }
0x84: {  	v42 =	vld [tilespmem:s9+$0x510];
	[tilespmem:s9+$0x4A0] =	vst v26;
	v26 =	vmul.f32 v37, v63  }
0x85: {  	v43 =	vld [tilespmem:s9+$0x520];
	[tilespmem:s9+$0x4B0] =	vst v27;
	v27 =	vmul.f32 v38, v63  }
0x86: {  	v44 =	vperm.xlane v25, v13;
	v45 =	vld [tilespmem:s9+$0x530];
	[tilespmem:s9+$0x4C0] =	vst v26;
	v26 =	vmul.f32 v39, v63  }
0x87: {  	v46 =	vld [tilespmem:s9+$0x540];
	[tilespmem:s9+$0x4D0] =	vst v27;
	v27 =	vmul.f32 v40, v63  }
0x88: {  	v47 =	vld [tilespmem:s9+$0x550];
	[tilespmem:s9+$0x4E0] =	vst v26;
	v26 =	vmul.f32 v41, v44  }
0x89: {  	v48 =	vld [tilespmem:s9+$0x560];
	[tilespmem:s9+$0x4F0] =	vst v27;
	v27 =	vmul.f32 v42, v44  }
0x8a: {  	v49 =	vld [tilespmem:s9+$0x570];
	[tilespmem:s9+$0x500] =	vst v26;
	v26 =	vmul.f32 v43, v44  }
0x8b: {  	v50 =	vld [tilespmem:s9+$0x580];
	[tilespmem:s9+$0x510] =	vst v27;
	v27 =	vmul.f32 v45, v44  }
0x8c: {  	v51 =	vld [tilespmem:s9+$0x590];
	[tilespmem:s9+$0x520] =	vst v26;
	v26 =	vmul.f32 v46, v44  }
0x8d: {  	v52 =	vld [tilespmem:s9+$0x5A0];
	[tilespmem:s9+$0x530] =	vst v27;
	v27 =	vmul.f32 v47, v44  }
0x8e: {  	v53 =	vperm.xlane v25, v14;
	v54 =	vld [tilespmem:s9+$0x5B0];
	[tilespmem:s9+$0x540] =	vst v26;
	v26 =	vmul.f32 v48, v44  }
0x8f: {  	v55 =	vld [tilespmem:s9+$0x5C0];
	[tilespmem:s9+$0x550] =	vst v27;
	v27 =	vmul.f32 v49, v44  }
0x90: {  	v56 =	vld [tilespmem:s9+$0x5D0];
	[tilespmem:s9+$0x560] =	vst v26;
	v26 =	vmul.f32 v50, v53  }
0x91: {  	v57 =	vld [tilespmem:s9+$0x5E0];
	[tilespmem:s9+$0x570] =	vst v27;
	v27 =	vmul.f32 v51, v53  }
0x92: {  	v58 =	vld [tilespmem:s9+$0x5F0];
	[tilespmem:s9+$0x580] =	vst v26;
	v26 =	vmul.f32 v52, v53  }
0x93: {  	v59 =	vld [tilespmem:s9+$0x600];
	[tilespmem:s9+$0x590] =	vst v27;
	v27 =	vmul.f32 v54, v53  }
0x94: {  	v60 =	vld [tilespmem:s9+$0x610];
	[tilespmem:s9+$0x5A0] =	vst v26;
	v26 =	vmul.f32 v55, v53  }
0x95: {  	v61 =	vld [tilespmem:s9+$0x620];
	[tilespmem:s9+$0x5B0] =	vst v27;
	v27 =	vmul.f32 v56, v53  }
0x96: {  	v62 =	vperm.xlane v25, v15;
	v63 =	vld [tilespmem:s9+$0x630];
	[tilespmem:s9+$0x5C0] =	vst v26;
	v26 =	vmul.f32 v57, v53  }
0x97: {  	v36 =	vld [tilespmem:s9+$0x640];
	[tilespmem:s9+$0x5D0] =	vst v27;
	v27 =	vmul.f32 v58, v53  }
0x98: {  	v37 =	vld [tilespmem:s9+$0x650];
	[tilespmem:s9+$0x5E0] =	vst v26;
	v26 =	vmul.f32 v59, v62  }
0x99: {  	v38 =	vld [tilespmem:s9+$0x660];
	[tilespmem:s9+$0x5F0] =	vst v27;
	v27 =	vmul.f32 v60, v62  }
0x9a: {  	v39 =	vld [tilespmem:s9+$0x670];
	[tilespmem:s9+$0x600] =	vst v26;
	v26 =	vmul.f32 v61, v62  }
0x9b: {  	v40 =	vld [tilespmem:s9+$0x680];
	[tilespmem:s9+$0x610] =	vst v27;
	v27 =	vmul.f32 v63, v62  }
0x9c: {  	v41 =	vld [tilespmem:s9+$0x690];
	[tilespmem:s9+$0x620] =	vst v26;
	v26 =	vmul.f32 v36, v62  }
0x9d: {  	v42 =	vld [tilespmem:s9+$0x6A0];
	[tilespmem:s9+$0x630] =	vst v27;
	v27 =	vmul.f32 v37, v62  }
0x9e: {  	v43 =	vperm.xlane v25, v16;
	v44 =	vld [tilespmem:s9+$0x6B0];
	[tilespmem:s9+$0x640] =	vst v26;
	v26 =	vmul.f32 v38, v62  }
0x9f: {  	v45 =	vld [tilespmem:s9+$0x6C0];
	[tilespmem:s9+$0x650] =	vst v27;
	v27 =	vmul.f32 v39, v62  }
0xa0: {  	v46 =	vld [tilespmem:s9+$0x6D0];
	[tilespmem:s9+$0x660] =	vst v26;
	v26 =	vmul.f32 v40, v43  }
0xa1: {  	v47 =	vld [tilespmem:s9+$0x6E0];
	[tilespmem:s9+$0x670] =	vst v27;
	v27 =	vmul.f32 v41, v43  }
0xa2: {  	v48 =	vld [tilespmem:s9+$0x6F0];
	[tilespmem:s9+$0x680] =	vst v26;
	v26 =	vmul.f32 v42, v43  }
0xa3: {  	v49 =	vld [tilespmem:s9+$0x700];
	[tilespmem:s9+$0x690] =	vst v27;
	v27 =	vmul.f32 v44, v43  }
0xa4: {  	v50 =	vld [tilespmem:s9+$0x710];
	[tilespmem:s9+$0x6A0] =	vst v26;
	v26 =	vmul.f32 v45, v43  }
0xa5: {  	v51 =	vld [tilespmem:s9+$0x720];
	[tilespmem:s9+$0x6B0] =	vst v27;
	v27 =	vmul.f32 v46, v43  }
0xa6: {  	v52 =	vperm.xlane v25, v17;
	v53 =	vld [tilespmem:s9+$0x730];
	[tilespmem:s9+$0x6C0] =	vst v26;
	v26 =	vmul.f32 v47, v43  }
0xa7: {  	v54 =	vld [tilespmem:s9+$0x740];
	[tilespmem:s9+$0x6D0] =	vst v27;
	v27 =	vmul.f32 v48, v43  }
0xa8: {  	v55 =	vld [tilespmem:s9+$0x750];
	[tilespmem:s9+$0x6E0] =	vst v26;
	v26 =	vmul.f32 v49, v52  }
0xa9: {  	v56 =	vld [tilespmem:s9+$0x760];
	[tilespmem:s9+$0x6F0] =	vst v27;
	v27 =	vmul.f32 v50, v52  }
0xaa: {  	v57 =	vld [tilespmem:s9+$0x770];
	[tilespmem:s9+$0x700] =	vst v26;
	v26 =	vmul.f32 v51, v52  }
0xab: {  	v58 =	vld [tilespmem:s9+$0x780];
	[tilespmem:s9+$0x710] =	vst v27;
	v27 =	vmul.f32 v53, v52  }
0xac: {  	v59 =	vld [tilespmem:s9+$0x790];
	[tilespmem:s9+$0x720] =	vst v26;
	v26 =	vmul.f32 v54, v52  }
0xad: {  	v60 =	vld [tilespmem:s9+$0x7A0];
	[tilespmem:s9+$0x730] =	vst v27;
	v27 =	vmul.f32 v55, v52  }
0xae: {  	v61 =	vperm.xlane v25, v18;
	v62 =	vld [tilespmem:s9+$0x7B0];
	[tilespmem:s9+$0x740] =	vst v26;
	v26 =	vmul.f32 v56, v52  }
0xaf: {  	v63 =	vld [tilespmem:s9+$0x7C0];
	[tilespmem:s9+$0x750] =	vst v27;
	v27 =	vmul.f32 v57, v52  }
0xb0: {  	v36 =	vld [tilespmem:s9+$0x7D0];
	[tilespmem:s9+$0x760] =	vst v26;
	v26 =	vmul.f32 v58, v61  }
0xb1: {  	v37 =	vld [tilespmem:s9+$0x7E0];
	[tilespmem:s9+$0x770] =	vst v27;
	v27 =	vmul.f32 v59, v61  }
0xb2: {  	v38 =	vld [tilespmem:s9+$0x7F0];
	[tilespmem:s9+$0x780] =	vst v26;
	v26 =	vmul.f32 v60, v61  }
0xb3: {  	v39 =	vld [tilespmem:s9+$0x800];
	[tilespmem:s9+$0x790] =	vst v27;
	v27 =	vmul.f32 v62, v61  }
0xb4: {  	v40 =	vld [tilespmem:s9+$0x810];
	[tilespmem:s9+$0x7A0] =	vst v26;
	v26 =	vmul.f32 v63, v61  }
0xb5: {  	v41 =	vld [tilespmem:s9+$0x820];
	[tilespmem:s9+$0x7B0] =	vst v27;
	v27 =	vmul.f32 v36, v61  }
0xb6: {  	v42 =	vperm.xlane v25, v19;
	v43 =	vld [tilespmem:s9+$0x830];
	[tilespmem:s9+$0x7C0] =	vst v26;
	v26 =	vmul.f32 v37, v61  }
0xb7: {  	v44 =	vld [tilespmem:s9+$0x840];
	[tilespmem:s9+$0x7D0] =	vst v27;
	v27 =	vmul.f32 v38, v61  }
0xb8: {  	v45 =	vld [tilespmem:s9+$0x850];
	[tilespmem:s9+$0x7E0] =	vst v26;
	v26 =	vmul.f32 v39, v42  }
0xb9: {  	v46 =	vld [tilespmem:s9+$0x860];
	[tilespmem:s9+$0x7F0] =	vst v27;
	v27 =	vmul.f32 v40, v42  }
0xba: {  	v47 =	vld [tilespmem:s9+$0x870];
	[tilespmem:s9+$0x800] =	vst v26;
	v26 =	vmul.f32 v41, v42  }
0xbb: {  	v48 =	vld [tilespmem:s9+$0x880];
	[tilespmem:s9+$0x810] =	vst v27;
	v27 =	vmul.f32 v43, v42  }
0xbc: {  	v49 =	vld [tilespmem:s9+$0x890];
	[tilespmem:s9+$0x820] =	vst v26;
	v26 =	vmul.f32 v44, v42  }
0xbd: {  	v50 =	vld [tilespmem:s9+$0x8A0];
	[tilespmem:s9+$0x830] =	vst v27;
	v27 =	vmul.f32 v45, v42  }
0xbe: {  	v51 =	vperm.xlane v25, v20;
	v52 =	vld [tilespmem:s9+$0x8B0];
	[tilespmem:s9+$0x840] =	vst v26;
	v26 =	vmul.f32 v46, v42  }
0xbf: {  	v53 =	vld [tilespmem:s9+$0x8C0];
	[tilespmem:s9+$0x850] =	vst v27;
	v27 =	vmul.f32 v47, v42  }
0xc0: {  	v54 =	vld [tilespmem:s9+$0x8D0];
	[tilespmem:s9+$0x860] =	vst v26;
	v26 =	vmul.f32 v48, v51  }
0xc1: {  	v55 =	vld [tilespmem:s9+$0x8E0];
	[tilespmem:s9+$0x870] =	vst v27;
	v27 =	vmul.f32 v49, v51  }
0xc2: {  	v56 =	vld [tilespmem:s9+$0x8F0];
	[tilespmem:s9+$0x880] =	vst v26;
	v26 =	vmul.f32 v50, v51  }
0xc3: {  	v57 =	vld [tilespmem:s9+$0x900];
	[tilespmem:s9+$0x890] =	vst v27;
	v27 =	vmul.f32 v52, v51  }
0xc4: {  	v58 =	vld [tilespmem:s9+$0x910];
	[tilespmem:s9+$0x8A0] =	vst v26;
	v26 =	vmul.f32 v53, v51  }
0xc5: {  	v59 =	vld [tilespmem:s9+$0x920];
	[tilespmem:s9+$0x8B0] =	vst v27;
	v27 =	vmul.f32 v54, v51  }
0xc6: {  	v60 =	vperm.xlane v25, v21;
	v61 =	vld [tilespmem:s9+$0x930];
	[tilespmem:s9+$0x8C0] =	vst v26;
	v26 =	vmul.f32 v55, v51  }
0xc7: {  	v62 =	vld [tilespmem:s9+$0x940];
	[tilespmem:s9+$0x8D0] =	vst v27;
	v27 =	vmul.f32 v56, v51  }
0xc8: {  	v63 =	vld [tilespmem:s9+$0x950];
	[tilespmem:s9+$0x8E0] =	vst v26;
	v26 =	vmul.f32 v57, v60  }
0xc9: {  	v36 =	vld [tilespmem:s9+$0x960];
	[tilespmem:s9+$0x8F0] =	vst v27;
	v27 =	vmul.f32 v58, v60  }
0xca: {  	v37 =	vld [tilespmem:s9+$0x970];
	[tilespmem:s9+$0x900] =	vst v26;
	v26 =	vmul.f32 v59, v60  }
0xcb: {  	v38 =	vld [tilespmem:s9+$0x980];
	[tilespmem:s9+$0x910] =	vst v27;
	v27 =	vmul.f32 v61, v60  }
0xcc: {  	v39 =	vld [tilespmem:s9+$0x990];
	[tilespmem:s9+$0x920] =	vst v26;
	v26 =	vmul.f32 v62, v60  }
0xcd: {  	v40 =	vld [tilespmem:s9+$0x9A0];
	[tilespmem:s9+$0x930] =	vst v27;
	v27 =	vmul.f32 v63, v60  }
0xce: {  	v41 =	vperm.xlane v25, v22;
	v42 =	vld [tilespmem:s9+$0x9B0];
	[tilespmem:s9+$0x940] =	vst v26;
	v26 =	vmul.f32 v36, v60  }
0xcf: {  	v43 =	vld [tilespmem:s9+$0x9C0];
	[tilespmem:s9+$0x950] =	vst v27;
	v27 =	vmul.f32 v37, v60  }
0xd0: {  	v44 =	vld [tilespmem:s9+$0x9D0];
	[tilespmem:s9+$0x960] =	vst v26;
	v26 =	vmul.f32 v38, v41  }
0xd1: {  	v45 =	vld [tilespmem:s9+$0x9E0];
	[tilespmem:s9+$0x970] =	vst v27;
	v27 =	vmul.f32 v39, v41  }
0xd2: {  	v46 =	vld [tilespmem:s9+$0x9F0];
	[tilespmem:s9+$0x980] =	vst v26;
	v26 =	vmul.f32 v40, v41  }
0xd3: {  	v47 =	vld [tilespmem:s9+$0xA00];
	[tilespmem:s9+$0x990] =	vst v27;
	v27 =	vmul.f32 v42, v41  }
0xd4: {  	v48 =	vld [tilespmem:s9+$0xA10];
	[tilespmem:s9+$0x9A0] =	vst v26;
	v26 =	vmul.f32 v43, v41  }
0xd5: {  	v49 =	vld [tilespmem:s9+$0xA20];
	[tilespmem:s9+$0x9B0] =	vst v27;
	v27 =	vmul.f32 v44, v41  }
0xd6: {  	v50 =	vperm.xlane v25, v23;
	v51 =	vld [tilespmem:s9+$0xA30];
	[tilespmem:s9+$0x9C0] =	vst v26;
	v26 =	vmul.f32 v45, v41  }
0xd7: {  	v52 =	vld [tilespmem:s9+$0xA40];
	[tilespmem:s9+$0x9D0] =	vst v27;
	v27 =	vmul.f32 v46, v41  }
0xd8: {  	v53 =	vld [tilespmem:s9+$0xA50];
	[tilespmem:s9+$0x9E0] =	vst v26;
	v26 =	vmul.f32 v47, v50  }
0xd9: {  	v54 =	vld [tilespmem:s9+$0xA60];
	[tilespmem:s9+$0x9F0] =	vst v27;
	v27 =	vmul.f32 v48, v50  }
0xda: {  	v55 =	vld [tilespmem:s9+$0xA70];
	[tilespmem:s9+$0xA00] =	vst v26;
	v26 =	vmul.f32 v49, v50  }
0xdb: {  	v56 =	vld [tilespmem:s9+$0xA80];
	[tilespmem:s9+$0xA10] =	vst v27;
	v27 =	vmul.f32 v51, v50  }
0xdc: {  	v57 =	vld [tilespmem:s9+$0xA90];
	[tilespmem:s9+$0xA20] =	vst v26;
	v26 =	vmul.f32 v52, v50  }
0xdd: {  	v58 =	vld [tilespmem:s9+$0xAA0];
	[tilespmem:s9+$0xA30] =	vst v27;
	v27 =	vmul.f32 v53, v50  }
0xde: {  	v25 =	vperm.xlane v25, v24;
	v59 =	vld [tilespmem:s9+$0xAB0];
	[tilespmem:s9+$0xA40] =	vst v26;
	v26 =	vmul.f32 v54, v50  }
0xdf: {  	v60 =	vld [tilespmem:s9+$0xAC0];
	[tilespmem:s9+$0xA50] =	vst v27;
	v27 =	vmul.f32 v55, v50  }
0xe0: {  	v61 =	vld [tilespmem:s9+$0xAD0];
	[tilespmem:s9+$0xA60] =	vst v26;
	v26 =	vmul.f32 v56, v25  }
0xe1: {  	v62 =	vld [tilespmem:s9+$0xAE0];
	[tilespmem:s9+$0xA70] =	vst v27;
	v27 =	vmul.f32 v57, v25  }
0xe2: {  	v63 =	vld [tilespmem:s9+$0xAF0];
	[tilespmem:s9+$0xA80] =	vst v26;
	v26 =	vmul.f32 v58, v25  }
0xe3: {  	[tilespmem:s9+$0xA90] =	vst v27;
	v27 =	vmul.f32 v59, v25  }
0xe4: {  	p1 =	sne.s32 s8, $0x7;
	[tilespmem:s9+$0xAA0] =	vst v26;
	v26 =	vmul.f32 v60, v25  }
.Ltmp2:
0xe5: {  	[tilespmem:s9+$0xAB0] =	vst v27;
	v27 =	vmul.f32 v61, v25;
	(pc) =	sbr.rel @p1 .LBB2_3-.Ltmp2, $4  }
0xe6: {  	[tilespmem:s9+$0xAC0] =	vst v26;
	v26 =	vmul.f32 v62, v25  }
0xe7: {  	[tilespmem:s9+$0xAD0] =	vst v27;
	v25 =	vmul.f32 v63, v25  }
0xe8: {  	[tilespmem:s9+$0xAE0] =	vst v26  }
0xe9: {  	s8 =	sadd.s32 $0x1, s8;
	[tilespmem:s9+$0xAF0] =	vst v25  }
.Ltmp3:
0xea: {  	s8 =	sshll.u32 s30, $0xF;
	(pc) =	sbr.rel @!p0 .LBB2_5-.Ltmp3, $4  }
0xeb: {  	s8 =	sadd.s32 s12, s8  }
0xec: {  	s8 =	sshrl.u32 s8, $0x3  }
0xed: {  	s8 =	sadd.s32 s3, s8  }
0xee: {  	[hbm4b:s8+s4] =	stream.linear.scatter [tilespmem:s19], [sflag:$0x7], $0x4000, $0x38;
	[tilespmem:$0x8300] =	vst v63  }
.Ltmp4:
0xef: {  	(pc) =	sbr.rel .LBB2_7-.Ltmp4, $4  }
0xf0: {  	_ = 	snop  }
0xf1: {  	_ =	swait.ge [sflag:s25], $0x4000  }
0xf2: {  	[sflag:s25] =	ssyncset.done $0x0  }
0xf3: {  	[sflag:s25] =	ssyncadd.s32 $0xFFFFC000  }
.LBB2_5:
0xf4: {  	s0 =	sshll.u32 s0, $0x7  }
0xf5: {  	s0 =	sadd.s32 s1, s0  }
0xf6: {  	s8 =	sshrl.u32 s0, $0x3;
	s9 =	sor.u32 $0x10, s0  }
0xf7: {  	v25 =	vor.u32 s0, v0;
	s8 =	sadd.s32 s6, s8;
	v27 =	vor.u32 s9, v0;
	s9 =	sor.u32 $0x20, s0  }
0xf8: {  	v26 =	vmulhi.u32 $0x4EC4EC4F, v25;
	[tilespmem:s14], [sflag:$0x5] =	stream.linear.gather [hbm4b:s8+s4], $0x80, $0x38;
	[tilespmem:$0x8300] =	vst v63  }
0xf9: {  	v28 =	vmulhi.u32 $0x4EC4EC4F, v27;
	v29 =	vor.u32 s9, v0;
	_ =	swait.ge [sflag:s25], $0x4000  }
0xfa: {  	s9 =	sor.u32 $0x30, s0;
	v26 =	vshrl.u32 v26, $0x3;
	v30 =	vmulhi.u32 $0x4EC4EC4F, v29;
	[sflag:s25] =	ssyncset.done $0x0  }
0xfb: {  	v33 =	vor.u32 s9, v0;
	s9 =	sor.u32 $0x40, s0;
	v26 =	vmul.u32 $0x1A, v26;
	v28 =	vshrl.u32 v28, $0x3;
	[sflag:s25] =	ssyncadd.s32 $0xFFFFC000  }
0xfc: {  	v52 =	vmulhi.u32 $0x4EC4EC4F, v33;
	v53 =	vor.u32 s9, v0;
	s9 =	sor.u32 $0x50, s0;
	v28 =	vmul.u32 $0x1A, v28;
	_ =	swait.ge [sflag:s17], $0x80  }
0xfd: {  	v30 =	vshrl.u32 v30, $0x3;
	v54 =	vmulhi.u32 $0x4EC4EC4F, v53;
	v55 =	vor.u32 s9, v0;
	[sflag:s17] =	ssyncset.done $0x0  }
0xfe: {  	s9 =	sor.u32 $0x60, s0;
	s0 =	sor.u32 $0x70, s0;
	v25 =	vsub.s32 v25, v26;
	v26 =	vmul.u32 $0x1A, v30;
	v56 =	vmulhi.u32 $0x4EC4EC4F, v55;
	[sflag:s17] =	ssyncadd.s32 $0xFFFFFF80  }
0xff: {  	v57 =	vor.u32 s9, v0;
	v36 =	vor.u32 s0, v0;
	v25 =	vmul.u32 $0x3E9, v25;
	v32 =	vld [tilespmem:$0x10]  }
0x100: {  	v27 =	vsub.s32 v27, v28;
	v28 =	vshrl.u32 v52, $0x3;
	v35 =	vmulhi.u32 $0x4EC4EC4F, v57;
	v31 =	vld [tilespmem:$0x0]  }
0x101: {  	v30 =	vshrl.u32 v54, $0x3;
	v38 =	vmulhi.u32 $0x4EC4EC4F, v36;
	v27 =	vmul.u32 $0x3E9, v27  }
0x102: {  	v26 =	vsub.s32 v29, v26;
	v28 =	vmul.u32 $0x1A, v28;
	v30 =	vmul.u32 $0x1A, v30;
	v51 =	vld [tilespmem:$0x20]  }
0x103: {  	v26 =	vmul.u32 $0x3E9, v26;
	v34 =	vld [tilespmem:$0x30];
	v35 =	vshrl.u32 v35, $0x3;
	v60 =	vshrl.u32 v38, $0x3  }
0x104: {  	v37 =	vld [tilespmem:$0x40];
	v28 =	vsub.s32 v33, v28;
	v27 =	vadd.s32 v27, v32;
	v32 =	vshrl.u32 v56, $0x3  }
0x105: {  	v39 =	vld [tilespmem:$0x50];
	v58 =	vmul.u32 $0x1A, v35;
	v25 =	vadd.s32 v25, v31;
	v32 =	vmul.u32 $0x1A, v32  }
0x106: {  	v59 =	vld [tilespmem:$0x60];
	v61 =	vmul.u32 $0x1A, v60;
	v28 =	vmul.u32 $0x3E9, v28;
	[tilespmem:$0x100] =	vst v25;
	v25 =	vsub.s32 v53, v30  }
0x107: {  	v62 =	vld [tilespmem:$0x70];
	v26 =	vadd.s32 v26, v51;
	[tilespmem:$0x110] =	vst v27;
	v25 =	vmul.u32 $0x3E9, v25;
	v27 =	vsub.s32 v55, v32  }
0x108: {  	v63 =	vsub.s32 v57, v58;
	[tilespmem:$0x120] =	vst v26;
	v26 =	vadd.s32 v28, v34;
	v27 =	vmul.u32 $0x3E9, v27  }
0x109: {  	v28 =	vmul.u32 $0x3E9, v63;
	[tilespmem:$0x130] =	vst v26;
	v26 =	vsub.s32 v36, v61;
	v25 =	vadd.s32 v25, v37  }
0x10a: {  	v26 =	vmul.u32 $0x3E9, v26;
	[tilespmem:$0x140] =	vst v25;
	v25 =	vadd.s32 v27, v39  }
0x10b: {  	[tilespmem:$0x150] =	vst v25;
	v25 =	vadd.s32 v28, v59  }
0x10c: {  	[tilespmem:$0x160] =	vst v25;
	v25 =	vadd.s32 v26, v62  }
0x10d: {  	[tilespmem:$0x170] =	vst v25  }
0x10e: {  	[tilespmem:s19], [sflag:$0x1] =	stream.indirect.gather [hbm4b:s7+s15], $0x80, s18, s15, $0xb8;
	[tilespmem:$0x8300] =	vst v63  }
.LBB2_7:
0x10f: {  	s0 =	sadd.s32 $0x3, s2  }
0x110: {  	s2 =	sshll.u32 @!p0 s0, $0x7  }
0x111: {  	_ =	swait.ge [sflag:s26], $0x4000;
	s2 =	sadd.s32 @!p0 s1, s2  }
0x112: {  	s8 =	simm.s32 @!p0 $0x0;
	[sflag:s26] =	ssyncset.done $0x0;
	s2 =	sshrl.u32 @!p0 s2, $0x3  }
0x113: {  	s9 =	simm.s32 @!p0 $0x80;
	[sflag:s26] =	ssyncadd.s32 $0xFFFFC000;
	s2 =	sadd.s32 @!p0 s5, s2  }
0x114: {  	[tilespmem:s9], [sflag:$0x4] =	stream.linear.gather @!p0 [hbm4b:s2+s8], $0x80, $0x38;
	[tilespmem:$0x8300] =	vst v63  }
0x115: {  	_ =	swait.ge [sflag:s28], $0x80  }
0x116: {  	[sflag:s28] =	ssyncset.done $0x0  }
0x117: {  	s2 =	simm.s32 $0x0;
	[sflag:s28] =	ssyncadd.s32 $0xFFFFFF80  }
.LBB2_8:
0x118: {  	s8 =	sshll.u32 s2, $0x4  }
0x119: {  	s8 =	sand.u32 $0x3FFFFFF0, s8  }
0x11a: {  	s9 =	sshll.u32 s2, $0xB;
	v25 =	vld [tilespmem:s8+$0x280]  }
0x11b: {  	s8 =	sand.u32 $0x3FFFF800, s9  }
0x11c: {  	v26 =	vld [tilespmem:s8+$0x4300]  }
0x11d: {  	v27 =	vld [tilespmem:s8+$0x4310]  }
0x11e: {  	v28 =	vld [tilespmem:s8+$0x4320]  }
0x11f: {  	v30 =	vld [tilespmem:s8+$0x4330];
	v29 =	vperm.xlane v25, v9  }
0x120: {  	v31 =	vld [tilespmem:s8+$0x4340]  }
0x121: {  	v32 =	vld [tilespmem:s8+$0x4350];
	v26 =	vmul.f32 v26, v29  }
0x122: {  	v33 =	vld [tilespmem:s8+$0x4360];
	v27 =	vmul.f32 v27, v29  }
0x123: {  	v42 =	vld [tilespmem:s8+$0x4370];
	[tilespmem:s8+$0x4300] =	vst v26;
	v26 =	vmul.f32 v28, v29  }
0x124: {  	v43 =	vld [tilespmem:s8+$0x4380];
	[tilespmem:s8+$0x4310] =	vst v27;
	v27 =	vmul.f32 v30, v29  }
0x125: {  	v44 =	vld [tilespmem:s8+$0x4390];
	[tilespmem:s8+$0x4320] =	vst v26;
	v26 =	vmul.f32 v31, v29  }
0x126: {  	v45 =	vld [tilespmem:s8+$0x43A0];
	[tilespmem:s8+$0x4330] =	vst v27;
	v27 =	vmul.f32 v32, v29  }
0x127: {  	v34 =	vld [tilespmem:s8+$0x43B0];
	v46 =	vperm.xlane v25, v10;
	[tilespmem:s8+$0x4340] =	vst v26;
	v26 =	vmul.f32 v33, v29  }
0x128: {  	v47 =	vld [tilespmem:s8+$0x43C0];
	[tilespmem:s8+$0x4350] =	vst v27;
	v27 =	vmul.f32 v42, v29  }
0x129: {  	v48 =	vld [tilespmem:s8+$0x43D0];
	[tilespmem:s8+$0x4360] =	vst v26;
	v26 =	vmul.f32 v43, v46  }
0x12a: {  	v49 =	vld [tilespmem:s8+$0x43E0];
	[tilespmem:s8+$0x4370] =	vst v27;
	v27 =	vmul.f32 v44, v46  }
0x12b: {  	v50 =	vld [tilespmem:s8+$0x43F0];
	[tilespmem:s8+$0x4380] =	vst v26;
	v26 =	vmul.f32 v45, v46  }
0x12c: {  	v51 =	vld [tilespmem:s8+$0x4400];
	[tilespmem:s8+$0x4390] =	vst v27;
	v27 =	vmul.f32 v34, v46  }
0x12d: {  	v52 =	vld [tilespmem:s8+$0x4410];
	[tilespmem:s8+$0x43A0] =	vst v26;
	v26 =	vmul.f32 v47, v46  }
0x12e: {  	v53 =	vld [tilespmem:s8+$0x4420];
	[tilespmem:s8+$0x43B0] =	vst v27;
	v27 =	vmul.f32 v48, v46  }
0x12f: {  	v55 =	vld [tilespmem:s8+$0x4430];
	v54 =	vperm.xlane v25, v11;
	[tilespmem:s8+$0x43C0] =	vst v26;
	v26 =	vmul.f32 v49, v46  }
0x130: {  	v56 =	vld [tilespmem:s8+$0x4440];
	[tilespmem:s8+$0x43D0] =	vst v27;
	v27 =	vmul.f32 v50, v46  }
0x131: {  	v57 =	vld [tilespmem:s8+$0x4450];
	[tilespmem:s8+$0x43E0] =	vst v26;
	v26 =	vmul.f32 v51, v54  }
0x132: {  	v58 =	vld [tilespmem:s8+$0x4460];
	[tilespmem:s8+$0x43F0] =	vst v27;
	v27 =	vmul.f32 v52, v54  }
0x133: {  	v59 =	vld [tilespmem:s8+$0x4470];
	[tilespmem:s8+$0x4400] =	vst v26;
	v26 =	vmul.f32 v53, v54  }
0x134: {  	v60 =	vld [tilespmem:s8+$0x4480];
	[tilespmem:s8+$0x4410] =	vst v27;
	v27 =	vmul.f32 v55, v54  }
0x135: {  	v61 =	vld [tilespmem:s8+$0x4490];
	[tilespmem:s8+$0x4420] =	vst v26;
	v26 =	vmul.f32 v56, v54  }
0x136: {  	v62 =	vld [tilespmem:s8+$0x44A0];
	[tilespmem:s8+$0x4430] =	vst v27;
	v27 =	vmul.f32 v57, v54  }
0x137: {  	v36 =	vld [tilespmem:s8+$0x44B0];
	v63 =	vperm.xlane v25, v12;
	[tilespmem:s8+$0x4440] =	vst v26;
	v26 =	vmul.f32 v58, v54  }
0x138: {  	v37 =	vld [tilespmem:s8+$0x44C0];
	[tilespmem:s8+$0x4450] =	vst v27;
	v27 =	vmul.f32 v59, v54  }
0x139: {  	v38 =	vld [tilespmem:s8+$0x44D0];
	[tilespmem:s8+$0x4460] =	vst v26;
	v26 =	vmul.f32 v60, v63  }
0x13a: {  	v39 =	vld [tilespmem:s8+$0x44E0];
	[tilespmem:s8+$0x4470] =	vst v27;
	v27 =	vmul.f32 v61, v63  }
0x13b: {  	v40 =	vld [tilespmem:s8+$0x44F0];
	[tilespmem:s8+$0x4480] =	vst v26;
	v26 =	vmul.f32 v62, v63  }
0x13c: {  	v41 =	vld [tilespmem:s8+$0x4500];
	[tilespmem:s8+$0x4490] =	vst v27;
	v27 =	vmul.f32 v36, v63  }
0x13d: {  	v42 =	vld [tilespmem:s8+$0x4510];
	[tilespmem:s8+$0x44A0] =	vst v26;
	v26 =	vmul.f32 v37, v63  }
0x13e: {  	v43 =	vld [tilespmem:s8+$0x4520];
	[tilespmem:s8+$0x44B0] =	vst v27;
	v27 =	vmul.f32 v38, v63  }
0x13f: {  	v44 =	vperm.xlane v25, v13;
	v45 =	vld [tilespmem:s8+$0x4530];
	[tilespmem:s8+$0x44C0] =	vst v26;
	v26 =	vmul.f32 v39, v63  }
0x140: {  	v46 =	vld [tilespmem:s8+$0x4540];
	[tilespmem:s8+$0x44D0] =	vst v27;
	v27 =	vmul.f32 v40, v63  }
0x141: {  	v47 =	vld [tilespmem:s8+$0x4550];
	[tilespmem:s8+$0x44E0] =	vst v26;
	v26 =	vmul.f32 v41, v44  }
0x142: {  	v48 =	vld [tilespmem:s8+$0x4560];
	[tilespmem:s8+$0x44F0] =	vst v27;
	v27 =	vmul.f32 v42, v44  }
0x143: {  	v49 =	vld [tilespmem:s8+$0x4570];
	[tilespmem:s8+$0x4500] =	vst v26;
	v26 =	vmul.f32 v43, v44  }
0x144: {  	v50 =	vld [tilespmem:s8+$0x4580];
	[tilespmem:s8+$0x4510] =	vst v27;
	v27 =	vmul.f32 v45, v44  }
0x145: {  	v51 =	vld [tilespmem:s8+$0x4590];
	[tilespmem:s8+$0x4520] =	vst v26;
	v26 =	vmul.f32 v46, v44  }
0x146: {  	v52 =	vld [tilespmem:s8+$0x45A0];
	[tilespmem:s8+$0x4530] =	vst v27;
	v27 =	vmul.f32 v47, v44  }
0x147: {  	v53 =	vperm.xlane v25, v14;
	v54 =	vld [tilespmem:s8+$0x45B0];
	[tilespmem:s8+$0x4540] =	vst v26;
	v26 =	vmul.f32 v48, v44  }
0x148: {  	v55 =	vld [tilespmem:s8+$0x45C0];
	[tilespmem:s8+$0x4550] =	vst v27;
	v27 =	vmul.f32 v49, v44  }
0x149: {  	v56 =	vld [tilespmem:s8+$0x45D0];
	[tilespmem:s8+$0x4560] =	vst v26;
	v26 =	vmul.f32 v50, v53  }
0x14a: {  	v57 =	vld [tilespmem:s8+$0x45E0];
	[tilespmem:s8+$0x4570] =	vst v27;
	v27 =	vmul.f32 v51, v53  }
0x14b: {  	v58 =	vld [tilespmem:s8+$0x45F0];
	[tilespmem:s8+$0x4580] =	vst v26;
	v26 =	vmul.f32 v52, v53  }
0x14c: {  	v59 =	vld [tilespmem:s8+$0x4600];
	[tilespmem:s8+$0x4590] =	vst v27;
	v27 =	vmul.f32 v54, v53  }
0x14d: {  	v60 =	vld [tilespmem:s8+$0x4610];
	[tilespmem:s8+$0x45A0] =	vst v26;
	v26 =	vmul.f32 v55, v53  }
0x14e: {  	v61 =	vld [tilespmem:s8+$0x4620];
	[tilespmem:s8+$0x45B0] =	vst v27;
	v27 =	vmul.f32 v56, v53  }
0x14f: {  	v62 =	vperm.xlane v25, v15;
	v63 =	vld [tilespmem:s8+$0x4630];
	[tilespmem:s8+$0x45C0] =	vst v26;
	v26 =	vmul.f32 v57, v53  }
0x150: {  	v36 =	vld [tilespmem:s8+$0x4640];
	[tilespmem:s8+$0x45D0] =	vst v27;
	v27 =	vmul.f32 v58, v53  }
0x151: {  	v37 =	vld [tilespmem:s8+$0x4650];
	[tilespmem:s8+$0x45E0] =	vst v26;
	v26 =	vmul.f32 v59, v62  }
0x152: {  	v38 =	vld [tilespmem:s8+$0x4660];
	[tilespmem:s8+$0x45F0] =	vst v27;
	v27 =	vmul.f32 v60, v62  }
0x153: {  	v39 =	vld [tilespmem:s8+$0x4670];
	[tilespmem:s8+$0x4600] =	vst v26;
	v26 =	vmul.f32 v61, v62  }
0x154: {  	v40 =	vld [tilespmem:s8+$0x4680];
	[tilespmem:s8+$0x4610] =	vst v27;
	v27 =	vmul.f32 v63, v62  }
0x155: {  	v41 =	vld [tilespmem:s8+$0x4690];
	[tilespmem:s8+$0x4620] =	vst v26;
	v26 =	vmul.f32 v36, v62  }
0x156: {  	v42 =	vld [tilespmem:s8+$0x46A0];
	[tilespmem:s8+$0x4630] =	vst v27;
	v27 =	vmul.f32 v37, v62  }
0x157: {  	v43 =	vperm.xlane v25, v16;
	v44 =	vld [tilespmem:s8+$0x46B0];
	[tilespmem:s8+$0x4640] =	vst v26;
	v26 =	vmul.f32 v38, v62  }
0x158: {  	v45 =	vld [tilespmem:s8+$0x46C0];
	[tilespmem:s8+$0x4650] =	vst v27;
	v27 =	vmul.f32 v39, v62  }
0x159: {  	v46 =	vld [tilespmem:s8+$0x46D0];
	[tilespmem:s8+$0x4660] =	vst v26;
	v26 =	vmul.f32 v40, v43  }
0x15a: {  	v47 =	vld [tilespmem:s8+$0x46E0];
	[tilespmem:s8+$0x4670] =	vst v27;
	v27 =	vmul.f32 v41, v43  }
0x15b: {  	v48 =	vld [tilespmem:s8+$0x46F0];
	[tilespmem:s8+$0x4680] =	vst v26;
	v26 =	vmul.f32 v42, v43  }
0x15c: {  	v49 =	vld [tilespmem:s8+$0x4700];
	[tilespmem:s8+$0x4690] =	vst v27;
	v27 =	vmul.f32 v44, v43  }
0x15d: {  	v50 =	vld [tilespmem:s8+$0x4710];
	[tilespmem:s8+$0x46A0] =	vst v26;
	v26 =	vmul.f32 v45, v43  }
0x15e: {  	v51 =	vld [tilespmem:s8+$0x4720];
	[tilespmem:s8+$0x46B0] =	vst v27;
	v27 =	vmul.f32 v46, v43  }
0x15f: {  	v52 =	vperm.xlane v25, v17;
	v53 =	vld [tilespmem:s8+$0x4730];
	[tilespmem:s8+$0x46C0] =	vst v26;
	v26 =	vmul.f32 v47, v43  }
0x160: {  	v54 =	vld [tilespmem:s8+$0x4740];
	[tilespmem:s8+$0x46D0] =	vst v27;
	v27 =	vmul.f32 v48, v43  }
0x161: {  	v55 =	vld [tilespmem:s8+$0x4750];
	[tilespmem:s8+$0x46E0] =	vst v26;
	v26 =	vmul.f32 v49, v52  }
0x162: {  	v56 =	vld [tilespmem:s8+$0x4760];
	[tilespmem:s8+$0x46F0] =	vst v27;
	v27 =	vmul.f32 v50, v52  }
0x163: {  	v57 =	vld [tilespmem:s8+$0x4770];
	[tilespmem:s8+$0x4700] =	vst v26;
	v26 =	vmul.f32 v51, v52  }
0x164: {  	v58 =	vld [tilespmem:s8+$0x4780];
	[tilespmem:s8+$0x4710] =	vst v27;
	v27 =	vmul.f32 v53, v52  }
0x165: {  	v59 =	vld [tilespmem:s8+$0x4790];
	[tilespmem:s8+$0x4720] =	vst v26;
	v26 =	vmul.f32 v54, v52  }
0x166: {  	v60 =	vld [tilespmem:s8+$0x47A0];
	[tilespmem:s8+$0x4730] =	vst v27;
	v27 =	vmul.f32 v55, v52  }
0x167: {  	v61 =	vperm.xlane v25, v18;
	v62 =	vld [tilespmem:s8+$0x47B0];
	[tilespmem:s8+$0x4740] =	vst v26;
	v26 =	vmul.f32 v56, v52  }
0x168: {  	v63 =	vld [tilespmem:s8+$0x47C0];
	[tilespmem:s8+$0x4750] =	vst v27;
	v27 =	vmul.f32 v57, v52  }
0x169: {  	v36 =	vld [tilespmem:s8+$0x47D0];
	[tilespmem:s8+$0x4760] =	vst v26;
	v26 =	vmul.f32 v58, v61  }
0x16a: {  	v37 =	vld [tilespmem:s8+$0x47E0];
	[tilespmem:s8+$0x4770] =	vst v27;
	v27 =	vmul.f32 v59, v61  }
0x16b: {  	v38 =	vld [tilespmem:s8+$0x47F0];
	[tilespmem:s8+$0x4780] =	vst v26;
	v26 =	vmul.f32 v60, v61  }
0x16c: {  	v39 =	vld [tilespmem:s8+$0x4800];
	[tilespmem:s8+$0x4790] =	vst v27;
	v27 =	vmul.f32 v62, v61  }
0x16d: {  	v40 =	vld [tilespmem:s8+$0x4810];
	[tilespmem:s8+$0x47A0] =	vst v26;
	v26 =	vmul.f32 v63, v61  }
0x16e: {  	v41 =	vld [tilespmem:s8+$0x4820];
	[tilespmem:s8+$0x47B0] =	vst v27;
	v27 =	vmul.f32 v36, v61  }
0x16f: {  	v42 =	vperm.xlane v25, v19;
	v43 =	vld [tilespmem:s8+$0x4830];
	[tilespmem:s8+$0x47C0] =	vst v26;
	v26 =	vmul.f32 v37, v61  }
0x170: {  	v44 =	vld [tilespmem:s8+$0x4840];
	[tilespmem:s8+$0x47D0] =	vst v27;
	v27 =	vmul.f32 v38, v61  }
0x171: {  	v45 =	vld [tilespmem:s8+$0x4850];
	[tilespmem:s8+$0x47E0] =	vst v26;
	v26 =	vmul.f32 v39, v42  }
0x172: {  	v46 =	vld [tilespmem:s8+$0x4860];
	[tilespmem:s8+$0x47F0] =	vst v27;
	v27 =	vmul.f32 v40, v42  }
0x173: {  	v47 =	vld [tilespmem:s8+$0x4870];
	[tilespmem:s8+$0x4800] =	vst v26;
	v26 =	vmul.f32 v41, v42  }
0x174: {  	v48 =	vld [tilespmem:s8+$0x4880];
	[tilespmem:s8+$0x4810] =	vst v27;
	v27 =	vmul.f32 v43, v42  }
0x175: {  	v49 =	vld [tilespmem:s8+$0x4890];
	[tilespmem:s8+$0x4820] =	vst v26;
	v26 =	vmul.f32 v44, v42  }
0x176: {  	v50 =	vld [tilespmem:s8+$0x48A0];
	[tilespmem:s8+$0x4830] =	vst v27;
	v27 =	vmul.f32 v45, v42  }
0x177: {  	v51 =	vperm.xlane v25, v20;
	v52 =	vld [tilespmem:s8+$0x48B0];
	[tilespmem:s8+$0x4840] =	vst v26;
	v26 =	vmul.f32 v46, v42  }
0x178: {  	v53 =	vld [tilespmem:s8+$0x48C0];
	[tilespmem:s8+$0x4850] =	vst v27;
	v27 =	vmul.f32 v47, v42  }
0x179: {  	v54 =	vld [tilespmem:s8+$0x48D0];
	[tilespmem:s8+$0x4860] =	vst v26;
	v26 =	vmul.f32 v48, v51  }
0x17a: {  	v55 =	vld [tilespmem:s8+$0x48E0];
	[tilespmem:s8+$0x4870] =	vst v27;
	v27 =	vmul.f32 v49, v51  }
0x17b: {  	v56 =	vld [tilespmem:s8+$0x48F0];
	[tilespmem:s8+$0x4880] =	vst v26;
	v26 =	vmul.f32 v50, v51  }
0x17c: {  	v57 =	vld [tilespmem:s8+$0x4900];
	[tilespmem:s8+$0x4890] =	vst v27;
	v27 =	vmul.f32 v52, v51  }
0x17d: {  	v58 =	vld [tilespmem:s8+$0x4910];
	[tilespmem:s8+$0x48A0] =	vst v26;
	v26 =	vmul.f32 v53, v51  }
0x17e: {  	v59 =	vld [tilespmem:s8+$0x4920];
	[tilespmem:s8+$0x48B0] =	vst v27;
	v27 =	vmul.f32 v54, v51  }
0x17f: {  	v60 =	vperm.xlane v25, v21;
	v61 =	vld [tilespmem:s8+$0x4930];
	[tilespmem:s8+$0x48C0] =	vst v26;
	v26 =	vmul.f32 v55, v51  }
0x180: {  	v62 =	vld [tilespmem:s8+$0x4940];
	[tilespmem:s8+$0x48D0] =	vst v27;
	v27 =	vmul.f32 v56, v51  }
0x181: {  	v63 =	vld [tilespmem:s8+$0x4950];
	[tilespmem:s8+$0x48E0] =	vst v26;
	v26 =	vmul.f32 v57, v60  }
0x182: {  	v36 =	vld [tilespmem:s8+$0x4960];
	[tilespmem:s8+$0x48F0] =	vst v27;
	v27 =	vmul.f32 v58, v60  }
0x183: {  	v37 =	vld [tilespmem:s8+$0x4970];
	[tilespmem:s8+$0x4900] =	vst v26;
	v26 =	vmul.f32 v59, v60  }
0x184: {  	v38 =	vld [tilespmem:s8+$0x4980];
	[tilespmem:s8+$0x4910] =	vst v27;
	v27 =	vmul.f32 v61, v60  }
0x185: {  	v39 =	vld [tilespmem:s8+$0x4990];
	[tilespmem:s8+$0x4920] =	vst v26;
	v26 =	vmul.f32 v62, v60  }
0x186: {  	v40 =	vld [tilespmem:s8+$0x49A0];
	[tilespmem:s8+$0x4930] =	vst v27;
	v27 =	vmul.f32 v63, v60  }
0x187: {  	v41 =	vperm.xlane v25, v22;
	v42 =	vld [tilespmem:s8+$0x49B0];
	[tilespmem:s8+$0x4940] =	vst v26;
	v26 =	vmul.f32 v36, v60  }
0x188: {  	v43 =	vld [tilespmem:s8+$0x49C0];
	[tilespmem:s8+$0x4950] =	vst v27;
	v27 =	vmul.f32 v37, v60  }
0x189: {  	v44 =	vld [tilespmem:s8+$0x49D0];
	[tilespmem:s8+$0x4960] =	vst v26;
	v26 =	vmul.f32 v38, v41  }
0x18a: {  	v45 =	vld [tilespmem:s8+$0x49E0];
	[tilespmem:s8+$0x4970] =	vst v27;
	v27 =	vmul.f32 v39, v41  }
0x18b: {  	v46 =	vld [tilespmem:s8+$0x49F0];
	[tilespmem:s8+$0x4980] =	vst v26;
	v26 =	vmul.f32 v40, v41  }
0x18c: {  	v47 =	vld [tilespmem:s8+$0x4A00];
	[tilespmem:s8+$0x4990] =	vst v27;
	v27 =	vmul.f32 v42, v41  }
0x18d: {  	v48 =	vld [tilespmem:s8+$0x4A10];
	[tilespmem:s8+$0x49A0] =	vst v26;
	v26 =	vmul.f32 v43, v41  }
0x18e: {  	v49 =	vld [tilespmem:s8+$0x4A20];
	[tilespmem:s8+$0x49B0] =	vst v27;
	v27 =	vmul.f32 v44, v41  }
0x18f: {  	v50 =	vperm.xlane v25, v23;
	v51 =	vld [tilespmem:s8+$0x4A30];
	[tilespmem:s8+$0x49C0] =	vst v26;
	v26 =	vmul.f32 v45, v41  }
0x190: {  	v52 =	vld [tilespmem:s8+$0x4A40];
	[tilespmem:s8+$0x49D0] =	vst v27;
	v27 =	vmul.f32 v46, v41  }
0x191: {  	v53 =	vld [tilespmem:s8+$0x4A50];
	[tilespmem:s8+$0x49E0] =	vst v26;
	v26 =	vmul.f32 v47, v50  }
0x192: {  	v54 =	vld [tilespmem:s8+$0x4A60];
	[tilespmem:s8+$0x49F0] =	vst v27;
	v27 =	vmul.f32 v48, v50  }
0x193: {  	v55 =	vld [tilespmem:s8+$0x4A70];
	[tilespmem:s8+$0x4A00] =	vst v26;
	v26 =	vmul.f32 v49, v50  }
0x194: {  	v56 =	vld [tilespmem:s8+$0x4A80];
	[tilespmem:s8+$0x4A10] =	vst v27;
	v27 =	vmul.f32 v51, v50  }
0x195: {  	v57 =	vld [tilespmem:s8+$0x4A90];
	[tilespmem:s8+$0x4A20] =	vst v26;
	v26 =	vmul.f32 v52, v50  }
0x196: {  	v58 =	vld [tilespmem:s8+$0x4AA0];
	[tilespmem:s8+$0x4A30] =	vst v27;
	v27 =	vmul.f32 v53, v50  }
0x197: {  	v25 =	vperm.xlane v25, v24;
	v59 =	vld [tilespmem:s8+$0x4AB0];
	[tilespmem:s8+$0x4A40] =	vst v26;
	v26 =	vmul.f32 v54, v50  }
0x198: {  	v60 =	vld [tilespmem:s8+$0x4AC0];
	[tilespmem:s8+$0x4A50] =	vst v27;
	v27 =	vmul.f32 v55, v50  }
0x199: {  	v61 =	vld [tilespmem:s8+$0x4AD0];
	[tilespmem:s8+$0x4A60] =	vst v26;
	v26 =	vmul.f32 v56, v25  }
0x19a: {  	v62 =	vld [tilespmem:s8+$0x4AE0];
	[tilespmem:s8+$0x4A70] =	vst v27;
	v27 =	vmul.f32 v57, v25  }
0x19b: {  	v63 =	vld [tilespmem:s8+$0x4AF0];
	[tilespmem:s8+$0x4A80] =	vst v26;
	v26 =	vmul.f32 v58, v25  }
0x19c: {  	[tilespmem:s8+$0x4A90] =	vst v27;
	v27 =	vmul.f32 v59, v25  }
0x19d: {  	p1 =	sne.s32 s2, $0x7;
	[tilespmem:s8+$0x4AA0] =	vst v26;
	v26 =	vmul.f32 v60, v25  }
.Ltmp5:
0x19e: {  	[tilespmem:s8+$0x4AB0] =	vst v27;
	v27 =	vmul.f32 v61, v25;
	(pc) =	sbr.rel @p1 .LBB2_8-.Ltmp5, $4  }
0x19f: {  	[tilespmem:s8+$0x4AC0] =	vst v26;
	v26 =	vmul.f32 v62, v25  }
0x1a0: {  	[tilespmem:s8+$0x4AD0] =	vst v27;
	v25 =	vmul.f32 v63, v25  }
0x1a1: {  	[tilespmem:s8+$0x4AE0] =	vst v26  }
0x1a2: {  	s2 =	sadd.s32 $0x1, s2;
	[tilespmem:s8+$0x4AF0] =	vst v25  }
.Ltmp6:
0x1a3: {  	s2 =	sshll.u32 s31, $0xE;
	(pc) =	sbr.rel @p0 .LBB2_11-.Ltmp6, $4  }
0x1a4: {  	s2 =	sadd.s32 s12, s2  }
0x1a5: {  	s2 =	sshrl.u32 s2, $0x3  }
0x1a6: {  	s2 =	sadd.s32 s3, s2  }
0x1a7: {  	[hbm4b:s2+s4] =	stream.linear.scatter [tilespmem:s22], [sflag:$0x7], $0x4000, $0x38;
	[tilespmem:$0x8300] =	vst v63  }
.Ltmp7:
0x1a8: {  	s0 =	sshll.u32 s0, $0x7;
	(pc) =	sbr.rel .LBB2_2-.Ltmp7, $4  }
0x1a9: {  	s0 =	sadd.s32 s1, s0  }
0x1aa: {  	s0 =	sshrl.u32 s0, $0x3  }
0x1ab: {  	s30 =	sadd.s32 $0x1, s30;
	s0 =	sadd.s32 s6, s0  }
0x1ac: {  	[tilespmem:s16], [sflag:$0x6] =	stream.linear.gather [hbm4b:s0+s4], $0x80, $0x38;
	[tilespmem:$0x8300] =	vst v63  }
.LBB2_12:
0x1ad: {  	_ =	sfence.sel $0x180000  }
0x1ae: {  	[bflag:$0x0] =	sbarrier.arrive $0xFFFF  }
0x1af: {  	_ =	strace $0x90000047  }
0x1b0: {  	s0 =	stileid.u32;
	[bflag:$0x2] =	sbarrier.arrive $0xFFFF  }
0x1b1: {  	p0 =	sne.s32 s0, $0x0;
	s0 =	rddreg [dreg:$0x2]  }
0x1b2: {  	s0 =	sadd.s32 @!p0 $0x100000, s0  }
0x1b3: {  	[sflag:s0] =	ssyncadd.tile.s32 @!p0 $0x1;
	_ =	shalt  }
.Lfunc_end2:
_tile_overlayer_lowered:
.L_overlay_start_2:
0x1b4: {  	(tag) =	ssettag $0x2  }
0x1b5: {  	s0 =	rddreg [dreg:$0x0];
	s2 =	stileid.u32  }
0x1b6: {  	s1 =	rddreg [dreg:$0x1];
	p0 =	sne.s32 s2, $0x0  }
0x1b7: {  	s3 =	rddreg [dreg:$0x2];
	[bflag:$0x3] =	sbarrier.arrive $0xFFFF;
	s2 =	simm.s32 @!p0 $0x1C08  }
0x1b8: {  	[timem:s3], [sflag:s2] =	dma.local @!p0 [hbm:s0], s1  }
0x1b9: {  	s0 =	simm.s32 @!p0 $0x8  }
0x1ba: {  	_ =	swait.ge @!p0 [sflag:s0], s1  }
0x1bb: {  	s1 =	ssub.s32 @!p0 $0x0, s1;
	[sflag:s0] =	ssyncset.done @!p0 $0x0  }
0x1bc: {  	[sflag:s0] =	ssyncadd.s32 @!p0 s1  }
0x1bd: {  	[bflag:$0x3] =	sbarrier.arrive $0xFFFF  }
0x1be: {  	_ =	shalt  }

// kernel: sparse-core-data-format-call.cloned.1.call-start
scs
called_computation_lowered:
.L_overlay_start_0:
0x0: {  	s2 =	sld [smem:$0x3FD9]  }
0x1: {  	s3 =	sld [smem:$0x3FFE];
	_ =	sdelay $0x1  }
0x2: {  	s1 =	srdreg.scid  }
0x3: {  	s0 =	sand.u32 $0x1, s1  }
0x4: {  	s18 =	sshll.u32 s0, $0xA;
	s2 =	sadd.s32 s3, s2  }
0x5: {  	s2 =	sadd.s32 s2, s18  }
0x6: {  	[smem:$0x3FC5] =	sst s2  }
0x7: {  	_ = 	snop  }
0x8: {  	s2 =	sld [smem:$0x3FD0];
	(tm) =	ssettm $0x1  }
0x9: {  	s19 =	sld [smem:$0x3FFB];
	_ =	sdelay $0x3  }
0xa: {  	_ =	strace s19  }
0xb: {  	s3 =	sld [smem:$0x3FFC];
	_ =	sdelay $0x3  }
0xc: {  	_ =	strace s3  }
0xd: {  	s3 =	sld [smem:$0x3FFD];
	_ =	sdelay $0x3  }
0xe: {  	_ =	strace s3  }
0xf: {  	_ =	strace $0x8FFFFFFF  }
0x10: {  	s20 =	sld [smem:$0x3FDB];
	_ =	sdelay $0x1  }
0x11: {  	s4 =	simm.s32 $_scs_section_size  }
0x12: {  	s5 =	simm.s32 $_size__tile_overlayer_lowered;
	s6 =	simm.s32 $_tile_overlayer_lowered  }
0x13: {  	s23 =	simm.s32 $0x1BFF;
	s22 =	sshll.u32 s6, $0x1;
	s3 =	sadd.s32 s4, s20  }
0x14: {  	s7 =	simm.s32 $0x0;
	s21 =	sshll.u32 s5, $0x1;
	s5 =	sadd.s32 s22, s3  }
0x15: {  	[timem:s7], [sflag:s23] =	dma.local [hbm:s5], s21  }
0x16: {  	_ =	swait.ge [sflag:s23], s21  }
0x17: {  	s4 =	ssub.s32 $0x0, s21;
	[sflag:s23] =	ssyncset.done $0x0  }
0x18: {  	[sflag:s23] =	ssyncadd.s32 s4;
	_ =	sdelay $0x1  }
0x19: {  	s24 =	simm.s32 $0x1B8B  }
0x1a: {  	_ =	swait.ge [sflag:s24], $0x1  }
0x1b: {  	[sflag:s24] =	ssyncset.done $0x0  }
0x1c: {  	s26 =	simm.s32 $0x1B8E;
	s25 =	sld [smem:$0x3FFE];
	[sflag:s24] =	ssyncadd.s32 $0xFFFFFFFF  }
0x1d: {  	s27 =	simm.s32 $execute0_lowered;
	[smem:$0x3FD2] =	sst s26  }
0x1e: {  	s5 =	sshll.u32 s27, $0x1;
	_ =	strace $0x80000049;
	[dreg:$0x1] =	wrdreg $0xFFFFFFFF  }
0x1f: {  	s28 =	simm.s32 $_size_execute0_lowered;
	s3 =	sadd.s32 s3, s5;
	[dreg:$0x0] =	wrdreg $0x0  }
0x20: {  	s5 =	sshll.u32 s28, $0x1;
	[dreg:$0x2] =	wrdreg s3  }
0x21: {  	[dreg:$0x3] =	wrdreg s5  }
0x22: {  	[dreg:$0x4] =	wrdreg $0xC0  }
0x23: {  	_ =	task [dreg:s7], $0x5FFFF  }
0x24: {  	[dreg:$0x1] =	wrdreg $0xFFFFFFFF  }
0x25: {  	[dreg:$0x0] =	wrdreg $0x60  }
0x26: {  	[dreg:$0x2] =	wrdreg s25  }
0x27: {  	[dreg:$0x3] =	wrdreg s2  }
0x28: {  	[dreg:$0x4] =	wrdreg $0x9  }
0x29: {  	_ =	task.clear_ibuf [dreg:s7], $0x5FFFF;
	_ =	strace $0x90000049  }
0x2a: {  	s29 =	simm.s32 $0x9;
	_ =	strace $0x8000004B  }
0x2b: {  	_ =	swait.ge [sflag:s29], $0x1  }
0x2c: {  	[sflag:s29] =	ssyncadd.s32 $0xFFFFFFFF  }
0x2d: {  	_ =	strace $0x9000004B  }
0x2e: {  	_ =	sfence  }
0x2f: {  	s30 =	sld [smem:$0x0];
	_ =	sdelay $0x2  }
0x30: {  	s31 =	sshll.u32 s1, $0xD;
	s1 =	sshrl.u32 s1, $0x2  }
0x31: {  	s3 =	sand.u32 $0x4000, s31;
	s1 =	sadd.s32 s1, s30  }
0x32: {  	s0 =	sor.u32 s3, s0;
	s1 =	sshll.u32 s1, $0x11  }
0x33: {  	s0 =	sor.u32 s1, s0  }
0x34: {  	s0 =	sadd.s32 $0x8F2B, s0  }
0x35: {  	[sflag:s0] =	ssyncadd.remote.s32 $0x1  }
0x36: {  	_ =	sfence.sel $0xFFFF  }
0x37: {  	[dreg:$0x0] =	wrdreg $0xFFFFFFFF;
	(pc) =	sbr.abs _section_cstart, $3  }
0x38: {  	[dreg:$0x1] =	wrdreg $0xFFFFFFFF  }
0x39: {  	_ =	task.clear_ibuf [dreg:s7], $0x2FFFF;
	_ =	strace $0x9FFFFFFF  }
0x3a: {  	(tm) =	ssettm $0x7FFFFFFF  }
0x3b: {  	_ =	shalt  }
tec
execute0_lowered:
.L_overlay_start_1:
0x0: {  	(tag) =	ssettag $0x1  }
0x1: {  	s0 =	stileid.u32  }
0x2: {  	s2 =	srdreg.scid;
	s7 =	rddreg [dreg:$0x0]  }
0x3: {  	s3 =	rddreg [dreg:$0x1];
	s6 =	simm.s32 $0x1;
	s8 =	simm.s32 $0x8C  }
0x4: {  	s31 =	simm.s32 $0x2;
	s15 =	simm.s32 $0x0;
	s9 =	simm.s32 $0x2000  }
0x5: {  	s10 =	simm.s32 $0x20000;
	s16 =	simm.s32 $0x0;
	s1 =	sshll.u32 s0, $0x6  }
0x6: {  	s17 =	simm.s32 $0x0;
	s12 =	simm.s32 $0x0;
	s5 =	ssub.s32 $0x400, s1  }
0x7: {  	s14 =	simm.s32 $0x0;
	s2 =	sshll.u32 s2, $0x1;
	s30 =	sand.u32 $0x3C0, s5  }
0x8: {  	s4 =	sand.u32 $0x2, s2;
	s5 =	sshrl.u32 s5, $0xA;
	p0 =	sne.s32 s30, $0x0  }
.Ltmp0:
0x9: {  	s6 =	simm.s32 @!p0 $0x0;
	p0 =	seq.s32 s4, $0x0;
	(pc) =	sbr.rel .LBB1_1-.Ltmp0, $4  }
0xa: {  	s2 =	rddreg [dreg:$0x2];
	s6 =	sadd.s32 s6, s5;
	s8 =	simm.s32 @!p0 $0x78  }
0xb: {  	_ =	strace $0x8000004A;
	s5 =	simm.s32 $0x1;
	s6 =	smul.u32 s8, s6  }
0xc: {  	s7 =	sadd.s32 $0x1A00, s7;
	s13 =	smov.u32 s1;
	[sflag:s5] =	ssyncpa.u1 $0x0  }
0xd: {  	s11 =	smov.u32 s4;
	[sflag:s31] =	ssyncpa.u1 $0x0;
	s8 =	sor.u32 $0x1, s6  }
.LBB1_7:
0xe: {  	s18 =	sadd.s32 $0x4, s11  }
0xf: {  	s15 =	simm.s32 $0x1;
	p1 =	sgt.s32 s18, $0x19  }
0x10: {  	s15 =	simm.s32 @!p1 $0x0  }
0x11: {  	s19 =	sadd.s32 s15, s12  }
0x12: {  	s21 =	smov.u32 s13;
	s15 =	sadd.s32 $0x400, s13;
	p2 =	sgt.s32 s19, $0x13  }
0x13: {  	s21 =	smov.u32 @p2 s15  }
0x14: {  	p0 =	slt.u32 s14, $0x2;
	s18 =	smov.u32 @p1 s4;
	p1 =	sgt.s32 s21, $0x3FF  }
0x15: {  	s20 =	simm.s32 @!p0 $0x2;
	s21 =	smov.u32 @p1 s1;
	p1 =	sne.s32 s14, s8  }
.Ltmp1:
0x16: {  	_ =	swait.ge @!p0 [sflag:s20], $0x4000;
	(pc) =	sbr.rel @!p1 .LBB1_8-.Ltmp1, $4  }
0x17: {  	[sflag:s20] =	ssyncset.done @!p0 $0x0  }
0x18: {  	s16 =	smov.u32 s12;
	s17 =	smov.u32 s13;
	[sflag:s20] =	ssyncadd.s32 @!p0 $0xFFFFC000  }
0x19: {  	s19 =	simm.s32 @p2 $0x0;
	s15 =	smov.u32 s11;
	s11 =	smov.u32 s18  }
0x1a: {  	s12 =	smov.u32 s19;
	s14 =	sadd.s32 $0x1, s14;
	s13 =	smov.u32 s21  }
.LBB1_1:
0x1b: {  	p0 =	sge.u32 s14, s6  }
0x1c: {  	s19 =	smul.u32 @!p0 $0x2800, s13  }
0x1d: {  	s31 =	sadd.s32 $0xFFFFFFFF, s14;
	s18 =	sxor.u32 @!p0 $0xFFFFFFFF, s14;
	s20 =	sshll.u32 @!p0 s12, $0x9  }
0x1e: {  	s21 =	sshll.u32 @!p0 s11, $0x4;
	s18 =	sshll.u32 @!p0 s18, $0xE;
	s19 =	sadd.s32 @!p0 s7, s19  }
0x1f: {  	s21 =	sand.u32 @!p0 $0x1F0, s21;
	s18 =	sand.u32 @!p0 $0x4000, s18;
	s19 =	sadd.s32 @!p0 s20, s19  }
0x20: {  	s20 =	simm.s32 @!p0 $0x100;
	s19 =	sadd.s32 @!p0 s21, s19;
	s21 =	simm.s32 @!p0 $0x14000  }
0x21: {  	[tilespmem:s18], [sflag:$0x1] =	stream.strided.gather @!p0 [hbm4b:s19+s20], $0x4000, s21, s20, $0x38;
	[tilespmem:$0x10000] =	vst v63  }
0x22: {  	p0 =	sge.u32 s31, s6  }
.Ltmp2:
0x23: {  	_ = 	snop;
	(pc) =	sbr.rel @p0 .LBB1_7-.Ltmp2, $1  }
0x24: {  	_ =	sdelay $0x3  }
0x25: {  	_ =	swait.ge [sflag:s5], $0x4000;
	s18 =	sshll.u32 s14, $0xE  }
0x26: {  	[sflag:s5] =	ssyncset.done $0x0;
	s19 =	sand.u32 $0x4000, s18  }
0x27: {  	s20 =	simm.s32 $0x0;
	[sflag:s5] =	ssyncadd.s32 $0xFFFFC000;
	s18 =	sor.u32 $0x8000, s19  }
.LBB1_3:
0x28: {  	s21 =	sshll.u32 s20, $0x8  }
0x29: {  	s21 =	sand.u32 $0x3FFFFF00, s21  }
0x2a: {  	s22 =	sshll.u32 s20, $0x7;
	s21 =	sadd.s32 s21, s19  }
0x2b: {  	s22 =	sand.u32 $0x3FFFFF80, s22;
	v0 =	vmov s21  }
0x2c: {  	s22 =	sadd.s32 s22, s18  }
0x2d: {  	p0 =	por $0x1, $0x1;
	v1 =	vmov s22;
	s21 =	simm.s32 $0x0  }
.LBB1_4:
0x2e: {  	s22 =	sshll.u32 s21, $0x7  }
0x2f: {  	s22 =	sand.u32 $0x3FFFFF80, s22  }
0x30: {  	v2 =	vld.idx.msk [tilespmem:v0+s22+$0x0 ss:$0x1], $0xffff  }
0x31: {  	v3 =	vld.idx.msk [tilespmem:v0+s22+$0x10 ss:$0x1], $0xffff  }
0x32: {  	v4 =	vld.idx.msk [tilespmem:v0+s22+$0x20 ss:$0x1], $0xffff  }
0x33: {  	s31 =	sshll.u32 s21, $0xD;
	v5 =	vld.idx.msk [tilespmem:v0+s22+$0x30 ss:$0x1], $0xffff  }
0x34: {  	s21 =	sand.u32 $0x3FFFE000, s31;
	v6 =	vld.idx.msk [tilespmem:v0+s22+$0x40 ss:$0x1], $0xffff  }
0x35: {  	v63 =	vld.idx.msk [tilespmem:v0+s22+$0x70 ss:$0x1], $0xffff;
	[tilespmem:v1+s21+$0x0 ss:$0x1] =	vst.idx.msk $0xffff, v2  }
0x36: {  	v2 =	vld.idx.msk [tilespmem:v0+s22+$0x50 ss:$0x1], $0xffff;
	[tilespmem:v1+s21+$0x10 ss:$0x1] =	vst.idx.msk $0xffff, v3  }
0x37: {  	p1 =	por p0, p0;
	v3 =	vld.idx.msk [tilespmem:v0+s22+$0x60 ss:$0x1], $0xffff;
	[tilespmem:v1+s21+$0x20 ss:$0x1] =	vst.idx.msk $0xffff, v4  }
.Ltmp3:
0x38: {  	[tilespmem:v1+s21+$0x30 ss:$0x1] =	vst.idx.msk $0xffff, v5;
	(pc) =	sbr.rel @p1 .LBB1_4-.Ltmp3, $4  }
0x39: {  	[tilespmem:v1+s21+$0x40 ss:$0x1] =	vst.idx.msk $0xffff, v6  }
0x3a: {  	[tilespmem:v1+s21+$0x70 ss:$0x1] =	vst.idx.msk $0xffff, v63  }
0x3b: {  	[tilespmem:v1+s21+$0x50 ss:$0x1] =	vst.idx.msk $0xffff, v2  }
0x3c: {  	p0 =	por $0x0, $0x0;
	[tilespmem:v1+s21+$0x60 ss:$0x1] =	vst.idx.msk $0xffff, v3;
	s21 =	simm.s32 $0x1  }
0x3d: {  	s20 =	sadd.s32 $0x1, s20  }
0x3e: {  	p0 =	sne.s32 s20, $0x40  }
.Ltmp4:
0x3f: {  	_ = 	snop;
	(pc) =	sbr.rel @p0 .LBB1_3-.Ltmp4, $1  }
0x40: {  	_ =	sdelay $0x3  }
0x41: {  	s16 =	smul.u32 $0x68000, s16  }
.Ltmp5:
0x42: {  	s17 =	sshll.u32 s17, $0x4;
	(pc) =	sbr.rel .LBB1_7-.Ltmp5, $4  }
0x43: {  	s17 =	sand.u32 $0x3FF0, s17;
	s16 =	sadd.s32 s3, s16  }
0x44: {  	s15 =	sshll.u32 s15, $0xE;
	s16 =	sadd.s32 s17, s16  }
0x45: {  	s15 =	sadd.s32 s15, s16  }
0x46: {  	[hbm4b:s15+s9] =	stream.strided.scatter [tilespmem:s18], [sflag:$0x2], $0x4000, s10, s9, $0x38;
	[tilespmem:$0x10000] =	vst v63  }
.LBB1_8:
0x47: {  	_ =	sfence.sel $0x180000  }
0x48: {  	s1 =	simm.s32 $0x1;
	[bflag:$0x0] =	sbarrier.arrive $0xFFFF  }
0x49: {  	s31 =	simm.s32 $0x2;
	[sflag:s1] =	ssyncpa.u1 $0x1  }
0x4a: {  	[sflag:s31] =	ssyncpa.u1 $0x1  }
0x4b: {  	p0 =	sne.s32 s0, $0x0;
	_ =	strace $0x9000004A  }
0x4c: {  	s0 =	sadd.s32 @!p0 $0x100000, s2;
	[bflag:$0x2] =	sbarrier.arrive $0xFFFF  }
0x4d: {  	[sflag:s0] =	ssyncadd.tile.s32 @!p0 $0x1;
	_ =	shalt  }
.Lfunc_end1:
_tile_overlayer_lowered:
.L_overlay_start_2:
0x4e: {  	(tag) =	ssettag $0x2  }
0x4f: {  	s0 =	rddreg [dreg:$0x0];
	s2 =	stileid.u32  }
0x50: {  	s1 =	rddreg [dreg:$0x1];
	p0 =	sne.s32 s2, $0x0  }
0x51: {  	s3 =	rddreg [dreg:$0x2];
	[bflag:$0x3] =	sbarrier.arrive $0xFFFF;
	s2 =	simm.s32 @!p0 $0x1C01  }
0x52: {  	[timem:s3], [sflag:s2] =	dma.local @!p0 [hbm:s0], s1  }
0x53: {  	s0 =	simm.s32 @!p0 $0x1  }
0x54: {  	_ =	swait.ge @!p0 [sflag:s0], s1  }
0x55: {  	s1 =	ssub.s32 @!p0 $0x0, s1;
	[sflag:s0] =	ssyncset.done @!p0 $0x0  }
0x56: {  	[sflag:s0] =	ssyncadd.s32 @!p0 s1  }
0x57: {  	[bflag:$0x3] =	sbarrier.arrive $0xFFFF  }
0x58: {  	_ =	shalt  }

</sc_bundles>
